<compile_context>
chip_gen: v7x
topology: tpu7x:2x2x1
jax: 0.10.2.dev20260603
libtpu: 0.0.44.dev20260713+nightly
codegen_flags: <defaults>
</compile_context>

<pallas_src>
import jax
import jax.numpy as jnp
import numpy as np
from jax import lax
from jax.experimental import pallas as pl
from jax.experimental.pallas import tpu as pltpu
from jax.experimental.pallas import tpu_sc as plsc

N = 10000
E = 320000
D_IN = 128
R_IN_ = 64
H = 8
D_H = 16
HD = H * D_H
SW = 144

NC = 2
NS = 16
C = 40
EPT = E // (NC * NS)
NCH = EPT // C
RPT = N // NS

_PCOL = np.array([16 * (j % 8) + 2 * (j // 16) + (j % 16) // 8
                  for j in range(HD)], dtype=np.int32)
_PMAT = np.zeros((HD, HD), np.float32)
_PMAT[np.arange(HD), _PCOL] = 1.0


def _pre_body(x_r, Wn_r, bn_r, Ws_r, bs_r, Wr_r, Wres_r, bres_r, re_r,
              Wp_r, bp_r, S_r, D_r, res_r, smax_r, relo_r):
    i = pl.program_id(0)
    xb = x_r[...]
    hp = lambda a, b: jnp.dot(a, b, preferred_element_type=jnp.float32,
                              precision=lax.Precision.HIGHEST)
    dd = lambda a, b: jnp.dot(a, b, preferred_element_type=jnp.float32)
    h = dd(xb, Wn_r[...]) + bn_r[...]
    s = dd(h, Ws_r[...]) + bs_r[...]
    S_r[:, 0:HD] = s
    res_r[...] = dd(xb, Wres_r[...]) + bres_r[...]
    rr = hp(re_r[...], Wr_r[...])
    iota_j = lax.broadcasted_iota(jnp.int32, (HD, H), 0)
    iota_h = lax.broadcasted_iota(jnp.int32, (HD, H), 1)
    m8 = (iota_j % H == iota_h).astype(jnp.float32)
    m16 = (iota_j // D_H == iota_h).astype(jnp.float32)
    es = hp(s * rr[:, 0:HD], m8)
    ed = hp(h * rr[:, HD:2 * HD], m16)
    S_r[:, HD:HD + H] = es
    S_r[:, HD + H:SW] = es
    D_r[:, 0:H] = ed
    D_r[:, H:2 * H] = ed

    @pl.when(i == 0)
    def _():
        smax_r[...] = jnp.full((1, 2 * H), -1e30, jnp.float32)
        relo_r[...] = hp(re_r[...], Wp_r[...]) + bp_r[...]

    bm = jnp.max(es, axis=0, keepdims=True)
    smax_r[...] = jnp.maximum(smax_r[...],
                              jnp.concatenate([bm, bm], axis=1))


def _pre(x, W_node, b_node, W_src, b_src, W_rel, W_res, b_res, rel_emb2,
         W_prop, b_prop):
    BN = 2000
    grid = (N // BN,)
    full = lambda shp: pl.BlockSpec(shp, lambda i: (0, 0))
    return pl.pallas_call(
        _pre_body,
        grid=grid,
        in_specs=[
            pl.BlockSpec((BN, D_IN), lambda i: (i, 0)),
            full((D_IN, HD)), full((1, HD)),
            full((HD, HD)), full((1, HD)),
            full((64, 256)),
            full((D_IN, HD)), full((1, HD)),
            full((1, 64)),
            full((64, HD)), full((1, HD)),
        ],
        out_specs=[
            pl.BlockSpec((BN, SW), lambda i: (i, 0)),
            pl.BlockSpec((BN, 2 * H), lambda i: (i, 0)),
            pl.BlockSpec((BN, HD), lambda i: (i, 0)),
            pl.BlockSpec((1, 2 * H), lambda i: (0, 0)),
            pl.BlockSpec((1, HD), lambda i: (0, 0)),
        ],
        out_shape=[
            jax.ShapeDtypeStruct((N, SW), jnp.float32),
            jax.ShapeDtypeStruct((N, 2 * H), jnp.float32),
            jax.ShapeDtypeStruct((N, HD), jnp.float32),
            jax.ShapeDtypeStruct((1, 2 * H), jnp.float32),
            jax.ShapeDtypeStruct((1, HD), jnp.float32),
        ],
    )(x, W_node, b_node, W_src, b_src, W_rel, W_res, b_res, rel_emb2,
      W_prop, b_prop)


U = 8


def _sc_body(S_hbm, D_hbm, sm_hbm, src2_hbm, dst2_hbm, acc_hbm,
             bufS_a, bufS_b, bufD_a, bufD_b, src_v, dst_v, sm_v, acc_s,
             semA, semB):
    c = lax.axis_index("c")
    s_ = lax.axis_index("s")

    zero16 = jnp.zeros((16,), jnp.float32)
    for i in range(C):
        for j in range(SW // 16):
            bufS_a[i, pl.ds(16 * j, 16)] = zero16
    rb = s_ * RPT
    for k in range(RPT // C):
        pltpu.sync_copy(bufS_a, acc_s.at[pl.ds(rb + C * k, C)])
    if RPT % C:
        pltpu.sync_copy(bufS_a.at[pl.ds(0, RPT % C)],
                        acc_s.at[pl.ds(rb + (RPT // C) * C, RPT % C)])
    pltpu.sync_copy(sm_hbm, sm_v)

    tb = (c * NS + s_) * NCH
    pltpu.sync_copy(src2_hbm.at[pl.ds(tb, NCH)], src_v)
    pltpu.sync_copy(dst2_hbm.at[pl.ds(tb, NCH)], dst_v)

    def issue(j, bS, bD, sem):
        hS = pltpu.async_copy(S_hbm.at[src_v.at[j]], bS, sem)
        hD = pltpu.async_copy(D_hbm.at[dst_v.at[j]], bD, sem)
        return hS, hD

    def compute(bS, bD):
        sm = sm_v[...]

        @plsc.parallel_loop(0, C, unroll=U)
        def _(e):
            vsrc = bS[e, pl.ds(HD, 16)]
            vdst = bD[e, :]
            z = vsrc + vdst
            lz = jnp.maximum(z, 0.2 * z)
            zb = vdst + sm
            mt = jnp.maximum(zb, 0.2 * zb)
            ex = jnp.exp(lz - mt)
            bS[e, pl.ds(HD, 16)] = ex
            for k in range(H):
                sl = bS[e, pl.ds(16 * k, 16)]
                bS[e, pl.ds(16 * k, 16)] = sl * ex

    def scatter(j, bS):
        pltpu.sync_copy(bS, acc_s.at[dst_v.at[j]], add=True)

    h0S, h0D = issue(0, bufS_a, bufD_a, semA)
    h0S.wait()
    h0D.wait()
    plsc.subcore_barrier()

    def pair(t, cc):
        a = 2 * t
        hBS, hBD = issue(a + 1, bufS_b, bufD_b, semB)
        compute(bufS_a, bufD_a)
        scatter(a, bufS_a)
        hAS, hAD = issue(jnp.minimum(a + 2, NCH - 1), bufS_a, bufD_a, semA)
        hBS.wait()
        hBD.wait()
        compute(bufS_b, bufD_b)
        scatter(a + 1, bufS_b)
        hAS.wait()
        hAD.wait()
        return cc

    lax.fori_loop(0, NCH // 2, pair, 0)

    plsc.subcore_barrier()
    pltpu.sync_copy(acc_s.at[pl.ds(rb, RPT)], acc_hbm.at[c, pl.ds(rb, RPT)])


def _sc_edges(S, Dtab, sm16, src2, dst2):
    mesh = plsc.VectorSubcoreMesh(core_axis_name="c", subcore_axis_name="s")
    f = pl.kernel(
        _sc_body,
        out_type=jax.ShapeDtypeStruct((NC, N, SW), jnp.float32),
        mesh=mesh,
        compiler_params=pltpu.CompilerParams(use_tc_tiling_on_sc=False),
        scratch_types=[
            pltpu.VMEM((C, SW), jnp.float32),
            pltpu.VMEM((C, SW), jnp.float32),
            pltpu.VMEM((C, 2 * H), jnp.float32),
            pltpu.VMEM((C, 2 * H), jnp.float32),
            pltpu.VMEM((NCH, C), jnp.int32),
            pltpu.VMEM((NCH, C), jnp.int32),
            pltpu.VMEM((16,), jnp.float32),
            pltpu.VMEM_SHARED((N, SW), jnp.float32),
            pltpu.SemaphoreType.DMA,
            pltpu.SemaphoreType.DMA,
        ],
    )
    return f(S, Dtab, sm16, src2, dst2)


def _post_body(acc_r, res_r, aa_r, out_r):
    a0_r = acc_r[0]
    a1_r = acc_r[1]
    num = a0_r[:, 0:HD] + a1_r[:, 0:HD]
    den = a0_r[:, HD:HD + H] + a1_r[:, HD:HD + H]
    den16 = jnp.maximum(jnp.concatenate([den, den], axis=1), 1e-30)
    av = 1.0 / (1.0 + jnp.exp(-aa_r[...]))
    cols = []
    for k in range(H):
        agg = num[:, 16 * k:16 * k + 16] / den16
        cols.append(jnp.maximum(agg, 0.0) * av
                    + res_r[:, 16 * k:16 * k + 16] * (1.0 - av))
    outp = jnp.concatenate(cols, axis=1)
    jj = lax.broadcasted_iota(jnp.int32, (HD, HD), 0)
    cc = lax.broadcasted_iota(jnp.int32, (HD, HD), 1)
    pm = (16 * (jj % H) + 2 * (jj // D_H) + (jj % D_H) // H == cc)
    out_r[...] = jnp.dot(outp, pm.astype(jnp.float32),
                         preferred_element_type=jnp.float32, precision=lax.Precision.HIGHEST)


def _post(acc, res, aa):
    BN = 2000
    return pl.pallas_call(
        _post_body,
        grid=(N // BN,),
        in_specs=[
            pl.BlockSpec((NC, BN, SW), lambda i: (0, i, 0)),
            pl.BlockSpec((BN, HD), lambda i: (i, 0)),
            pl.BlockSpec((1, 1), lambda i: (0, 0)),
        ],
        out_specs=pl.BlockSpec((BN, HD), lambda i: (i, 0)),
        out_shape=jax.ShapeDtypeStruct((N, HD), jnp.float32),
    )(acc, res, aa)


def kernel(x, edge_index, rel_emb, W_node, b_node, W_src, b_src, W_rel,
           W_res, b_res, res_w, w_cross, W_prop, b_prop):
    pcol = jnp.asarray(_PCOL)
    wrel4 = W_rel.reshape(R_IN_, H, 2, D_H)
    wrel_re = jnp.concatenate(
        [wrel4[:, :, 0, :].reshape(R_IN_, HD)[:, pcol],
         wrel4[:, :, 1, :].reshape(R_IN_, HD)], axis=1)
    S, Dtab, res, smax, relo = _pre(
        x, W_node, b_node.reshape(1, -1), W_src[:, pcol],
        b_src[pcol].reshape(1, -1), wrel_re, W_res[:, pcol],
        b_res[pcol].reshape(1, -1), rel_emb.reshape(1, -1),
        W_prop, b_prop.reshape(1, -1))
    acc = _sc_edges(S, Dtab, smax[0],
                    edge_index[0].reshape(NC * NS * NCH, C),
                    edge_index[1].reshape(NC * NS * NCH, C))
    crossed = _post(acc, res, res_w.reshape(1, 1))
    return crossed, relo[0]

# --- scband reference (transcript-rebuilt; emitter-appended) ---
"""Pipeline reference for scband-r-hgt-8959301780058 (READ-ONLY COPY).

The authoritative reference and input builder live on the scoring server;
editing this copy changes nothing except your own understanding.
"""

import jax, jax.numpy as jnp
import numpy as np

N = 10000
E = 320000
D_IN = 128
H = 8
D_H = 16
R_IN = 64
R_H = 16


def segment_softmax(e, seg, num_segments):
    m = jax.ops.segment_max(e, seg, num_segments)
    ex = jnp.exp(e - m[seg])
    denom = jax.ops.segment_sum(ex, seg, num_segments)
    return ex / (denom[seg] + 1e-16)


def setup_inputs(seed: int = 0):
    key = jax.random.key(seed)
    ks = jax.random.split(key, 16)
    inp = {}
    inp['x'] = jax.random.normal(ks[0], (N, D_IN), dtype=jnp.float32)
    inp['edge_index'] = jax.random.randint(ks[1], (2, E), 0, N, dtype=jnp.int32)
    inp['rel_emb'] = jax.random.normal(ks[2], (R_IN,), dtype=jnp.float32)
    # learned parameters (single node type / single relation type instantiation)
    inp['W_node'] = jax.random.normal(ks[3], (D_IN, H * D_H), dtype=jnp.float32) / np.sqrt(D_IN)
    inp['b_node'] = jnp.zeros((H * D_H,), dtype=jnp.float32)
    inp['W_src'] = jax.random.normal(ks[4], (H * D_H, H * D_H), dtype=jnp.float32) / np.sqrt(H * D_H)
    inp['b_src'] = jnp.zeros((H * D_H,), dtype=jnp.float32)
    inp['W_rel'] = jax.random.normal(ks[5], (R_IN, H * 2 * D_H), dtype=jnp.float32) / np.sqrt(R_IN)
    inp['W_res'] = jax.random.normal(ks[6], (D_IN, H * D_H), dtype=jnp.float32) / np.sqrt(D_IN)
    inp['b_res'] = jnp.zeros((H * D_H,), dtype=jnp.float32)
    inp['res_w'] = jax.random.normal(ks[7], (), dtype=jnp.float32)
    inp['w_cross'] = jax.random.normal(ks[8], (H, D_H), dtype=jnp.float32) / np.sqrt(D_H)
    inp['W_prop'] = jax.random.normal(ks[9], (R_IN, H * R_H), dtype=jnp.float32) / np.sqrt(R_IN)
    inp['b_prop'] = jnp.zeros((H * R_H,), dtype=jnp.float32)
    return inp


def reference(x, edge_index, rel_emb, W_node, b_node, W_src, b_src, W_rel, W_res, b_res, res_w, w_cross, W_prop, b_prop):
    src = edge_index[0]
    dst = edge_index[1]
    # node transformation (per ntype linear)
    h = x @ W_node + b_node                       # [N, H*D_H]
    # relation-specific source transformation (per etype linear)
    s = h @ W_src + b_src                         # [N, H*D_H]
    hH = h.reshape(N, H, D_H)
    sH = s.reshape(N, H, D_H)
    # relation transformation weight -> per-head src/dst attention vectors
    r = (rel_emb @ W_rel).reshape(H, 2 * D_H)
    r_src = r[:, :D_H]
    r_dst = r[:, D_H:]
    e_src = (sH * r_src[None, :, :]).sum(-1)      # [N, H]
    e_dst = (hH * r_dst[None, :, :]).sum(-1)      # [N, H]
    # edge-level attention logits (gather) + leaky relu
    e = jax.nn.leaky_relu(e_src[src] + e_dst[dst], negative_slope=0.2)  # [E, H]
    # segment softmax over incoming edges per destination node
    alpha = segment_softmax(e, dst, N)            # [E, H]
    # message passing: gather src features, weight, scatter-add to dst
    msg = sH[src] * alpha[:, :, None]             # [E, H, D_H]
    agg = jax.ops.segment_sum(msg, dst, N)        # [N, H, D_H]
    out = jax.nn.relu(agg).reshape(N, H * D_H)
    # residual connection with learned gate
    a = jax.nn.sigmoid(res_w)
    out = out * a + (x @ W_res + b_res) * (1.0 - a)
    # relations crossing (softmax attention over relation axis; single relation here)
    feats = out.reshape(1, N, H, D_H)
    scores = jax.nn.leaky_relu((feats * w_cross[None, None, :, :]).sum(-1), negative_slope=0.2)  # [1, N, H]
    attn = jax.nn.softmax(scores, axis=0)
    crossed = (feats * attn[..., None]).sum(0).reshape(N, H * D_H)
    # relation propagation
    rel_out = rel_emb @ W_prop + b_prop           # [H*R_H]
    return crossed, rel_out

if __name__ == "__main__":
    import jax
    _d = setup_inputs()
    print(jax.jit(kernel)(*tuple(_d.values())))

</pallas_src>

<mosaic_0001>
#map = affine_map<(d0, d1) -> (0, 0)>
#map1 = affine_map<(d0, d1) -> (0)>
#map2 = affine_map<(d0, d1) -> (0, 0, 0)>
module attributes {stable_mosaic.version = 14 : i64} {
  func.func @_sc_body(%arg0: i32, %arg1: i32, %arg2: memref<10000x144xf32, #tpu.memory_space<hbm>>, %arg3: memref<10000x16xf32, #tpu.memory_space<hbm>>, %arg4: memref<16xf32, #tpu.memory_space<hbm>>, %arg5: memref<8000x40xi32, #tpu.memory_space<hbm>>, %arg6: memref<8000x40xi32, #tpu.memory_space<hbm>>, %arg7: memref<2x10000x144xf32, #tpu.memory_space<hbm>>, %arg8: memref<40x144xf32, #tpu.memory_space<vmem>>, %arg9: memref<40x144xf32, #tpu.memory_space<vmem>>, %arg10: memref<40x16xf32, #tpu.memory_space<vmem>>, %arg11: memref<40x16xf32, #tpu.memory_space<vmem>>, %arg12: memref<250x40xi32, #tpu.memory_space<vmem>>, %arg13: memref<250x40xi32, #tpu.memory_space<vmem>>, %arg14: memref<16xf32, #tpu.memory_space<vmem>>, %arg15: memref<10000x144xf32, #tpu.memory_space<vmem_shared>>, %arg16: memref<!tpu.dma_semaphore, #tpu.memory_space<semaphore_mem>>, %arg17: memref<!tpu.dma_semaphore, #tpu.memory_space<semaphore_mem>>) attributes {dimension_semantics = [#tpu.dimension_semantics<core_parallel>, #tpu.dimension_semantics<subcore_parallel>], iteration_bounds = array<i64: 2, 16>, scalar_prefetch = 0 : i64, scratch_operands = 10 : i64, tpu.core_type = #tpu.core_type<sc_vector_subcore>, window_params = [{transform_indices = #map}, {transform_indices = #map}, {transform_indices = #map1}, {transform_indices = #map}, {transform_indices = #map}, {transform_indices = #map2}]} {
    %broadcast_in_dim3A = arith.constant 0.000000e+00 : f32
    %broadcast_in_dim3A_0 = vector.broadcast %broadcast_in_dim3A : f32 to vector<16xf32>
    %swap3A = arith.constant 0 : i32
    %swap3A_1 = arith.index_cast %swap3A : i32 to index
    %swap3A_2 = arith.constant 0 : index
    %swap3A_3 = tpu.vector_load %arg8[%swap3A_1, %swap3A_2] {strides = array<i32>} : memref<40x144xf32, #tpu.memory_space<vmem>>, vector<1x16xf32>,
    %swap3A_4 = vector.shape_cast %swap3A_3 : vector<1x16xf32> to vector<16xf32>
    %swap3A_5 = vector.shape_cast %broadcast_in_dim3A_0 : vector<16xf32> to vector<1x16xf32>
    tpu.vector_store %arg8[%swap3A_1, %swap3A_2], %swap3A_5 {strides = array<i32>} : memref<40x144xf32, #tpu.memory_space<vmem>>, vector<1x16xf32>,
    %swap3A_6 = arith.constant 0 : i32
    %swap3A_7 = arith.index_cast %swap3A_6 : i32 to index
    %swap3A_8 = arith.constant 16 : index
    %swap3A_9 = tpu.vector_load %arg8[%swap3A_7, %swap3A_8] {strides = array<i32>} : memref<40x144xf32, #tpu.memory_space<vmem>>, vector<1x16xf32>,
    %swap3A_10 = vector.shape_cast %swap3A_9 : vector<1x16xf32> to vector<16xf32>
    %swap3A_11 = vector.shape_cast %broadcast_in_dim3A_0 : vector<16xf32> to vector<1x16xf32>
    tpu.vector_store %arg8[%swap3A_7, %swap3A_8], %swap3A_11 {strides = array<i32>} : memref<40x144xf32, #tpu.memory_space<vmem>>, vector<1x16xf32>,
    %swap3A_12 = arith.constant 0 : i32
    %swap3A_13 = arith.index_cast %swap3A_12 : i32 to index
    %swap3A_14 = arith.constant 32 : index
    %swap3A_15 = tpu.vector_load %arg8[%swap3A_13, %swap3A_14] {strides = array<i32>} : memref<40x144xf32, #tpu.memory_space<vmem>>, vector<1x16xf32>,
    %swap3A_16 = vector.shape_cast %swap3A_15 : vector<1x16xf32> to vector<16xf32>
    %swap3A_17 = vector.shape_cast %broadcast_in_dim3A_0 : vector<16xf32> to vector<1x16xf32>
    tpu.vector_store %arg8[%swap3A_13, %swap3A_14], %swap3A_17 {strides = array<i32>} : memref<40x144xf32, #tpu.memory_space<vmem>>, vector<1x16xf32>,
    %swap3A_18 = arith.constant 0 : i32
    %swap3A_19 = arith.index_cast %swap3A_18 : i32 to index
    %swap3A_20 = arith.constant 48 : index
    %swap3A_21 = tpu.vector_load %arg8[%swap3A_19, %swap3A_20] {strides = array<i32>} : memref<40x144xf32, #tpu.memory_space<vmem>>, vector<1x16xf32>,
    %swap3A_22 = vector.shape_cast %swap3A_21 : vector<1x16xf32> to vector<16xf32>
    %swap3A_23 = vector.shape_cast %broadcast_in_dim3A_0 : vector<16xf32> to vector<1x16xf32>
    tpu.vector_store %arg8[%swap3A_19, %swap3A_20], %swap3A_23 {strides = array<i32>} : memref<40x144xf32, #tpu.memory_space<vmem>>, vector<1x16xf32>,
    %swap3A_24 = arith.constant 0 : i32
    %swap3A_25 = arith.index_cast %swap3A_24 : i32 to index
    %swap3A_26 = arith.constant 64 : index
    %swap3A_27 = tpu.vector_load %arg8[%swap3A_25, %swap3A_26] {strides = array<i32>} : memref<40x144xf32, #tpu.memory_space<vmem>>, vector<1x16xf32>,
    %swap3A_28 = vector.shape_cast %swap3A_27 : vector<1x16xf32> to vector<16xf32>
    %swap3A_29 = vector.shape_cast %broadcast_in_dim3A_0 : vector<16xf32> to vector<1x16xf32>
    tpu.vector_store %arg8[%swap3A_25, %swap3A_26], %swap3A_29 {strides = array<i32>} : memref<40x144xf32, #tpu.memory_space<vmem>>, vector<1x16xf32>,
    %swap3A_30 = arith.constant 0 : i32
    %swap3A_31 = arith.index_cast %swap3A_30 : i32 to index
    %swap3A_32 = arith.constant 80 : index
    %swap3A_33 = tpu.vector_load %arg8[%swap3A_31, %swap3A_32] {strides = array<i32>} : memref<40x144xf32, #tpu.memory_space<vmem>>, vector<1x16xf32>,
    %swap3A_34 = vector.shape_cast %swap3A_33 : vector<1x16xf32> to vector<16xf32>
    %swap3A_35 = vector.shape_cast %broadcast_in_dim3A_0 : vector<16xf32> to vector<1x16xf32>
    tpu.vector_store %arg8[%swap3A_31, %swap3A_32], %swap3A_35 {strides = array<i32>} : memref<40x144xf32, #tpu.memory_space<vmem>>, vector<1x16xf32>,
    %swap3A_36 = arith.constant 0 : i32
    %swap3A_37 = arith.index_cast %swap3A_36 : i32 to index
    %swap3A_38 = arith.constant 96 : index
    %swap3A_39 = tpu.vector_load %arg8[%swap3A_37, %swap3A_38] {strides = array<i32>} : memref<40x144xf32, #tpu.memory_space<vmem>>, vector<1x16xf32>,
    %swap3A_40 = vector.shape_cast %swap3A_39 : vector<1x16xf32> to vector<16xf32>
    %swap3A_41 = vector.shape_cast %broadcast_in_dim3A_0 : vector<16xf32> to vector<1x16xf32>
    tpu.vector_store %arg8[%swap3A_37, %swap3A_38], %swap3A_41 {strides = array<i32>} : memref<40x144xf32, #tpu.memory_space<vmem>>, vector<1x16xf32>,
    %swap3A_42 = arith.constant 0 : i32
    %swap3A_43 = arith.index_cast %swap3A_42 : i32 to index
    %swap3A_44 = arith.constant 112 : index
    %swap3A_45 = tpu.vector_load %arg8[%swap3A_43, %swap3A_44] {strides = array<i32>} : memref<40x144xf32, #tpu.memory_space<vmem>>, vector<1x16xf32>,
    %swap3A_46 = vector.shape_cast %swap3A_45 : vector<1x16xf32> to vector<16xf32>
    %swap3A_47 = vector.shape_cast %broadcast_in_dim3A_0 : vector<16xf32> to vector<1x16xf32>
    tpu.vector_store %arg8[%swap3A_43, %swap3A_44], %swap3A_47 {strides = array<i32>} : memref<40x144xf32, #tpu.memory_space<vmem>>, vector<1x16xf32>,
    %swap3A_48 = arith.constant 0 : i32
    %swap3A_49 = arith.index_cast %swap3A_48 : i32 to index
    %swap3A_50 = arith.constant 128 : index
    %swap3A_51 = tpu.vector_load %arg8[%swap3A_49, %swap3A_50] {strides = array<i32>} : memref<40x144xf32, #tpu.memory_space<vmem>>, vector<1x16xf32>,
    %swap3A_52 = vector.shape_cast %swap3A_51 : vector<1x16xf32> to vector<16xf32>
    %swap3A_53 = vector.shape_cast %broadcast_in_dim3A_0 : vector<16xf32> to vector<1x16xf32>
    tpu.vector_store %arg8[%swap3A_49, %swap3A_50], %swap3A_53 {strides = array<i32>} : memref<40x144xf32, #tpu.memory_space<vmem>>, vector<1x16xf32>,
    %swap3A_54 = arith.constant 1 : i32
    %swap3A_55 = arith.index_cast %swap3A_54 : i32 to index
    %swap3A_56 = arith.constant 0 : index
    %swap3A_57 = tpu.vector_load %arg8[%swap3A_55, %swap3A_56] {strides = array<i32>} : memref<40x144xf32, #tpu.memory_space<vmem>>, vector<1x16xf32>,
    %swap3A_58 = vector.shape_cast %swap3A_57 : vector<1x16xf32> to vector<16xf32>
    %swap3A_59 = vector.shape_cast %broadcast_in_dim3A_0 : vector<16xf32> to vector<1x16xf32>
    tpu.vector_store %arg8[%swap3A_55, %swap3A_56], %swap3A_59 {strides = array<i32>} : memref<40x144xf32, #tpu.memory_space<vmem>>, vector<1x16xf32>,
    %swap3A_60 = arith.constant 1 : i32
    %swap3A_61 = arith.index_cast %swap3A_60 : i32 to index
    %swap3A_62 = arith.constant 16 : index
    %swap3A_63 = tpu.vector_load %arg8[%swap3A_61, %swap3A_62] {strides = array<i32>} : memref<40x144xf32, #tpu.memory_space<vmem>>, vector<1x16xf32>,
    %swap3A_64 = vector.shape_cast %swap3A_63 : vector<1x16xf32> to vector<16xf32>
    %swap3A_65 = vector.shape_cast %broadcast_in_dim3A_0 : vector<16xf32> to vector<1x16xf32>
    tpu.vector_store %arg8[%swap3A_61, %swap3A_62], %swap3A_65 {strides = array<i32>} : memref<40x144xf32, #tpu.memory_space<vmem>>, vector<1x16xf32>,
    %swap3A_66 = arith.constant 1 : i32
    %swap3A_67 = arith.index_cast %swap3A_66 : i32 to index
    %swap3A_68 = arith.constant 32 : index
    %swap3A_69 = tpu.vector_load %arg8[%swap3A_67, %swap3A_68] {strides = array<i32>} : memref<40x144xf32, #tpu.memory_space<vmem>>, vector<1x16xf32>,
    %swap3A_70 = vector.shape_cast %swap3A_69 : vector<1x16xf32> to vector<16xf32>
    %swap3A_71 = vector.shape_cast %broadcast_in_dim3A_0 : vector<16xf32> to vector<1x16xf32>
    tpu.vector_store %arg8[%swap3A_67, %swap3A_68], %swap3A_71 {strides = array<i32>} : memref<40x144xf32, #tpu.memory_space<vmem>>, vector<1x16xf32>,
    %swap3A_72 = arith.constant 1 : i32
    %swap3A_73 = arith.index_cast %swap3A_72 : i32 to index
    %swap3A_74 = arith.constant 48 : index
    %swap3A_75 = tpu.vector_load %arg8[%swap3A_73, %swap3A_74] {strides = array<i32>} : memref<40x144xf32, #tpu.memory_space<vmem>>, vector<1x16xf32>,
    %swap3A_76 = vector.shape_cast %swap3A_75 : vector<1x16xf32> to vector<16xf32>
    %swap3A_77 = vector.shape_cast %broadcast_in_dim3A_0 : vector<16xf32> to vector<1x16xf32>
    tpu.vector_store %arg8[%swap3A_73, %swap3A_74], %swap3A_77 {strides = array<i32>} : memref<40x144xf32, #tpu.memory_space<vmem>>, vector<1x16xf32>,
    %swap3A_78 = arith.constant 1 : i32
    %swap3A_79 = arith.index_cast %swap3A_78 : i32 to index
    %swap3A_80 = arith.constant 64 : index
    %swap3A_81 = tpu.vector_load %arg8[%swap3A_79, %swap3A_80] {strides = array<i32>} : memref<40x144xf32, #tpu.memory_space<vmem>>, vector<1x16xf32>,
    %swap3A_82 = vector.shape_cast %swap3A_81 : vector<1x16xf32> to vector<16xf32>
    %swap3A_83 = vector.shape_cast %broadcast_in_dim3A_0 : vector<16xf32> to vector<1x16xf32>
    tpu.vector_store %arg8[%swap3A_79, %swap3A_80], %swap3A_83 {strides = array<i32>} : memref<40x144xf32, #tpu.memory_space<vmem>>, vector<1x16xf32>,
    %swap3A_84 = arith.constant 1 : i32
    %swap3A_85 = arith.index_cast %swap3A_84 : i32 to index
    %swap3A_86 = arith.constant 80 : index
    %swap3A_87 = tpu.vector_load %arg8[%swap3A_85, %swap3A_86] {strides = array<i32>} : memref<40x144xf32, #tpu.memory_space<vmem>>, vector<1x16xf32>,
    %swap3A_88 = vector.shape_cast %swap3A_87 : vector<1x16xf32> to vector<16xf32>
    %swap3A_89 = vector.shape_cast %broadcast_in_dim3A_0 : vector<16xf32> to vector<1x16xf32>
    tpu.vector_store %arg8[%swap3A_85, %swap3A_86], %swap3A_89 {strides = array<i32>} : memref<40x144xf32, #tpu.memory_space<vmem>>, vector<1x16xf32>,
    %swap3A_90 = arith.constant 1 : i32
    %swap3A_91 = arith.index_cast %swap3A_90 : i32 to index
    %swap3A_92 = arith.constant 96 : index
    %swap3A_93 = tpu.vector_load %arg8[%swap3A_91, %swap3A_92] {strides = array<i32>} : memref<40x144xf32, #tpu.memory_space<vmem>>, vector<1x16xf32>,
    %swap3A_94 = vector.shape_cast %swap3A_93 : vector<1x16xf32> to vector<16xf32>
    %swap3A_95 = vector.shape_cast %broadcast_in_dim3A_0 : vector<16xf32> to vector<1x16xf32>
    tpu.vector_store %arg8[%swap3A_91, %swap3A_92], %swap3A_95 {strides = array<i32>} : memref<40x144xf32, #tpu.memory_space<vmem>>, vector<1x16xf32>,
    %swap3A_96 = arith.constant 1 : i32
    %swap3A_97 = arith.index_cast %swap3A_96 : i32 to index
    %swap3A_98 = arith.constant 112 : index
    %swap3A_99 = tpu.vector_load %arg8[%swap3A_97, %swap3A_98] {strides = array<i32>} : memref<40x144xf32, #tpu.memory_space<vmem>>, vector<1x16xf32>,
    %swap3A_100 = vector.shape_cast %swap3A_99 : vector<1x16xf32> to vector<16xf32>
    %swap3A_101 = vector.shape_cast %broadcast_in_dim3A_0 : vector<16xf32> to vector<1x16xf32>
    tpu.vector_store %arg8[%swap3A_97, %swap3A_98], %swap3A_101 {strides = array<i32>} : memref<40x144xf32, #tpu.memory_space<vmem>>, vector<1x16xf32>,
    %swap3A_102 = arith.constant 1 : i32
    %swap3A_103 = arith.index_cast %swap3A_102 : i32 to index
    %swap3A_104 = arith.constant 128 : index
    %swap3A_105 = tpu.vector_load %arg8[%swap3A_103, %swap3A_104] {strides = array<i32>} : memref<40x144xf32, #tpu.memory_space<vmem>>, vector<1x16xf32>,
    %swap3A_106 = vector.shape_cast %swap3A_105 : vector<1x16xf32> to vector<16xf32>
    %swap3A_107 = vector.shape_cast %broadcast_in_dim3A_0 : vector<16xf32> to vector<1x16xf32>
    tpu.vector_store %arg8[%swap3A_103, %swap3A_104], %swap3A_107 {strides = array<i32>} : memref<40x144xf32, #tpu.memory_space<vmem>>, vector<1x16xf32>,
    %swap3A_108 = arith.constant 2 : i32
    %swap3A_109 = arith.index_cast %swap3A_108 : i32 to index
    %swap3A_110 = arith.constant 0 : index
    %swap3A_111 = tpu.vector_load %arg8[%swap3A_109, %swap3A_110] {strides = array<i32>} : memref<40x144xf32, #tpu.memory_space<vmem>>, vector<1x16xf32>,
    %swap3A_112 = vector.shape_cast %swap3A_111 : vector<1x16xf32> to vector<16xf32>
    %swap3A_113 = vector.shape_cast %broadcast_in_dim3A_0 : vector<16xf32> to vector<1x16xf32>
    tpu.vector_store %arg8[%swap3A_109, %swap3A_110], %swap3A_113 {strides = array<i32>} : memref<40x144xf32, #tpu.memory_space<vmem>>, vector<1x16xf32>,
    %swap3A_114 = arith.constant 2 : i32
    %swap3A_115 = arith.index_cast %swap3A_114 : i32 to index
    %swap3A_116 = arith.constant 16 : index
    %swap3A_117 = tpu.vector_load %arg8[%swap3A_115, %swap3A_116] {strides = array<i32>} : memref<40x144xf32, #tpu.memory_space<vmem>>, vector<1x16xf32>,
    %swap3A_118 = vector.shape_cast %swap3A_117 : vector<1x16xf32> to vector<16xf32>
    %swap3A_119 = vector.shape_cast %broadcast_in_dim3A_0 : vector<16xf32> to vector<1x16xf32>
    tpu.vector_store %arg8[%swap3A_115, %swap3A_116], %swap3A_119 {strides = array<i32>} : memref<40x144xf32, #tpu.memory_space<vmem>>, vector<1x16xf32>,
    %swap3A_120 = arith.constant 2 : i32
    %swap3A_121 = arith.index_cast %swap3A_120 : i32 to index
    %swap3A_122 = arith.constant 32 : index
    %swap3A_123 = tpu.vector_load %arg8[%swap3A_121, %swap3A_122] {strides = array<i32>} : memref<40x144xf32, #tpu.memory_space<vmem>>, vector<1x16xf32>,
    %swap3A_124 = vector.shape_cast %swap3A_123 : vector<1x16xf32> to vector<16xf32>
    %swap3A_125 = vector.shape_cast %broadcast_in_dim3A_0 : vector<16xf32> to vector<1x16xf32>
    tpu.vector_store %arg8[%swap3A_121, %swap3A_122], %swap3A_125 {strides = array<i32>} : memref<40x144xf32, #tpu.memory_space<vmem>>, vector<1x16xf32>,
    %swap3A_126 = arith.constant 2 : i32
    %swap3A_127 = arith.index_cast %swap3A_126 : i32 to index
    %swap3A_128 = arith.constant 48 : index
    %swap3A_129 = tpu.vector_load %arg8[%swap3A_127, %swap3A_128] {strides = array<i32>} : memref<40x144xf32, #tpu.memory_space<vmem>>, vector<1x16xf32>,
    %swap3A_130 = vector.shape_cast %swap3A_129 : vector<1x16xf32> to vector<16xf32>
    %swap3A_131 = vector.shape_cast %broadcast_in_dim3A_0 : vector<16xf32> to vector<1x16xf32>
    tpu.vector_store %arg8[%swap3A_127, %swap3A_128], %swap3A_131 {strides = array<i32>} : memref<40x144xf32, #tpu.memory_space<vmem>>, vector<1x16xf32>,
    %swap3A_132 = arith.constant 2 : i32
    %swap3A_133 = arith.index_cast %swap3A_132 : i32 to index
    %swap3A_134 = arith.constant 64 : index
    %swap3A_135 = tpu.vector_load %arg8[%swap3A_133, %swap3A_134] {strides = array<i32>} : memref<40x144xf32, #tpu.memory_space<vmem>>, vector<1x16xf32>,
    %swap3A_136 = vector.shape_cast %swap3A_135 : vector<1x16xf32> to vector<16xf32>
    %swap3A_137 = vector.shape_cast %broadcast_in_dim3A_0 : vector<16xf32> to vector<1x16xf32>
    tpu.vector_store %arg8[%swap3A_133, %swap3A_134], %swap3A_137 {strides = array<i32>} : memref<40x144xf32, #tpu.memory_space<vmem>>, vector<1x16xf32>,
    %swap3A_138 = arith.constant 2 : i32
    %swap3A_139 = arith.index_cast %swap3A_138 : i32 to index
    %swap3A_140 = arith.constant 80 : index
    %swap3A_141 = tpu.vector_load %arg8[%swap3A_139, %swap3A_140] {strides = array<i32>} : memref<40x144xf32, #tpu.memory_space<vmem>>, vector<1x16xf32>,
    %swap3A_142 = vector.shape_cast %swap3A_141 : vector<1x16xf32> to vector<16xf32>
    %swap3A_143 = vector.shape_cast %broadcast_in_dim3A_0 : vector<16xf32> to vector<1x16xf32>
    tpu.vector_store %arg8[%swap3A_139, %swap3A_140], %swap3A_143 {strides = array<i32>} : memref<40x144xf32, #tpu.memory_space<vmem>>, vector<1x16xf32>,
    %swap3A_144 = arith.constant 2 : i32
    %swap3A_145 = arith.index_cast %swap3A_144 : i32 to index
    %swap3A_146 = arith.constant 96 : index
    %swap3A_147 = tpu.vector_load %arg8[%swap3A_145, %swap3A_146] {strides = array<i32>} : memref<40x144xf32, #tpu.memory_space<vmem>>, vector<1x16xf32>,
    %swap3A_148 = vector.shape_cast %swap3A_147 : vector<1x16xf32> to vector<16xf32>
    %swap3A_149 = vector.shape_cast %broadcast_in_dim3A_0 : vector<16xf32> to vector<1x16xf32>
    tpu.vector_store %arg8[%swap3A_145, %swap3A_146], %swap3A_149 {strides = array<i32>} : memref<40x144xf32, #tpu.memory_space<vmem>>, vector<1x16xf32>,
    %swap3A_150 = arith.constant 2 : i32
    %swap3A_151 = arith.index_cast %swap3A_150 : i32 to index
    %swap3A_152 = arith.constant 112 : index
    %swap3A_153 = tpu.vector_load %arg8[%swap3A_151, %swap3A_152] {strides = array<i32>} : memref<40x144xf32, #tpu.memory_space<vmem>>, vector<1x16xf32>,
    %swap3A_154 = vector.shape_cast %swap3A_153 : vector<1x16xf32> to vector<16xf32>
    %swap3A_155 = vector.shape_cast %broadcast_in_dim3A_0 : vector<16xf32> to vector<1x16xf32>
    tpu.vector_store %arg8[%swap3A_151, %swap3A_152], %swap3A_155 {strides = array<i32>} : memref<40x144xf32, #tpu.memory_space<vmem>>, vector<1x16xf32>,
    %swap3A_156 = arith.constant 2 : i32
    %swap3A_157 = arith.index_cast %swap3A_156 : i32 to index
    %swap3A_158 = arith.constant 128 : index
    %swap3A_159 = tpu.vector_load %arg8[%swap3A_157, %swap3A_158] {strides = array<i32>} : memref<40x144xf32, #tpu.memory_space<vmem>>, vector<1x16xf32>,
    %swap3A_160 = vector.shape_cast %swap3A_159 : vector<1x16xf32> to vector<16xf32>
    %swap3A_161 = vector.shape_cast %broadcast_in_dim3A_0 : vector<16xf32> to vector<1x16xf32>
    tpu.vector_store %arg8[%swap3A_157, %swap3A_158], %swap3A_161 {strides = array<i32>} : memref<40x144xf32, #tpu.memory_space<vmem>>, vector<1x16xf32>,
    %swap3A_162 = arith.constant 3 : i32
    %swap3A_163 = arith.index_cast %swap3A_162 : i32 to index
    %swap3A_164 = arith.constant 0 : index
    %swap3A_165 = tpu.vector_load %arg8[%swap3A_163, %swap3A_164] {strides = array<i32>} : memref<40x144xf32, #tpu.memory_space<vmem>>, vector<1x16xf32>,
    %swap3A_166 = vector.shape_cast %swap3A_165 : vector<1x16xf32> to vector<16xf32>
    %swap3A_167 = vector.shape_cast %broadcast_in_dim3A_0 : vector<16xf32> to vector<1x16xf32>
    tpu.vector_store %arg8[%swap3A_163, %swap3A_164], %swap3A_167 {strides = array<i32>} : memref<40x144xf32, #tpu.memory_space<vmem>>, vector<1x16xf32>,
    %swap3A_168 = arith.constant 3 : i32
    %swap3A_169 = arith.index_cast %swap3A_168 : i32 to index
    %swap3A_170 = arith.constant 16 : index
    %swap3A_171 = tpu.vector_load %arg8[%swap3A_169, %swap3A_170] {strides = array<i32>} : memref<40x144xf32, #tpu.memory_space<vmem>>, vector<1x16xf32>,
    %swap3A_172 = vector.shape_cast %swap3A_171 : vector<1x16xf32> to vector<16xf32>
    %swap3A_173 = vector.shape_cast %broadcast_in_dim3A_0 : vector<16xf32> to vector<1x16xf32>
    tpu.vector_store %arg8[%swap3A_169, %swap3A_170], %swap3A_173 {strides = array<i32>} : memref<40x144xf32, #tpu.memory_space<vmem>>, vector<1x16xf32>,
    %swap3A_174 = arith.constant 3 : i32
    %swap3A_175 = arith.index_cast %swap3A_174 : i32 to index
    %swap3A_176 = arith.constant 32 : index
    %swap3A_177 = tpu.vector_load %arg8[%swap3A_175, %swap3A_176] {strides = array<i32>} : memref<40x144xf32, #tpu.memory_space<vmem>>, vector<1x16xf32>,
    %swap3A_178 = vector.shape_cast %swap3A_177 : vector<1x16xf32> to vector<16xf32>
    %swap3A_179 = vector.shape_cast %broadcast_in_dim3A_0 : vector<16xf32> to vector<1x16xf32>
    tpu.vector_store %arg8[%swap3A_175, %swap3A_176], %swap3A_179 {strides = array<i32>} : memref<40x144xf32, #tpu.memory_space<vmem>>, vector<1x16xf32>,
    %swap3A_180 = arith.constant 3 : i32
    %swap3A_181 = arith.index_cast %swap3A_180 : i32 to index
    %swap3A_182 = arith.constant 48 : index
    %swap3A_183 = tpu.vector_load %arg8[%swap3A_181, %swap3A_182] {strides = array<i32>} : memref<40x144xf32, #tpu.memory_space<vmem>>, vector<1x16xf32>,
    %swap3A_184 = vector.shape_cast %swap3A_183 : vector<1x16xf32> to vector<16xf32>
    %swap3A_185 = vector.shape_cast %broadcast_in_dim3A_0 : vector<16xf32> to vector<1x16xf32>
    tpu.vector_store %arg8[%swap3A_181, %swap3A_182], %swap3A_185 {strides = array<i32>} : memref<40x144xf32, #tpu.memory_space<vmem>>, vector<1x16xf32>,
    %swap3A_186 = arith.constant 3 : i32
    %swap3A_187 = arith.index_cast %swap3A_186 : i32 to index
    %swap3A_188 = arith.constant 64 : index
    %swap3A_189 = tpu.vector_load %arg8[%swap3A_187, %swap3A_188] {strides = array<i32>} : memref<40x144xf32, #tpu.memory_space<vmem>>, vector<1x16xf32>,
    %swap3A_190 = vector.shape_cast %swap3A_189 : vector<1x16xf32> to vector<16xf32>
    %swap3A_191 = vector.shape_cast %broadcast_in_dim3A_0 : vector<16xf32> to vector<1x16xf32>
    tpu.vector_store %arg8[%swap3A_187, %swap3A_188], %swap3A_191 {strides = array<i32>} : memref<40x144xf32, #tpu.memory_space<vmem>>, vector<1x16xf32>,
    %swap3A_192 = arith.constant 3 : i32
    %swap3A_193 = arith.index_cast %swap3A_192 : i32 to index
    %swap3A_194 = arith.constant 80 : index
    %swap3A_195 = tpu.vector_load %arg8[%swap3A_193, %swap3A_194] {strides = array<i32>} : memref<40x144xf32, #tpu.memory_space<vmem>>, vector<1x16xf32>,
    %swap3A_196 = vector.shape_cast %swap3A_195 : vector<1x16xf32> to vector<16xf32>
    %swap3A_197 = vector.shape_cast %broadcast_in_dim3A_0 : vector<16xf32> to vector<1x16xf32>
    tpu.vector_store %arg8[%swap3A_193, %swap3A_194], %swap3A_197 {strides = array<i32>} : memref<40x144xf32, #tpu.memory_space<vmem>>, vector<1x16xf32>,
    %swap3A_198 = arith.constant 3 : i32
    %swap3A_199 = arith.index_cast %swap3A_198 : i32 to index
    %swap3A_200 = arith.constant 96 : index
    %swap3A_201 = tpu.vector_load %arg8[%swap3A_199, %swap3A_200] {strides = array<i32>} : memref<40x144xf32, #tpu.memory_space<vmem>>, vector<1x16xf32>,
    %swap3A_202 = vector.shape_cast %swap3A_201 : vector<1x16xf32> to vector<16xf32>
    %swap3A_203 = vector.shape_cast %broadcast_in_dim3A_0 : vector<16xf32> to vector<1x16xf32>
    tpu.vector_store %arg8[%swap3A_199, %swap3A_200], %swap3A_203 {strides = array<i32>} : memref<40x144xf32, #tpu.memory_space<vmem>>, vector<1x16xf32>,
    %swap3A_204 = arith.constant 3 : i32
    %swap3A_205 = arith.index_cast %swap3A_204 : i32 to index
    %swap3A_206 = arith.constant 112 : index
    %swap3A_207 = tpu.vector_load %arg8[%swap3A_205, %swap3A_206] {strides = array<i32>} : memref<40x144xf32, #tpu.memory_space<vmem>>, vector<1x16xf32>,
    %swap3A_208 = vector.shape_cast %swap3A_207 : vector<1x16xf32> to vector<16xf32>
    %swap3A_209 = vector.shape_cast %broadcast_in_dim3A_0 : vector<16xf32> to vector<1x16xf32>
    tpu.vector_store %arg8[%swap3A_205, %swap3A_206], %swap3A_209 {strides = array<i32>} : memref<40x144xf32, #tpu.memory_space<vmem>>, vector<1x16xf32>,
    %swap3A_210 = arith.constant 3 : i32
    %swap3A_211 = arith.index_cast %swap3A_210 : i32 to index
    %swap3A_212 = arith.constant 128 : index
    %swap3A_213 = tpu.vector_load %arg8[%swap3A_211, %swap3A_212] {strides = array<i32>} : memref<40x144xf32, #tpu.memory_space<vmem>>, vector<1x16xf32>,
    %swap3A_214 = vector.shape_cast %swap3A_213 : vector<1x16xf32> to vector<16xf32>
    %swap3A_215 = vector.shape_cast %broadcast_in_dim3A_0 : vector<16xf32> to vector<1x16xf32>
    tpu.vector_store %arg8[%swap3A_211, %swap3A_212], %swap3A_215 {strides = array<i32>} : memref<40x144xf32, #tpu.memory_space<vmem>>, vector<1x16xf32>,
    %swap3A_216 = arith.constant 4 : i32
    %swap3A_217 = arith.index_cast %swap3A_216 : i32 to index
    %swap3A_218 = arith.constant 0 : index
    %swap3A_219 = tpu.vector_load %arg8[%swap3A_217, %swap3A_218] {strides = array<i32>} : memref<40x144xf32, #tpu.memory_space<vmem>>, vector<1x16xf32>,
    %swap3A_220 = vector.shape_cast %swap3A_219 : vector<1x16xf32> to vector<16xf32>
    %swap3A_221 = vector.shape_cast %broadcast_in_dim3A_0 : vector<16xf32> to vector<1x16xf32>
    tpu.vector_store %arg8[%swap3A_217, %swap3A_218], %swap3A_221 {strides = array<i32>} : memref<40x144xf32, #tpu.memory_space<vmem>>, vector<1x16xf32>,
    %swap3A_222 = arith.constant 4 : i32
    %swap3A_223 = arith.index_cast %swap3A_222 : i32 to index
    %swap3A_224 = arith.constant 16 : index
    %swap3A_225 = tpu.vector_load %arg8[%swap3A_223, %swap3A_224] {strides = array<i32>} : memref<40x144xf32, #tpu.memory_space<vmem>>, vector<1x16xf32>,
    %swap3A_226 = vector.shape_cast %swap3A_225 : vector<1x16xf32> to vector<16xf32>
    %swap3A_227 = vector.shape_cast %broadcast_in_dim3A_0 : vector<16xf32> to vector<1x16xf32>
    tpu.vector_store %arg8[%swap3A_223, %swap3A_224], %swap3A_227 {strides = array<i32>} : memref<40x144xf32, #tpu.memory_space<vmem>>, vector<1x16xf32>,
    %swap3A_228 = arith.constant 4 : i32
    %swap3A_229 = arith.index_cast %swap3A_228 : i32 to index
    %swap3A_230 = arith.constant 32 : index
    %swap3A_231 = tpu.vector_load %arg8[%swap3A_229, %swap3A_230] {strides = array<i32>} : memref<40x144xf32, #tpu.memory_space<vmem>>, vector<1x16xf32>,
    %swap3A_232 = vector.shape_cast %swap3A_231 : vector<1x16xf32> to vector<16xf32>
    %swap3A_233 = vector.shape_cast %broadcast_in_dim3A_0 : vector<16xf32> to vector<1x16xf32>
    tpu.vector_store %arg8[%swap3A_229, %swap3A_230], %swap3A_233 {strides = array<i32>} : memref<40x144xf32, #tpu.memory_space<vmem>>, vector<1x16xf32>,
    %swap3A_234 = arith.constant 4 : i32
    %swap3A_235 = arith.index_cast %swap3A_234 : i32 to index
    %swap3A_236 = arith.constant 48 : index
    %swap3A_237 = tpu.vector_load %arg8[%swap3A_235, %swap3A_236] {strides = array<i32>} : memref<40x144xf32, #tpu.memory_space<vmem>>, vector<1x16xf32>,
    %swap3A_238 = vector.shape_cast %swap3A_237 : vector<1x16xf32> to vector<16xf32>
    %swap3A_239 = vector.shape_cast %broadcast_in_dim3A_0 : vector<16xf32> to vector<1x16xf32>
    tpu.vector_store %arg8[%swap3A_235, %swap3A_236], %swap3A_239 {strides = array<i32>} : memref<40x144xf32, #tpu.memory_space<vmem>>, vector<1x16xf32>,
    %swap3A_240 = arith.constant 4 : i32
    %swap3A_241 = arith.index_cast %swap3A_240 : i32 to index
    %swap3A_242 = arith.constant 64 : index
    %swap3A_243 = tpu.vector_load %arg8[%swap3A_241, %swap3A_242] {strides = array<i32>} : memref<40x144xf32, #tpu.memory_space<vmem>>, vector<1x16xf32>,
    %swap3A_244 = vector.shape_cast %swap3A_243 : vector<1x16xf32> to vector<16xf32>
    %swap3A_245 = vector.shape_cast %broadcast_in_dim3A_0 : vector<16xf32> to vector<1x16xf32>
    tpu.vector_store %arg8[%swap3A_241, %swap3A_242], %swap3A_245 {strides = array<i32>} : memref<40x144xf32, #tpu.memory_space<vmem>>, vector<1x16xf32>,
    %swap3A_246 = arith.constant 4 : i32
    %swap3A_247 = arith.index_cast %swap3A_246 : i32 to index
    %swap3A_248 = arith.constant 80 : index
    %swap3A_249 = tpu.vector_load %arg8[%swap3A_247, %swap3A_248] {strides = array<i32>} : memref<40x144xf32, #tpu.memory_space<vmem>>, vector<1x16xf32>,
    %swap3A_250 = vector.shape_cast %swap3A_249 : vector<1x16xf32> to vector<16xf32>
    %swap3A_251 = vector.shape_cast %broadcast_in_dim3A_0 : vector<16xf32> to vector<1x16xf32>
    tpu.vector_store %arg8[%swap3A_247, %swap3A_248], %swap3A_251 {strides = array<i32>} : memref<40x144xf32, #tpu.memory_space<vmem>>, vector<1x16xf32>,
    %swap3A_252 = arith.constant 4 : i32
    %swap3A_253 = arith.index_cast %swap3A_252 : i32 to index
    %swap3A_254 = arith.constant 96 : index
    %swap3A_255 = tpu.vector_load %arg8[%swap3A_253, %swap3A_254] {strides = array<i32>} : memref<40x144xf32, #tpu.memory_space<vmem>>, vector<1x16xf32>,
    %swap3A_256 = vector.shape_cast %swap3A_255 : vector<1x16xf32> to vector<16xf32>
    %swap3A_257 = vector.shape_cast %broadcast_in_dim3A_0 : vector<16xf32> to vector<1x16xf32>
    tpu.vector_store %arg8[%swap3A_253, %swap3A_254], %swap3A_257 {strides = array<i32>} : memref<40x144xf32, #tpu.memory_space<vmem>>, vector<1x16xf32>,
    %swap3A_258 = arith.constant 4 : i32
    %swap3A_259 = arith.index_cast %swap3A_258 : i32 to index
    %swap3A_260 = arith.constant 112 : index
    %swap3A_261 = tpu.vector_load %arg8[%swap3A_259, %swap3A_260] {strides = array<i32>} : memref<40x144xf32, #tpu.memory_space<vmem>>, vector<1x16xf32>,
    %swap3A_262 = vector.shape_cast %swap3A_261 : vector<1x16xf32> to vector<16xf32>
    %swap3A_263 = vector.shape_cast %broadcast_in_dim3A_0 : vector<16xf32> to vector<1x16xf32>
    tpu.vector_store %arg8[%swap3A_259, %swap3A_260], %swap3A_263 {strides = array<i32>} : memref<40x144xf32, #tpu.memory_space<vmem>>, vector<1x16xf32>,
    %swap3A_264 = arith.constant 4 : i32
    %swap3A_265 = arith.index_cast %swap3A_264 : i32 to index
    %swap3A_266 = arith.constant 128 : index
    %swap3A_267 = tpu.vector_load %arg8[%swap3A_265, %swap3A_266] {strides = array<i32>} : memref<40x144xf32, #tpu.memory_space<vmem>>, vector<1x16xf32>,
    %swap3A_268 = vector.shape_cast %swap3A_267 : vector<1x16xf32> to vector<16xf32>
    %swap3A_269 = vector.shape_cast %broadcast_in_dim3A_0 : vector<16xf32> to vector<1x16xf32>
    tpu.vector_store %arg8[%swap3A_265, %swap3A_266], %swap3A_269 {strides = array<i32>} : memref<40x144xf32, #tpu.memory_space<vmem>>, vector<1x16xf32>,
    %swap3A_270 = arith.constant 5 : i32
    %swap3A_271 = arith.index_cast %swap3A_270 : i32 to index
    %swap3A_272 = arith.constant 0 : index
    %swap3A_273 = tpu.vector_load %arg8[%swap3A_271, %swap3A_272] {strides = array<i32>} : memref<40x144xf32, #tpu.memory_space<vmem>>, vector<1x16xf32>,
    %swap3A_274 = vector.shape_cast %swap3A_273 : vector<1x16xf32> to vector<16xf32>
    %swap3A_275 = vector.shape_cast %broadcast_in_dim3A_0 : vector<16xf32> to vector<1x16xf32>
    tpu.vector_store %arg8[%swap3A_271, %swap3A_272], %swap3A_275 {strides = array<i32>} : memref<40x144xf32, #tpu.memory_space<vmem>>, vector<1x16xf32>,
    %swap3A_276 = arith.constant 5 : i32
    %swap3A_277 = arith.index_cast %swap3A_276 : i32 to index
    %swap3A_278 = arith.constant 16 : index
    %swap3A_279 = tpu.vector_load %arg8[%swap3A_277, %swap3A_278] {strides = array<i32>} : memref<40x144xf32, #tpu.memory_space<vmem>>, vector<1x16xf32>,
    %swap3A_280 = vector.shape_cast %swap3A_279 : vector<1x16xf32> to vector<16xf32>
    %swap3A_281 = vector.shape_cast %broadcast_in_dim3A_0 : vector<16xf32> to vector<1x16xf32>
    tpu.vector_store %arg8[%swap3A_277, %swap3A_278], %swap3A_281 {strides = array<i32>} : memref<40x144xf32, #tpu.memory_space<vmem>>, vector<1x16xf32>,
    %swap3A_282 = arith.constant 5 : i32
    %swap3A_283 = arith.index_cast %swap3A_282 : i32 to index
    %swap3A_284 = arith.constant 32 : index
    %swap3A_285 = tpu.vector_load %arg8[%swap3A_283, %swap3A_284] {strides = array<i32>} : memref<40x144xf32, #tpu.memory_space<vmem>>, vector<1x16xf32>,
    %swap3A_286 = vector.shape_cast %swap3A_285 : vector<1x16xf32> to vector<16xf32>
    %swap3A_287 = vector.shape_cast %broadcast_in_dim3A_0 : vector<16xf32> to vector<1x16xf32>
    tpu.vector_store %arg8[%swap3A_283, %swap3A_284], %swap3A_287 {strides = array<i32>} : memref<40x144xf32, #tpu.memory_space<vmem>>, vector<1x16xf32>,
    %swap3A_288 = arith.constant 5 : i32
    %swap3A_289 = arith.index_cast %swap3A_288 : i32 to index
    %swap3A_290 = arith.constant 48 : index
    %swap3A_291 = tpu.vector_load %arg8[%swap3A_289, %swap3A_290] {strides = array<i32>} : memref<40x144xf32, #tpu.memory_space<vmem>>, vector<1x16xf32>,
    %swap3A_292 = vector.shape_cast %swap3A_291 : vector<1x16xf32> to vector<16xf32>
    %swap3A_293 = vector.shape_cast %broadcast_in_dim3A_0 : vector<16xf32> to vector<1x16xf32>
    tpu.vector_store %arg8[%swap3A_289, %swap3A_290], %swap3A_293 {strides = array<i32>} : memref<40x144xf32, #tpu.memory_space<vmem>>, vector<1x16xf32>,
    %swap3A_294 = arith.constant 5 : i32
    %swap3A_295 = arith.index_cast %swap3A_294 : i32 to index
    %swap3A_296 = arith.constant 64 : index
    %swap3A_297 = tpu.vector_load %arg8[%swap3A_295, %swap3A_296] {strides = array<i32>} : memref<40x144xf32, #tpu.memory_space<vmem>>, vector<1x16xf32>,
    %swap3A_298 = vector.shape_cast %swap3A_297 : vector<1x16xf32> to vector<16xf32>
    %swap3A_299 = vector.shape_cast %broadcast_in_dim3A_0 : vector<16xf32> to vector<1x16xf32>
    tpu.vector_store %arg8[%swap3A_295, %swap3A_296], %swap3A_299 {strides = array<i32>} : memref<40x144xf32, #tpu.memory_space<vmem>>, vector<1x16xf32>,
    %swap3A_300 = arith.constant 5 : i32
    %swap3A_301 = arith.index_cast %swap3A_300 : i32 to index
    %swap3A_302 = arith.constant 80 : index
    %swap3A_303 = tpu.vector_load %arg8[%swap3A_301, %swap3A_302] {strides = array<i32>} : memref<40x144xf32, #tpu.memory_space<vmem>>, vector<1x16xf32>,
    %swap3A_304 = vector.shape_cast %swap3A_303 : vector<1x16xf32> to vector<16xf32>
    %swap3A_305 = vector.shape_cast %broadcast_in_dim3A_0 : vector<16xf32> to vector<1x16xf32>
    tpu.vector_store %arg8[%swap3A_301, %swap3A_302], %swap3A_305 {strides = array<i32>} : memref<40x144xf32, #tpu.memory_space<vmem>>, vector<1x16xf32>,
    %swap3A_306 = arith.constant 5 : i32
    %swap3A_307 = arith.index_cast %swap3A_306 : i32 to index
    %swap3A_308 = arith.constant 96 : index
    %swap3A_309 = tpu.vector_load %arg8[%swap3A_307, %swap3A_308] {strides = array<i32>} : memref<40x144xf32, #tpu.memory_space<vmem>>, vector<1x16xf32>,
    %swap3A_310 = vector.shape_cast %swap3A_309 : vector<1x16xf32> to vector<16xf32>
    %swap3A_311 = vector.shape_cast %broadcast_in_dim3A_0 : vector<16xf32> to vector<1x16xf32>
    tpu.vector_store %arg8[%swap3A_307, %swap3A_308], %swap3A_311 {strides = array<i32>} : memref<40x144xf32, #tpu.memory_space<vmem>>, vector<1x16xf32>,
    %swap3A_312 = arith.constant 5 : i32
    %swap3A_313 = arith.index_cast %swap3A_312 : i32 to index
    %swap3A_314 = arith.constant 112 : index
    %swap3A_315 = tpu.vector_load %arg8[%swap3A_313, %swap3A_314] {strides = array<i32>} : memref<40x144xf32, #tpu.memory_space<vmem>>, vector<1x16xf32>,
    %swap3A_316 = vector.shape_cast %swap3A_315 : vector<1x16xf32> to vector<16xf32>
    %swap3A_317 = vector.shape_cast %broadcast_in_dim3A_0 : vector<16xf32> to vector<1x16xf32>
    tpu.vector_store %arg8[%swap3A_313, %swap3A_314], %swap3A_317 {strides = array<i32>} : memref<40x144xf32, #tpu.memory_space<vmem>>, vector<1x16xf32>,
    %swap3A_318 = arith.constant 5 : i32
    %swap3A_319 = arith.index_cast %swap3A_318 : i32 to index
    %swap3A_320 = arith.constant 128 : index
    %swap3A_321 = tpu.vector_load %arg8[%swap3A_319, %swap3A_320] {strides = array<i32>} : memref<40x144xf32, #tpu.memory_space<vmem>>, vector<1x16xf32>,
    %swap3A_322 = vector.shape_cast %swap3A_321 : vector<1x16xf32> to vector<16xf32>
    %swap3A_323 = vector.shape_cast %broadcast_in_dim3A_0 : vector<16xf32> to vector<1x16xf32>
    tpu.vector_store %arg8[%swap3A_319, %swap3A_320], %swap3A_323 {strides = array<i32>} : memref<40x144xf32, #tpu.memory_space<vmem>>, vector<1x16xf32>,
    %swap3A_324 = arith.constant 6 : i32
    %swap3A_325 = arith.index_cast %swap3A_324 : i32 to index
    %swap3A_326 = arith.constant 0 : index
    %swap3A_327 = tpu.vector_load %arg8[%swap3A_325, %swap3A_326] {strides = array<i32>} : memref<40x144xf32, #tpu.memory_space<vmem>>, vector<1x16xf32>,
    %swap3A_328 = vector.shape_cast %swap3A_327 : vector<1x16xf32> to vector<16xf32>
    %swap3A_329 = vector.shape_cast %broadcast_in_dim3A_0 : vector<16xf32> to vector<1x16xf32>
    tpu.vector_store %arg8[%swap3A_325, %swap3A_326], %swap3A_329 {strides = array<i32>} : memref<40x144xf32, #tpu.memory_space<vmem>>, vector<1x16xf32>,
    %swap3A_330 = arith.constant 6 : i32
    %swap3A_331 = arith.index_cast %swap3A_330 : i32 to index
    %swap3A_332 = arith.constant 16 : index
    %swap3A_333 = tpu.vector_load %arg8[%swap3A_331, %swap3A_332] {strides = array<i32>} : memref<40x144xf32, #tpu.memory_space<vmem>>, vector<1x16xf32>,
    %swap3A_334 = vector.shape_cast %swap3A_333 : vector<1x16xf32> to vector<16xf32>
    %swap3A_335 = vector.shape_cast %broadcast_in_dim3A_0 : vector<16xf32> to vector<1x16xf32>
    tpu.vector_store %arg8[%swap3A_331, %swap3A_332], %swap3A_335 {strides = array<i32>} : memref<40x144xf32, #tpu.memory_space<vmem>>, vector<1x16xf32>,
    %swap3A_336 = arith.constant 6 : i32
    %swap3A_337 = arith.index_cast %swap3A_336 : i32 to index
    %swap3A_338 = arith.constant 32 : index
    %swap3A_339 = tpu.vector_load %arg8[%swap3A_337, %swap3A_338] {strides = array<i32>} : memref<40x144xf32, #tpu.memory_space<vmem>>, vector<1x16xf32>,
    %swap3A_340 = vector.shape_cast %swap3A_339 : vector<1x16xf32> to vector<16xf32>
    %swap3A_341 = vector.shape_cast %broadcast_in_dim3A_0 : vector<16xf32> to vector<1x16xf32>
    tpu.vector_store %arg8[%swap3A_337, %swap3A_338], %swap3A_341 {strides = array<i32>} : memref<40x144xf32, #tpu.memory_space<vmem>>, vector<1x16xf32>,
    %swap3A_342 = arith.constant 6 : i32
    %swap3A_343 = arith.index_cast %swap3A_342 : i32 to index
    %swap3A_344 = arith.constant 48 : index
    %swap3A_345 = tpu.vector_load %arg8[%swap3A_343, %swap3A_344] {strides = array<i32>} : memref<40x144xf32, #tpu.memory_space<vmem>>, vector<1x16xf32>,
    %swap3A_346 = vector.shape_cast %swap3A_345 : vector<1x16xf32> to vector<16xf32>
    %swap3A_347 = vector.shape_cast %broadcast_in_dim3A_0 : vector<16xf32> to vector<1x16xf32>
    tpu.vector_store %arg8[%swap3A_343, %swap3A_344], %swap3A_347 {strides = array<i32>} : memref<40x144xf32, #tpu.memory_space<vmem>>, vector<1x16xf32>,
    %swap3A_348 = arith.constant 6 : i32
    %swap3A_349 = arith.index_cast %swap3A_348 : i32 to index
    %swap3A_350 = arith.constant 64 : index
    %swap3A_351 = tpu.vector_load %arg8[%swap3A_349, %swap3A_350] {strides = array<i32>} : memref<40x144xf32, #tpu.memory_space<vmem>>, vector<1x16xf32>,
    %swap3A_352 = vector.shape_cast %swap3A_351 : vector<1x16xf32> to vector<16xf32>
    %swap3A_353 = vector.shape_cast %broadcast_in_dim3A_0 : vector<16xf32> to vector<1x16xf32>
    tpu.vector_store %arg8[%swap3A_349, %swap3A_350], %swap3A_353 {strides = array<i32>} : memref<40x144xf32, #tpu.memory_space<vmem>>, vector<1x16xf32>,
    %swap3A_354 = arith.constant 6 : i32
    %swap3A_355 = arith.index_cast %swap3A_354 : i32 to index
    %swap3A_356 = arith.constant 80 : index
    %swap3A_357 = tpu.vector_load %arg8[%swap3A_355, %swap3A_356] {strides = array<i32>} : memref<40x144xf32, #tpu.memory_space<vmem>>, vector<1x16xf32>,
    %swap3A_358 = vector.shape_cast %swap3A_357 : vector<1x16xf32> to vector<16xf32>
    %swap3A_359 = vector.shape_cast %broadcast_in_dim3A_0 : vector<16xf32> to vector<1x16xf32>
    tpu.vector_store %arg8[%swap3A_355, %swap3A_356], %swap3A_359 {strides = array<i32>} : memref<40x144xf32, #tpu.memory_space<vmem>>, vector<1x16xf32>,
    %swap3A_360 = arith.constant 6 : i32
    %swap3A_361 = arith.index_cast %swap3A_360 : i32 to index
    %swap3A_362 = arith.constant 96 : index
    %swap3A_363 = tpu.vector_load %arg8[%swap3A_361, %swap3A_362] {strides = array<i32>} : memref<40x144xf32, #tpu.memory_space<vmem>>, vector<1x16xf32>,
    %swap3A_364 = vector.shape_cast %swap3A_363 : vector<1x16xf32> to vector<16xf32>
    %swap3A_365 = vector.shape_cast %broadcast_in_dim3A_0 : vector<16xf32> to vector<1x16xf32>
    tpu.vector_store %arg8[%swap3A_361, %swap3A_362], %swap3A_365 {strides = array<i32>} : memref<40x144xf32, #tpu.memory_space<vmem>>, vector<1x16xf32>,
    %swap3A_366 = arith.constant 6 : i32
    %swap3A_367 = arith.index_cast %swap3A_366 : i32 to index
    %swap3A_368 = arith.constant 112 : index
    %swap3A_369 = tpu.vector_load %arg8[%swap3A_367, %swap3A_368] {strides = array<i32>} : memref<40x144xf32, #tpu.memory_space<vmem>>, vector<1x16xf32>,
    %swap3A_370 = vector.shape_cast %swap3A_369 : vector<1x16xf32> to vector<16xf32>
    %swap3A_371 = vector.shape_cast %broadcast_in_dim3A_0 : vector<16xf32> to vector<1x16xf32>
    tpu.vector_store %arg8[%swap3A_367, %swap3A_368], %swap3A_371 {strides = array<i32>} : memref<40x144xf32, #tpu.memory_space<vmem>>, vector<1x16xf32>,
    %swap3A_372 = arith.constant 6 : i32
    %swap3A_373 = arith.index_cast %swap3A_372 : i32 to index
    %swap3A_374 = arith.constant 128 : index
    %swap3A_375 = tpu.vector_load %arg8[%swap3A_373, %swap3A_374] {strides = array<i32>} : memref<40x144xf32, #tpu.memory_space<vmem>>, vector<1x16xf32>,
    %swap3A_376 = vector.shape_cast %swap3A_375 : vector<1x16xf32> to vector<16xf32>
    %swap3A_377 = vector.shape_cast %broadcast_in_dim3A_0 : vector<16xf32> to vector<1x16xf32>
    tpu.vector_store %arg8[%swap3A_373, %swap3A_374], %swap3A_377 {strides = array<i32>} : memref<40x144xf32, #tpu.memory_space<vmem>>, vector<1x16xf32>,
    %swap3A_378 = arith.constant 7 : i32
    %swap3A_379 = arith.index_cast %swap3A_378 : i32 to index
    %swap3A_380 = arith.constant 0 : index
    %swap3A_381 = tpu.vector_load %arg8[%swap3A_379, %swap3A_380] {strides = array<i32>} : memref<40x144xf32, #tpu.memory_space<vmem>>, vector<1x16xf32>,
    %swap3A_382 = vector.shape_cast %swap3A_381 : vector<1x16xf32> to vector<16xf32>
    %swap3A_383 = vector.shape_cast %broadcast_in_dim3A_0 : vector<16xf32> to vector<1x16xf32>
    tpu.vector_store %arg8[%swap3A_379, %swap3A_380], %swap3A_383 {strides = array<i32>} : memref<40x144xf32, #tpu.memory_space<vmem>>, vector<1x16xf32>,
    %swap3A_384 = arith.constant 7 : i32
    %swap3A_385 = arith.index_cast %swap3A_384 : i32 to index
    %swap3A_386 = arith.constant 16 : index
    %swap3A_387 = tpu.vector_load %arg8[%swap3A_385, %swap3A_386] {strides = array<i32>} : memref<40x144xf32, #tpu.memory_space<vmem>>, vector<1x16xf32>,
    %swap3A_388 = vector.shape_cast %swap3A_387 : vector<1x16xf32> to vector<16xf32>
    %swap3A_389 = vector.shape_cast %broadcast_in_dim3A_0 : vector<16xf32> to vector<1x16xf32>
    tpu.vector_store %arg8[%swap3A_385, %swap3A_386], %swap3A_389 {strides = array<i32>} : memref<40x144xf32, #tpu.memory_space<vmem>>, vector<1x16xf32>,
    %swap3A_390 = arith.constant 7 : i32
    %swap3A_391 = arith.index_cast %swap3A_390 : i32 to index
    %swap3A_392 = arith.constant 32 : index
    %swap3A_393 = tpu.vector_load %arg8[%swap3A_391, %swap3A_392] {strides = array<i32>} : memref<40x144xf32, #tpu.memory_space<vmem>>, vector<1x16xf32>,
    %swap3A_394 = vector.shape_cast %swap3A_393 : vector<1x16xf32> to vector<16xf32>
    %swap3A_395 = vector.shape_cast %broadcast_in_dim3A_0 : vector<16xf32> to vector<1x16xf32>
    tpu.vector_store %arg8[%swap3A_391, %swap3A_392], %swap3A_395 {strides = array<i32>} : memref<40x144xf32, #tpu.memory_space<vmem>>, vector<1x16xf32>,
    %swap3A_396 = arith.constant 7 : i32
    %swap3A_397 = arith.index_cast %swap3A_396 : i32 to index
    %swap3A_398 = arith.constant 48 : index
    %swap3A_399 = tpu.vector_load %arg8[%swap3A_397, %swap3A_398] {strides = array<i32>} : memref<40x144xf32, #tpu.memory_space<vmem>>, vector<1x16xf32>,
    %swap3A_400 = vector.shape_cast %swap3A_399 : vector<1x16xf32> to vector<16xf32>
    %swap3A_401 = vector.shape_cast %broadcast_in_dim3A_0 : vector<16xf32> to vector<1x16xf32>
    tpu.vector_store %arg8[%swap3A_397, %swap3A_398], %swap3A_401 {strides = array<i32>} : memref<40x144xf32, #tpu.memory_space<vmem>>, vector<1x16xf32>,
    %swap3A_402 = arith.constant 7 : i32
    %swap3A_403 = arith.index_cast %swap3A_402 : i32 to index
    %swap3A_404 = arith.constant 64 : index
    %swap3A_405 = tpu.vector_load %arg8[%swap3A_403, %swap3A_404] {strides = array<i32>} : memref<40x144xf32, #tpu.memory_space<vmem>>, vector<1x16xf32>,
    %swap3A_406 = vector.shape_cast %swap3A_405 : vector<1x16xf32> to vector<16xf32>
    %swap3A_407 = vector.shape_cast %broadcast_in_dim3A_0 : vector<16xf32> to vector<1x16xf32>
    tpu.vector_store %arg8[%swap3A_403, %swap3A_404], %swap3A_407 {strides = array<i32>} : memref<40x144xf32, #tpu.memory_space<vmem>>, vector<1x16xf32>,
    %swap3A_408 = arith.constant 7 : i32
    %swap3A_409 = arith.index_cast %swap3A_408 : i32 to index
    %swap3A_410 = arith.constant 80 : index
    %swap3A_411 = tpu.vector_load %arg8[%swap3A_409, %swap3A_410] {strides = array<i32>} : memref<40x144xf32, #tpu.memory_space<vmem>>, vector<1x16xf32>,
    %swap3A_412 = vector.shape_cast %swap3A_411 : vector<1x16xf32> to vector<16xf32>
    %swap3A_413 = vector.shape_cast %broadcast_in_dim3A_0 : vector<16xf32> to vector<1x16xf32>
    tpu.vector_store %arg8[%swap3A_409, %swap3A_410], %swap3A_413 {strides = array<i32>} : memref<40x144xf32, #tpu.memory_space<vmem>>, vector<1x16xf32>,
    %swap3A_414 = arith.constant 7 : i32
    %swap3A_415 = arith.index_cast %swap3A_414 : i32 to index
    %swap3A_416 = arith.constant 96 : index
    %swap3A_417 = tpu.vector_load %arg8[%swap3A_415, %swap3A_416] {strides = array<i32>} : memref<40x144xf32, #tpu.memory_space<vmem>>, vector<1x16xf32>,
    %swap3A_418 = vector.shape_cast %swap3A_417 : vector<1x16xf32> to vector<16xf32>
    %swap3A_419 = vector.shape_cast %broadcast_in_dim3A_0 : vector<16xf32> to vector<1x16xf32>
    tpu.vector_store %arg8[%swap3A_415, %swap3A_416], %swap3A_419 {strides = array<i32>} : memref<40x144xf32, #tpu.memory_space<vmem>>, vector<1x16xf32>,
    %swap3A_420 = arith.constant 7 : i32
    %swap3A_421 = arith.index_cast %swap3A_420 : i32 to index
    %swap3A_422 = arith.constant 112 : index
    %swap3A_423 = tpu.vector_load %arg8[%swap3A_421, %swap3A_422] {strides = array<i32>} : memref<40x144xf32, #tpu.memory_space<vmem>>, vector<1x16xf32>,
    %swap3A_424 = vector.shape_cast %swap3A_423 : vector<1x16xf32> to vector<16xf32>
    %swap3A_425 = vector.shape_cast %broadcast_in_dim3A_0 : vector<16xf32> to vector<1x16xf32>
    tpu.vector_store %arg8[%swap3A_421, %swap3A_422], %swap3A_425 {strides = array<i32>} : memref<40x144xf32, #tpu.memory_space<vmem>>, vector<1x16xf32>,
    %swap3A_426 = arith.constant 7 : i32
    %swap3A_427 = arith.index_cast %swap3A_426 : i32 to index
    %swap3A_428 = arith.constant 128 : index
    %swap3A_429 = tpu.vector_load %arg8[%swap3A_427, %swap3A_428] {strides = array<i32>} : memref<40x144xf32, #tpu.memory_space<vmem>>, vector<1x16xf32>,
    %swap3A_430 = vector.shape_cast %swap3A_429 : vector<1x16xf32> to vector<16xf32>
    %swap3A_431 = vector.shape_cast %broadcast_in_dim3A_0 : vector<16xf32> to vector<1x16xf32>
    tpu.vector_store %arg8[%swap3A_427, %swap3A_428], %swap3A_431 {strides = array<i32>} : memref<40x144xf32, #tpu.memory_space<vmem>>, vector<1x16xf32>,
    %swap3A_432 = arith.constant 8 : i32
    %swap3A_433 = arith.index_cast %swap3A_432 : i32 to index
    %swap3A_434 = arith.constant 0 : index
    %swap3A_435 = tpu.vector_load %arg8[%swap3A_433, %swap3A_434] {strides = array<i32>} : memref<40x144xf32, #tpu.memory_space<vmem>>, vector<1x16xf32>,
    %swap3A_436 = vector.shape_cast %swap3A_435 : vector<1x16xf32> to vector<16xf32>
    %swap3A_437 = vector.shape_cast %broadcast_in_dim3A_0 : vector<16xf32> to vector<1x16xf32>
    tpu.vector_store %arg8[%swap3A_433, %swap3A_434], %swap3A_437 {strides = array<i32>} : memref<40x144xf32, #tpu.memory_space<vmem>>, vector<1x16xf32>,
    %swap3A_438 = arith.constant 8 : i32
    %swap3A_439 = arith.index_cast %swap3A_438 : i32 to index
    %swap3A_440 = arith.constant 16 : index
    %swap3A_441 = tpu.vector_load %arg8[%swap3A_439, %swap3A_440] {strides = array<i32>} : memref<40x144xf32, #tpu.memory_space<vmem>>, vector<1x16xf32>,
    %swap3A_442 = vector.shape_cast %swap3A_441 : vector<1x16xf32> to vector<16xf32>
    %swap3A_443 = vector.shape_cast %broadcast_in_dim3A_0 : vector<16xf32> to vector<1x16xf32>
    tpu.vector_store %arg8[%swap3A_439, %swap3A_440], %swap3A_443 {strides = array<i32>} : memref<40x144xf32, #tpu.memory_space<vmem>>, vector<1x16xf32>,
    %swap3A_444 = arith.constant 8 : i32
    %swap3A_445 = arith.index_cast %swap3A_444 : i32 to index
    %swap3A_446 = arith.constant 32 : index
    %swap3A_447 = tpu.vector_load %arg8[%swap3A_445, %swap3A_446] {strides = array<i32>} : memref<40x144xf32, #tpu.memory_space<vmem>>, vector<1x16xf32>,
    %swap3A_448 = vector.shape_cast %swap3A_447 : vector<1x16xf32> to vector<16xf32>
    %swap3A_449 = vector.shape_cast %broadcast_in_dim3A_0 : vector<16xf32> to vector<1x16xf32>
    tpu.vector_store %arg8[%swap3A_445, %swap3A_446], %swap3A_449 {strides = array<i32>} : memref<40x144xf32, #tpu.memory_space<vmem>>, vector<1x16xf32>,
    %swap3A_450 = arith.constant 8 : i32
    %swap3A_451 = arith.index_cast %swap3A_450 : i32 to index
    %swap3A_452 = arith.constant 48 : index
    %swap3A_453 = tpu.vector_load %arg8[%swap3A_451, %swap3A_452] {strides = array<i32>} : memref<40x144xf32, #tpu.memory_space<vmem>>, vector<1x16xf32>,
    %swap3A_454 = vector.shape_cast %swap3A_453 : vector<1x16xf32> to vector<16xf32>
    %swap3A_455 = vector.shape_cast %broadcast_in_dim3A_0 : vector<16xf32> to vector<1x16xf32>
    tpu.vector_store %arg8[%swap3A_451, %swap3A_452], %swap3A_455 {strides = array<i32>} : memref<40x144xf32, #tpu.memory_space<vmem>>, vector<1x16xf32>,
    %swap3A_456 = arith.constant 8 : i32
    %swap3A_457 = arith.index_cast %swap3A_456 : i32 to index
    %swap3A_458 = arith.constant 64 : index
    %swap3A_459 = tpu.vector_load %arg8[%swap3A_457, %swap3A_458] {strides = array<i32>} : memref<40x144xf32, #tpu.memory_space<vmem>>, vector<1x16xf32>,
    %swap3A_460 = vector.shape_cast %swap3A_459 : vector<1x16xf32> to vector<16xf32>
    %swap3A_461 = vector.shape_cast %broadcast_in_dim3A_0 : vector<16xf32> to vector<1x16xf32>
    tpu.vector_store %arg8[%swap3A_457, %swap3A_458], %swap3A_461 {strides = array<i32>} : memref<40x144xf32, #tpu.memory_space<vmem>>, vector<1x16xf32>,
    %swap3A_462 = arith.constant 8 : i32
    %swap3A_463 = arith.index_cast %swap3A_462 : i32 to index
    %swap3A_464 = arith.constant 80 : index
    %swap3A_465 = tpu.vector_load %arg8[%swap3A_463, %swap3A_464] {strides = array<i32>} : memref<40x144xf32, #tpu.memory_space<vmem>>, vector<1x16xf32>,
    %swap3A_466 = vector.shape_cast %swap3A_465 : vector<1x16xf32> to vector<16xf32>
    %swap3A_467 = vector.shape_cast %broadcast_in_dim3A_0 : vector<16xf32> to vector<1x16xf32>
    tpu.vector_store %arg8[%swap3A_463, %swap3A_464], %swap3A_467 {strides = array<i32>} : memref<40x144xf32, #tpu.memory_space<vmem>>, vector<1x16xf32>,
    %swap3A_468 = arith.constant 8 : i32
    %swap3A_469 = arith.index_cast %swap3A_468 : i32 to index
    %swap3A_470 = arith.constant 96 : index
    %swap3A_471 = tpu.vector_load %arg8[%swap3A_469, %swap3A_470] {strides = array<i32>} : memref<40x144xf32, #tpu.memory_space<vmem>>, vector<1x16xf32>,
    %swap3A_472 = vector.shape_cast %swap3A_471 : vector<1x16xf32> to vector<16xf32>
    %swap3A_473 = vector.shape_cast %broadcast_in_dim3A_0 : vector<16xf32> to vector<1x16xf32>
    tpu.vector_store %arg8[%swap3A_469, %swap3A_470], %swap3A_473 {strides = array<i32>} : memref<40x144xf32, #tpu.memory_space<vmem>>, vector<1x16xf32>,
    %swap3A_474 = arith.constant 8 : i32
    %swap3A_475 = arith.index_cast %swap3A_474 : i32 to index
    %swap3A_476 = arith.constant 112 : index
    %swap3A_477 = tpu.vector_load %arg8[%swap3A_475, %swap3A_476] {strides = array<i32>} : memref<40x144xf32, #tpu.memory_space<vmem>>, vector<1x16xf32>,
    %swap3A_478 = vector.shape_cast %swap3A_477 : vector<1x16xf32> to vector<16xf32>
    %swap3A_479 = vector.shape_cast %broadcast_in_dim3A_0 : vector<16xf32> to vector<1x16xf32>
    tpu.vector_store %arg8[%swap3A_475, %swap3A_476], %swap3A_479 {strides = array<i32>} : memref<40x144xf32, #tpu.memory_space<vmem>>, vector<1x16xf32>,
    %swap3A_480 = arith.constant 8 : i32
    %swap3A_481 = arith.index_cast %swap3A_480 : i32 to index
    %swap3A_482 = arith.constant 128 : index
    %swap3A_483 = tpu.vector_load %arg8[%swap3A_481, %swap3A_482] {strides = array<i32>} : memref<40x144xf32, #tpu.memory_space<vmem>>, vector<1x16xf32>,
    %swap3A_484 = vector.shape_cast %swap3A_483 : vector<1x16xf32> to vector<16xf32>
    %swap3A_485 = vector.shape_cast %broadcast_in_dim3A_0 : vector<16xf32> to vector<1x16xf32>
    tpu.vector_store %arg8[%swap3A_481, %swap3A_482], %swap3A_485 {strides = array<i32>} : memref<40x144xf32, #tpu.memory_space<vmem>>, vector<1x16xf32>,
    %swap3A_486 = arith.constant 9 : i32
    %swap3A_487 = arith.index_cast %swap3A_486 : i32 to index
    %swap3A_488 = arith.constant 0 : index
    %swap3A_489 = tpu.vector_load %arg8[%swap3A_487, %swap3A_488] {strides = array<i32>} : memref<40x144xf32, #tpu.memory_space<vmem>>, vector<1x16xf32>,
    %swap3A_490 = vector.shape_cast %swap3A_489 : vector<1x16xf32> to vector<16xf32>
    %swap3A_491 = vector.shape_cast %broadcast_in_dim3A_0 : vector<16xf32> to vector<1x16xf32>
    tpu.vector_store %arg8[%swap3A_487, %swap3A_488], %swap3A_491 {strides = array<i32>} : memref<40x144xf32, #tpu.memory_space<vmem>>, vector<1x16xf32>,
    %swap3A_492 = arith.constant 9 : i32
    %swap3A_493 = arith.index_cast %swap3A_492 : i32 to index
    %swap3A_494 = arith.constant 16 : index
    %swap3A_495 = tpu.vector_load %arg8[%swap3A_493, %swap3A_494] {strides = array<i32>} : memref<40x144xf32, #tpu.memory_space<vmem>>, vector<1x16xf32>,
    %swap3A_496 = vector.shape_cast %swap3A_495 : vector<1x16xf32> to vector<16xf32>
    %swap3A_497 = vector.shape_cast %broadcast_in_dim3A_0 : vector<16xf32> to vector<1x16xf32>
    tpu.vector_store %arg8[%swap3A_493, %swap3A_494], %swap3A_497 {strides = array<i32>} : memref<40x144xf32, #tpu.memory_space<vmem>>, vector<1x16xf32>,
    %swap3A_498 = arith.constant 9 : i32
    %swap3A_499 = arith.index_cast %swap3A_498 : i32 to index
    %swap3A_500 = arith.constant 32 : index
    %swap3A_501 = tpu.vector_load %arg8[%swap3A_499, %swap3A_500] {strides = array<i32>} : memref<40x144xf32, #tpu.memory_space<vmem>>, vector<1x16xf32>,
    %swap3A_502 = vector.shape_cast %swap3A_501 : vector<1x16xf32> to vector<16xf32>
    %swap3A_503 = vector.shape_cast %broadcast_in_dim3A_0 : vector<16xf32> to vector<1x16xf32>
    tpu.vector_store %arg8[%swap3A_499, %swap3A_500], %swap3A_503 {strides = array<i32>} : memref<40x144xf32, #tpu.memory_space<vmem>>, vector<1x16xf32>,
    %swap3A_504 = arith.constant 9 : i32
    %swap3A_505 = arith.index_cast %swap3A_504 : i32 to index
    %swap3A_506 = arith.constant 48 : index
    %swap3A_507 = tpu.vector_load %arg8[%swap3A_505, %swap3A_506] {strides = array<i32>} : memref<40x144xf32, #tpu.memory_space<vmem>>, vector<1x16xf32>,
    %swap3A_508 = vector.shape_cast %swap3A_507 : vector<1x16xf32> to vector<16xf32>
    %swap3A_509 = vector.shape_cast %broadcast_in_dim3A_0 : vector<16xf32> to vector<1x16xf32>
    tpu.vector_store %arg8[%swap3A_505, %swap3A_506], %swap3A_509 {strides = array<i32>} : memref<40x144xf32, #tpu.memory_space<vmem>>, vector<1x16xf32>,
    %swap3A_510 = arith.constant 9 : i32
    %swap3A_511 = arith.index_cast %swap3A_510 : i32 to index
    %swap3A_512 = arith.constant 64 : index
    %swap3A_513 = tpu.vector_load %arg8[%swap3A_511, %swap3A_512] {strides = array<i32>} : memref<40x144xf32, #tpu.memory_space<vmem>>, vector<1x16xf32>,
    %swap3A_514 = vector.shape_cast %swap3A_513 : vector<1x16xf32> to vector<16xf32>
    %swap3A_515 = vector.shape_cast %broadcast_in_dim3A_0 : vector<16xf32> to vector<1x16xf32>
    tpu.vector_store %arg8[%swap3A_511, %swap3A_512], %swap3A_515 {strides = array<i32>} : memref<40x144xf32, #tpu.memory_space<vmem>>, vector<1x16xf32>,
    %swap3A_516 = arith.constant 9 : i32
    %swap3A_517 = arith.index_cast %swap3A_516 : i32 to index
    %swap3A_518 = arith.constant 80 : index
    %swap3A_519 = tpu.vector_load %arg8[%swap3A_517, %swap3A_518] {strides = array<i32>} : memref<40x144xf32, #tpu.memory_space<vmem>>, vector<1x16xf32>,
    %swap3A_520 = vector.shape_cast %swap3A_519 : vector<1x16xf32> to vector<16xf32>
    %swap3A_521 = vector.shape_cast %broadcast_in_dim3A_0 : vector<16xf32> to vector<1x16xf32>
    tpu.vector_store %arg8[%swap3A_517, %swap3A_518], %swap3A_521 {strides = array<i32>} : memref<40x144xf32, #tpu.memory_space<vmem>>, vector<1x16xf32>,
    %swap3A_522 = arith.constant 9 : i32
    %swap3A_523 = arith.index_cast %swap3A_522 : i32 to index
    %swap3A_524 = arith.constant 96 : index
    %swap3A_525 = tpu.vector_load %arg8[%swap3A_523, %swap3A_524] {strides = array<i32>} : memref<40x144xf32, #tpu.memory_space<vmem>>, vector<1x16xf32>,
    %swap3A_526 = vector.shape_cast %swap3A_525 : vector<1x16xf32> to vector<16xf32>
    %swap3A_527 = vector.shape_cast %broadcast_in_dim3A_0 : vector<16xf32> to vector<1x16xf32>
    tpu.vector_store %arg8[%swap3A_523, %swap3A_524], %swap3A_527 {strides = array<i32>} : memref<40x144xf32, #tpu.memory_space<vmem>>, vector<1x16xf32>,
    %swap3A_528 = arith.constant 9 : i32
    %swap3A_529 = arith.index_cast %swap3A_528 : i32 to index
    %swap3A_530 = arith.constant 112 : index
    %swap3A_531 = tpu.vector_load %arg8[%swap3A_529, %swap3A_530] {strides = array<i32>} : memref<40x144xf32, #tpu.memory_space<vmem>>, vector<1x16xf32>,
    %swap3A_532 = vector.shape_cast %swap3A_531 : vector<1x16xf32> to vector<16xf32>
    %swap3A_533 = vector.shape_cast %broadcast_in_dim3A_0 : vector<16xf32> to vector<1x16xf32>
    tpu.vector_store %arg8[%swap3A_529, %swap3A_530], %swap3A_533 {strides = array<i32>} : memref<40x144xf32, #tpu.memory_space<vmem>>, vector<1x16xf32>,
    %swap3A_534 = arith.constant 9 : i32
    %swap3A_535 = arith.index_cast %swap3A_534 : i32 to index
    %swap3A_536 = arith.constant 128 : index
    %swap3A_537 = tpu.vector_load %arg8[%swap3A_535, %swap3A_536] {strides = array<i32>} : memref<40x144xf32, #tpu.memory_space<vmem>>, vector<1x16xf32>,
    %swap3A_538 = vector.shape_cast %swap3A_537 : vector<1x16xf32> to vector<16xf32>
    %swap3A_539 = vector.shape_cast %broadcast_in_dim3A_0 : vector<16xf32> to vector<1x16xf32>
    tpu.vector_store %arg8[%swap3A_535, %swap3A_536], %swap3A_539 {strides = array<i32>} : memref<40x144xf32, #tpu.memory_space<vmem>>, vector<1x16xf32>,
    %swap3A_540 = arith.constant 10 : i32
    %swap3A_541 = arith.index_cast %swap3A_540 : i32 to index
    %swap3A_542 = arith.constant 0 : index
    %swap3A_543 = tpu.vector_load %arg8[%swap3A_541, %swap3A_542] {strides = array<i32>} : memref<40x144xf32, #tpu.memory_space<vmem>>, vector<1x16xf32>,
    %swap3A_544 = vector.shape_cast %swap3A_543 : vector<1x16xf32> to vector<16xf32>
    %swap3A_545 = vector.shape_cast %broadcast_in_dim3A_0 : vector<16xf32> to vector<1x16xf32>
    tpu.vector_store %arg8[%swap3A_541, %swap3A_542], %swap3A_545 {strides = array<i32>} : memref<40x144xf32, #tpu.memory_space<vmem>>, vector<1x16xf32>,
    %swap3A_546 = arith.constant 10 : i32
    %swap3A_547 = arith.index_cast %swap3A_546 : i32 to index
    %swap3A_548 = arith.constant 16 : index
    %swap3A_549 = tpu.vector_load %arg8[%swap3A_547, %swap3A_548] {strides = array<i32>} : memref<40x144xf32, #tpu.memory_space<vmem>>, vector<1x16xf32>,
    %swap3A_550 = vector.shape_cast %swap3A_549 : vector<1x16xf32> to vector<16xf32>
    %swap3A_551 = vector.shape_cast %broadcast_in_dim3A_0 : vector<16xf32> to vector<1x16xf32>
    tpu.vector_store %arg8[%swap3A_547, %swap3A_548], %swap3A_551 {strides = array<i32>} : memref<40x144xf32, #tpu.memory_space<vmem>>, vector<1x16xf32>,
    %swap3A_552 = arith.constant 10 : i32
    %swap3A_553 = arith.index_cast %swap3A_552 : i32 to index
    %swap3A_554 = arith.constant 32 : index
    %swap3A_555 = tpu.vector_load %arg8[%swap3A_553, %swap3A_554] {strides = array<i32>} : memref<40x144xf32, #tpu.memory_space<vmem>>, vector<1x16xf32>,
    %swap3A_556 = vector.shape_cast %swap3A_555 : vector<1x16xf32> to vector<16xf32>
    %swap3A_557 = vector.shape_cast %broadcast_in_dim3A_0 : vector<16xf32> to vector<1x16xf32>
    tpu.vector_store %arg8[%swap3A_553, %swap3A_554], %swap3A_557 {strides = array<i32>} : memref<40x144xf32, #tpu.memory_space<vmem>>, vector<1x16xf32>,
    %swap3A_558 = arith.constant 10 : i32
    %swap3A_559 = arith.index_cast %swap3A_558 : i32 to index
    %swap3A_560 = arith.constant 48 : index
    %swap3A_561 = tpu.vector_load %arg8[%swap3A_559, %swap3A_560] {strides = array<i32>} : memref<40x144xf32, #tpu.memory_space<vmem>>, vector<1x16xf32>,
    %swap3A_562 = vector.shape_cast %swap3A_561 : vector<1x16xf32> to vector<16xf32>
    %swap3A_563 = vector.shape_cast %broadcast_in_dim3A_0 : vector<16xf32> to vector<1x16xf32>
    tpu.vector_store %arg8[%swap3A_559, %swap3A_560], %swap3A_563 {strides = array<i32>} : memref<40x144xf32, #tpu.memory_space<vmem>>, vector<1x16xf32>,
    %swap3A_564 = arith.constant 10 : i32
    %swap3A_565 = arith.index_cast %swap3A_564 : i32 to index
    %swap3A_566 = arith.constant 64 : index
    %swap3A_567 = tpu.vector_load %arg8[%swap3A_565, %swap3A_566] {strides = array<i32>} : memref<40x144xf32, #tpu.memory_space<vmem>>, vector<1x16xf32>,
    %swap3A_568 = vector.shape_cast %swap3A_567 : vector<1x16xf32> to vector<16xf32>
    %swap3A_569 = vector.shape_cast %broadcast_in_dim3A_0 : vector<16xf32> to vector<1x16xf32>
    tpu.vector_store %arg8[%swap3A_565, %swap3A_566], %swap3A_569 {strides = array<i32>} : memref<40x144xf32, #tpu.memory_space<vmem>>, vector<1x16xf32>,
    %swap3A_570 = arith.constant 10 : i32
    %swap3A_571 = arith.index_cast %swap3A_570 : i32 to index
    %swap3A_572 = arith.constant 80 : index
    %swap3A_573 = tpu.vector_load %arg8[%swap3A_571, %swap3A_572] {strides = array<i32>} : memref<40x144xf32, #tpu.memory_space<vmem>>, vector<1x16xf32>,
    %swap3A_574 = vector.shape_cast %swap3A_573 : vector<1x16xf32> to vector<16xf32>
    %swap3A_575 = vector.shape_cast %broadcast_in_dim3A_0 : vector<16xf32> to vector<1x16xf32>
    tpu.vector_store %arg8[%swap3A_571, %swap3A_572], %swap3A_575 {strides = array<i32>} : memref<40x144xf32, #tpu.memory_space<vmem>>, vector<1x16xf32>,
    %swap3A_576 = arith.constant 10 : i32
    %swap3A_577 = arith.index_cast %swap3A_576 : i32 to index
    %swap3A_578 = arith.constant 96 : index
    %swap3A_579 = tpu.vector_load %arg8[%swap3A_577, %swap3A_578] {strides = array<i32>} : memref<40x144xf32, #tpu.memory_space<vmem>>, vector<1x16xf32>,
    %swap3A_580 = vector.shape_cast %swap3A_579 : vector<1x16xf32> to vector<16xf32>
    %swap3A_581 = vector.shape_cast %broadcast_in_dim3A_0 : vector<16xf32> to vector<1x16xf32>
    tpu.vector_store %arg8[%swap3A_577, %swap3A_578], %swap3A_581 {strides = array<i32>} : memref<40x144xf32, #tpu.memory_space<vmem>>, vector<1x16xf32>,
    %swap3A_582 = arith.constant 10 : i32
    %swap3A_583 = arith.index_cast %swap3A_582 : i32 to index
    %swap3A_584 = arith.constant 112 : index
    %swap3A_585 = tpu.vector_load %arg8[%swap3A_583, %swap3A_584] {strides = array<i32>} : memref<40x144xf32, #tpu.memory_space<vmem>>, vector<1x16xf32>,
    %swap3A_586 = vector.shape_cast %swap3A_585 : vector<1x16xf32> to vector<16xf32>
    %swap3A_587 = vector.shape_cast %broadcast_in_dim3A_0 : vector<16xf32> to vector<1x16xf32>
    tpu.vector_store %arg8[%swap3A_583, %swap3A_584], %swap3A_587 {strides = array<i32>} : memref<40x144xf32, #tpu.memory_space<vmem>>, vector<1x16xf32>,
    %swap3A_588 = arith.constant 10 : i32
    %swap3A_589 = arith.index_cast %swap3A_588 : i32 to index
    %swap3A_590 = arith.constant 128 : index
    %swap3A_591 = tpu.vector_load %arg8[%swap3A_589, %swap3A_590] {strides = array<i32>} : memref<40x144xf32, #tpu.memory_space<vmem>>, vector<1x16xf32>,
    %swap3A_592 = vector.shape_cast %swap3A_591 : vector<1x16xf32> to vector<16xf32>
    %swap3A_593 = vector.shape_cast %broadcast_in_dim3A_0 : vector<16xf32> to vector<1x16xf32>
    tpu.vector_store %arg8[%swap3A_589, %swap3A_590], %swap3A_593 {strides = array<i32>} : memref<40x144xf32, #tpu.memory_space<vmem>>, vector<1x16xf32>,
    %swap3A_594 = arith.constant 11 : i32
    %swap3A_595 = arith.index_cast %swap3A_594 : i32 to index
    %swap3A_596 = arith.constant 0 : index
    %swap3A_597 = tpu.vector_load %arg8[%swap3A_595, %swap3A_596] {strides = array<i32>} : memref<40x144xf32, #tpu.memory_space<vmem>>, vector<1x16xf32>,
    %swap3A_598 = vector.shape_cast %swap3A_597 : vector<1x16xf32> to vector<16xf32>
    %swap3A_599 = vector.shape_cast %broadcast_in_dim3A_0 : vector<16xf32> to vector<1x16xf32>
    tpu.vector_store %arg8[%swap3A_595, %swap3A_596], %swap3A_599 {strides = array<i32>} : memref<40x144xf32, #tpu.memory_space<vmem>>, vector<1x16xf32>,
    %swap3A_600 = arith.constant 11 : i32
    %swap3A_601 = arith.index_cast %swap3A_600 : i32 to index
    %swap3A_602 = arith.constant 16 : index
    %swap3A_603 = tpu.vector_load %arg8[%swap3A_601, %swap3A_602] {strides = array<i32>} : memref<40x144xf32, #tpu.memory_space<vmem>>, vector<1x16xf32>,
    %swap3A_604 = vector.shape_cast %swap3A_603 : vector<1x16xf32> to vector<16xf32>
    %swap3A_605 = vector.shape_cast %broadcast_in_dim3A_0 : vector<16xf32> to vector<1x16xf32>
    tpu.vector_store %arg8[%swap3A_601, %swap3A_602], %swap3A_605 {strides = array<i32>} : memref<40x144xf32, #tpu.memory_space<vmem>>, vector<1x16xf32>,
    %swap3A_606 = arith.constant 11 : i32
    %swap3A_607 = arith.index_cast %swap3A_606 : i32 to index
    %swap3A_608 = arith.constant 32 : index
    %swap3A_609 = tpu.vector_load %arg8[%swap3A_607, %swap3A_608] {strides = array<i32>} : memref<40x144xf32, #tpu.memory_space<vmem>>, vector<1x16xf32>,
    %swap3A_610 = vector.shape_cast %swap3A_609 : vector<1x16xf32> to vector<16xf32>
    %swap3A_611 = vector.shape_cast %broadcast_in_dim3A_0 : vector<16xf32> to vector<1x16xf32>
    tpu.vector_store %arg8[%swap3A_607, %swap3A_608], %swap3A_611 {strides = array<i32>} : memref<40x144xf32, #tpu.memory_space<vmem>>, vector<1x16xf32>,
    %swap3A_612 = arith.constant 11 : i32
    %swap3A_613 = arith.index_cast %swap3A_612 : i32 to index
    %swap3A_614 = arith.constant 48 : index
    %swap3A_615 = tpu.vector_load %arg8[%swap3A_613, %swap3A_614] {strides = array<i32>} : memref<40x144xf32, #tpu.memory_space<vmem>>, vector<1x16xf32>,
    %swap3A_616 = vector.shape_cast %swap3A_615 : vector<1x16xf32> to vector<16xf32>
    %swap3A_617 = vector.shape_cast %broadcast_in_dim3A_0 : vector<16xf32> to vector<1x16xf32>
    tpu.vector_store %arg8[%swap3A_613, %swap3A_614], %swap3A_617 {strides = array<i32>} : memref<40x144xf32, #tpu.memory_space<vmem>>, vector<1x16xf32>,
    %swap3A_618 = arith.constant 11 : i32
    %swap3A_619 = arith.index_cast %swap3A_618 : i32 to index
    %swap3A_620 = arith.constant 64 : index
    %swap3A_621 = tpu.vector_load %arg8[%swap3A_619, %swap3A_620] {strides = array<i32>} : memref<40x144xf32, #tpu.memory_space<vmem>>, vector<1x16xf32>,
    %swap3A_622 = vector.shape_cast %swap3A_621 : vector<1x16xf32> to vector<16xf32>
    %swap3A_623 = vector.shape_cast %broadcast_in_dim3A_0 : vector<16xf32> to vector<1x16xf32>
    tpu.vector_store %arg8[%swap3A_619, %swap3A_620], %swap3A_623 {strides = array<i32>} : memref<40x144xf32, #tpu.memory_space<vmem>>, vector<1x16xf32>,
    %swap3A_624 = arith.constant 11 : i32
    %swap3A_625 = arith.index_cast %swap3A_624 : i32 to index
    %swap3A_626 = arith.constant 80 : index
    %swap3A_627 = tpu.vector_load %arg8[%swap3A_625, %swap3A_626] {strides = array<i32>} : memref<40x144xf32, #tpu.memory_space<vmem>>, vector<1x16xf32>,
    %swap3A_628 = vector.shape_cast %swap3A_627 : vector<1x16xf32> to vector<16xf32>
    %swap3A_629 = vector.shape_cast %broadcast_in_dim3A_0 : vector<16xf32> to vector<1x16xf32>
    tpu.vector_store %arg8[%swap3A_625, %swap3A_626], %swap3A_629 {strides = array<i32>} : memref<40x144xf32, #tpu.memory_space<vmem>>, vector<1x16xf32>,
    %swap3A_630 = arith.constant 11 : i32
    %swap3A_631 = arith.index_cast %swap3A_630 : i32 to index
    %swap3A_632 = arith.constant 96 : index
    %swap3A_633 = tpu.vector_load %arg8[%swap3A_631, %swap3A_632] {strides = array<i32>} : memref<40x144xf32, #tpu.memory_space<vmem>>, vector<1x16xf32>,
    %swap3A_634 = vector.shape_cast %swap3A_633 : vector<1x16xf32> to vector<16xf32>
    %swap3A_635 = vector.shape_cast %broadcast_in_dim3A_0 : vector<16xf32> to vector<1x16xf32>
    tpu.vector_store %arg8[%swap3A_631, %swap3A_632], %swap3A_635 {strides = array<i32>} : memref<40x144xf32, #tpu.memory_space<vmem>>, vector<1x16xf32>,
    %swap3A_636 = arith.constant 11 : i32
    %swap3A_637 = arith.index_cast %swap3A_636 : i32 to index
    %swap3A_638 = arith.constant 112 : index
    %swap3A_639 = tpu.vector_load %arg8[%swap3A_637, %swap3A_638] {strides = array<i32>} : memref<40x144xf32, #tpu.memory_space<vmem>>, vector<1x16xf32>,
    %swap3A_640 = vector.shape_cast %swap3A_639 : vector<1x16xf32> to vector<16xf32>
    %swap3A_641 = vector.shape_cast %broadcast_in_dim3A_0 : vector<16xf32> to vector<1x16xf32>
    tpu.vector_store %arg8[%swap3A_637, %swap3A_638], %swap3A_641 {strides = array<i32>} : memref<40x144xf32, #tpu.memory_space<vmem>>, vector<1x16xf32>,
    %swap3A_642 = arith.constant 11 : i32
    %swap3A_643 = arith.index_cast %swap3A_642 : i32 to index
    %swap3A_644 = arith.constant 128 : index
    %swap3A_645 = tpu.vector_load %arg8[%swap3A_643, %swap3A_644] {strides = array<i32>} : memref<40x144xf32, #tpu.memory_space<vmem>>, vector<1x16xf32>,
    %swap3A_646 = vector.shape_cast %swap3A_645 : vector<1x16xf32> to vector<16xf32>
    %swap3A_647 = vector.shape_cast %broadcast_in_dim3A_0 : vector<16xf32> to vector<1x16xf32>
    tpu.vector_store %arg8[%swap3A_643, %swap3A_644], %swap3A_647 {strides = array<i32>} : memref<40x144xf32, #tpu.memory_space<vmem>>, vector<1x16xf32>,
    %swap3A_648 = arith.constant 12 : i32
    %swap3A_649 = arith.index_cast %swap3A_648 : i32 to index
    %swap3A_650 = arith.constant 0 : index
    %swap3A_651 = tpu.vector_load %arg8[%swap3A_649, %swap3A_650] {strides = array<i32>} : memref<40x144xf32, #tpu.memory_space<vmem>>, vector<1x16xf32>,
    %swap3A_652 = vector.shape_cast %swap3A_651 : vector<1x16xf32> to vector<16xf32>
    %swap3A_653 = vector.shape_cast %broadcast_in_dim3A_0 : vector<16xf32> to vector<1x16xf32>
    tpu.vector_store %arg8[%swap3A_649, %swap3A_650], %swap3A_653 {strides = array<i32>} : memref<40x144xf32, #tpu.memory_space<vmem>>, vector<1x16xf32>,
    %swap3A_654 = arith.constant 12 : i32
    %swap3A_655 = arith.index_cast %swap3A_654 : i32 to index
    %swap3A_656 = arith.constant 16 : index
    %swap3A_657 = tpu.vector_load %arg8[%swap3A_655, %swap3A_656] {strides = array<i32>} : memref<40x144xf32, #tpu.memory_space<vmem>>, vector<1x16xf32>,
    %swap3A_658 = vector.shape_cast %swap3A_657 : vector<1x16xf32> to vector<16xf32>
    %swap3A_659 = vector.shape_cast %broadcast_in_dim3A_0 : vector<16xf32> to vector<1x16xf32>
    tpu.vector_store %arg8[%swap3A_655, %swap3A_656], %swap3A_659 {strides = array<i32>} : memref<40x144xf32, #tpu.memory_space<vmem>>, vector<1x16xf32>,
    %swap3A_660 = arith.constant 12 : i32
    %swap3A_661 = arith.index_cast %swap3A_660 : i32 to index
    %swap3A_662 = arith.constant 32 : index
    %swap3A_663 = tpu.vector_load %arg8[%swap3A_661, %swap3A_662] {strides = array<i32>} : memref<40x144xf32, #tpu.memory_space<vmem>>, vector<1x16xf32>,
    %swap3A_664 = vector.shape_cast %swap3A_663 : vector<1x16xf32> to vector<16xf32>
    %swap3A_665 = vector.shape_cast %broadcast_in_dim3A_0 : vector<16xf32> to vector<1x16xf32>
    tpu.vector_store %arg8[%swap3A_661, %swap3A_662], %swap3A_665 {strides = array<i32>} : memref<40x144xf32, #tpu.memory_space<vmem>>, vector<1x16xf32>,
    %swap3A_666 = arith.constant 12 : i32
    %swap3A_667 = arith.index_cast %swap3A_666 : i32 to index
    %swap3A_668 = arith.constant 48 : index
    %swap3A_669 = tpu.vector_load %arg8[%swap3A_667, %swap3A_668] {strides = array<i32>} : memref<40x144xf32, #tpu.memory_space<vmem>>, vector<1x16xf32>,
    %swap3A_670 = vector.shape_cast %swap3A_669 : vector<1x16xf32> to vector<16xf32>
    %swap3A_671 = vector.shape_cast %broadcast_in_dim3A_0 : vector<16xf32> to vector<1x16xf32>
    tpu.vector_store %arg8[%swap3A_667, %swap3A_668], %swap3A_671 {strides = array<i32>} : memref<40x144xf32, #tpu.memory_space<vmem>>, vector<1x16xf32>,
    %swap3A_672 = arith.constant 12 : i32
    %swap3A_673 = arith.index_cast %swap3A_672 : i32 to index
    %swap3A_674 = arith.constant 64 : index
    %swap3A_675 = tpu.vector_load %arg8[%swap3A_673, %swap3A_674] {strides = array<i32>} : memref<40x144xf32, #tpu.memory_space<vmem>>, vector<1x16xf32>,
    %swap3A_676 = vector.shape_cast %swap3A_675 : vector<1x16xf32> to vector<16xf32>
    %swap3A_677 = vector.shape_cast %broadcast_in_dim3A_0 : vector<16xf32> to vector<1x16xf32>
    tpu.vector_store %arg8[%swap3A_673, %swap3A_674], %swap3A_677 {strides = array<i32>} : memref<40x144xf32, #tpu.memory_space<vmem>>, vector<1x16xf32>,
    %swap3A_678 = arith.constant 12 : i32
    %swap3A_679 = arith.index_cast %swap3A_678 : i32 to index
    %swap3A_680 = arith.constant 80 : index
    %swap3A_681 = tpu.vector_load %arg8[%swap3A_679, %swap3A_680] {strides = array<i32>} : memref<40x144xf32, #tpu.memory_space<vmem>>, vector<1x16xf32>,
    %swap3A_682 = vector.shape_cast %swap3A_681 : vector<1x16xf32> to vector<16xf32>
    %swap3A_683 = vector.shape_cast %broadcast_in_dim3A_0 : vector<16xf32> to vector<1x16xf32>
    tpu.vector_store %arg8[%swap3A_679, %swap3A_680], %swap3A_683 {strides = array<i32>} : memref<40x144xf32, #tpu.memory_space<vmem>>, vector<1x16xf32>,
    %swap3A_684 = arith.constant 12 : i32
    %swap3A_685 = arith.index_cast %swap3A_684 : i32 to index
    %swap3A_686 = arith.constant 96 : index
    %swap3A_687 = tpu.vector_load %arg8[%swap3A_685, %swap3A_686] {strides = array<i32>} : memref<40x144xf32, #tpu.memory_space<vmem>>, vector<1x16xf32>,
    %swap3A_688 = vector.shape_cast %swap3A_687 : vector<1x16xf32> to vector<16xf32>
    %swap3A_689 = vector.shape_cast %broadcast_in_dim3A_0 : vector<16xf32> to vector<1x16xf32>
    tpu.vector_store %arg8[%swap3A_685, %swap3A_686], %swap3A_689 {strides = array<i32>} : memref<40x144xf32, #tpu.memory_space<vmem>>, vector<1x16xf32>,
    %swap3A_690 = arith.constant 12 : i32
    %swap3A_691 = arith.index_cast %swap3A_690 : i32 to index
    %swap3A_692 = arith.constant 112 : index
    %swap3A_693 = tpu.vector_load %arg8[%swap3A_691, %swap3A_692] {strides = array<i32>} : memref<40x144xf32, #tpu.memory_space<vmem>>, vector<1x16xf32>,
    %swap3A_694 = vector.shape_cast %swap3A_693 : vector<1x16xf32> to vector<16xf32>
    %swap3A_695 = vector.shape_cast %broadcast_in_dim3A_0 : vector<16xf32> to vector<1x16xf32>
    tpu.vector_store %arg8[%swap3A_691, %swap3A_692], %swap3A_695 {strides = array<i32>} : memref<40x144xf32, #tpu.memory_space<vmem>>, vector<1x16xf32>,
    %swap3A_696 = arith.constant 12 : i32
    %swap3A_697 = arith.index_cast %swap3A_696 : i32 to index
    %swap3A_698 = arith.constant 128 : index
    %swap3A_699 = tpu.vector_load %arg8[%swap3A_697, %swap3A_698] {strides = array<i32>} : memref<40x144xf32, #tpu.memory_space<vmem>>, vector<1x16xf32>,
    %swap3A_700 = vector.shape_cast %swap3A_699 : vector<1x16xf32> to vector<16xf32>
    %swap3A_701 = vector.shape_cast %broadcast_in_dim3A_0 : vector<16xf32> to vector<1x16xf32>
    tpu.vector_store %arg8[%swap3A_697, %swap3A_698], %swap3A_701 {strides = array<i32>} : memref<40x144xf32, #tpu.memory_space<vmem>>, vector<1x16xf32>,
    %swap3A_702 = arith.constant 13 : i32
    %swap3A_703 = arith.index_cast %swap3A_702 : i32 to index
    %swap3A_704 = arith.constant 0 : index
    %swap3A_705 = tpu.vector_load %arg8[%swap3A_703, %swap3A_704] {strides = array<i32>} : memref<40x144xf32, #tpu.memory_space<vmem>>, vector<1x16xf32>,
    %swap3A_706 = vector.shape_cast %swap3A_705 : vector<1x16xf32> to vector<16xf32>
    %swap3A_707 = vector.shape_cast %broadcast_in_dim3A_0 : vector<16xf32> to vector<1x16xf32>
    tpu.vector_store %arg8[%swap3A_703, %swap3A_704], %swap3A_707 {strides = array<i32>} : memref<40x144xf32, #tpu.memory_space<vmem>>, vector<1x16xf32>,
    %swap3A_708 = arith.constant 13 : i32
    %swap3A_709 = arith.index_cast %swap3A_708 : i32 to index
    %swap3A_710 = arith.constant 16 : index
    %swap3A_711 = tpu.vector_load %arg8[%swap3A_709, %swap3A_710] {strides = array<i32>} : memref<40x144xf32, #tpu.memory_space<vmem>>, vector<1x16xf32>,
    %swap3A_712 = vector.shape_cast %swap3A_711 : vector<1x16xf32> to vector<16xf32>
    %swap3A_713 = vector.shape_cast %broadcast_in_dim3A_0 : vector<16xf32> to vector<1x16xf32>
    tpu.vector_store %arg8[%swap3A_709, %swap3A_710], %swap3A_713 {strides = array<i32>} : memref<40x144xf32, #tpu.memory_space<vmem>>, vector<1x16xf32>,
    %swap3A_714 = arith.constant 13 : i32
    %swap3A_715 = arith.index_cast %swap3A_714 : i32 to index
    %swap3A_716 = arith.constant 32 : index
    %swap3A_717 = tpu.vector_load %arg8[%swap3A_715, %swap3A_716] {strides = array<i32>} : memref<40x144xf32, #tpu.memory_space<vmem>>, vector<1x16xf32>,
    %swap3A_718 = vector.shape_cast %swap3A_717 : vector<1x16xf32> to vector<16xf32>
    %swap3A_719 = vector.shape_cast %broadcast_in_dim3A_0 : vector<16xf32> to vector<1x16xf32>
    tpu.vector_store %arg8[%swap3A_715, %swap3A_716], %swap3A_719 {strides = array<i32>} : memref<40x144xf32, #tpu.memory_space<vmem>>, vector<1x16xf32>,
    %swap3A_720 = arith.constant 13 : i32
    %swap3A_721 = arith.index_cast %swap3A_720 : i32 to index
    %swap3A_722 = arith.constant 48 : index
    %swap3A_723 = tpu.vector_load %arg8[%swap3A_721, %swap3A_722] {strides = array<i32>} : memref<40x144xf32, #tpu.memory_space<vmem>>, vector<1x16xf32>,
    %swap3A_724 = vector.shape_cast %swap3A_723 : vector<1x16xf32> to vector<16xf32>
    %swap3A_725 = vector.shape_cast %broadcast_in_dim3A_0 : vector<16xf32> to vector<1x16xf32>
    tpu.vector_store %arg8[%swap3A_721, %swap3A_722], %swap3A_725 {strides = array<i32>} : memref<40x144xf32, #tpu.memory_space<vmem>>, vector<1x16xf32>,
    %swap3A_726 = arith.constant 13 : i32
    %swap3A_727 = arith.index_cast %swap3A_726 : i32 to index
    %swap3A_728 = arith.constant 64 : index
    %swap3A_729 = tpu.vector_load %arg8[%swap3A_727, %swap3A_728] {strides = array<i32>} : memref<40x144xf32, #tpu.memory_space<vmem>>, vector<1x16xf32>,
    %swap3A_730 = vector.shape_cast %swap3A_729 : vector<1x16xf32> to vector<16xf32>
    %swap3A_731 = vector.shape_cast %broadcast_in_dim3A_0 : vector<16xf32> to vector<1x16xf32>
    tpu.vector_store %arg8[%swap3A_727, %swap3A_728], %swap3A_731 {strides = array<i32>} : memref<40x144xf32, #tpu.memory_space<vmem>>, vector<1x16xf32>,
    %swap3A_732 = arith.constant 13 : i32
    %swap3A_733 = arith.index_cast %swap3A_732 : i32 to index
    %swap3A_734 = arith.constant 80 : index
    %swap3A_735 = tpu.vector_load %arg8[%swap3A_733, %swap3A_734] {strides = array<i32>} : memref<40x144xf32, #tpu.memory_space<vmem>>, vector<1x16xf32>,
    %swap3A_736 = vector.shape_cast %swap3A_735 : vector<1x16xf32> to vector<16xf32>
    %swap3A_737 = vector.shape_cast %broadcast_in_dim3A_0 : vector<16xf32> to vector<1x16xf32>
    tpu.vector_store %arg8[%swap3A_733, %swap3A_734], %swap3A_737 {strides = array<i32>} : memref<40x144xf32, #tpu.memory_space<vmem>>, vector<1x16xf32>,
    %swap3A_738 = arith.constant 13 : i32
    %swap3A_739 = arith.index_cast %swap3A_738 : i32 to index
    %swap3A_740 = arith.constant 96 : index
    %swap3A_741 = tpu.vector_load %arg8[%swap3A_739, %swap3A_740] {strides = array<i32>} : memref<40x144xf32, #tpu.memory_space<vmem>>, vector<1x16xf32>,
    %swap3A_742 = vector.shape_cast %swap3A_741 : vector<1x16xf32> to vector<16xf32>
    %swap3A_743 = vector.shape_cast %broadcast_in_dim3A_0 : vector<16xf32> to vector<1x16xf32>
    tpu.vector_store %arg8[%swap3A_739, %swap3A_740], %swap3A_743 {strides = array<i32>} : memref<40x144xf32, #tpu.memory_space<vmem>>, vector<1x16xf32>,
    %swap3A_744 = arith.constant 13 : i32
    %swap3A_745 = arith.index_cast %swap3A_744 : i32 to index
    %swap3A_746 = arith.constant 112 : index
    %swap3A_747 = tpu.vector_load %arg8[%swap3A_745, %swap3A_746] {strides = array<i32>} : memref<40x144xf32, #tpu.memory_space<vmem>>, vector<1x16xf32>,
    %swap3A_748 = vector.shape_cast %swap3A_747 : vector<1x16xf32> to vector<16xf32>
    %swap3A_749 = vector.shape_cast %broadcast_in_dim3A_0 : vector<16xf32> to vector<1x16xf32>
    tpu.vector_store %arg8[%swap3A_745, %swap3A_746], %swap3A_749 {strides = array<i32>} : memref<40x144xf32, #tpu.memory_space<vmem>>, vector<1x16xf32>,
    %swap3A_750 = arith.constant 13 : i32
    %swap3A_751 = arith.index_cast %swap3A_750 : i32 to index
    %swap3A_752 = arith.constant 128 : index
    %swap3A_753 = tpu.vector_load %arg8[%swap3A_751, %swap3A_752] {strides = array<i32>} : memref<40x144xf32, #tpu.memory_space<vmem>>, vector<1x16xf32>,
    %swap3A_754 = vector.shape_cast %swap3A_753 : vector<1x16xf32> to vector<16xf32>
    %swap3A_755 = vector.shape_cast %broadcast_in_dim3A_0 : vector<16xf32> to vector<1x16xf32>
    tpu.vector_store %arg8[%swap3A_751, %swap3A_752], %swap3A_755 {strides = array<i32>} : memref<40x144xf32, #tpu.memory_space<vmem>>, vector<1x16xf32>,
    %swap3A_756 = arith.constant 14 : i32
    %swap3A_757 = arith.index_cast %swap3A_756 : i32 to index
    %swap3A_758 = arith.constant 0 : index
    %swap3A_759 = tpu.vector_load %arg8[%swap3A_757, %swap3A_758] {strides = array<i32>} : memref<40x144xf32, #tpu.memory_space<vmem>>, vector<1x16xf32>,
    %swap3A_760 = vector.shape_cast %swap3A_759 : vector<1x16xf32> to vector<16xf32>
    %swap3A_761 = vector.shape_cast %broadcast_in_dim3A_0 : vector<16xf32> to vector<1x16xf32>
    tpu.vector_store %arg8[%swap3A_757, %swap3A_758], %swap3A_761 {strides = array<i32>} : memref<40x144xf32, #tpu.memory_space<vmem>>, vector<1x16xf32>,
    %swap3A_762 = arith.constant 14 : i32
    %swap3A_763 = arith.index_cast %swap3A_762 : i32 to index
    %swap3A_764 = arith.constant 16 : index
    %swap3A_765 = tpu.vector_load %arg8[%swap3A_763, %swap3A_764] {strides = array<i32>} : memref<40x144xf32, #tpu.memory_space<vmem>>, vector<1x16xf32>,
    %swap3A_766 = vector.shape_cast %swap3A_765 : vector<1x16xf32> to vector<16xf32>
    %swap3A_767 = vector.shape_cast %broadcast_in_dim3A_0 : vector<16xf32> to vector<1x16xf32>
    tpu.vector_store %arg8[%swap3A_763, %swap3A_764], %swap3A_767 {strides = array<i32>} : memref<40x144xf32, #tpu.memory_space<vmem>>, vector<1x16xf32>,
    %swap3A_768 = arith.constant 14 : i32
    %swap3A_769 = arith.index_cast %swap3A_768 : i32 to index
    %swap3A_770 = arith.constant 32 : index
    %swap3A_771 = tpu.vector_load %arg8[%swap3A_769, %swap3A_770] {strides = array<i32>} : memref<40x144xf32, #tpu.memory_space<vmem>>, vector<1x16xf32>,
    %swap3A_772 = vector.shape_cast %swap3A_771 : vector<1x16xf32> to vector<16xf32>
    %swap3A_773 = vector.shape_cast %broadcast_in_dim3A_0 : vector<16xf32> to vector<1x16xf32>
    tpu.vector_store %arg8[%swap3A_769, %swap3A_770], %swap3A_773 {strides = array<i32>} : memref<40x144xf32, #tpu.memory_space<vmem>>, vector<1x16xf32>,
    %swap3A_774 = arith.constant 14 : i32
    %swap3A_775 = arith.index_cast %swap3A_774 : i32 to index
    %swap3A_776 = arith.constant 48 : index
    %swap3A_777 = tpu.vector_load %arg8[%swap3A_775, %swap3A_776] {strides = array<i32>} : memref<40x144xf32, #tpu.memory_space<vmem>>, vector<1x16xf32>,
    %swap3A_778 = vector.shape_cast %swap3A_777 : vector<1x16xf32> to vector<16xf32>
    %swap3A_779 = vector.shape_cast %broadcast_in_dim3A_0 : vector<16xf32> to vector<1x16xf32>
    tpu.vector_store %arg8[%swap3A_775, %swap3A_776], %swap3A_779 {strides = array<i32>} : memref<40x144xf32, #tpu.memory_space<vmem>>, vector<1x16xf32>,
    %swap3A_780 = arith.constant 14 : i32
    %swap3A_781 = arith.index_cast %swap3A_780 : i32 to index
    %swap3A_782 = arith.constant 64 : index
    %swap3A_783 = tpu.vector_load %arg8[%swap3A_781, %swap3A_782] {strides = array<i32>} : memref<40x144xf32, #tpu.memory_space<vmem>>, vector<1x16xf32>,
    %swap3A_784 = vector.shape_cast %swap3A_783 : vector<1x16xf32> to vector<16xf32>
    %swap3A_785 = vector.shape_cast %broadcast_in_dim3A_0 : vector<16xf32> to vector<1x16xf32>
    tpu.vector_store %arg8[%swap3A_781, %swap3A_782], %swap3A_785 {strides = array<i32>} : memref<40x144xf32, #tpu.memory_space<vmem>>, vector<1x16xf32>,
    %swap3A_786 = arith.constant 14 : i32
    %swap3A_787 = arith.index_cast %swap3A_786 : i32 to index
    %swap3A_788 = arith.constant 80 : index
    %swap3A_789 = tpu.vector_load %arg8[%swap3A_787, %swap3A_788] {strides = array<i32>} : memref<40x144xf32, #tpu.memory_space<vmem>>, vector<1x16xf32>,
    %swap3A_790 = vector.shape_cast %swap3A_789 : vector<1x16xf32> to vector<16xf32>
    %swap3A_791 = vector.shape_cast %broadcast_in_dim3A_0 : vector<16xf32> to vector<1x16xf32>
    tpu.vector_store %arg8[%swap3A_787, %swap3A_788], %swap3A_791 {strides = array<i32>} : memref<40x144xf32, #tpu.memory_space<vmem>>, vector<1x16xf32>,
    %swap3A_792 = arith.constant 14 : i32
    %swap3A_793 = arith.index_cast %swap3A_792 : i32 to index
    %swap3A_794 = arith.constant 96 : index
    %swap3A_795 = tpu.vector_load %arg8[%swap3A_793, %swap3A_794] {strides = array<i32>} : memref<40x144xf32, #tpu.memory_space<vmem>>, vector<1x16xf32>,
    %swap3A_796 = vector.shape_cast %swap3A_795 : vector<1x16xf32> to vector<16xf32>
    %swap3A_797 = vector.shape_cast %broadcast_in_dim3A_0 : vector<16xf32> to vector<1x16xf32>
    tpu.vector_store %arg8[%swap3A_793, %swap3A_794], %swap3A_797 {strides = array<i32>} : memref<40x144xf32, #tpu.memory_space<vmem>>, vector<1x16xf32>,
    %swap3A_798 = arith.constant 14 : i32
    %swap3A_799 = arith.index_cast %swap3A_798 : i32 to index
    %swap3A_800 = arith.constant 112 : index
    %swap3A_801 = tpu.vector_load %arg8[%swap3A_799, %swap3A_800] {strides = array<i32>} : memref<40x144xf32, #tpu.memory_space<vmem>>, vector<1x16xf32>,
    %swap3A_802 = vector.shape_cast %swap3A_801 : vector<1x16xf32> to vector<16xf32>
    %swap3A_803 = vector.shape_cast %broadcast_in_dim3A_0 : vector<16xf32> to vector<1x16xf32>
    tpu.vector_store %arg8[%swap3A_799, %swap3A_800], %swap3A_803 {strides = array<i32>} : memref<40x144xf32, #tpu.memory_space<vmem>>, vector<1x16xf32>,
    %swap3A_804 = arith.constant 14 : i32
    %swap3A_805 = arith.index_cast %swap3A_804 : i32 to index
    %swap3A_806 = arith.constant 128 : index
    %swap3A_807 = tpu.vector_load %arg8[%swap3A_805, %swap3A_806] {strides = array<i32>} : memref<40x144xf32, #tpu.memory_space<vmem>>, vector<1x16xf32>,
    %swap3A_808 = vector.shape_cast %swap3A_807 : vector<1x16xf32> to vector<16xf32>
    %swap3A_809 = vector.shape_cast %broadcast_in_dim3A_0 : vector<16xf32> to vector<1x16xf32>
    tpu.vector_store %arg8[%swap3A_805, %swap3A_806], %swap3A_809 {strides = array<i32>} : memref<40x144xf32, #tpu.memory_space<vmem>>, vector<1x16xf32>,
    %swap3A_810 = arith.constant 15 : i32
    %swap3A_811 = arith.index_cast %swap3A_810 : i32 to index
    %swap3A_812 = arith.constant 0 : index
    %swap3A_813 = tpu.vector_load %arg8[%swap3A_811, %swap3A_812] {strides = array<i32>} : memref<40x144xf32, #tpu.memory_space<vmem>>, vector<1x16xf32>,
    %swap3A_814 = vector.shape_cast %swap3A_813 : vector<1x16xf32> to vector<16xf32>
    %swap3A_815 = vector.shape_cast %broadcast_in_dim3A_0 : vector<16xf32> to vector<1x16xf32>
    tpu.vector_store %arg8[%swap3A_811, %swap3A_812], %swap3A_815 {strides = array<i32>} : memref<40x144xf32, #tpu.memory_space<vmem>>, vector<1x16xf32>,
    %swap3A_816 = arith.constant 15 : i32
    %swap3A_817 = arith.index_cast %swap3A_816 : i32 to index
    %swap3A_818 = arith.constant 16 : index
    %swap3A_819 = tpu.vector_load %arg8[%swap3A_817, %swap3A_818] {strides = array<i32>} : memref<40x144xf32, #tpu.memory_space<vmem>>, vector<1x16xf32>,
    %swap3A_820 = vector.shape_cast %swap3A_819 : vector<1x16xf32> to vector<16xf32>
    %swap3A_821 = vector.shape_cast %broadcast_in_dim3A_0 : vector<16xf32> to vector<1x16xf32>
    tpu.vector_store %arg8[%swap3A_817, %swap3A_818], %swap3A_821 {strides = array<i32>} : memref<40x144xf32, #tpu.memory_space<vmem>>, vector<1x16xf32>,
    %swap3A_822 = arith.constant 15 : i32
    %swap3A_823 = arith.index_cast %swap3A_822 : i32 to index
    %swap3A_824 = arith.constant 32 : index
    %swap3A_825 = tpu.vector_load %arg8[%swap3A_823, %swap3A_824] {strides = array<i32>} : memref<40x144xf32, #tpu.memory_space<vmem>>, vector<1x16xf32>,
    %swap3A_826 = vector.shape_cast %swap3A_825 : vector<1x16xf32> to vector<16xf32>
    %swap3A_827 = vector.shape_cast %broadcast_in_dim3A_0 : vector<16xf32> to vector<1x16xf32>
    tpu.vector_store %arg8[%swap3A_823, %swap3A_824], %swap3A_827 {strides = array<i32>} : memref<40x144xf32, #tpu.memory_space<vmem>>, vector<1x16xf32>,
    %swap3A_828 = arith.constant 15 : i32
    %swap3A_829 = arith.index_cast %swap3A_828 : i32 to index
    %swap3A_830 = arith.constant 48 : index
    %swap3A_831 = tpu.vector_load %arg8[%swap3A_829, %swap3A_830] {strides = array<i32>} : memref<40x144xf32, #tpu.memory_space<vmem>>, vector<1x16xf32>,
    %swap3A_832 = vector.shape_cast %swap3A_831 : vector<1x16xf32> to vector<16xf32>
    %swap3A_833 = vector.shape_cast %broadcast_in_dim3A_0 : vector<16xf32> to vector<1x16xf32>
    tpu.vector_store %arg8[%swap3A_829, %swap3A_830], %swap3A_833 {strides = array<i32>} : memref<40x144xf32, #tpu.memory_space<vmem>>, vector<1x16xf32>,
    %swap3A_834 = arith.constant 15 : i32
    %swap3A_835 = arith.index_cast %swap3A_834 : i32 to index
    %swap3A_836 = arith.constant 64 : index
    %swap3A_837 = tpu.vector_load %arg8[%swap3A_835, %swap3A_836] {strides = array<i32>} : memref<40x144xf32, #tpu.memory_space<vmem>>, vector<1x16xf32>,
    %swap3A_838 = vector.shape_cast %swap3A_837 : vector<1x16xf32> to vector<16xf32>
    %swap3A_839 = vector.shape_cast %broadcast_in_dim3A_0 : vector<16xf32> to vector<1x16xf32>
    tpu.vector_store %arg8[%swap3A_835, %swap3A_836], %swap3A_839 {strides = array<i32>} : memref<40x144xf32, #tpu.memory_space<vmem>>, vector<1x16xf32>,
    %swap3A_840 = arith.constant 15 : i32
    %swap3A_841 = arith.index_cast %swap3A_840 : i32 to index
    %swap3A_842 = arith.constant 80 : index
    %swap3A_843 = tpu.vector_load %arg8[%swap3A_841, %swap3A_842] {strides = array<i32>} : memref<40x144xf32, #tpu.memory_space<vmem>>, vector<1x16xf32>,
    %swap3A_844 = vector.shape_cast %swap3A_843 : vector<1x16xf32> to vector<16xf32>
    %swap3A_845 = vector.shape_cast %broadcast_in_dim3A_0 : vector<16xf32> to vector<1x16xf32>
    tpu.vector_store %arg8[%swap3A_841, %swap3A_842], %swap3A_845 {strides = array<i32>} : memref<40x144xf32, #tpu.memory_space<vmem>>, vector<1x16xf32>,
    %swap3A_846 = arith.constant 15 : i32
    %swap3A_847 = arith.index_cast %swap3A_846 : i32 to index
    %swap3A_848 = arith.constant 96 : index
    %swap3A_849 = tpu.vector_load %arg8[%swap3A_847, %swap3A_848] {strides = array<i32>} : memref<40x144xf32, #tpu.memory_space<vmem>>, vector<1x16xf32>,
    %swap3A_850 = vector.shape_cast %swap3A_849 : vector<1x16xf32> to vector<16xf32>
    %swap3A_851 = vector.shape_cast %broadcast_in_dim3A_0 : vector<16xf32> to vector<1x16xf32>
    tpu.vector_store %arg8[%swap3A_847, %swap3A_848], %swap3A_851 {strides = array<i32>} : memref<40x144xf32, #tpu.memory_space<vmem>>, vector<1x16xf32>,
    %swap3A_852 = arith.constant 15 : i32
    %swap3A_853 = arith.index_cast %swap3A_852 : i32 to index
    %swap3A_854 = arith.constant 112 : index
    %swap3A_855 = tpu.vector_load %arg8[%swap3A_853, %swap3A_854] {strides = array<i32>} : memref<40x144xf32, #tpu.memory_space<vmem>>, vector<1x16xf32>,
    %swap3A_856 = vector.shape_cast %swap3A_855 : vector<1x16xf32> to vector<16xf32>
    %swap3A_857 = vector.shape_cast %broadcast_in_dim3A_0 : vector<16xf32> to vector<1x16xf32>
    tpu.vector_store %arg8[%swap3A_853, %swap3A_854], %swap3A_857 {strides = array<i32>} : memref<40x144xf32, #tpu.memory_space<vmem>>, vector<1x16xf32>,
    %swap3A_858 = arith.constant 15 : i32
    %swap3A_859 = arith.index_cast %swap3A_858 : i32 to index
    %swap3A_860 = arith.constant 128 : index
    %swap3A_861 = tpu.vector_load %arg8[%swap3A_859, %swap3A_860] {strides = array<i32>} : memref<40x144xf32, #tpu.memory_space<vmem>>, vector<1x16xf32>,
    %swap3A_862 = vector.shape_cast %swap3A_861 : vector<1x16xf32> to vector<16xf32>
    %swap3A_863 = vector.shape_cast %broadcast_in_dim3A_0 : vector<16xf32> to vector<1x16xf32>
    tpu.vector_store %arg8[%swap3A_859, %swap3A_860], %swap3A_863 {strides = array<i32>} : memref<40x144xf32, #tpu.memory_space<vmem>>, vector<1x16xf32>,
    %swap3A_864 = arith.constant 16 : i32
    %swap3A_865 = arith.index_cast %swap3A_864 : i32 to index
    %swap3A_866 = arith.constant 0 : index
    %swap3A_867 = tpu.vector_load %arg8[%swap3A_865, %swap3A_866] {strides = array<i32>} : memref<40x144xf32, #tpu.memory_space<vmem>>, vector<1x16xf32>,
    %swap3A_868 = vector.shape_cast %swap3A_867 : vector<1x16xf32> to vector<16xf32>
    %swap3A_869 = vector.shape_cast %broadcast_in_dim3A_0 : vector<16xf32> to vector<1x16xf32>
    tpu.vector_store %arg8[%swap3A_865, %swap3A_866], %swap3A_869 {strides = array<i32>} : memref<40x144xf32, #tpu.memory_space<vmem>>, vector<1x16xf32>,
    %swap3A_870 = arith.constant 16 : i32
    %swap3A_871 = arith.index_cast %swap3A_870 : i32 to index
    %swap3A_872 = arith.constant 16 : index
    %swap3A_873 = tpu.vector_load %arg8[%swap3A_871, %swap3A_872] {strides = array<i32>} : memref<40x144xf32, #tpu.memory_space<vmem>>, vector<1x16xf32>,
    %swap3A_874 = vector.shape_cast %swap3A_873 : vector<1x16xf32> to vector<16xf32>
    %swap3A_875 = vector.shape_cast %broadcast_in_dim3A_0 : vector<16xf32> to vector<1x16xf32>
    tpu.vector_store %arg8[%swap3A_871, %swap3A_872], %swap3A_875 {strides = array<i32>} : memref<40x144xf32, #tpu.memory_space<vmem>>, vector<1x16xf32>,
    %swap3A_876 = arith.constant 16 : i32
    %swap3A_877 = arith.index_cast %swap3A_876 : i32 to index
    %swap3A_878 = arith.constant 32 : index
    %swap3A_879 = tpu.vector_load %arg8[%swap3A_877, %swap3A_878] {strides = array<i32>} : memref<40x144xf32, #tpu.memory_space<vmem>>, vector<1x16xf32>,
    %swap3A_880 = vector.shape_cast %swap3A_879 : vector<1x16xf32> to vector<16xf32>
    %swap3A_881 = vector.shape_cast %broadcast_in_dim3A_0 : vector<16xf32> to vector<1x16xf32>
    tpu.vector_store %arg8[%swap3A_877, %swap3A_878], %swap3A_881 {strides = array<i32>} : memref<40x144xf32, #tpu.memory_space<vmem>>, vector<1x16xf32>,
    %swap3A_882 = arith.constant 16 : i32
    %swap3A_883 = arith.index_cast %swap3A_882 : i32 to index
    %swap3A_884 = arith.constant 48 : index
    %swap3A_885 = tpu.vector_load %arg8[%swap3A_883, %swap3A_884] {strides = array<i32>} : memref<40x144xf32, #tpu.memory_space<vmem>>, vector<1x16xf32>,
    %swap3A_886 = vector.shape_cast %swap3A_885 : vector<1x16xf32> to vector<16xf32>
    %swap3A_887 = vector.shape_cast %broadcast_in_dim3A_0 : vector<16xf32> to vector<1x16xf32>
    tpu.vector_store %arg8[%swap3A_883, %swap3A_884], %swap3A_887 {strides = array<i32>} : memref<40x144xf32, #tpu.memory_space<vmem>>, vector<1x16xf32>,
    %swap3A_888 = arith.constant 16 : i32
    %swap3A_889 = arith.index_cast %swap3A_888 : i32 to index
    %swap3A_890 = arith.constant 64 : index
    %swap3A_891 = tpu.vector_load %arg8[%swap3A_889, %swap3A_890] {strides = array<i32>} : memref<40x144xf32, #tpu.memory_space<vmem>>, vector<1x16xf32>,
    %swap3A_892 = vector.shape_cast %swap3A_891 : vector<1x16xf32> to vector<16xf32>
    %swap3A_893 = vector.shape_cast %broadcast_in_dim3A_0 : vector<16xf32> to vector<1x16xf32>
    tpu.vector_store %arg8[%swap3A_889, %swap3A_890], %swap3A_893 {strides = array<i32>} : memref<40x144xf32, #tpu.memory_space<vmem>>, vector<1x16xf32>,
    %swap3A_894 = arith.constant 16 : i32
    %swap3A_895 = arith.index_cast %swap3A_894 : i32 to index
    %swap3A_896 = arith.constant 80 : index
    %swap3A_897 = tpu.vector_load %arg8[%swap3A_895, %swap3A_896] {strides = array<i32>} : memref<40x144xf32, #tpu.memory_space<vmem>>, vector<1x16xf32>,
    %swap3A_898 = vector.shape_cast %swap3A_897 : vector<1x16xf32> to vector<16xf32>
    %swap3A_899 = vector.shape_cast %broadcast_in_dim3A_0 : vector<16xf32> to vector<1x16xf32>
    tpu.vector_store %arg8[%swap3A_895, %swap3A_896], %swap3A_899 {strides = array<i32>} : memref<40x144xf32, #tpu.memory_space<vmem>>, vector<1x16xf32>,
    %swap3A_900 = arith.constant 16 : i32
    %swap3A_901 = arith.index_cast %swap3A_900 : i32 to index
    %swap3A_902 = arith.constant 96 : index
    %swap3A_903 = tpu.vector_load %arg8[%swap3A_901, %swap3A_902] {strides = array<i32>} : memref<40x144xf32, #tpu.memory_space<vmem>>, vector<1x16xf32>,
    %swap3A_904 = vector.shape_cast %swap3A_903 : vector<1x16xf32> to vector<16xf32>
    %swap3A_905 = vector.shape_cast %broadcast_in_dim3A_0 : vector<16xf32> to vector<1x16xf32>
    tpu.vector_store %arg8[%swap3A_901, %swap3A_902], %swap3A_905 {strides = array<i32>} : memref<40x144xf32, #tpu.memory_space<vmem>>, vector<1x16xf32>,
    %swap3A_906 = arith.constant 16 : i32
    %swap3A_907 = arith.index_cast %swap3A_906 : i32 to index
    %swap3A_908 = arith.constant 112 : index
    %swap3A_909 = tpu.vector_load %arg8[%swap3A_907, %swap3A_908] {strides = array<i32>} : memref<40x144xf32, #tpu.memory_space<vmem>>, vector<1x16xf32>,
    %swap3A_910 = vector.shape_cast %swap3A_909 : vector<1x16xf32> to vector<16xf32>
    %swap3A_911 = vector.shape_cast %broadcast_in_dim3A_0 : vector<16xf32> to vector<1x16xf32>
    tpu.vector_store %arg8[%swap3A_907, %swap3A_908], %swap3A_911 {strides = array<i32>} : memref<40x144xf32, #tpu.memory_space<vmem>>, vector<1x16xf32>,
    %swap3A_912 = arith.constant 16 : i32
    %swap3A_913 = arith.index_cast %swap3A_912 : i32 to index
    %swap3A_914 = arith.constant 128 : index
    %swap3A_915 = tpu.vector_load %arg8[%swap3A_913, %swap3A_914] {strides = array<i32>} : memref<40x144xf32, #tpu.memory_space<vmem>>, vector<1x16xf32>,
    %swap3A_916 = vector.shape_cast %swap3A_915 : vector<1x16xf32> to vector<16xf32>
    %swap3A_917 = vector.shape_cast %broadcast_in_dim3A_0 : vector<16xf32> to vector<1x16xf32>
    tpu.vector_store %arg8[%swap3A_913, %swap3A_914], %swap3A_917 {strides = array<i32>} : memref<40x144xf32, #tpu.memory_space<vmem>>, vector<1x16xf32>,
    %swap3A_918 = arith.constant 17 : i32
    %swap3A_919 = arith.index_cast %swap3A_918 : i32 to index
    %swap3A_920 = arith.constant 0 : index
    %swap3A_921 = tpu.vector_load %arg8[%swap3A_919, %swap3A_920] {strides = array<i32>} : memref<40x144xf32, #tpu.memory_space<vmem>>, vector<1x16xf32>,
    %swap3A_922 = vector.shape_cast %swap3A_921 : vector<1x16xf32> to vector<16xf32>
    %swap3A_923 = vector.shape_cast %broadcast_in_dim3A_0 : vector<16xf32> to vector<1x16xf32>
    tpu.vector_store %arg8[%swap3A_919, %swap3A_920], %swap3A_923 {strides = array<i32>} : memref<40x144xf32, #tpu.memory_space<vmem>>, vector<1x16xf32>,
    %swap3A_924 = arith.constant 17 : i32
    %swap3A_925 = arith.index_cast %swap3A_924 : i32 to index
    %swap3A_926 = arith.constant 16 : index
    %swap3A_927 = tpu.vector_load %arg8[%swap3A_925, %swap3A_926] {strides = array<i32>} : memref<40x144xf32, #tpu.memory_space<vmem>>, vector<1x16xf32>,
    %swap3A_928 = vector.shape_cast %swap3A_927 : vector<1x16xf32> to vector<16xf32>
    %swap3A_929 = vector.shape_cast %broadcast_in_dim3A_0 : vector<16xf32> to vector<1x16xf32>
    tpu.vector_store %arg8[%swap3A_925, %swap3A_926], %swap3A_929 {strides = array<i32>} : memref<40x144xf32, #tpu.memory_space<vmem>>, vector<1x16xf32>,
    %swap3A_930 = arith.constant 17 : i32
    %swap3A_931 = arith.index_cast %swap3A_930 : i32 to index
    %swap3A_932 = arith.constant 32 : index
    %swap3A_933 = tpu.vector_load %arg8[%swap3A_931, %swap3A_932] {strides = array<i32>} : memref<40x144xf32, #tpu.memory_space<vmem>>, vector<1x16xf32>,
    %swap3A_934 = vector.shape_cast %swap3A_933 : vector<1x16xf32> to vector<16xf32>
    %swap3A_935 = vector.shape_cast %broadcast_in_dim3A_0 : vector<16xf32> to vector<1x16xf32>
    tpu.vector_store %arg8[%swap3A_931, %swap3A_932], %swap3A_935 {strides = array<i32>} : memref<40x144xf32, #tpu.memory_space<vmem>>, vector<1x16xf32>,
    %swap3A_936 = arith.constant 17 : i32
    %swap3A_937 = arith.index_cast %swap3A_936 : i32 to index
    %swap3A_938 = arith.constant 48 : index
    %swap3A_939 = tpu.vector_load %arg8[%swap3A_937, %swap3A_938] {strides = array<i32>} : memref<40x144xf32, #tpu.memory_space<vmem>>, vector<1x16xf32>,
    %swap3A_940 = vector.shape_cast %swap3A_939 : vector<1x16xf32> to vector<16xf32>
    %swap3A_941 = vector.shape_cast %broadcast_in_dim3A_0 : vector<16xf32> to vector<1x16xf32>
    tpu.vector_store %arg8[%swap3A_937, %swap3A_938], %swap3A_941 {strides = array<i32>} : memref<40x144xf32, #tpu.memory_space<vmem>>, vector<1x16xf32>,
    %swap3A_942 = arith.constant 17 : i32
    %swap3A_943 = arith.index_cast %swap3A_942 : i32 to index
    %swap3A_944 = arith.constant 64 : index
    %swap3A_945 = tpu.vector_load %arg8[%swap3A_943, %swap3A_944] {strides = array<i32>} : memref<40x144xf32, #tpu.memory_space<vmem>>, vector<1x16xf32>,
    %swap3A_946 = vector.shape_cast %swap3A_945 : vector<1x16xf32> to vector<16xf32>
    %swap3A_947 = vector.shape_cast %broadcast_in_dim3A_0 : vector<16xf32> to vector<1x16xf32>
    tpu.vector_store %arg8[%swap3A_943, %swap3A_944], %swap3A_947 {strides = array<i32>} : memref<40x144xf32, #tpu.memory_space<vmem>>, vector<1x16xf32>,
    %swap3A_948 = arith.constant 17 : i32
    %swap3A_949 = arith.index_cast %swap3A_948 : i32 to index
    %swap3A_950 = arith.constant 80 : index
    %swap3A_951 = tpu.vector_load %arg8[%swap3A_949, %swap3A_950] {strides = array<i32>} : memref<40x144xf32, #tpu.memory_space<vmem>>, vector<1x16xf32>,
    %swap3A_952 = vector.shape_cast %swap3A_951 : vector<1x16xf32> to vector<16xf32>
    %swap3A_953 = vector.shape_cast %broadcast_in_dim3A_0 : vector<16xf32> to vector<1x16xf32>
    tpu.vector_store %arg8[%swap3A_949, %swap3A_950], %swap3A_953 {strides = array<i32>} : memref<40x144xf32, #tpu.memory_space<vmem>>, vector<1x16xf32>,
    %swap3A_954 = arith.constant 17 : i32
    %swap3A_955 = arith.index_cast %swap3A_954 : i32 to index
    %swap3A_956 = arith.constant 96 : index
    %swap3A_957 = tpu.vector_load %arg8[%swap3A_955, %swap3A_956] {strides = array<i32>} : memref<40x144xf32, #tpu.memory_space<vmem>>, vector<1x16xf32>,
    %swap3A_958 = vector.shape_cast %swap3A_957 : vector<1x16xf32> to vector<16xf32>
    %swap3A_959 = vector.shape_cast %broadcast_in_dim3A_0 : vector<16xf32> to vector<1x16xf32>
    tpu.vector_store %arg8[%swap3A_955, %swap3A_956], %swap3A_959 {strides = array<i32>} : memref<40x144xf32, #tpu.memory_space<vmem>>, vector<1x16xf32>,
    %swap3A_960 = arith.constant 17 : i32
    %swap3A_961 = arith.index_cast %swap3A_960 : i32 to index
    %swap3A_962 = arith.constant 112 : index
    %swap3A_963 = tpu.vector_load %arg8[%swap3A_961, %swap3A_962] {strides = array<i32>} : memref<40x144xf32, #tpu.memory_space<vmem>>, vector<1x16xf32>,
    %swap3A_964 = vector.shape_cast %swap3A_963 : vector<1x16xf32> to vector<16xf32>
    %swap3A_965 = vector.shape_cast %broadcast_in_dim3A_0 : vector<16xf32> to vector<1x16xf32>
    tpu.vector_store %arg8[%swap3A_961, %swap3A_962], %swap3A_965 {strides = array<i32>} : memref<40x144xf32, #tpu.memory_space<vmem>>, vector<1x16xf32>,
    %swap3A_966 = arith.constant 17 : i32
    %swap3A_967 = arith.index_cast %swap3A_966 : i32 to index
    %swap3A_968 = arith.constant 128 : index
    %swap3A_969 = tpu.vector_load %arg8[%swap3A_967, %swap3A_968] {strides = array<i32>} : memref<40x144xf32, #tpu.memory_space<vmem>>, vector<1x16xf32>,
    %swap3A_970 = vector.shape_cast %swap3A_969 : vector<1x16xf32> to vector<16xf32>
    %swap3A_971 = vector.shape_cast %broadcast_in_dim3A_0 : vector<16xf32> to vector<1x16xf32>
    tpu.vector_store %arg8[%swap3A_967, %swap3A_968], %swap3A_971 {strides = array<i32>} : memref<40x144xf32, #tpu.memory_space<vmem>>, vector<1x16xf32>,
    %swap3A_972 = arith.constant 18 : i32
    %swap3A_973 = arith.index_cast %swap3A_972 : i32 to index
    %swap3A_974 = arith.constant 0 : index
    %swap3A_975 = tpu.vector_load %arg8[%swap3A_973, %swap3A_974] {strides = array<i32>} : memref<40x144xf32, #tpu.memory_space<vmem>>, vector<1x16xf32>,
    %swap3A_976 = vector.shape_cast %swap3A_975 : vector<1x16xf32> to vector<16xf32>
    %swap3A_977 = vector.shape_cast %broadcast_in_dim3A_0 : vector<16xf32> to vector<1x16xf32>
    tpu.vector_store %arg8[%swap3A_973, %swap3A_974], %swap3A_977 {strides = array<i32>} : memref<40x144xf32, #tpu.memory_space<vmem>>, vector<1x16xf32>,
    %swap3A_978 = arith.constant 18 : i32
    %swap3A_979 = arith.index_cast %swap3A_978 : i32 to index
    %swap3A_980 = arith.constant 16 : index
    %swap3A_981 = tpu.vector_load %arg8[%swap3A_979, %swap3A_980] {strides = array<i32>} : memref<40x144xf32, #tpu.memory_space<vmem>>, vector<1x16xf32>,
    %swap3A_982 = vector.shape_cast %swap3A_981 : vector<1x16xf32> to vector<16xf32>
    %swap3A_983 = vector.shape_cast %broadcast_in_dim3A_0 : vector<16xf32> to vector<1x16xf32>
    tpu.vector_store %arg8[%swap3A_979, %swap3A_980], %swap3A_983 {strides = array<i32>} : memref<40x144xf32, #tpu.memory_space<vmem>>, vector<1x16xf32>,
    %swap3A_984 = arith.constant 18 : i32
    %swap3A_985 = arith.index_cast %swap3A_984 : i32 to index
    %swap3A_986 = arith.constant 32 : index
    %swap3A_987 = tpu.vector_load %arg8[%swap3A_985, %swap3A_986] {strides = array<i32>} : memref<40x144xf32, #tpu.memory_space<vmem>>, vector<1x16xf32>,
    %swap3A_988 = vector.shape_cast %swap3A_987 : vector<1x16xf32> to vector<16xf32>
    %swap3A_989 = vector.shape_cast %broadcast_in_dim3A_0 : vector<16xf32> to vector<1x16xf32>
    tpu.vector_store %arg8[%swap3A_985, %swap3A_986], %swap3A_989 {strides = array<i32>} : memref<40x144xf32, #tpu.memory_space<vmem>>, vector<1x16xf32>,
    %swap3A_990 = arith.constant 18 : i32
    %swap3A_991 = arith.index_cast %swap3A_990 : i32 to index
    %swap3A_992 = arith.constant 48 : index
    %swap3A_993 = tpu.vector_load %arg8[%swap3A_991, %swap3A_992] {strides = array<i32>} : memref<40x144xf32, #tpu.memory_space<vmem>>, vector<1x16xf32>,
    %swap3A_994 = vector.shape_cast %swap3A_993 : vector<1x16xf32> to vector<16xf32>
    %swap3A_995 = vector.shape_cast %broadcast_in_dim3A_0 : vector<16xf32> to vector<1x16xf32>
    tpu.vector_store %arg8[%swap3A_991, %swap3A_992], %swap3A_995 {strides = array<i32>} : memref<40x144xf32, #tpu.memory_space<vmem>>, vector<1x16xf32>,
    %swap3A_996 = arith.constant 18 : i32
    %swap3A_997 = arith.index_cast %swap3A_996 : i32 to index
    %swap3A_998 = arith.constant 64 : index
    %swap3A_999 = tpu.vector_load %arg8[%swap3A_997, %swap3A_998] {strides = array<i32>} : memref<40x144xf32, #tpu.memory_space<vmem>>, vector<1x16xf32>,
    %swap3A_1000 = vector.shape_cast %swap3A_999 : vector<1x16xf32> to vector<16xf32>
    %swap3A_1001 = vector.shape_cast %broadcast_in_dim3A_0 : vector<16xf32> to vector<1x16xf32>
    tpu.vector_store %arg8[%swap3A_997, %swap3A_998], %swap3A_1001 {strides = array<i32>} : memref<40x144xf32, #tpu.memory_space<vmem>>, vector<1x16xf32>,
    %swap3A_1002 = arith.constant 18 : i32
    %swap3A_1003 = arith.index_cast %swap3A_1002 : i32 to index
    %swap3A_1004 = arith.constant 80 : index
    %swap3A_1005 = tpu.vector_load %arg8[%swap3A_1003, %swap3A_1004] {strides = array<i32>} : memref<40x144xf32, #tpu.memory_space<vmem>>, vector<1x16xf32>,
    %swap3A_1006 = vector.shape_cast %swap3A_1005 : vector<1x16xf32> to vector<16xf32>
    %swap3A_1007 = vector.shape_cast %broadcast_in_dim3A_0 : vector<16xf32> to vector<1x16xf32>
    tpu.vector_store %arg8[%swap3A_1003, %swap3A_1004], %swap3A_1007 {strides = array<i32>} : memref<40x144xf32, #tpu.memory_space<vmem>>, vector<1x16xf32>,
    %swap3A_1008 = arith.constant 18 : i32
    %swap3A_1009 = arith.index_cast %swap3A_1008 : i32 to index
    %swap3A_1010 = arith.constant 96 : index
    %swap3A_1011 = tpu.vector_load %arg8[%swap3A_1009, %swap3A_1010] {strides = array<i32>} : memref<40x144xf32, #tpu.memory_space<vmem>>, vector<1x16xf32>,
    %swap3A_1012 = vector.shape_cast %swap3A_1011 : vector<1x16xf32> to vector<16xf32>
    %swap3A_1013 = vector.shape_cast %broadcast_in_dim3A_0 : vector<16xf32> to vector<1x16xf32>
    tpu.vector_store %arg8[%swap3A_1009, %swap3A_1010], %swap3A_1013 {strides = array<i32>} : memref<40x144xf32, #tpu.memory_space<vmem>>, vector<1x16xf32>,
    %swap3A_1014 = arith.constant 18 : i32
    %swap3A_1015 = arith.index_cast %swap3A_1014 : i32 to index
    %swap3A_1016 = arith.constant 112 : index
    %swap3A_1017 = tpu.vector_load %arg8[%swap3A_1015, %swap3A_1016] {strides = array<i32>} : memref<40x144xf32, #tpu.memory_space<vmem>>, vector<1x16xf32>,
    %swap3A_1018 = vector.shape_cast %swap3A_1017 : vector<1x16xf32> to vector<16xf32>
    %swap3A_1019 = vector.shape_cast %broadcast_in_dim3A_0 : vector<16xf32> to vector<1x16xf32>
    tpu.vector_store %arg8[%swap3A_1015, %swap3A_1016], %swap3A_1019 {strides = array<i32>} : memref<40x144xf32, #tpu.memory_space<vmem>>, vector<1x16xf32>,
    %swap3A_1020 = arith.constant 18 : i32
    %swap3A_1021 = arith.index_cast %swap3A_1020 : i32 to index
    %swap3A_1022 = arith.constant 128 : index
    %swap3A_1023 = tpu.vector_load %arg8[%swap3A_1021, %swap3A_1022] {strides = array<i32>} : memref<40x144xf32, #tpu.memory_space<vmem>>, vector<1x16xf32>,
    %swap3A_1024 = vector.shape_cast %swap3A_1023 : vector<1x16xf32> to vector<16xf32>
    %swap3A_1025 = vector.shape_cast %broadcast_in_dim3A_0 : vector<16xf32> to vector<1x16xf32>
    tpu.vector_store %arg8[%swap3A_1021, %swap3A_1022], %swap3A_1025 {strides = array<i32>} : memref<40x144xf32, #tpu.memory_space<vmem>>, vector<1x16xf32>,
    %swap3A_1026 = arith.constant 19 : i32
    %swap3A_1027 = arith.index_cast %swap3A_1026 : i32 to index
    %swap3A_1028 = arith.constant 0 : index
    %swap3A_1029 = tpu.vector_load %arg8[%swap3A_1027, %swap3A_1028] {strides = array<i32>} : memref<40x144xf32, #tpu.memory_space<vmem>>, vector<1x16xf32>,
    %swap3A_1030 = vector.shape_cast %swap3A_1029 : vector<1x16xf32> to vector<16xf32>
    %swap3A_1031 = vector.shape_cast %broadcast_in_dim3A_0 : vector<16xf32> to vector<1x16xf32>
    tpu.vector_store %arg8[%swap3A_1027, %swap3A_1028], %swap3A_1031 {strides = array<i32>} : memref<40x144xf32, #tpu.memory_space<vmem>>, vector<1x16xf32>,
    %swap3A_1032 = arith.constant 19 : i32
    %swap3A_1033 = arith.index_cast %swap3A_1032 : i32 to index
    %swap3A_1034 = arith.constant 16 : index
    %swap3A_1035 = tpu.vector_load %arg8[%swap3A_1033, %swap3A_1034] {strides = array<i32>} : memref<40x144xf32, #tpu.memory_space<vmem>>, vector<1x16xf32>,
    %swap3A_1036 = vector.shape_cast %swap3A_1035 : vector<1x16xf32> to vector<16xf32>
    %swap3A_1037 = vector.shape_cast %broadcast_in_dim3A_0 : vector<16xf32> to vector<1x16xf32>
    tpu.vector_store %arg8[%swap3A_1033, %swap3A_1034], %swap3A_1037 {strides = array<i32>} : memref<40x144xf32, #tpu.memory_space<vmem>>, vector<1x16xf32>,
    %swap3A_1038 = arith.constant 19 : i32
    %swap3A_1039 = arith.index_cast %swap3A_1038 : i32 to index
    %swap3A_1040 = arith.constant 32 : index
    %swap3A_1041 = tpu.vector_load %arg8[%swap3A_1039, %swap3A_1040] {strides = array<i32>} : memref<40x144xf32, #tpu.memory_space<vmem>>, vector<1x16xf32>,
    %swap3A_1042 = vector.shape_cast %swap3A_1041 : vector<1x16xf32> to vector<16xf32>
    %swap3A_1043 = vector.shape_cast %broadcast_in_dim3A_0 : vector<16xf32> to vector<1x16xf32>
    tpu.vector_store %arg8[%swap3A_1039, %swap3A_1040], %swap3A_1043 {strides = array<i32>} : memref<40x144xf32, #tpu.memory_space<vmem>>, vector<1x16xf32>,
    %swap3A_1044 = arith.constant 19 : i32
    %swap3A_1045 = arith.index_cast %swap3A_1044 : i32 to index
    %swap3A_1046 = arith.constant 48 : index
    %swap3A_1047 = tpu.vector_load %arg8[%swap3A_1045, %swap3A_1046] {strides = array<i32>} : memref<40x144xf32, #tpu.memory_space<vmem>>, vector<1x16xf32>,
    %swap3A_1048 = vector.shape_cast %swap3A_1047 : vector<1x16xf32> to vector<16xf32>
    %swap3A_1049 = vector.shape_cast %broadcast_in_dim3A_0 : vector<16xf32> to vector<1x16xf32>
    tpu.vector_store %arg8[%swap3A_1045, %swap3A_1046], %swap3A_1049 {strides = array<i32>} : memref<40x144xf32, #tpu.memory_space<vmem>>, vector<1x16xf32>,
    %swap3A_1050 = arith.constant 19 : i32
    %swap3A_1051 = arith.index_cast %swap3A_1050 : i32 to index
    %swap3A_1052 = arith.constant 64 : index
    %swap3A_1053 = tpu.vector_load %arg8[%swap3A_1051, %swap3A_1052] {strides = array<i32>} : memref<40x144xf32, #tpu.memory_space<vmem>>, vector<1x16xf32>,
    %swap3A_1054 = vector.shape_cast %swap3A_1053 : vector<1x16xf32> to vector<16xf32>
    %swap3A_1055 = vector.shape_cast %broadcast_in_dim3A_0 : vector<16xf32> to vector<1x16xf32>
    tpu.vector_store %arg8[%swap3A_1051, %swap3A_1052], %swap3A_1055 {strides = array<i32>} : memref<40x144xf32, #tpu.memory_space<vmem>>, vector<1x16xf32>,
    %swap3A_1056 = arith.constant 19 : i32
    %swap3A_1057 = arith.index_cast %swap3A_1056 : i32 to index
    %swap3A_1058 = arith.constant 80 : index
    %swap3A_1059 = tpu.vector_load %arg8[%swap3A_1057, %swap3A_1058] {strides = array<i32>} : memref<40x144xf32, #tpu.memory_space<vmem>>, vector<1x16xf32>,
    %swap3A_1060 = vector.shape_cast %swap3A_1059 : vector<1x16xf32> to vector<16xf32>
    %swap3A_1061 = vector.shape_cast %broadcast_in_dim3A_0 : vector<16xf32> to vector<1x16xf32>
    tpu.vector_store %arg8[%swap3A_1057, %swap3A_1058], %swap3A_1061 {strides = array<i32>} : memref<40x144xf32, #tpu.memory_space<vmem>>, vector<1x16xf32>,
    %swap3A_1062 = arith.constant 19 : i32
    %swap3A_1063 = arith.index_cast %swap3A_1062 : i32 to index
    %swap3A_1064 = arith.constant 96 : index
    %swap3A_1065 = tpu.vector_load %arg8[%swap3A_1063, %swap3A_1064] {strides = array<i32>} : memref<40x144xf32, #tpu.memory_space<vmem>>, vector<1x16xf32>,
    %swap3A_1066 = vector.shape_cast %swap3A_1065 : vector<1x16xf32> to vector<16xf32>
    %swap3A_1067 = vector.shape_cast %broadcast_in_dim3A_0 : vector<16xf32> to vector<1x16xf32>
    tpu.vector_store %arg8[%swap3A_1063, %swap3A_1064], %swap3A_1067 {strides = array<i32>} : memref<40x144xf32, #tpu.memory_space<vmem>>, vector<1x16xf32>,
    %swap3A_1068 = arith.constant 19 : i32
    %swap3A_1069 = arith.index_cast %swap3A_1068 : i32 to index
    %swap3A_1070 = arith.constant 112 : index
    %swap3A_1071 = tpu.vector_load %arg8[%swap3A_1069, %swap3A_1070] {strides = array<i32>} : memref<40x144xf32, #tpu.memory_space<vmem>>, vector<1x16xf32>,
    %swap3A_1072 = vector.shape_cast %swap3A_1071 : vector<1x16xf32> to vector<16xf32>
    %swap3A_1073 = vector.shape_cast %broadcast_in_dim3A_0 : vector<16xf32> to vector<1x16xf32>
    tpu.vector_store %arg8[%swap3A_1069, %swap3A_1070], %swap3A_1073 {strides = array<i32>} : memref<40x144xf32, #tpu.memory_space<vmem>>, vector<1x16xf32>,
    %swap3A_1074 = arith.constant 19 : i32
    %swap3A_1075 = arith.index_cast %swap3A_1074 : i32 to index
    %swap3A_1076 = arith.constant 128 : index
    %swap3A_1077 = tpu.vector_load %arg8[%swap3A_1075, %swap3A_1076] {strides = array<i32>} : memref<40x144xf32, #tpu.memory_space<vmem>>, vector<1x16xf32>,
    %swap3A_1078 = vector.shape_cast %swap3A_1077 : vector<1x16xf32> to vector<16xf32>
    %swap3A_1079 = vector.shape_cast %broadcast_in_dim3A_0 : vector<16xf32> to vector<1x16xf32>
    tpu.vector_store %arg8[%swap3A_1075, %swap3A_1076], %swap3A_1079 {strides = array<i32>} : memref<40x144xf32, #tpu.memory_space<vmem>>, vector<1x16xf32>,
    %swap3A_1080 = arith.constant 20 : i32
    %swap3A_1081 = arith.index_cast %swap3A_1080 : i32 to index
    %swap3A_1082 = arith.constant 0 : index
    %swap3A_1083 = tpu.vector_load %arg8[%swap3A_1081, %swap3A_1082] {strides = array<i32>} : memref<40x144xf32, #tpu.memory_space<vmem>>, vector<1x16xf32>,
    %swap3A_1084 = vector.shape_cast %swap3A_1083 : vector<1x16xf32> to vector<16xf32>
    %swap3A_1085 = vector.shape_cast %broadcast_in_dim3A_0 : vector<16xf32> to vector<1x16xf32>
    tpu.vector_store %arg8[%swap3A_1081, %swap3A_1082], %swap3A_1085 {strides = array<i32>} : memref<40x144xf32, #tpu.memory_space<vmem>>, vector<1x16xf32>,
    %swap3A_1086 = arith.constant 20 : i32
    %swap3A_1087 = arith.index_cast %swap3A_1086 : i32 to index
    %swap3A_1088 = arith.constant 16 : index
    %swap3A_1089 = tpu.vector_load %arg8[%swap3A_1087, %swap3A_1088] {strides = array<i32>} : memref<40x144xf32, #tpu.memory_space<vmem>>, vector<1x16xf32>,
    %swap3A_1090 = vector.shape_cast %swap3A_1089 : vector<1x16xf32> to vector<16xf32>
    %swap3A_1091 = vector.shape_cast %broadcast_in_dim3A_0 : vector<16xf32> to vector<1x16xf32>
    tpu.vector_store %arg8[%swap3A_1087, %swap3A_1088], %swap3A_1091 {strides = array<i32>} : memref<40x144xf32, #tpu.memory_space<vmem>>, vector<1x16xf32>,
    %swap3A_1092 = arith.constant 20 : i32
    %swap3A_1093 = arith.index_cast %swap3A_1092 : i32 to index
    %swap3A_1094 = arith.constant 32 : index
    %swap3A_1095 = tpu.vector_load %arg8[%swap3A_1093, %swap3A_1094] {strides = array<i32>} : memref<40x144xf32, #tpu.memory_space<vmem>>, vector<1x16xf32>,
    %swap3A_1096 = vector.shape_cast %swap3A_1095 : vector<1x16xf32> to vector<16xf32>
    %swap3A_1097 = vector.shape_cast %broadcast_in_dim3A_0 : vector<16xf32> to vector<1x16xf32>
    tpu.vector_store %arg8[%swap3A_1093, %swap3A_1094], %swap3A_1097 {strides = array<i32>} : memref<40x144xf32, #tpu.memory_space<vmem>>, vector<1x16xf32>,
    %swap3A_1098 = arith.constant 20 : i32
    %swap3A_1099 = arith.index_cast %swap3A_1098 : i32 to index
    %swap3A_1100 = arith.constant 48 : index
    %swap3A_1101 = tpu.vector_load %arg8[%swap3A_1099, %swap3A_1100] {strides = array<i32>} : memref<40x144xf32, #tpu.memory_space<vmem>>, vector<1x16xf32>,
    %swap3A_1102 = vector.shape_cast %swap3A_1101 : vector<1x16xf32> to vector<16xf32>
    %swap3A_1103 = vector.shape_cast %broadcast_in_dim3A_0 : vector<16xf32> to vector<1x16xf32>
    tpu.vector_store %arg8[%swap3A_1099, %swap3A_1100], %swap3A_1103 {strides = array<i32>} : memref<40x144xf32, #tpu.memory_space<vmem>>, vector<1x16xf32>,
    %swap3A_1104 = arith.constant 20 : i32
    %swap3A_1105 = arith.index_cast %swap3A_1104 : i32 to index
    %swap3A_1106 = arith.constant 64 : index
    %swap3A_1107 = tpu.vector_load %arg8[%swap3A_1105, %swap3A_1106] {strides = array<i32>} : memref<40x144xf32, #tpu.memory_space<vmem>>, vector<1x16xf32>,
    %swap3A_1108 = vector.shape_cast %swap3A_1107 : vector<1x16xf32> to vector<16xf32>
    %swap3A_1109 = vector.shape_cast %broadcast_in_dim3A_0 : vector<16xf32> to vector<1x16xf32>
    tpu.vector_store %arg8[%swap3A_1105, %swap3A_1106], %swap3A_1109 {strides = array<i32>} : memref<40x144xf32, #tpu.memory_space<vmem>>, vector<1x16xf32>,
    %swap3A_1110 = arith.constant 20 : i32
    %swap3A_1111 = arith.index_cast %swap3A_1110 : i32 to index
    %swap3A_1112 = arith.constant 80 : index
    %swap3A_1113 = tpu.vector_load %arg8[%swap3A_1111, %swap3A_1112] {strides = array<i32>} : memref<40x144xf32, #tpu.memory_space<vmem>>, vector<1x16xf32>,
    %swap3A_1114 = vector.shape_cast %swap3A_1113 : vector<1x16xf32> to vector<16xf32>
    %swap3A_1115 = vector.shape_cast %broadcast_in_dim3A_0 : vector<16xf32> to vector<1x16xf32>
    tpu.vector_store %arg8[%swap3A_1111, %swap3A_1112], %swap3A_1115 {strides = array<i32>} : memref<40x144xf32, #tpu.memory_space<vmem>>, vector<1x16xf32>,
    %swap3A_1116 = arith.constant 20 : i32
    %swap3A_1117 = arith.index_cast %swap3A_1116 : i32 to index
    %swap3A_1118 = arith.constant 96 : index
    %swap3A_1119 = tpu.vector_load %arg8[%swap3A_1117, %swap3A_1118] {strides = array<i32>} : memref<40x144xf32, #tpu.memory_space<vmem>>, vector<1x16xf32>,
    %swap3A_1120 = vector.shape_cast %swap3A_1119 : vector<1x16xf32> to vector<16xf32>
    %swap3A_1121 = vector.shape_cast %broadcast_in_dim3A_0 : vector<16xf32> to vector<1x16xf32>
    tpu.vector_store %arg8[%swap3A_1117, %swap3A_1118], %swap3A_1121 {strides = array<i32>} : memref<40x144xf32, #tpu.memory_space<vmem>>, vector<1x16xf32>,
    %swap3A_1122 = arith.constant 20 : i32
    %swap3A_1123 = arith.index_cast %swap3A_1122 : i32 to index
    %swap3A_1124 = arith.constant 112 : index
    %swap3A_1125 = tpu.vector_load %arg8[%swap3A_1123, %swap3A_1124] {strides = array<i32>} : memref<40x144xf32, #tpu.memory_space<vmem>>, vector<1x16xf32>,
    %swap3A_1126 = vector.shape_cast %swap3A_1125 : vector<1x16xf32> to vector<16xf32>
    %swap3A_1127 = vector.shape_cast %broadcast_in_dim3A_0 : vector<16xf32> to vector<1x16xf32>
    tpu.vector_store %arg8[%swap3A_1123, %swap3A_1124], %swap3A_1127 {strides = array<i32>} : memref<40x144xf32, #tpu.memory_space<vmem>>, vector<1x16xf32>,
    %swap3A_1128 = arith.constant 20 : i32
    %swap3A_1129 = arith.index_cast %swap3A_1128 : i32 to index
    %swap3A_1130 = arith.constant 128 : index
    %swap3A_1131 = tpu.vector_load %arg8[%swap3A_1129, %swap3A_1130] {strides = array<i32>} : memref<40x144xf32, #tpu.memory_space<vmem>>, vector<1x16xf32>,
    %swap3A_1132 = vector.shape_cast %swap3A_1131 : vector<1x16xf32> to vector<16xf32>
    %swap3A_1133 = vector.shape_cast %broadcast_in_dim3A_0 : vector<16xf32> to vector<1x16xf32>
    tpu.vector_store %arg8[%swap3A_1129, %swap3A_1130], %swap3A_1133 {strides = array<i32>} : memref<40x144xf32, #tpu.memory_space<vmem>>, vector<1x16xf32>,
    %swap3A_1134 = arith.constant 21 : i32
    %swap3A_1135 = arith.index_cast %swap3A_1134 : i32 to index
    %swap3A_1136 = arith.constant 0 : index
    %swap3A_1137 = tpu.vector_load %arg8[%swap3A_1135, %swap3A_1136] {strides = array<i32>} : memref<40x144xf32, #tpu.memory_space<vmem>>, vector<1x16xf32>,
    %swap3A_1138 = vector.shape_cast %swap3A_1137 : vector<1x16xf32> to vector<16xf32>
    %swap3A_1139 = vector.shape_cast %broadcast_in_dim3A_0 : vector<16xf32> to vector<1x16xf32>
    tpu.vector_store %arg8[%swap3A_1135, %swap3A_1136], %swap3A_1139 {strides = array<i32>} : memref<40x144xf32, #tpu.memory_space<vmem>>, vector<1x16xf32>,
    %swap3A_1140 = arith.constant 21 : i32
    %swap3A_1141 = arith.index_cast %swap3A_1140 : i32 to index
    %swap3A_1142 = arith.constant 16 : index
    %swap3A_1143 = tpu.vector_load %arg8[%swap3A_1141, %swap3A_1142] {strides = array<i32>} : memref<40x144xf32, #tpu.memory_space<vmem>>, vector<1x16xf32>,
    %swap3A_1144 = vector.shape_cast %swap3A_1143 : vector<1x16xf32> to vector<16xf32>
    %swap3A_1145 = vector.shape_cast %broadcast_in_dim3A_0 : vector<16xf32> to vector<1x16xf32>
    tpu.vector_store %arg8[%swap3A_1141, %swap3A_1142], %swap3A_1145 {strides = array<i32>} : memref<40x144xf32, #tpu.memory_space<vmem>>, vector<1x16xf32>,
    %swap3A_1146 = arith.constant 21 : i32
    %swap3A_1147 = arith.index_cast %swap3A_1146 : i32 to index
    %swap3A_1148 = arith.constant 32 : index
    %swap3A_1149 = tpu.vector_load %arg8[%swap3A_1147, %swap3A_1148] {strides = array<i32>} : memref<40x144xf32, #tpu.memory_space<vmem>>, vector<1x16xf32>,
    %swap3A_1150 = vector.shape_cast %swap3A_1149 : vector<1x16xf32> to vector<16xf32>
    %swap3A_1151 = vector.shape_cast %broadcast_in_dim3A_0 : vector<16xf32> to vector<1x16xf32>
    tpu.vector_store %arg8[%swap3A_1147, %swap3A_1148], %swap3A_1151 {strides = array<i32>} : memref<40x144xf32, #tpu.memory_space<vmem>>, vector<1x16xf32>,
    %swap3A_1152 = arith.constant 21 : i32
    %swap3A_1153 = arith.index_cast %swap3A_1152 : i32 to index
    %swap3A_1154 = arith.constant 48 : index
    %swap3A_1155 = tpu.vector_load %arg8[%swap3A_1153, %swap3A_1154] {strides = array<i32>} : memref<40x144xf32, #tpu.memory_space<vmem>>, vector<1x16xf32>,
    %swap3A_1156 = vector.shape_cast %swap3A_1155 : vector<1x16xf32> to vector<16xf32>
    %swap3A_1157 = vector.shape_cast %broadcast_in_dim3A_0 : vector<16xf32> to vector<1x16xf32>
    tpu.vector_store %arg8[%swap3A_1153, %swap3A_1154], %swap3A_1157 {strides = array<i32>} : memref<40x144xf32, #tpu.memory_space<vmem>>, vector<1x16xf32>,
    %swap3A_1158 = arith.constant 21 : i32
    %swap3A_1159 = arith.index_cast %swap3A_1158 : i32 to index
    %swap3A_1160 = arith.constant 64 : index
    %swap3A_1161 = tpu.vector_load %arg8[%swap3A_1159, %swap3A_1160] {strides = array<i32>} : memref<40x144xf32, #tpu.memory_space<vmem>>, vector<1x16xf32>,
    %swap3A_1162 = vector.shape_cast %swap3A_1161 : vector<1x16xf32> to vector<16xf32>
    %swap3A_1163 = vector.shape_cast %broadcast_in_dim3A_0 : vector<16xf32> to vector<1x16xf32>
    tpu.vector_store %arg8[%swap3A_1159, %swap3A_1160], %swap3A_1163 {strides = array<i32>} : memref<40x144xf32, #tpu.memory_space<vmem>>, vector<1x16xf32>,
    %swap3A_1164 = arith.constant 21 : i32
    %swap3A_1165 = arith.index_cast %swap3A_1164 : i32 to index
    %swap3A_1166 = arith.constant 80 : index
    %swap3A_1167 = tpu.vector_load %arg8[%swap3A_1165, %swap3A_1166] {strides = array<i32>} : memref<40x144xf32, #tpu.memory_space<vmem>>, vector<1x16xf32>,
    %swap3A_1168 = vector.shape_cast %swap3A_1167 : vector<1x16xf32> to vector<16xf32>
    %swap3A_1169 = vector.shape_cast %broadcast_in_dim3A_0 : vector<16xf32> to vector<1x16xf32>
    tpu.vector_store %arg8[%swap3A_1165, %swap3A_1166], %swap3A_1169 {strides = array<i32>} : memref<40x144xf32, #tpu.memory_space<vmem>>, vector<1x16xf32>,
    %swap3A_1170 = arith.constant 21 : i32
    %swap3A_1171 = arith.index_cast %swap3A_1170 : i32 to index
    %swap3A_1172 = arith.constant 96 : index
    %swap3A_1173 = tpu.vector_load %arg8[%swap3A_1171, %swap3A_1172] {strides = array<i32>} : memref<40x144xf32, #tpu.memory_space<vmem>>, vector<1x16xf32>,
    %swap3A_1174 = vector.shape_cast %swap3A_1173 : vector<1x16xf32> to vector<16xf32>
    %swap3A_1175 = vector.shape_cast %broadcast_in_dim3A_0 : vector<16xf32> to vector<1x16xf32>
    tpu.vector_store %arg8[%swap3A_1171, %swap3A_1172], %swap3A_1175 {strides = array<i32>} : memref<40x144xf32, #tpu.memory_space<vmem>>, vector<1x16xf32>,
    %swap3A_1176 = arith.constant 21 : i32
    %swap3A_1177 = arith.index_cast %swap3A_1176 : i32 to index
    %swap3A_1178 = arith.constant 112 : index
    %swap3A_1179 = tpu.vector_load %arg8[%swap3A_1177, %swap3A_1178] {strides = array<i32>} : memref<40x144xf32, #tpu.memory_space<vmem>>, vector<1x16xf32>,
    %swap3A_1180 = vector.shape_cast %swap3A_1179 : vector<1x16xf32> to vector<16xf32>
    %swap3A_1181 = vector.shape_cast %broadcast_in_dim3A_0 : vector<16xf32> to vector<1x16xf32>
    tpu.vector_store %arg8[%swap3A_1177, %swap3A_1178], %swap3A_1181 {strides = array<i32>} : memref<40x144xf32, #tpu.memory_space<vmem>>, vector<1x16xf32>,
    %swap3A_1182 = arith.constant 21 : i32
    %swap3A_1183 = arith.index_cast %swap3A_1182 : i32 to index
    %swap3A_1184 = arith.constant 128 : index
    %swap3A_1185 = tpu.vector_load %arg8[%swap3A_1183, %swap3A_1184] {strides = array<i32>} : memref<40x144xf32, #tpu.memory_space<vmem>>, vector<1x16xf32>,
    %swap3A_1186 = vector.shape_cast %swap3A_1185 : vector<1x16xf32> to vector<16xf32>
    %swap3A_1187 = vector.shape_cast %broadcast_in_dim3A_0 : vector<16xf32> to vector<1x16xf32>
    tpu.vector_store %arg8[%swap3A_1183, %swap3A_1184], %swap3A_1187 {strides = array<i32>} : memref<40x144xf32, #tpu.memory_space<vmem>>, vector<1x16xf32>,
    %swap3A_1188 = arith.constant 22 : i32
    %swap3A_1189 = arith.index_cast %swap3A_1188 : i32 to index
    %swap3A_1190 = arith.constant 0 : index
    %swap3A_1191 = tpu.vector_load %arg8[%swap3A_1189, %swap3A_1190] {strides = array<i32>} : memref<40x144xf32, #tpu.memory_space<vmem>>, vector<1x16xf32>,
    %swap3A_1192 = vector.shape_cast %swap3A_1191 : vector<1x16xf32> to vector<16xf32>
    %swap3A_1193 = vector.shape_cast %broadcast_in_dim3A_0 : vector<16xf32> to vector<1x16xf32>
    tpu.vector_store %arg8[%swap3A_1189, %swap3A_1190], %swap3A_1193 {strides = array<i32>} : memref<40x144xf32, #tpu.memory_space<vmem>>, vector<1x16xf32>,
    %swap3A_1194 = arith.constant 22 : i32
    %swap3A_1195 = arith.index_cast %swap3A_1194 : i32 to index
    %swap3A_1196 = arith.constant 16 : index
    %swap3A_1197 = tpu.vector_load %arg8[%swap3A_1195, %swap3A_1196] {strides = array<i32>} : memref<40x144xf32, #tpu.memory_space<vmem>>, vector<1x16xf32>,
    %swap3A_1198 = vector.shape_cast %swap3A_1197 : vector<1x16xf32> to vector<16xf32>
    %swap3A_1199 = vector.shape_cast %broadcast_in_dim3A_0 : vector<16xf32> to vector<1x16xf32>
    tpu.vector_store %arg8[%swap3A_1195, %swap3A_1196], %swap3A_1199 {strides = array<i32>} : memref<40x144xf32, #tpu.memory_space<vmem>>, vector<1x16xf32>,
    %swap3A_1200 = arith.constant 22 : i32
    %swap3A_1201 = arith.index_cast %swap3A_1200 : i32 to index
    %swap3A_1202 = arith.constant 32 : index
    %swap3A_1203 = tpu.vector_load %arg8[%swap3A_1201, %swap3A_1202] {strides = array<i32>} : memref<40x144xf32, #tpu.memory_space<vmem>>, vector<1x16xf32>,
    %swap3A_1204 = vector.shape_cast %swap3A_1203 : vector<1x16xf32> to vector<16xf32>
    %swap3A_1205 = vector.shape_cast %broadcast_in_dim3A_0 : vector<16xf32> to vector<1x16xf32>
    tpu.vector_store %arg8[%swap3A_1201, %swap3A_1202], %swap3A_1205 {strides = array<i32>} : memref<40x144xf32, #tpu.memory_space<vmem>>, vector<1x16xf32>,
    %swap3A_1206 = arith.constant 22 : i32
    %swap3A_1207 = arith.index_cast %swap3A_1206 : i32 to index
    %swap3A_1208 = arith.constant 48 : index
    %swap3A_1209 = tpu.vector_load %arg8[%swap3A_1207, %swap3A_1208] {strides = array<i32>} : memref<40x144xf32, #tpu.memory_space<vmem>>, vector<1x16xf32>,
    %swap3A_1210 = vector.shape_cast %swap3A_1209 : vector<1x16xf32> to vector<16xf32>
    %swap3A_1211 = vector.shape_cast %broadcast_in_dim3A_0 : vector<16xf32> to vector<1x16xf32>
    tpu.vector_store %arg8[%swap3A_1207, %swap3A_1208], %swap3A_1211 {strides = array<i32>} : memref<40x144xf32, #tpu.memory_space<vmem>>, vector<1x16xf32>,
    %swap3A_1212 = arith.constant 22 : i32
    %swap3A_1213 = arith.index_cast %swap3A_1212 : i32 to index
    %swap3A_1214 = arith.constant 64 : index
    %swap3A_1215 = tpu.vector_load %arg8[%swap3A_1213, %swap3A_1214] {strides = array<i32>} : memref<40x144xf32, #tpu.memory_space<vmem>>, vector<1x16xf32>,
    %swap3A_1216 = vector.shape_cast %swap3A_1215 : vector<1x16xf32> to vector<16xf32>
    %swap3A_1217 = vector.shape_cast %broadcast_in_dim3A_0 : vector<16xf32> to vector<1x16xf32>
    tpu.vector_store %arg8[%swap3A_1213, %swap3A_1214], %swap3A_1217 {strides = array<i32>} : memref<40x144xf32, #tpu.memory_space<vmem>>, vector<1x16xf32>,
    %swap3A_1218 = arith.constant 22 : i32
    %swap3A_1219 = arith.index_cast %swap3A_1218 : i32 to index
    %swap3A_1220 = arith.constant 80 : index
    %swap3A_1221 = tpu.vector_load %arg8[%swap3A_1219, %swap3A_1220] {strides = array<i32>} : memref<40x144xf32, #tpu.memory_space<vmem>>, vector<1x16xf32>,
    %swap3A_1222 = vector.shape_cast %swap3A_1221 : vector<1x16xf32> to vector<16xf32>
    %swap3A_1223 = vector.shape_cast %broadcast_in_dim3A_0 : vector<16xf32> to vector<1x16xf32>
    tpu.vector_store %arg8[%swap3A_1219, %swap3A_1220], %swap3A_1223 {strides = array<i32>} : memref<40x144xf32, #tpu.memory_space<vmem>>, vector<1x16xf32>,
    %swap3A_1224 = arith.constant 22 : i32
    %swap3A_1225 = arith.index_cast %swap3A_1224 : i32 to index
    %swap3A_1226 = arith.constant 96 : index
    %swap3A_1227 = tpu.vector_load %arg8[%swap3A_1225, %swap3A_1226] {strides = array<i32>} : memref<40x144xf32, #tpu.memory_space<vmem>>, vector<1x16xf32>,
    %swap3A_1228 = vector.shape_cast %swap3A_1227 : vector<1x16xf32> to vector<16xf32>
    %swap3A_1229 = vector.shape_cast %broadcast_in_dim3A_0 : vector<16xf32> to vector<1x16xf32>
    tpu.vector_store %arg8[%swap3A_1225, %swap3A_1226], %swap3A_1229 {strides = array<i32>} : memref<40x144xf32, #tpu.memory_space<vmem>>, vector<1x16xf32>,
    %swap3A_1230 = arith.constant 22 : i32
    %swap3A_1231 = arith.index_cast %swap3A_1230 : i32 to index
    %swap3A_1232 = arith.constant 112 : index
    %swap3A_1233 = tpu.vector_load %arg8[%swap3A_1231, %swap3A_1232] {strides = array<i32>} : memref<40x144xf32, #tpu.memory_space<vmem>>, vector<1x16xf32>,
    %swap3A_1234 = vector.shape_cast %swap3A_1233 : vector<1x16xf32> to vector<16xf32>
    %swap3A_1235 = vector.shape_cast %broadcast_in_dim3A_0 : vector<16xf32> to vector<1x16xf32>
    tpu.vector_store %arg8[%swap3A_1231, %swap3A_1232], %swap3A_1235 {strides = array<i32>} : memref<40x144xf32, #tpu.memory_space<vmem>>, vector<1x16xf32>,
    %swap3A_1236 = arith.constant 22 : i32
    %swap3A_1237 = arith.index_cast %swap3A_1236 : i32 to index
    %swap3A_1238 = arith.constant 128 : index
    %swap3A_1239 = tpu.vector_load %arg8[%swap3A_1237, %swap3A_1238] {strides = array<i32>} : memref<40x144xf32, #tpu.memory_space<vmem>>, vector<1x16xf32>,
    %swap3A_1240 = vector.shape_cast %swap3A_1239 : vector<1x16xf32> to vector<16xf32>
    %swap3A_1241 = vector.shape_cast %broadcast_in_dim3A_0 : vector<16xf32> to vector<1x16xf32>
    tpu.vector_store %arg8[%swap3A_1237, %swap3A_1238], %swap3A_1241 {strides = array<i32>} : memref<40x144xf32, #tpu.memory_space<vmem>>, vector<1x16xf32>,
    %swap3A_1242 = arith.constant 23 : i32
    %swap3A_1243 = arith.index_cast %swap3A_1242 : i32 to index
    %swap3A_1244 = arith.constant 0 : index
    %swap3A_1245 = tpu.vector_load %arg8[%swap3A_1243, %swap3A_1244] {strides = array<i32>} : memref<40x144xf32, #tpu.memory_space<vmem>>, vector<1x16xf32>,
    %swap3A_1246 = vector.shape_cast %swap3A_1245 : vector<1x16xf32> to vector<16xf32>
    %swap3A_1247 = vector.shape_cast %broadcast_in_dim3A_0 : vector<16xf32> to vector<1x16xf32>
    tpu.vector_store %arg8[%swap3A_1243, %swap3A_1244], %swap3A_1247 {strides = array<i32>} : memref<40x144xf32, #tpu.memory_space<vmem>>, vector<1x16xf32>,
    %swap3A_1248 = arith.constant 23 : i32
    %swap3A_1249 = arith.index_cast %swap3A_1248 : i32 to index
    %swap3A_1250 = arith.constant 16 : index
    %swap3A_1251 = tpu.vector_load %arg8[%swap3A_1249, %swap3A_1250] {strides = array<i32>} : memref<40x144xf32, #tpu.memory_space<vmem>>, vector<1x16xf32>,
    %swap3A_1252 = vector.shape_cast %swap3A_1251 : vector<1x16xf32> to vector<16xf32>
    %swap3A_1253 = vector.shape_cast %broadcast_in_dim3A_0 : vector<16xf32> to vector<1x16xf32>
    tpu.vector_store %arg8[%swap3A_1249, %swap3A_1250], %swap3A_1253 {strides = array<i32>} : memref<40x144xf32, #tpu.memory_space<vmem>>, vector<1x16xf32>,
    %swap3A_1254 = arith.constant 23 : i32
    %swap3A_1255 = arith.index_cast %swap3A_1254 : i32 to index
    %swap3A_1256 = arith.constant 32 : index
    %swap3A_1257 = tpu.vector_load %arg8[%swap3A_1255, %swap3A_1256] {strides = array<i32>} : memref<40x144xf32, #tpu.memory_space<vmem>>, vector<1x16xf32>,
    %swap3A_1258 = vector.shape_cast %swap3A_1257 : vector<1x16xf32> to vector<16xf32>
    %swap3A_1259 = vector.shape_cast %broadcast_in_dim3A_0 : vector<16xf32> to vector<1x16xf32>
    tpu.vector_store %arg8[%swap3A_1255, %swap3A_1256], %swap3A_1259 {strides = array<i32>} : memref<40x144xf32, #tpu.memory_space<vmem>>, vector<1x16xf32>,
    %swap3A_1260 = arith.constant 23 : i32
    %swap3A_1261 = arith.index_cast %swap3A_1260 : i32 to index
    %swap3A_1262 = arith.constant 48 : index
    %swap3A_1263 = tpu.vector_load %arg8[%swap3A_1261, %swap3A_1262] {strides = array<i32>} : memref<40x144xf32, #tpu.memory_space<vmem>>, vector<1x16xf32>,
    %swap3A_1264 = vector.shape_cast %swap3A_1263 : vector<1x16xf32> to vector<16xf32>
    %swap3A_1265 = vector.shape_cast %broadcast_in_dim3A_0 : vector<16xf32> to vector<1x16xf32>
    tpu.vector_store %arg8[%swap3A_1261, %swap3A_1262], %swap3A_1265 {strides = array<i32>} : memref<40x144xf32, #tpu.memory_space<vmem>>, vector<1x16xf32>,
    %swap3A_1266 = arith.constant 23 : i32
    %swap3A_1267 = arith.index_cast %swap3A_1266 : i32 to index
    %swap3A_1268 = arith.constant 64 : index
    %swap3A_1269 = tpu.vector_load %arg8[%swap3A_1267, %swap3A_1268] {strides = array<i32>} : memref<40x144xf32, #tpu.memory_space<vmem>>, vector<1x16xf32>,
    %swap3A_1270 = vector.shape_cast %swap3A_1269 : vector<1x16xf32> to vector<16xf32>
    %swap3A_1271 = vector.shape_cast %broadcast_in_dim3A_0 : vector<16xf32> to vector<1x16xf32>
    tpu.vector_store %arg8[%swap3A_1267, %swap3A_1268], %swap3A_1271 {strides = array<i32>} : memref<40x144xf32, #tpu.memory_space<vmem>>, vector<1x16xf32>,
    %swap3A_1272 = arith.constant 23 : i32
    %swap3A_1273 = arith.index_cast %swap3A_1272 : i32 to index
    %swap3A_1274 = arith.constant 80 : index
    %swap3A_1275 = tpu.vector_load %arg8[%swap3A_1273, %swap3A_1274] {strides = array<i32>} : memref<40x144xf32, #tpu.memory_space<vmem>>, vector<1x16xf32>,
    %swap3A_1276 = vector.shape_cast %swap3A_1275 : vector<1x16xf32> to vector<16xf32>
    %swap3A_1277 = vector.shape_cast %broadcast_in_dim3A_0 : vector<16xf32> to vector<1x16xf32>
    tpu.vector_store %arg8[%swap3A_1273, %swap3A_1274], %swap3A_1277 {strides = array<i32>} : memref<40x144xf32, #tpu.memory_space<vmem>>, vector<1x16xf32>,
    %swap3A_1278 = arith.constant 23 : i32
    %swap3A_1279 = arith.index_cast %swap3A_1278 : i32 to index
    %swap3A_1280 = arith.constant 96 : index
    %swap3A_1281 = tpu.vector_load %arg8[%swap3A_1279, %swap3A_1280] {strides = array<i32>} : memref<40x144xf32, #tpu.memory_space<vmem>>, vector<1x16xf32>,
    %swap3A_1282 = vector.shape_cast %swap3A_1281 : vector<1x16xf32> to vector<16xf32>
    %swap3A_1283 = vector.shape_cast %broadcast_in_dim3A_0 : vector<16xf32> to vector<1x16xf32>
    tpu.vector_store %arg8[%swap3A_1279, %swap3A_1280], %swap3A_1283 {strides = array<i32>} : memref<40x144xf32, #tpu.memory_space<vmem>>, vector<1x16xf32>,
    %swap3A_1284 = arith.constant 23 : i32
    %swap3A_1285 = arith.index_cast %swap3A_1284 : i32 to index
    %swap3A_1286 = arith.constant 112 : index
    %swap3A_1287 = tpu.vector_load %arg8[%swap3A_1285, %swap3A_1286] {strides = array<i32>} : memref<40x144xf32, #tpu.memory_space<vmem>>, vector<1x16xf32>,
    %swap3A_1288 = vector.shape_cast %swap3A_1287 : vector<1x16xf32> to vector<16xf32>
    %swap3A_1289 = vector.shape_cast %broadcast_in_dim3A_0 : vector<16xf32> to vector<1x16xf32>
    tpu.vector_store %arg8[%swap3A_1285, %swap3A_1286], %swap3A_1289 {strides = array<i32>} : memref<40x144xf32, #tpu.memory_space<vmem>>, vector<1x16xf32>,
    %swap3A_1290 = arith.constant 23 : i32
    %swap3A_1291 = arith.index_cast %swap3A_1290 : i32 to index
    %swap3A_1292 = arith.constant 128 : index
    %swap3A_1293 = tpu.vector_load %arg8[%swap3A_1291, %swap3A_1292] {strides = array<i32>} : memref<40x144xf32, #tpu.memory_space<vmem>>, vector<1x16xf32>,
    %swap3A_1294 = vector.shape_cast %swap3A_1293 : vector<1x16xf32> to vector<16xf32>
    %swap3A_1295 = vector.shape_cast %broadcast_in_dim3A_0 : vector<16xf32> to vector<1x16xf32>
    tpu.vector_store %arg8[%swap3A_1291, %swap3A_1292], %swap3A_1295 {strides = array<i32>} : memref<40x144xf32, #tpu.memory_space<vmem>>, vector<1x16xf32>,
    %swap3A_1296 = arith.constant 24 : i32
    %swap3A_1297 = arith.index_cast %swap3A_1296 : i32 to index
    %swap3A_1298 = arith.constant 0 : index
    %swap3A_1299 = tpu.vector_load %arg8[%swap3A_1297, %swap3A_1298] {strides = array<i32>} : memref<40x144xf32, #tpu.memory_space<vmem>>, vector<1x16xf32>,
    %swap3A_1300 = vector.shape_cast %swap3A_1299 : vector<1x16xf32> to vector<16xf32>
    %swap3A_1301 = vector.shape_cast %broadcast_in_dim3A_0 : vector<16xf32> to vector<1x16xf32>
    tpu.vector_store %arg8[%swap3A_1297, %swap3A_1298], %swap3A_1301 {strides = array<i32>} : memref<40x144xf32, #tpu.memory_space<vmem>>, vector<1x16xf32>,
    %swap3A_1302 = arith.constant 24 : i32
    %swap3A_1303 = arith.index_cast %swap3A_1302 : i32 to index
    %swap3A_1304 = arith.constant 16 : index
    %swap3A_1305 = tpu.vector_load %arg8[%swap3A_1303, %swap3A_1304] {strides = array<i32>} : memref<40x144xf32, #tpu.memory_space<vmem>>, vector<1x16xf32>,
    %swap3A_1306 = vector.shape_cast %swap3A_1305 : vector<1x16xf32> to vector<16xf32>
    %swap3A_1307 = vector.shape_cast %broadcast_in_dim3A_0 : vector<16xf32> to vector<1x16xf32>
    tpu.vector_store %arg8[%swap3A_1303, %swap3A_1304], %swap3A_1307 {strides = array<i32>} : memref<40x144xf32, #tpu.memory_space<vmem>>, vector<1x16xf32>,
    %swap3A_1308 = arith.constant 24 : i32
    %swap3A_1309 = arith.index_cast %swap3A_1308 : i32 to index
    %swap3A_1310 = arith.constant 32 : index
    %swap3A_1311 = tpu.vector_load %arg8[%swap3A_1309, %swap3A_1310] {strides = array<i32>} : memref<40x144xf32, #tpu.memory_space<vmem>>, vector<1x16xf32>,
    %swap3A_1312 = vector.shape_cast %swap3A_1311 : vector<1x16xf32> to vector<16xf32>
    %swap3A_1313 = vector.shape_cast %broadcast_in_dim3A_0 : vector<16xf32> to vector<1x16xf32>
    tpu.vector_store %arg8[%swap3A_1309, %swap3A_1310], %swap3A_1313 {strides = array<i32>} : memref<40x144xf32, #tpu.memory_space<vmem>>, vector<1x16xf32>,
    %swap3A_1314 = arith.constant 24 : i32
    %swap3A_1315 = arith.index_cast %swap3A_1314 : i32 to index
    %swap3A_1316 = arith.constant 48 : index
    %swap3A_1317 = tpu.vector_load %arg8[%swap3A_1315, %swap3A_1316] {strides = array<i32>} : memref<40x144xf32, #tpu.memory_space<vmem>>, vector<1x16xf32>,
    %swap3A_1318 = vector.shape_cast %swap3A_1317 : vector<1x16xf32> to vector<16xf32>
    %swap3A_1319 = vector.shape_cast %broadcast_in_dim3A_0 : vector<16xf32> to vector<1x16xf32>
    tpu.vector_store %arg8[%swap3A_1315, %swap3A_1316], %swap3A_1319 {strides = array<i32>} : memref<40x144xf32, #tpu.memory_space<vmem>>, vector<1x16xf32>,
    %swap3A_1320 = arith.constant 24 : i32
    %swap3A_1321 = arith.index_cast %swap3A_1320 : i32 to index
    %swap3A_1322 = arith.constant 64 : index
    %swap3A_1323 = tpu.vector_load %arg8[%swap3A_1321, %swap3A_1322] {strides = array<i32>} : memref<40x144xf32, #tpu.memory_space<vmem>>, vector<1x16xf32>,
    %swap3A_1324 = vector.shape_cast %swap3A_1323 : vector<1x16xf32> to vector<16xf32>
    %swap3A_1325 = vector.shape_cast %broadcast_in_dim3A_0 : vector<16xf32> to vector<1x16xf32>
    tpu.vector_store %arg8[%swap3A_1321, %swap3A_1322], %swap3A_1325 {strides = array<i32>} : memref<40x144xf32, #tpu.memory_space<vmem>>, vector<1x16xf32>,
    %swap3A_1326 = arith.constant 24 : i32
    %swap3A_1327 = arith.index_cast %swap3A_1326 : i32 to index
    %swap3A_1328 = arith.constant 80 : index
    %swap3A_1329 = tpu.vector_load %arg8[%swap3A_1327, %swap3A_1328] {strides = array<i32>} : memref<40x144xf32, #tpu.memory_space<vmem>>, vector<1x16xf32>,
    %swap3A_1330 = vector.shape_cast %swap3A_1329 : vector<1x16xf32> to vector<16xf32>
    %swap3A_1331 = vector.shape_cast %broadcast_in_dim3A_0 : vector<16xf32> to vector<1x16xf32>
    tpu.vector_store %arg8[%swap3A_1327, %swap3A_1328], %swap3A_1331 {strides = array<i32>} : memref<40x144xf32, #tpu.memory_space<vmem>>, vector<1x16xf32>,
    %swap3A_1332 = arith.constant 24 : i32
    %swap3A_1333 = arith.index_cast %swap3A_1332 : i32 to index
    %swap3A_1334 = arith.constant 96 : index
    %swap3A_1335 = tpu.vector_load %arg8[%swap3A_1333, %swap3A_1334] {strides = array<i32>} : memref<40x144xf32, #tpu.memory_space<vmem>>, vector<1x16xf32>,
    %swap3A_1336 = vector.shape_cast %swap3A_1335 : vector<1x16xf32> to vector<16xf32>
    %swap3A_1337 = vector.shape_cast %broadcast_in_dim3A_0 : vector<16xf32> to vector<1x16xf32>
    tpu.vector_store %arg8[%swap3A_1333, %swap3A_1334], %swap3A_1337 {strides = array<i32>} : memref<40x144xf32, #tpu.memory_space<vmem>>, vector<1x16xf32>,
    %swap3A_1338 = arith.constant 24 : i32
    %swap3A_1339 = arith.index_cast %swap3A_1338 : i32 to index
    %swap3A_1340 = arith.constant 112 : index
    %swap3A_1341 = tpu.vector_load %arg8[%swap3A_1339, %swap3A_1340] {strides = array<i32>} : memref<40x144xf32, #tpu.memory_space<vmem>>, vector<1x16xf32>,
    %swap3A_1342 = vector.shape_cast %swap3A_1341 : vector<1x16xf32> to vector<16xf32>
    %swap3A_1343 = vector.shape_cast %broadcast_in_dim3A_0 : vector<16xf32> to vector<1x16xf32>
    tpu.vector_store %arg8[%swap3A_1339, %swap3A_1340], %swap3A_1343 {strides = array<i32>} : memref<40x144xf32, #tpu.memory_space<vmem>>, vector<1x16xf32>,
    %swap3A_1344 = arith.constant 24 : i32
    %swap3A_1345 = arith.index_cast %swap3A_1344 : i32 to index
    %swap3A_1346 = arith.constant 128 : index
    %swap3A_1347 = tpu.vector_load %arg8[%swap3A_1345, %swap3A_1346] {strides = array<i32>} : memref<40x144xf32, #tpu.memory_space<vmem>>, vector<1x16xf32>,
    %swap3A_1348 = vector.shape_cast %swap3A_1347 : vector<1x16xf32> to vector<16xf32>
    %swap3A_1349 = vector.shape_cast %broadcast_in_dim3A_0 : vector<16xf32> to vector<1x16xf32>
    tpu.vector_store %arg8[%swap3A_1345, %swap3A_1346], %swap3A_1349 {strides = array<i32>} : memref<40x144xf32, #tpu.memory_space<vmem>>, vector<1x16xf32>,
    %swap3A_1350 = arith.constant 25 : i32
    %swap3A_1351 = arith.index_cast %swap3A_1350 : i32 to index
    %swap3A_1352 = arith.constant 0 : index
    %swap3A_1353 = tpu.vector_load %arg8[%swap3A_1351, %swap3A_1352] {strides = array<i32>} : memref<40x144xf32, #tpu.memory_space<vmem>>, vector<1x16xf32>,
    %swap3A_1354 = vector.shape_cast %swap3A_1353 : vector<1x16xf32> to vector<16xf32>
    %swap3A_1355 = vector.shape_cast %broadcast_in_dim3A_0 : vector<16xf32> to vector<1x16xf32>
    tpu.vector_store %arg8[%swap3A_1351, %swap3A_1352], %swap3A_1355 {strides = array<i32>} : memref<40x144xf32, #tpu.memory_space<vmem>>, vector<1x16xf32>,
    %swap3A_1356 = arith.constant 25 : i32
    %swap3A_1357 = arith.index_cast %swap3A_1356 : i32 to index
    %swap3A_1358 = arith.constant 16 : index
    %swap3A_1359 = tpu.vector_load %arg8[%swap3A_1357, %swap3A_1358] {strides = array<i32>} : memref<40x144xf32, #tpu.memory_space<vmem>>, vector<1x16xf32>,
    %swap3A_1360 = vector.shape_cast %swap3A_1359 : vector<1x16xf32> to vector<16xf32>
    %swap3A_1361 = vector.shape_cast %broadcast_in_dim3A_0 : vector<16xf32> to vector<1x16xf32>
    tpu.vector_store %arg8[%swap3A_1357, %swap3A_1358], %swap3A_1361 {strides = array<i32>} : memref<40x144xf32, #tpu.memory_space<vmem>>, vector<1x16xf32>,
    %swap3A_1362 = arith.constant 25 : i32
    %swap3A_1363 = arith.index_cast %swap3A_1362 : i32 to index
    %swap3A_1364 = arith.constant 32 : index
    %swap3A_1365 = tpu.vector_load %arg8[%swap3A_1363, %swap3A_1364] {strides = array<i32>} : memref<40x144xf32, #tpu.memory_space<vmem>>, vector<1x16xf32>,
    %swap3A_1366 = vector.shape_cast %swap3A_1365 : vector<1x16xf32> to vector<16xf32>
    %swap3A_1367 = vector.shape_cast %broadcast_in_dim3A_0 : vector<16xf32> to vector<1x16xf32>
    tpu.vector_store %arg8[%swap3A_1363, %swap3A_1364], %swap3A_1367 {strides = array<i32>} : memref<40x144xf32, #tpu.memory_space<vmem>>, vector<1x16xf32>,
    %swap3A_1368 = arith.constant 25 : i32
    %swap3A_1369 = arith.index_cast %swap3A_1368 : i32 to index
    %swap3A_1370 = arith.constant 48 : index
    %swap3A_1371 = tpu.vector_load %arg8[%swap3A_1369, %swap3A_1370] {strides = array<i32>} : memref<40x144xf32, #tpu.memory_space<vmem>>, vector<1x16xf32>,
    %swap3A_1372 = vector.shape_cast %swap3A_1371 : vector<1x16xf32> to vector<16xf32>
    %swap3A_1373 = vector.shape_cast %broadcast_in_dim3A_0 : vector<16xf32> to vector<1x16xf32>
    tpu.vector_store %arg8[%swap3A_1369, %swap3A_1370], %swap3A_1373 {strides = array<i32>} : memref<40x144xf32, #tpu.memory_space<vmem>>, vector<1x16xf32>,
    %swap3A_1374 = arith.constant 25 : i32
    %swap3A_1375 = arith.index_cast %swap3A_1374 : i32 to index
    %swap3A_1376 = arith.constant 64 : index
    %swap3A_1377 = tpu.vector_load %arg8[%swap3A_1375, %swap3A_1376] {strides = array<i32>} : memref<40x144xf32, #tpu.memory_space<vmem>>, vector<1x16xf32>,
    %swap3A_1378 = vector.shape_cast %swap3A_1377 : vector<1x16xf32> to vector<16xf32>
    %swap3A_1379 = vector.shape_cast %broadcast_in_dim3A_0 : vector<16xf32> to vector<1x16xf32>
    tpu.vector_store %arg8[%swap3A_1375, %swap3A_1376], %swap3A_1379 {strides = array<i32>} : memref<40x144xf32, #tpu.memory_space<vmem>>, vector<1x16xf32>,
    %swap3A_1380 = arith.constant 25 : i32
    %swap3A_1381 = arith.index_cast %swap3A_1380 : i32 to index
    %swap3A_1382 = arith.constant 80 : index
    %swap3A_1383 = tpu.vector_load %arg8[%swap3A_1381, %swap3A_1382] {strides = array<i32>} : memref<40x144xf32, #tpu.memory_space<vmem>>, vector<1x16xf32>,
    %swap3A_1384 = vector.shape_cast %swap3A_1383 : vector<1x16xf32> to vector<16xf32>
    %swap3A_1385 = vector.shape_cast %broadcast_in_dim3A_0 : vector<16xf32> to vector<1x16xf32>
    tpu.vector_store %arg8[%swap3A_1381, %swap3A_1382], %swap3A_1385 {strides = array<i32>} : memref<40x144xf32, #tpu.memory_space<vmem>>, vector<1x16xf32>,
    %swap3A_1386 = arith.constant 25 : i32
    %swap3A_1387 = arith.index_cast %swap3A_1386 : i32 to index
    %swap3A_1388 = arith.constant 96 : index
    %swap3A_1389 = tpu.vector_load %arg8[%swap3A_1387, %swap3A_1388] {strides = array<i32>} : memref<40x144xf32, #tpu.memory_space<vmem>>, vector<1x16xf32>,
    %swap3A_1390 = vector.shape_cast %swap3A_1389 : vector<1x16xf32> to vector<16xf32>
    %swap3A_1391 = vector.shape_cast %broadcast_in_dim3A_0 : vector<16xf32> to vector<1x16xf32>
    tpu.vector_store %arg8[%swap3A_1387, %swap3A_1388], %swap3A_1391 {strides = array<i32>} : memref<40x144xf32, #tpu.memory_space<vmem>>, vector<1x16xf32>,
    %swap3A_1392 = arith.constant 25 : i32
    %swap3A_1393 = arith.index_cast %swap3A_1392 : i32 to index
    %swap3A_1394 = arith.constant 112 : index
    %swap3A_1395 = tpu.vector_load %arg8[%swap3A_1393, %swap3A_1394] {strides = array<i32>} : memref<40x144xf32, #tpu.memory_space<vmem>>, vector<1x16xf32>,
    %swap3A_1396 = vector.shape_cast %swap3A_1395 : vector<1x16xf32> to vector<16xf32>
    %swap3A_1397 = vector.shape_cast %broadcast_in_dim3A_0 : vector<16xf32> to vector<1x16xf32>
    tpu.vector_store %arg8[%swap3A_1393, %swap3A_1394], %swap3A_1397 {strides = array<i32>} : memref<40x144xf32, #tpu.memory_space<vmem>>, vector<1x16xf32>,
    %swap3A_1398 = arith.constant 25 : i32
    %swap3A_1399 = arith.index_cast %swap3A_1398 : i32 to index
    %swap3A_1400 = arith.constant 128 : index
    %swap3A_1401 = tpu.vector_load %arg8[%swap3A_1399, %swap3A_1400] {strides = array<i32>} : memref<40x144xf32, #tpu.memory_space<vmem>>, vector<1x16xf32>,
    %swap3A_1402 = vector.shape_cast %swap3A_1401 : vector<1x16xf32> to vector<16xf32>
    %swap3A_1403 = vector.shape_cast %broadcast_in_dim3A_0 : vector<16xf32> to vector<1x16xf32>
    tpu.vector_store %arg8[%swap3A_1399, %swap3A_1400], %swap3A_1403 {strides = array<i32>} : memref<40x144xf32, #tpu.memory_space<vmem>>, vector<1x16xf32>,
    %swap3A_1404 = arith.constant 26 : i32
    %swap3A_1405 = arith.index_cast %swap3A_1404 : i32 to index
    %swap3A_1406 = arith.constant 0 : index
    %swap3A_1407 = tpu.vector_load %arg8[%swap3A_1405, %swap3A_1406] {strides = array<i32>} : memref<40x144xf32, #tpu.memory_space<vmem>>, vector<1x16xf32>,
    %swap3A_1408 = vector.shape_cast %swap3A_1407 : vector<1x16xf32> to vector<16xf32>
    %swap3A_1409 = vector.shape_cast %broadcast_in_dim3A_0 : vector<16xf32> to vector<1x16xf32>
    tpu.vector_store %arg8[%swap3A_1405, %swap3A_1406], %swap3A_1409 {strides = array<i32>} : memref<40x144xf32, #tpu.memory_space<vmem>>, vector<1x16xf32>,
    %swap3A_1410 = arith.constant 26 : i32
    %swap3A_1411 = arith.index_cast %swap3A_1410 : i32 to index
    %swap3A_1412 = arith.constant 16 : index
    %swap3A_1413 = tpu.vector_load %arg8[%swap3A_1411, %swap3A_1412] {strides = array<i32>} : memref<40x144xf32, #tpu.memory_space<vmem>>, vector<1x16xf32>,
    %swap3A_1414 = vector.shape_cast %swap3A_1413 : vector<1x16xf32> to vector<16xf32>
    %swap3A_1415 = vector.shape_cast %broadcast_in_dim3A_0 : vector<16xf32> to vector<1x16xf32>
    tpu.vector_store %arg8[%swap3A_1411, %swap3A_1412], %swap3A_1415 {strides = array<i32>} : memref<40x144xf32, #tpu.memory_space<vmem>>, vector<1x16xf32>,
    %swap3A_1416 = arith.constant 26 : i32
    %swap3A_1417 = arith.index_cast %swap3A_1416 : i32 to index
    %swap3A_1418 = arith.constant 32 : index
    %swap3A_1419 = tpu.vector_load %arg8[%swap3A_1417, %swap3A_1418] {strides = array<i32>} : memref<40x144xf32, #tpu.memory_space<vmem>>, vector<1x16xf32>,
    %swap3A_1420 = vector.shape_cast %swap3A_1419 : vector<1x16xf32> to vector<16xf32>
    %swap3A_1421 = vector.shape_cast %broadcast_in_dim3A_0 : vector<16xf32> to vector<1x16xf32>
    tpu.vector_store %arg8[%swap3A_1417, %swap3A_1418], %swap3A_1421 {strides = array<i32>} : memref<40x144xf32, #tpu.memory_space<vmem>>, vector<1x16xf32>,
    %swap3A_1422 = arith.constant 26 : i32
    %swap3A_1423 = arith.index_cast %swap3A_1422 : i32 to index
    %swap3A_1424 = arith.constant 48 : index
    %swap3A_1425 = tpu.vector_load %arg8[%swap3A_1423, %swap3A_1424] {strides = array<i32>} : memref<40x144xf32, #tpu.memory_space<vmem>>, vector<1x16xf32>,
    %swap3A_1426 = vector.shape_cast %swap3A_1425 : vector<1x16xf32> to vector<16xf32>
    %swap3A_1427 = vector.shape_cast %broadcast_in_dim3A_0 : vector<16xf32> to vector<1x16xf32>
    tpu.vector_store %arg8[%swap3A_1423, %swap3A_1424], %swap3A_1427 {strides = array<i32>} : memref<40x144xf32, #tpu.memory_space<vmem>>, vector<1x16xf32>,
    %swap3A_1428 = arith.constant 26 : i32
    %swap3A_1429 = arith.index_cast %swap3A_1428 : i32 to index
    %swap3A_1430 = arith.constant 64 : index
    %swap3A_1431 = tpu.vector_load %arg8[%swap3A_1429, %swap3A_1430] {strides = array<i32>} : memref<40x144xf32, #tpu.memory_space<vmem>>, vector<1x16xf32>,
    %swap3A_1432 = vector.shape_cast %swap3A_1431 : vector<1x16xf32> to vector<16xf32>
    %swap3A_1433 = vector.shape_cast %broadcast_in_dim3A_0 : vector<16xf32> to vector<1x16xf32>
    tpu.vector_store %arg8[%swap3A_1429, %swap3A_1430], %swap3A_1433 {strides = array<i32>} : memref<40x144xf32, #tpu.memory_space<vmem>>, vector<1x16xf32>,
    %swap3A_1434 = arith.constant 26 : i32
    %swap3A_1435 = arith.index_cast %swap3A_1434 : i32 to index
    %swap3A_1436 = arith.constant 80 : index
    %swap3A_1437 = tpu.vector_load %arg8[%swap3A_1435, %swap3A_1436] {strides = array<i32>} : memref<40x144xf32, #tpu.memory_space<vmem>>, vector<1x16xf32>,
    %swap3A_1438 = vector.shape_cast %swap3A_1437 : vector<1x16xf32> to vector<16xf32>
    %swap3A_1439 = vector.shape_cast %broadcast_in_dim3A_0 : vector<16xf32> to vector<1x16xf32>
    tpu.vector_store %arg8[%swap3A_1435, %swap3A_1436], %swap3A_1439 {strides = array<i32>} : memref<40x144xf32, #tpu.memory_space<vmem>>, vector<1x16xf32>,
    %swap3A_1440 = arith.constant 26 : i32
    %swap3A_1441 = arith.index_cast %swap3A_1440 : i32 to index
    %swap3A_1442 = arith.constant 96 : index
    %swap3A_1443 = tpu.vector_load %arg8[%swap3A_1441, %swap3A_1442] {strides = array<i32>} : memref<40x144xf32, #tpu.memory_space<vmem>>, vector<1x16xf32>,
    %swap3A_1444 = vector.shape_cast %swap3A_1443 : vector<1x16xf32> to vector<16xf32>
    %swap3A_1445 = vector.shape_cast %broadcast_in_dim3A_0 : vector<16xf32> to vector<1x16xf32>
    tpu.vector_store %arg8[%swap3A_1441, %swap3A_1442], %swap3A_1445 {strides = array<i32>} : memref<40x144xf32, #tpu.memory_space<vmem>>, vector<1x16xf32>,
    %swap3A_1446 = arith.constant 26 : i32
    %swap3A_1447 = arith.index_cast %swap3A_1446 : i32 to index
    %swap3A_1448 = arith.constant 112 : index
    %swap3A_1449 = tpu.vector_load %arg8[%swap3A_1447, %swap3A_1448] {strides = array<i32>} : memref<40x144xf32, #tpu.memory_space<vmem>>, vector<1x16xf32>,
    %swap3A_1450 = vector.shape_cast %swap3A_1449 : vector<1x16xf32> to vector<16xf32>
    %swap3A_1451 = vector.shape_cast %broadcast_in_dim3A_0 : vector<16xf32> to vector<1x16xf32>
    tpu.vector_store %arg8[%swap3A_1447, %swap3A_1448], %swap3A_1451 {strides = array<i32>} : memref<40x144xf32, #tpu.memory_space<vmem>>, vector<1x16xf32>,
    %swap3A_1452 = arith.constant 26 : i32
    %swap3A_1453 = arith.index_cast %swap3A_1452 : i32 to index
    %swap3A_1454 = arith.constant 128 : index
    %swap3A_1455 = tpu.vector_load %arg8[%swap3A_1453, %swap3A_1454] {strides = array<i32>} : memref<40x144xf32, #tpu.memory_space<vmem>>, vector<1x16xf32>,
    %swap3A_1456 = vector.shape_cast %swap3A_1455 : vector<1x16xf32> to vector<16xf32>
    %swap3A_1457 = vector.shape_cast %broadcast_in_dim3A_0 : vector<16xf32> to vector<1x16xf32>
    tpu.vector_store %arg8[%swap3A_1453, %swap3A_1454], %swap3A_1457 {strides = array<i32>} : memref<40x144xf32, #tpu.memory_space<vmem>>, vector<1x16xf32>,
    %swap3A_1458 = arith.constant 27 : i32
    %swap3A_1459 = arith.index_cast %swap3A_1458 : i32 to index
    %swap3A_1460 = arith.constant 0 : index
    %swap3A_1461 = tpu.vector_load %arg8[%swap3A_1459, %swap3A_1460] {strides = array<i32>} : memref<40x144xf32, #tpu.memory_space<vmem>>, vector<1x16xf32>,
    %swap3A_1462 = vector.shape_cast %swap3A_1461 : vector<1x16xf32> to vector<16xf32>
    %swap3A_1463 = vector.shape_cast %broadcast_in_dim3A_0 : vector<16xf32> to vector<1x16xf32>
    tpu.vector_store %arg8[%swap3A_1459, %swap3A_1460], %swap3A_1463 {strides = array<i32>} : memref<40x144xf32, #tpu.memory_space<vmem>>, vector<1x16xf32>,
    %swap3A_1464 = arith.constant 27 : i32
    %swap3A_1465 = arith.index_cast %swap3A_1464 : i32 to index
    %swap3A_1466 = arith.constant 16 : index
    %swap3A_1467 = tpu.vector_load %arg8[%swap3A_1465, %swap3A_1466] {strides = array<i32>} : memref<40x144xf32, #tpu.memory_space<vmem>>, vector<1x16xf32>,
    %swap3A_1468 = vector.shape_cast %swap3A_1467 : vector<1x16xf32> to vector<16xf32>
    %swap3A_1469 = vector.shape_cast %broadcast_in_dim3A_0 : vector<16xf32> to vector<1x16xf32>
    tpu.vector_store %arg8[%swap3A_1465, %swap3A_1466], %swap3A_1469 {strides = array<i32>} : memref<40x144xf32, #tpu.memory_space<vmem>>, vector<1x16xf32>,
    %swap3A_1470 = arith.constant 27 : i32
    %swap3A_1471 = arith.index_cast %swap3A_1470 : i32 to index
    %swap3A_1472 = arith.constant 32 : index
    %swap3A_1473 = tpu.vector_load %arg8[%swap3A_1471, %swap3A_1472] {strides = array<i32>} : memref<40x144xf32, #tpu.memory_space<vmem>>, vector<1x16xf32>,
    %swap3A_1474 = vector.shape_cast %swap3A_1473 : vector<1x16xf32> to vector<16xf32>
    %swap3A_1475 = vector.shape_cast %broadcast_in_dim3A_0 : vector<16xf32> to vector<1x16xf32>
    tpu.vector_store %arg8[%swap3A_1471, %swap3A_1472], %swap3A_1475 {strides = array<i32>} : memref<40x144xf32, #tpu.memory_space<vmem>>, vector<1x16xf32>,
    %swap3A_1476 = arith.constant 27 : i32
    %swap3A_1477 = arith.index_cast %swap3A_1476 : i32 to index
    %swap3A_1478 = arith.constant 48 : index
    %swap3A_1479 = tpu.vector_load %arg8[%swap3A_1477, %swap3A_1478] {strides = array<i32>} : memref<40x144xf32, #tpu.memory_space<vmem>>, vector<1x16xf32>,
    %swap3A_1480 = vector.shape_cast %swap3A_1479 : vector<1x16xf32> to vector<16xf32>
    %swap3A_1481 = vector.shape_cast %broadcast_in_dim3A_0 : vector<16xf32> to vector<1x16xf32>
    tpu.vector_store %arg8[%swap3A_1477, %swap3A_1478], %swap3A_1481 {strides = array<i32>} : memref<40x144xf32, #tpu.memory_space<vmem>>, vector<1x16xf32>,
    %swap3A_1482 = arith.constant 27 : i32
    %swap3A_1483 = arith.index_cast %swap3A_1482 : i32 to index
    %swap3A_1484 = arith.constant 64 : index
    %swap3A_1485 = tpu.vector_load %arg8[%swap3A_1483, %swap3A_1484] {strides = array<i32>} : memref<40x144xf32, #tpu.memory_space<vmem>>, vector<1x16xf32>,
    %swap3A_1486 = vector.shape_cast %swap3A_1485 : vector<1x16xf32> to vector<16xf32>
    %swap3A_1487 = vector.shape_cast %broadcast_in_dim3A_0 : vector<16xf32> to vector<1x16xf32>
    tpu.vector_store %arg8[%swap3A_1483, %swap3A_1484], %swap3A_1487 {strides = array<i32>} : memref<40x144xf32, #tpu.memory_space<vmem>>, vector<1x16xf32>,
    %swap3A_1488 = arith.constant 27 : i32
    %swap3A_1489 = arith.index_cast %swap3A_1488 : i32 to index
    %swap3A_1490 = arith.constant 80 : index
    %swap3A_1491 = tpu.vector_load %arg8[%swap3A_1489, %swap3A_1490] {strides = array<i32>} : memref<40x144xf32, #tpu.memory_space<vmem>>, vector<1x16xf32>,
    %swap3A_1492 = vector.shape_cast %swap3A_1491 : vector<1x16xf32> to vector<16xf32>
    %swap3A_1493 = vector.shape_cast %broadcast_in_dim3A_0 : vector<16xf32> to vector<1x16xf32>
    tpu.vector_store %arg8[%swap3A_1489, %swap3A_1490], %swap3A_1493 {strides = array<i32>} : memref<40x144xf32, #tpu.memory_space<vmem>>, vector<1x16xf32>,
    %swap3A_1494 = arith.constant 27 : i32
    %swap3A_1495 = arith.index_cast %swap3A_1494 : i32 to index
    %swap3A_1496 = arith.constant 96 : index
    %swap3A_1497 = tpu.vector_load %arg8[%swap3A_1495, %swap3A_1496] {strides = array<i32>} : memref<40x144xf32, #tpu.memory_space<vmem>>, vector<1x16xf32>,
    %swap3A_1498 = vector.shape_cast %swap3A_1497 : vector<1x16xf32> to vector<16xf32>
    %swap3A_1499 = vector.shape_cast %broadcast_in_dim3A_0 : vector<16xf32> to vector<1x16xf32>
    tpu.vector_store %arg8[%swap3A_1495, %swap3A_1496], %swap3A_1499 {strides = array<i32>} : memref<40x144xf32, #tpu.memory_space<vmem>>, vector<1x16xf32>,
    %swap3A_1500 = arith.constant 27 : i32
    %swap3A_1501 = arith.index_cast %swap3A_1500 : i32 to index
    %swap3A_1502 = arith.constant 112 : index
    %swap3A_1503 = tpu.vector_load %arg8[%swap3A_1501, %swap3A_1502] {strides = array<i32>} : memref<40x144xf32, #tpu.memory_space<vmem>>, vector<1x16xf32>,
    %swap3A_1504 = vector.shape_cast %swap3A_1503 : vector<1x16xf32> to vector<16xf32>
    %swap3A_1505 = vector.shape_cast %broadcast_in_dim3A_0 : vector<16xf32> to vector<1x16xf32>
    tpu.vector_store %arg8[%swap3A_1501, %swap3A_1502], %swap3A_1505 {strides = array<i32>} : memref<40x144xf32, #tpu.memory_space<vmem>>, vector<1x16xf32>,
    %swap3A_1506 = arith.constant 27 : i32
    %swap3A_1507 = arith.index_cast %swap3A_1506 : i32 to index
    %swap3A_1508 = arith.constant 128 : index
    %swap3A_1509 = tpu.vector_load %arg8[%swap3A_1507, %swap3A_1508] {strides = array<i32>} : memref<40x144xf32, #tpu.memory_space<vmem>>, vector<1x16xf32>,
    %swap3A_1510 = vector.shape_cast %swap3A_1509 : vector<1x16xf32> to vector<16xf32>
    %swap3A_1511 = vector.shape_cast %broadcast_in_dim3A_0 : vector<16xf32> to vector<1x16xf32>
    tpu.vector_store %arg8[%swap3A_1507, %swap3A_1508], %swap3A_1511 {strides = array<i32>} : memref<40x144xf32, #tpu.memory_space<vmem>>, vector<1x16xf32>,
    %swap3A_1512 = arith.constant 28 : i32
    %swap3A_1513 = arith.index_cast %swap3A_1512 : i32 to index
    %swap3A_1514 = arith.constant 0 : index
    %swap3A_1515 = tpu.vector_load %arg8[%swap3A_1513, %swap3A_1514] {strides = array<i32>} : memref<40x144xf32, #tpu.memory_space<vmem>>, vector<1x16xf32>,
    %swap3A_1516 = vector.shape_cast %swap3A_1515 : vector<1x16xf32> to vector<16xf32>
    %swap3A_1517 = vector.shape_cast %broadcast_in_dim3A_0 : vector<16xf32> to vector<1x16xf32>
    tpu.vector_store %arg8[%swap3A_1513, %swap3A_1514], %swap3A_1517 {strides = array<i32>} : memref<40x144xf32, #tpu.memory_space<vmem>>, vector<1x16xf32>,
    %swap3A_1518 = arith.constant 28 : i32
    %swap3A_1519 = arith.index_cast %swap3A_1518 : i32 to index
    %swap3A_1520 = arith.constant 16 : index
    %swap3A_1521 = tpu.vector_load %arg8[%swap3A_1519, %swap3A_1520] {strides = array<i32>} : memref<40x144xf32, #tpu.memory_space<vmem>>, vector<1x16xf32>,
    %swap3A_1522 = vector.shape_cast %swap3A_1521 : vector<1x16xf32> to vector<16xf32>
    %swap3A_1523 = vector.shape_cast %broadcast_in_dim3A_0 : vector<16xf32> to vector<1x16xf32>
    tpu.vector_store %arg8[%swap3A_1519, %swap3A_1520], %swap3A_1523 {strides = array<i32>} : memref<40x144xf32, #tpu.memory_space<vmem>>, vector<1x16xf32>,
    %swap3A_1524 = arith.constant 28 : i32
    %swap3A_1525 = arith.index_cast %swap3A_1524 : i32 to index
    %swap3A_1526 = arith.constant 32 : index
    %swap3A_1527 = tpu.vector_load %arg8[%swap3A_1525, %swap3A_1526] {strides = array<i32>} : memref<40x144xf32, #tpu.memory_space<vmem>>, vector<1x16xf32>,
    %swap3A_1528 = vector.shape_cast %swap3A_1527 : vector<1x16xf32> to vector<16xf32>
    %swap3A_1529 = vector.shape_cast %broadcast_in_dim3A_0 : vector<16xf32> to vector<1x16xf32>
    tpu.vector_store %arg8[%swap3A_1525, %swap3A_1526], %swap3A_1529 {strides = array<i32>} : memref<40x144xf32, #tpu.memory_space<vmem>>, vector<1x16xf32>,
    %swap3A_1530 = arith.constant 28 : i32
    %swap3A_1531 = arith.index_cast %swap3A_1530 : i32 to index
    %swap3A_1532 = arith.constant 48 : index
    %swap3A_1533 = tpu.vector_load %arg8[%swap3A_1531, %swap3A_1532] {strides = array<i32>} : memref<40x144xf32, #tpu.memory_space<vmem>>, vector<1x16xf32>,
    %swap3A_1534 = vector.shape_cast %swap3A_1533 : vector<1x16xf32> to vector<16xf32>
    %swap3A_1535 = vector.shape_cast %broadcast_in_dim3A_0 : vector<16xf32> to vector<1x16xf32>
    tpu.vector_store %arg8[%swap3A_1531, %swap3A_1532], %swap3A_1535 {strides = array<i32>} : memref<40x144xf32, #tpu.memory_space<vmem>>, vector<1x16xf32>,
    %swap3A_1536 = arith.constant 28 : i32
    %swap3A_1537 = arith.index_cast %swap3A_1536 : i32 to index
    %swap3A_1538 = arith.constant 64 : index
    %swap3A_1539 = tpu.vector_load %arg8[%swap3A_1537, %swap3A_1538] {strides = array<i32>} : memref<40x144xf32, #tpu.memory_space<vmem>>, vector<1x16xf32>,
    %swap3A_1540 = vector.shape_cast %swap3A_1539 : vector<1x16xf32> to vector<16xf32>
    %swap3A_1541 = vector.shape_cast %broadcast_in_dim3A_0 : vector<16xf32> to vector<1x16xf32>
    tpu.vector_store %arg8[%swap3A_1537, %swap3A_1538], %swap3A_1541 {strides = array<i32>} : memref<40x144xf32, #tpu.memory_space<vmem>>, vector<1x16xf32>,
    %swap3A_1542 = arith.constant 28 : i32
    %swap3A_1543 = arith.index_cast %swap3A_1542 : i32 to index
    %swap3A_1544 = arith.constant 80 : index
    %swap3A_1545 = tpu.vector_load %arg8[%swap3A_1543, %swap3A_1544] {strides = array<i32>} : memref<40x144xf32, #tpu.memory_space<vmem>>, vector<1x16xf32>,
    %swap3A_1546 = vector.shape_cast %swap3A_1545 : vector<1x16xf32> to vector<16xf32>
    %swap3A_1547 = vector.shape_cast %broadcast_in_dim3A_0 : vector<16xf32> to vector<1x16xf32>
    tpu.vector_store %arg8[%swap3A_1543, %swap3A_1544], %swap3A_1547 {strides = array<i32>} : memref<40x144xf32, #tpu.memory_space<vmem>>, vector<1x16xf32>,
    %swap3A_1548 = arith.constant 28 : i32
    %swap3A_1549 = arith.index_cast %swap3A_1548 : i32 to index
    %swap3A_1550 = arith.constant 96 : index
    %swap3A_1551 = tpu.vector_load %arg8[%swap3A_1549, %swap3A_1550] {strides = array<i32>} : memref<40x144xf32, #tpu.memory_space<vmem>>, vector<1x16xf32>,
    %swap3A_1552 = vector.shape_cast %swap3A_1551 : vector<1x16xf32> to vector<16xf32>
    %swap3A_1553 = vector.shape_cast %broadcast_in_dim3A_0 : vector<16xf32> to vector<1x16xf32>
    tpu.vector_store %arg8[%swap3A_1549, %swap3A_1550], %swap3A_1553 {strides = array<i32>} : memref<40x144xf32, #tpu.memory_space<vmem>>, vector<1x16xf32>,
    %swap3A_1554 = arith.constant 28 : i32
    %swap3A_1555 = arith.index_cast %swap3A_1554 : i32 to index
    %swap3A_1556 = arith.constant 112 : index
    %swap3A_1557 = tpu.vector_load %arg8[%swap3A_1555, %swap3A_1556] {strides = array<i32>} : memref<40x144xf32, #tpu.memory_space<vmem>>, vector<1x16xf32>,
    %swap3A_1558 = vector.shape_cast %swap3A_1557 : vector<1x16xf32> to vector<16xf32>
    %swap3A_1559 = vector.shape_cast %broadcast_in_dim3A_0 : vector<16xf32> to vector<1x16xf32>
    tpu.vector_store %arg8[%swap3A_1555, %swap3A_1556], %swap3A_1559 {strides = array<i32>} : memref<40x144xf32, #tpu.memory_space<vmem>>, vector<1x16xf32>,
    %swap3A_1560 = arith.constant 28 : i32
    %swap3A_1561 = arith.index_cast %swap3A_1560 : i32 to index
    %swap3A_1562 = arith.constant 128 : index
    %swap3A_1563 = tpu.vector_load %arg8[%swap3A_1561, %swap3A_1562] {strides = array<i32>} : memref<40x144xf32, #tpu.memory_space<vmem>>, vector<1x16xf32>,
    %swap3A_1564 = vector.shape_cast %swap3A_1563 : vector<1x16xf32> to vector<16xf32>
    %swap3A_1565 = vector.shape_cast %broadcast_in_dim3A_0 : vector<16xf32> to vector<1x16xf32>
    tpu.vector_store %arg8[%swap3A_1561, %swap3A_1562], %swap3A_1565 {strides = array<i32>} : memref<40x144xf32, #tpu.memory_space<vmem>>, vector<1x16xf32>,
    %swap3A_1566 = arith.constant 29 : i32
    %swap3A_1567 = arith.index_cast %swap3A_1566 : i32 to index
    %swap3A_1568 = arith.constant 0 : index
    %swap3A_1569 = tpu.vector_load %arg8[%swap3A_1567, %swap3A_1568] {strides = array<i32>} : memref<40x144xf32, #tpu.memory_space<vmem>>, vector<1x16xf32>,
    %swap3A_1570 = vector.shape_cast %swap3A_1569 : vector<1x16xf32> to vector<16xf32>
    %swap3A_1571 = vector.shape_cast %broadcast_in_dim3A_0 : vector<16xf32> to vector<1x16xf32>
    tpu.vector_store %arg8[%swap3A_1567, %swap3A_1568], %swap3A_1571 {strides = array<i32>} : memref<40x144xf32, #tpu.memory_space<vmem>>, vector<1x16xf32>,
    %swap3A_1572 = arith.constant 29 : i32
    %swap3A_1573 = arith.index_cast %swap3A_1572 : i32 to index
    %swap3A_1574 = arith.constant 16 : index
    %swap3A_1575 = tpu.vector_load %arg8[%swap3A_1573, %swap3A_1574] {strides = array<i32>} : memref<40x144xf32, #tpu.memory_space<vmem>>, vector<1x16xf32>,
    %swap3A_1576 = vector.shape_cast %swap3A_1575 : vector<1x16xf32> to vector<16xf32>
    %swap3A_1577 = vector.shape_cast %broadcast_in_dim3A_0 : vector<16xf32> to vector<1x16xf32>
    tpu.vector_store %arg8[%swap3A_1573, %swap3A_1574], %swap3A_1577 {strides = array<i32>} : memref<40x144xf32, #tpu.memory_space<vmem>>, vector<1x16xf32>,
    %swap3A_1578 = arith.constant 29 : i32
    %swap3A_1579 = arith.index_cast %swap3A_1578 : i32 to index
    %swap3A_1580 = arith.constant 32 : index
    %swap3A_1581 = tpu.vector_load %arg8[%swap3A_1579, %swap3A_1580] {strides = array<i32>} : memref<40x144xf32, #tpu.memory_space<vmem>>, vector<1x16xf32>,
    %swap3A_1582 = vector.shape_cast %swap3A_1581 : vector<1x16xf32> to vector<16xf32>
    %swap3A_1583 = vector.shape_cast %broadcast_in_dim3A_0 : vector<16xf32> to vector<1x16xf32>
    tpu.vector_store %arg8[%swap3A_1579, %swap3A_1580], %swap3A_1583 {strides = array<i32>} : memref<40x144xf32, #tpu.memory_space<vmem>>, vector<1x16xf32>,
    %swap3A_1584 = arith.constant 29 : i32
    %swap3A_1585 = arith.index_cast %swap3A_1584 : i32 to index
    %swap3A_1586 = arith.constant 48 : index
    %swap3A_1587 = tpu.vector_load %arg8[%swap3A_1585, %swap3A_1586] {strides = array<i32>} : memref<40x144xf32, #tpu.memory_space<vmem>>, vector<1x16xf32>,
    %swap3A_1588 = vector.shape_cast %swap3A_1587 : vector<1x16xf32> to vector<16xf32>
    %swap3A_1589 = vector.shape_cast %broadcast_in_dim3A_0 : vector<16xf32> to vector<1x16xf32>
    tpu.vector_store %arg8[%swap3A_1585, %swap3A_1586], %swap3A_1589 {strides = array<i32>} : memref<40x144xf32, #tpu.memory_space<vmem>>, vector<1x16xf32>,
    %swap3A_1590 = arith.constant 29 : i32
    %swap3A_1591 = arith.index_cast %swap3A_1590 : i32 to index
    %swap3A_1592 = arith.constant 64 : index
    %swap3A_1593 = tpu.vector_load %arg8[%swap3A_1591, %swap3A_1592] {strides = array<i32>} : memref<40x144xf32, #tpu.memory_space<vmem>>, vector<1x16xf32>,
    %swap3A_1594 = vector.shape_cast %swap3A_1593 : vector<1x16xf32> to vector<16xf32>
    %swap3A_1595 = vector.shape_cast %broadcast_in_dim3A_0 : vector<16xf32> to vector<1x16xf32>
    tpu.vector_store %arg8[%swap3A_1591, %swap3A_1592], %swap3A_1595 {strides = array<i32>} : memref<40x144xf32, #tpu.memory_space<vmem>>, vector<1x16xf32>,
    %swap3A_1596 = arith.constant 29 : i32
    %swap3A_1597 = arith.index_cast %swap3A_1596 : i32 to index
    %swap3A_1598 = arith.constant 80 : index
    %swap3A_1599 = tpu.vector_load %arg8[%swap3A_1597, %swap3A_1598] {strides = array<i32>} : memref<40x144xf32, #tpu.memory_space<vmem>>, vector<1x16xf32>,
    %swap3A_1600 = vector.shape_cast %swap3A_1599 : vector<1x16xf32> to vector<16xf32>
    %swap3A_1601 = vector.shape_cast %broadcast_in_dim3A_0 : vector<16xf32> to vector<1x16xf32>
    tpu.vector_store %arg8[%swap3A_1597, %swap3A_1598], %swap3A_1601 {strides = array<i32>} : memref<40x144xf32, #tpu.memory_space<vmem>>, vector<1x16xf32>,
    %swap3A_1602 = arith.constant 29 : i32
    %swap3A_1603 = arith.index_cast %swap3A_1602 : i32 to index
    %swap3A_1604 = arith.constant 96 : index
    %swap3A_1605 = tpu.vector_load %arg8[%swap3A_1603, %swap3A_1604] {strides = array<i32>} : memref<40x144xf32, #tpu.memory_space<vmem>>, vector<1x16xf32>,
    %swap3A_1606 = vector.shape_cast %swap3A_1605 : vector<1x16xf32> to vector<16xf32>
    %swap3A_1607 = vector.shape_cast %broadcast_in_dim3A_0 : vector<16xf32> to vector<1x16xf32>
    tpu.vector_store %arg8[%swap3A_1603, %swap3A_1604], %swap3A_1607 {strides = array<i32>} : memref<40x144xf32, #tpu.memory_space<vmem>>, vector<1x16xf32>,
    %swap3A_1608 = arith.constant 29 : i32
    %swap3A_1609 = arith.index_cast %swap3A_1608 : i32 to index
    %swap3A_1610 = arith.constant 112 : index
    %swap3A_1611 = tpu.vector_load %arg8[%swap3A_1609, %swap3A_1610] {strides = array<i32>} : memref<40x144xf32, #tpu.memory_space<vmem>>, vector<1x16xf32>,
    %swap3A_1612 = vector.shape_cast %swap3A_1611 : vector<1x16xf32> to vector<16xf32>
    %swap3A_1613 = vector.shape_cast %broadcast_in_dim3A_0 : vector<16xf32> to vector<1x16xf32>
    tpu.vector_store %arg8[%swap3A_1609, %swap3A_1610], %swap3A_1613 {strides = array<i32>} : memref<40x144xf32, #tpu.memory_space<vmem>>, vector<1x16xf32>,
    %swap3A_1614 = arith.constant 29 : i32
    %swap3A_1615 = arith.index_cast %swap3A_1614 : i32 to index
    %swap3A_1616 = arith.constant 128 : index
    %swap3A_1617 = tpu.vector_load %arg8[%swap3A_1615, %swap3A_1616] {strides = array<i32>} : memref<40x144xf32, #tpu.memory_space<vmem>>, vector<1x16xf32>,
    %swap3A_1618 = vector.shape_cast %swap3A_1617 : vector<1x16xf32> to vector<16xf32>
    %swap3A_1619 = vector.shape_cast %broadcast_in_dim3A_0 : vector<16xf32> to vector<1x16xf32>
    tpu.vector_store %arg8[%swap3A_1615, %swap3A_1616], %swap3A_1619 {strides = array<i32>} : memref<40x144xf32, #tpu.memory_space<vmem>>, vector<1x16xf32>,
    %swap3A_1620 = arith.constant 30 : i32
    %swap3A_1621 = arith.index_cast %swap3A_1620 : i32 to index
    %swap3A_1622 = arith.constant 0 : index
    %swap3A_1623 = tpu.vector_load %arg8[%swap3A_1621, %swap3A_1622] {strides = array<i32>} : memref<40x144xf32, #tpu.memory_space<vmem>>, vector<1x16xf32>,
    %swap3A_1624 = vector.shape_cast %swap3A_1623 : vector<1x16xf32> to vector<16xf32>
    %swap3A_1625 = vector.shape_cast %broadcast_in_dim3A_0 : vector<16xf32> to vector<1x16xf32>
    tpu.vector_store %arg8[%swap3A_1621, %swap3A_1622], %swap3A_1625 {strides = array<i32>} : memref<40x144xf32, #tpu.memory_space<vmem>>, vector<1x16xf32>,
    %swap3A_1626 = arith.constant 30 : i32
    %swap3A_1627 = arith.index_cast %swap3A_1626 : i32 to index
    %swap3A_1628 = arith.constant 16 : index
    %swap3A_1629 = tpu.vector_load %arg8[%swap3A_1627, %swap3A_1628] {strides = array<i32>} : memref<40x144xf32, #tpu.memory_space<vmem>>, vector<1x16xf32>,
    %swap3A_1630 = vector.shape_cast %swap3A_1629 : vector<1x16xf32> to vector<16xf32>
    %swap3A_1631 = vector.shape_cast %broadcast_in_dim3A_0 : vector<16xf32> to vector<1x16xf32>
    tpu.vector_store %arg8[%swap3A_1627, %swap3A_1628], %swap3A_1631 {strides = array<i32>} : memref<40x144xf32, #tpu.memory_space<vmem>>, vector<1x16xf32>,
    %swap3A_1632 = arith.constant 30 : i32
    %swap3A_1633 = arith.index_cast %swap3A_1632 : i32 to index
    %swap3A_1634 = arith.constant 32 : index
    %swap3A_1635 = tpu.vector_load %arg8[%swap3A_1633, %swap3A_1634] {strides = array<i32>} : memref<40x144xf32, #tpu.memory_space<vmem>>, vector<1x16xf32>,
    %swap3A_1636 = vector.shape_cast %swap3A_1635 : vector<1x16xf32> to vector<16xf32>
    %swap3A_1637 = vector.shape_cast %broadcast_in_dim3A_0 : vector<16xf32> to vector<1x16xf32>
    tpu.vector_store %arg8[%swap3A_1633, %swap3A_1634], %swap3A_1637 {strides = array<i32>} : memref<40x144xf32, #tpu.memory_space<vmem>>, vector<1x16xf32>,
    %swap3A_1638 = arith.constant 30 : i32
    %swap3A_1639 = arith.index_cast %swap3A_1638 : i32 to index
    %swap3A_1640 = arith.constant 48 : index
    %swap3A_1641 = tpu.vector_load %arg8[%swap3A_1639, %swap3A_1640] {strides = array<i32>} : memref<40x144xf32, #tpu.memory_space<vmem>>, vector<1x16xf32>,
    %swap3A_1642 = vector.shape_cast %swap3A_1641 : vector<1x16xf32> to vector<16xf32>
    %swap3A_1643 = vector.shape_cast %broadcast_in_dim3A_0 : vector<16xf32> to vector<1x16xf32>
    tpu.vector_store %arg8[%swap3A_1639, %swap3A_1640], %swap3A_1643 {strides = array<i32>} : memref<40x144xf32, #tpu.memory_space<vmem>>, vector<1x16xf32>,
    %swap3A_1644 = arith.constant 30 : i32
    %swap3A_1645 = arith.index_cast %swap3A_1644 : i32 to index
    %swap3A_1646 = arith.constant 64 : index
    %swap3A_1647 = tpu.vector_load %arg8[%swap3A_1645, %swap3A_1646] {strides = array<i32>} : memref<40x144xf32, #tpu.memory_space<vmem>>, vector<1x16xf32>,
    %swap3A_1648 = vector.shape_cast %swap3A_1647 : vector<1x16xf32> to vector<16xf32>
    %swap3A_1649 = vector.shape_cast %broadcast_in_dim3A_0 : vector<16xf32> to vector<1x16xf32>
    tpu.vector_store %arg8[%swap3A_1645, %swap3A_1646], %swap3A_1649 {strides = array<i32>} : memref<40x144xf32, #tpu.memory_space<vmem>>, vector<1x16xf32>,
    %swap3A_1650 = arith.constant 30 : i32
    %swap3A_1651 = arith.index_cast %swap3A_1650 : i32 to index
    %swap3A_1652 = arith.constant 80 : index
    %swap3A_1653 = tpu.vector_load %arg8[%swap3A_1651, %swap3A_1652] {strides = array<i32>} : memref<40x144xf32, #tpu.memory_space<vmem>>, vector<1x16xf32>,
    %swap3A_1654 = vector.shape_cast %swap3A_1653 : vector<1x16xf32> to vector<16xf32>
    %swap3A_1655 = vector.shape_cast %broadcast_in_dim3A_0 : vector<16xf32> to vector<1x16xf32>
    tpu.vector_store %arg8[%swap3A_1651, %swap3A_1652], %swap3A_1655 {strides = array<i32>} : memref<40x144xf32, #tpu.memory_space<vmem>>, vector<1x16xf32>,
    %swap3A_1656 = arith.constant 30 : i32
    %swap3A_1657 = arith.index_cast %swap3A_1656 : i32 to index
    %swap3A_1658 = arith.constant 96 : index
    %swap3A_1659 = tpu.vector_load %arg8[%swap3A_1657, %swap3A_1658] {strides = array<i32>} : memref<40x144xf32, #tpu.memory_space<vmem>>, vector<1x16xf32>,
    %swap3A_1660 = vector.shape_cast %swap3A_1659 : vector<1x16xf32> to vector<16xf32>
    %swap3A_1661 = vector.shape_cast %broadcast_in_dim3A_0 : vector<16xf32> to vector<1x16xf32>
    tpu.vector_store %arg8[%swap3A_1657, %swap3A_1658], %swap3A_1661 {strides = array<i32>} : memref<40x144xf32, #tpu.memory_space<vmem>>, vector<1x16xf32>,
    %swap3A_1662 = arith.constant 30 : i32
    %swap3A_1663 = arith.index_cast %swap3A_1662 : i32 to index
    %swap3A_1664 = arith.constant 112 : index
    %swap3A_1665 = tpu.vector_load %arg8[%swap3A_1663, %swap3A_1664] {strides = array<i32>} : memref<40x144xf32, #tpu.memory_space<vmem>>, vector<1x16xf32>,
    %swap3A_1666 = vector.shape_cast %swap3A_1665 : vector<1x16xf32> to vector<16xf32>
    %swap3A_1667 = vector.shape_cast %broadcast_in_dim3A_0 : vector<16xf32> to vector<1x16xf32>
    tpu.vector_store %arg8[%swap3A_1663, %swap3A_1664], %swap3A_1667 {strides = array<i32>} : memref<40x144xf32, #tpu.memory_space<vmem>>, vector<1x16xf32>,
    %swap3A_1668 = arith.constant 30 : i32
    %swap3A_1669 = arith.index_cast %swap3A_1668 : i32 to index
    %swap3A_1670 = arith.constant 128 : index
    %swap3A_1671 = tpu.vector_load %arg8[%swap3A_1669, %swap3A_1670] {strides = array<i32>} : memref<40x144xf32, #tpu.memory_space<vmem>>, vector<1x16xf32>,
    %swap3A_1672 = vector.shape_cast %swap3A_1671 : vector<1x16xf32> to vector<16xf32>
    %swap3A_1673 = vector.shape_cast %broadcast_in_dim3A_0 : vector<16xf32> to vector<1x16xf32>
    tpu.vector_store %arg8[%swap3A_1669, %swap3A_1670], %swap3A_1673 {strides = array<i32>} : memref<40x144xf32, #tpu.memory_space<vmem>>, vector<1x16xf32>,
    %swap3A_1674 = arith.constant 31 : i32
    %swap3A_1675 = arith.index_cast %swap3A_1674 : i32 to index
    %swap3A_1676 = arith.constant 0 : index
    %swap3A_1677 = tpu.vector_load %arg8[%swap3A_1675, %swap3A_1676] {strides = array<i32>} : memref<40x144xf32, #tpu.memory_space<vmem>>, vector<1x16xf32>,
    %swap3A_1678 = vector.shape_cast %swap3A_1677 : vector<1x16xf32> to vector<16xf32>
    %swap3A_1679 = vector.shape_cast %broadcast_in_dim3A_0 : vector<16xf32> to vector<1x16xf32>
    tpu.vector_store %arg8[%swap3A_1675, %swap3A_1676], %swap3A_1679 {strides = array<i32>} : memref<40x144xf32, #tpu.memory_space<vmem>>, vector<1x16xf32>,
    %swap3A_1680 = arith.constant 31 : i32
    %swap3A_1681 = arith.index_cast %swap3A_1680 : i32 to index
    %swap3A_1682 = arith.constant 16 : index
    %swap3A_1683 = tpu.vector_load %arg8[%swap3A_1681, %swap3A_1682] {strides = array<i32>} : memref<40x144xf32, #tpu.memory_space<vmem>>, vector<1x16xf32>,
    %swap3A_1684 = vector.shape_cast %swap3A_1683 : vector<1x16xf32> to vector<16xf32>
    %swap3A_1685 = vector.shape_cast %broadcast_in_dim3A_0 : vector<16xf32> to vector<1x16xf32>
    tpu.vector_store %arg8[%swap3A_1681, %swap3A_1682], %swap3A_1685 {strides = array<i32>} : memref<40x144xf32, #tpu.memory_space<vmem>>, vector<1x16xf32>,
    %swap3A_1686 = arith.constant 31 : i32
    %swap3A_1687 = arith.index_cast %swap3A_1686 : i32 to index
    %swap3A_1688 = arith.constant 32 : index
    %swap3A_1689 = tpu.vector_load %arg8[%swap3A_1687, %swap3A_1688] {strides = array<i32>} : memref<40x144xf32, #tpu.memory_space<vmem>>, vector<1x16xf32>,
    %swap3A_1690 = vector.shape_cast %swap3A_1689 : vector<1x16xf32> to vector<16xf32>
    %swap3A_1691 = vector.shape_cast %broadcast_in_dim3A_0 : vector<16xf32> to vector<1x16xf32>
    tpu.vector_store %arg8[%swap3A_1687, %swap3A_1688], %swap3A_1691 {strides = array<i32>} : memref<40x144xf32, #tpu.memory_space<vmem>>, vector<1x16xf32>,
    %swap3A_1692 = arith.constant 31 : i32
    %swap3A_1693 = arith.index_cast %swap3A_1692 : i32 to index
    %swap3A_1694 = arith.constant 48 : index
    %swap3A_1695 = tpu.vector_load %arg8[%swap3A_1693, %swap3A_1694] {strides = array<i32>} : memref<40x144xf32, #tpu.memory_space<vmem>>, vector<1x16xf32>,
    %swap3A_1696 = vector.shape_cast %swap3A_1695 : vector<1x16xf32> to vector<16xf32>
    %swap3A_1697 = vector.shape_cast %broadcast_in_dim3A_0 : vector<16xf32> to vector<1x16xf32>
    tpu.vector_store %arg8[%swap3A_1693, %swap3A_1694], %swap3A_1697 {strides = array<i32>} : memref<40x144xf32, #tpu.memory_space<vmem>>, vector<1x16xf32>,
    %swap3A_1698 = arith.constant 31 : i32
    %swap3A_1699 = arith.index_cast %swap3A_1698 : i32 to index
    %swap3A_1700 = arith.constant 64 : index
    %swap3A_1701 = tpu.vector_load %arg8[%swap3A_1699, %swap3A_1700] {strides = array<i32>} : memref<40x144xf32, #tpu.memory_space<vmem>>, vector<1x16xf32>,
    %swap3A_1702 = vector.shape_cast %swap3A_1701 : vector<1x16xf32> to vector<16xf32>
    %swap3A_1703 = vector.shape_cast %broadcast_in_dim3A_0 : vector<16xf32> to vector<1x16xf32>
    tpu.vector_store %arg8[%swap3A_1699, %swap3A_1700], %swap3A_1703 {strides = array<i32>} : memref<40x144xf32, #tpu.memory_space<vmem>>, vector<1x16xf32>,
    %swap3A_1704 = arith.constant 31 : i32
    %swap3A_1705 = arith.index_cast %swap3A_1704 : i32 to index
    %swap3A_1706 = arith.constant 80 : index
    %swap3A_1707 = tpu.vector_load %arg8[%swap3A_1705, %swap3A_1706] {strides = array<i32>} : memref<40x144xf32, #tpu.memory_space<vmem>>, vector<1x16xf32>,
    %swap3A_1708 = vector.shape_cast %swap3A_1707 : vector<1x16xf32> to vector<16xf32>
    %swap3A_1709 = vector.shape_cast %broadcast_in_dim3A_0 : vector<16xf32> to vector<1x16xf32>
    tpu.vector_store %arg8[%swap3A_1705, %swap3A_1706], %swap3A_1709 {strides = array<i32>} : memref<40x144xf32, #tpu.memory_space<vmem>>, vector<1x16xf32>,
    %swap3A_1710 = arith.constant 31 : i32
    %swap3A_1711 = arith.index_cast %swap3A_1710 : i32 to index
    %swap3A_1712 = arith.constant 96 : index
    %swap3A_1713 = tpu.vector_load %arg8[%swap3A_1711, %swap3A_1712] {strides = array<i32>} : memref<40x144xf32, #tpu.memory_space<vmem>>, vector<1x16xf32>,
    %swap3A_1714 = vector.shape_cast %swap3A_1713 : vector<1x16xf32> to vector<16xf32>
    %swap3A_1715 = vector.shape_cast %broadcast_in_dim3A_0 : vector<16xf32> to vector<1x16xf32>
    tpu.vector_store %arg8[%swap3A_1711, %swap3A_1712], %swap3A_1715 {strides = array<i32>} : memref<40x144xf32, #tpu.memory_space<vmem>>, vector<1x16xf32>,
    %swap3A_1716 = arith.constant 31 : i32
    %swap3A_1717 = arith.index_cast %swap3A_1716 : i32 to index
    %swap3A_1718 = arith.constant 112 : index
    %swap3A_1719 = tpu.vector_load %arg8[%swap3A_1717, %swap3A_1718] {strides = array<i32>} : memref<40x144xf32, #tpu.memory_space<vmem>>, vector<1x16xf32>,
    %swap3A_1720 = vector.shape_cast %swap3A_1719 : vector<1x16xf32> to vector<16xf32>
    %swap3A_1721 = vector.shape_cast %broadcast_in_dim3A_0 : vector<16xf32> to vector<1x16xf32>
    tpu.vector_store %arg8[%swap3A_1717, %swap3A_1718], %swap3A_1721 {strides = array<i32>} : memref<40x144xf32, #tpu.memory_space<vmem>>, vector<1x16xf32>,
    %swap3A_1722 = arith.constant 31 : i32
    %swap3A_1723 = arith.index_cast %swap3A_1722 : i32 to index
    %swap3A_1724 = arith.constant 128 : index
    %swap3A_1725 = tpu.vector_load %arg8[%swap3A_1723, %swap3A_1724] {strides = array<i32>} : memref<40x144xf32, #tpu.memory_space<vmem>>, vector<1x16xf32>,
    %swap3A_1726 = vector.shape_cast %swap3A_1725 : vector<1x16xf32> to vector<16xf32>
    %swap3A_1727 = vector.shape_cast %broadcast_in_dim3A_0 : vector<16xf32> to vector<1x16xf32>
    tpu.vector_store %arg8[%swap3A_1723, %swap3A_1724], %swap3A_1727 {strides = array<i32>} : memref<40x144xf32, #tpu.memory_space<vmem>>, vector<1x16xf32>,
    %swap3A_1728 = arith.constant 32 : i32
    %swap3A_1729 = arith.index_cast %swap3A_1728 : i32 to index
    %swap3A_1730 = arith.constant 0 : index
    %swap3A_1731 = tpu.vector_load %arg8[%swap3A_1729, %swap3A_1730] {strides = array<i32>} : memref<40x144xf32, #tpu.memory_space<vmem>>, vector<1x16xf32>,
    %swap3A_1732 = vector.shape_cast %swap3A_1731 : vector<1x16xf32> to vector<16xf32>
    %swap3A_1733 = vector.shape_cast %broadcast_in_dim3A_0 : vector<16xf32> to vector<1x16xf32>
    tpu.vector_store %arg8[%swap3A_1729, %swap3A_1730], %swap3A_1733 {strides = array<i32>} : memref<40x144xf32, #tpu.memory_space<vmem>>, vector<1x16xf32>,
    %swap3A_1734 = arith.constant 32 : i32
    %swap3A_1735 = arith.index_cast %swap3A_1734 : i32 to index
    %swap3A_1736 = arith.constant 16 : index
    %swap3A_1737 = tpu.vector_load %arg8[%swap3A_1735, %swap3A_1736] {strides = array<i32>} : memref<40x144xf32, #tpu.memory_space<vmem>>, vector<1x16xf32>,
    %swap3A_1738 = vector.shape_cast %swap3A_1737 : vector<1x16xf32> to vector<16xf32>
    %swap3A_1739 = vector.shape_cast %broadcast_in_dim3A_0 : vector<16xf32> to vector<1x16xf32>
    tpu.vector_store %arg8[%swap3A_1735, %swap3A_1736], %swap3A_1739 {strides = array<i32>} : memref<40x144xf32, #tpu.memory_space<vmem>>, vector<1x16xf32>,
    %swap3A_1740 = arith.constant 32 : i32
    %swap3A_1741 = arith.index_cast %swap3A_1740 : i32 to index
    %swap3A_1742 = arith.constant 32 : index
    %swap3A_1743 = tpu.vector_load %arg8[%swap3A_1741, %swap3A_1742] {strides = array<i32>} : memref<40x144xf32, #tpu.memory_space<vmem>>, vector<1x16xf32>,
    %swap3A_1744 = vector.shape_cast %swap3A_1743 : vector<1x16xf32> to vector<16xf32>
    %swap3A_1745 = vector.shape_cast %broadcast_in_dim3A_0 : vector<16xf32> to vector<1x16xf32>
    tpu.vector_store %arg8[%swap3A_1741, %swap3A_1742], %swap3A_1745 {strides = array<i32>} : memref<40x144xf32, #tpu.memory_space<vmem>>, vector<1x16xf32>,
    %swap3A_1746 = arith.constant 32 : i32
    %swap3A_1747 = arith.index_cast %swap3A_1746 : i32 to index
    %swap3A_1748 = arith.constant 48 : index
    %swap3A_1749 = tpu.vector_load %arg8[%swap3A_1747, %swap3A_1748] {strides = array<i32>} : memref<40x144xf32, #tpu.memory_space<vmem>>, vector<1x16xf32>,
    %swap3A_1750 = vector.shape_cast %swap3A_1749 : vector<1x16xf32> to vector<16xf32>
    %swap3A_1751 = vector.shape_cast %broadcast_in_dim3A_0 : vector<16xf32> to vector<1x16xf32>
    tpu.vector_store %arg8[%swap3A_1747, %swap3A_1748], %swap3A_1751 {strides = array<i32>} : memref<40x144xf32, #tpu.memory_space<vmem>>, vector<1x16xf32>,
    %swap3A_1752 = arith.constant 32 : i32
    %swap3A_1753 = arith.index_cast %swap3A_1752 : i32 to index
    %swap3A_1754 = arith.constant 64 : index
    %swap3A_1755 = tpu.vector_load %arg8[%swap3A_1753, %swap3A_1754] {strides = array<i32>} : memref<40x144xf32, #tpu.memory_space<vmem>>, vector<1x16xf32>,
    %swap3A_1756 = vector.shape_cast %swap3A_1755 : vector<1x16xf32> to vector<16xf32>
    %swap3A_1757 = vector.shape_cast %broadcast_in_dim3A_0 : vector<16xf32> to vector<1x16xf32>
    tpu.vector_store %arg8[%swap3A_1753, %swap3A_1754], %swap3A_1757 {strides = array<i32>} : memref<40x144xf32, #tpu.memory_space<vmem>>, vector<1x16xf32>,
    %swap3A_1758 = arith.constant 32 : i32
    %swap3A_1759 = arith.index_cast %swap3A_1758 : i32 to index
    %swap3A_1760 = arith.constant 80 : index
    %swap3A_1761 = tpu.vector_load %arg8[%swap3A_1759, %swap3A_1760] {strides = array<i32>} : memref<40x144xf32, #tpu.memory_space<vmem>>, vector<1x16xf32>,
    %swap3A_1762 = vector.shape_cast %swap3A_1761 : vector<1x16xf32> to vector<16xf32>
    %swap3A_1763 = vector.shape_cast %broadcast_in_dim3A_0 : vector<16xf32> to vector<1x16xf32>
    tpu.vector_store %arg8[%swap3A_1759, %swap3A_1760], %swap3A_1763 {strides = array<i32>} : memref<40x144xf32, #tpu.memory_space<vmem>>, vector<1x16xf32>,
    %swap3A_1764 = arith.constant 32 : i32
    %swap3A_1765 = arith.index_cast %swap3A_1764 : i32 to index
    %swap3A_1766 = arith.constant 96 : index
    %swap3A_1767 = tpu.vector_load %arg8[%swap3A_1765, %swap3A_1766] {strides = array<i32>} : memref<40x144xf32, #tpu.memory_space<vmem>>, vector<1x16xf32>,
    %swap3A_1768 = vector.shape_cast %swap3A_1767 : vector<1x16xf32> to vector<16xf32>
    %swap3A_1769 = vector.shape_cast %broadcast_in_dim3A_0 : vector<16xf32> to vector<1x16xf32>
    tpu.vector_store %arg8[%swap3A_1765, %swap3A_1766], %swap3A_1769 {strides = array<i32>} : memref<40x144xf32, #tpu.memory_space<vmem>>, vector<1x16xf32>,
    %swap3A_1770 = arith.constant 32 : i32
    %swap3A_1771 = arith.index_cast %swap3A_1770 : i32 to index
    %swap3A_1772 = arith.constant 112 : index
    %swap3A_1773 = tpu.vector_load %arg8[%swap3A_1771, %swap3A_1772] {strides = array<i32>} : memref<40x144xf32, #tpu.memory_space<vmem>>, vector<1x16xf32>,
    %swap3A_1774 = vector.shape_cast %swap3A_1773 : vector<1x16xf32> to vector<16xf32>
    %swap3A_1775 = vector.shape_cast %broadcast_in_dim3A_0 : vector<16xf32> to vector<1x16xf32>
    tpu.vector_store %arg8[%swap3A_1771, %swap3A_1772], %swap3A_1775 {strides = array<i32>} : memref<40x144xf32, #tpu.memory_space<vmem>>, vector<1x16xf32>,
    %swap3A_1776 = arith.constant 32 : i32
    %swap3A_1777 = arith.index_cast %swap3A_1776 : i32 to index
    %swap3A_1778 = arith.constant 128 : index
    %swap3A_1779 = tpu.vector_load %arg8[%swap3A_1777, %swap3A_1778] {strides = array<i32>} : memref<40x144xf32, #tpu.memory_space<vmem>>, vector<1x16xf32>,
    %swap3A_1780 = vector.shape_cast %swap3A_1779 : vector<1x16xf32> to vector<16xf32>
    %swap3A_1781 = vector.shape_cast %broadcast_in_dim3A_0 : vector<16xf32> to vector<1x16xf32>
    tpu.vector_store %arg8[%swap3A_1777, %swap3A_1778], %swap3A_1781 {strides = array<i32>} : memref<40x144xf32, #tpu.memory_space<vmem>>, vector<1x16xf32>,
    %swap3A_1782 = arith.constant 33 : i32
    %swap3A_1783 = arith.index_cast %swap3A_1782 : i32 to index
    %swap3A_1784 = arith.constant 0 : index
    %swap3A_1785 = tpu.vector_load %arg8[%swap3A_1783, %swap3A_1784] {strides = array<i32>} : memref<40x144xf32, #tpu.memory_space<vmem>>, vector<1x16xf32>,
    %swap3A_1786 = vector.shape_cast %swap3A_1785 : vector<1x16xf32> to vector<16xf32>
    %swap3A_1787 = vector.shape_cast %broadcast_in_dim3A_0 : vector<16xf32> to vector<1x16xf32>
    tpu.vector_store %arg8[%swap3A_1783, %swap3A_1784], %swap3A_1787 {strides = array<i32>} : memref<40x144xf32, #tpu.memory_space<vmem>>, vector<1x16xf32>,
    %swap3A_1788 = arith.constant 33 : i32
    %swap3A_1789 = arith.index_cast %swap3A_1788 : i32 to index
    %swap3A_1790 = arith.constant 16 : index
    %swap3A_1791 = tpu.vector_load %arg8[%swap3A_1789, %swap3A_1790] {strides = array<i32>} : memref<40x144xf32, #tpu.memory_space<vmem>>, vector<1x16xf32>,
    %swap3A_1792 = vector.shape_cast %swap3A_1791 : vector<1x16xf32> to vector<16xf32>
    %swap3A_1793 = vector.shape_cast %broadcast_in_dim3A_0 : vector<16xf32> to vector<1x16xf32>
    tpu.vector_store %arg8[%swap3A_1789, %swap3A_1790], %swap3A_1793 {strides = array<i32>} : memref<40x144xf32, #tpu.memory_space<vmem>>, vector<1x16xf32>,
    %swap3A_1794 = arith.constant 33 : i32
    %swap3A_1795 = arith.index_cast %swap3A_1794 : i32 to index
    %swap3A_1796 = arith.constant 32 : index
    %swap3A_1797 = tpu.vector_load %arg8[%swap3A_1795, %swap3A_1796] {strides = array<i32>} : memref<40x144xf32, #tpu.memory_space<vmem>>, vector<1x16xf32>,
    %swap3A_1798 = vector.shape_cast %swap3A_1797 : vector<1x16xf32> to vector<16xf32>
    %swap3A_1799 = vector.shape_cast %broadcast_in_dim3A_0 : vector<16xf32> to vector<1x16xf32>
    tpu.vector_store %arg8[%swap3A_1795, %swap3A_1796], %swap3A_1799 {strides = array<i32>} : memref<40x144xf32, #tpu.memory_space<vmem>>, vector<1x16xf32>,
    %swap3A_1800 = arith.constant 33 : i32
    %swap3A_1801 = arith.index_cast %swap3A_1800 : i32 to index
    %swap3A_1802 = arith.constant 48 : index
    %swap3A_1803 = tpu.vector_load %arg8[%swap3A_1801, %swap3A_1802] {strides = array<i32>} : memref<40x144xf32, #tpu.memory_space<vmem>>, vector<1x16xf32>,
    %swap3A_1804 = vector.shape_cast %swap3A_1803 : vector<1x16xf32> to vector<16xf32>
    %swap3A_1805 = vector.shape_cast %broadcast_in_dim3A_0 : vector<16xf32> to vector<1x16xf32>
    tpu.vector_store %arg8[%swap3A_1801, %swap3A_1802], %swap3A_1805 {strides = array<i32>} : memref<40x144xf32, #tpu.memory_space<vmem>>, vector<1x16xf32>,
    %swap3A_1806 = arith.constant 33 : i32
    %swap3A_1807 = arith.index_cast %swap3A_1806 : i32 to index
    %swap3A_1808 = arith.constant 64 : index
    %swap3A_1809 = tpu.vector_load %arg8[%swap3A_1807, %swap3A_1808] {strides = array<i32>} : memref<40x144xf32, #tpu.memory_space<vmem>>, vector<1x16xf32>,
    %swap3A_1810 = vector.shape_cast %swap3A_1809 : vector<1x16xf32> to vector<16xf32>
    %swap3A_1811 = vector.shape_cast %broadcast_in_dim3A_0 : vector<16xf32> to vector<1x16xf32>
    tpu.vector_store %arg8[%swap3A_1807, %swap3A_1808], %swap3A_1811 {strides = array<i32>} : memref<40x144xf32, #tpu.memory_space<vmem>>, vector<1x16xf32>,
    %swap3A_1812 = arith.constant 33 : i32
    %swap3A_1813 = arith.index_cast %swap3A_1812 : i32 to index
    %swap3A_1814 = arith.constant 80 : index
    %swap3A_1815 = tpu.vector_load %arg8[%swap3A_1813, %swap3A_1814] {strides = array<i32>} : memref<40x144xf32, #tpu.memory_space<vmem>>, vector<1x16xf32>,
    %swap3A_1816 = vector.shape_cast %swap3A_1815 : vector<1x16xf32> to vector<16xf32>
    %swap3A_1817 = vector.shape_cast %broadcast_in_dim3A_0 : vector<16xf32> to vector<1x16xf32>
    tpu.vector_store %arg8[%swap3A_1813, %swap3A_1814], %swap3A_1817 {strides = array<i32>} : memref<40x144xf32, #tpu.memory_space<vmem>>, vector<1x16xf32>,
    %swap3A_1818 = arith.constant 33 : i32
    %swap3A_1819 = arith.index_cast %swap3A_1818 : i32 to index
    %swap3A_1820 = arith.constant 96 : index
    %swap3A_1821 = tpu.vector_load %arg8[%swap3A_1819, %swap3A_1820] {strides = array<i32>} : memref<40x144xf32, #tpu.memory_space<vmem>>, vector<1x16xf32>,
    %swap3A_1822 = vector.shape_cast %swap3A_1821 : vector<1x16xf32> to vector<16xf32>
    %swap3A_1823 = vector.shape_cast %broadcast_in_dim3A_0 : vector<16xf32> to vector<1x16xf32>
    tpu.vector_store %arg8[%swap3A_1819, %swap3A_1820], %swap3A_1823 {strides = array<i32>} : memref<40x144xf32, #tpu.memory_space<vmem>>, vector<1x16xf32>,
    %swap3A_1824 = arith.constant 33 : i32
    %swap3A_1825 = arith.index_cast %swap3A_1824 : i32 to index
    %swap3A_1826 = arith.constant 112 : index
    %swap3A_1827 = tpu.vector_load %arg8[%swap3A_1825, %swap3A_1826] {strides = array<i32>} : memref<40x144xf32, #tpu.memory_space<vmem>>, vector<1x16xf32>,
    %swap3A_1828 = vector.shape_cast %swap3A_1827 : vector<1x16xf32> to vector<16xf32>
    %swap3A_1829 = vector.shape_cast %broadcast_in_dim3A_0 : vector<16xf32> to vector<1x16xf32>
    tpu.vector_store %arg8[%swap3A_1825, %swap3A_1826], %swap3A_1829 {strides = array<i32>} : memref<40x144xf32, #tpu.memory_space<vmem>>, vector<1x16xf32>,
    %swap3A_1830 = arith.constant 33 : i32
    %swap3A_1831 = arith.index_cast %swap3A_1830 : i32 to index
    %swap3A_1832 = arith.constant 128 : index
    %swap3A_1833 = tpu.vector_load %arg8[%swap3A_1831, %swap3A_1832] {strides = array<i32>} : memref<40x144xf32, #tpu.memory_space<vmem>>, vector<1x16xf32>,
    %swap3A_1834 = vector.shape_cast %swap3A_1833 : vector<1x16xf32> to vector<16xf32>
    %swap3A_1835 = vector.shape_cast %broadcast_in_dim3A_0 : vector<16xf32> to vector<1x16xf32>
    tpu.vector_store %arg8[%swap3A_1831, %swap3A_1832], %swap3A_1835 {strides = array<i32>} : memref<40x144xf32, #tpu.memory_space<vmem>>, vector<1x16xf32>,
    %swap3A_1836 = arith.constant 34 : i32
    %swap3A_1837 = arith.index_cast %swap3A_1836 : i32 to index
    %swap3A_1838 = arith.constant 0 : index
    %swap3A_1839 = tpu.vector_load %arg8[%swap3A_1837, %swap3A_1838] {strides = array<i32>} : memref<40x144xf32, #tpu.memory_space<vmem>>, vector<1x16xf32>,
    %swap3A_1840 = vector.shape_cast %swap3A_1839 : vector<1x16xf32> to vector<16xf32>
    %swap3A_1841 = vector.shape_cast %broadcast_in_dim3A_0 : vector<16xf32> to vector<1x16xf32>
    tpu.vector_store %arg8[%swap3A_1837, %swap3A_1838], %swap3A_1841 {strides = array<i32>} : memref<40x144xf32, #tpu.memory_space<vmem>>, vector<1x16xf32>,
    %swap3A_1842 = arith.constant 34 : i32
    %swap3A_1843 = arith.index_cast %swap3A_1842 : i32 to index
    %swap3A_1844 = arith.constant 16 : index
    %swap3A_1845 = tpu.vector_load %arg8[%swap3A_1843, %swap3A_1844] {strides = array<i32>} : memref<40x144xf32, #tpu.memory_space<vmem>>, vector<1x16xf32>,
    %swap3A_1846 = vector.shape_cast %swap3A_1845 : vector<1x16xf32> to vector<16xf32>
    %swap3A_1847 = vector.shape_cast %broadcast_in_dim3A_0 : vector<16xf32> to vector<1x16xf32>
    tpu.vector_store %arg8[%swap3A_1843, %swap3A_1844], %swap3A_1847 {strides = array<i32>} : memref<40x144xf32, #tpu.memory_space<vmem>>, vector<1x16xf32>,
    %swap3A_1848 = arith.constant 34 : i32
    %swap3A_1849 = arith.index_cast %swap3A_1848 : i32 to index
    %swap3A_1850 = arith.constant 32 : index
    %swap3A_1851 = tpu.vector_load %arg8[%swap3A_1849, %swap3A_1850] {strides = array<i32>} : memref<40x144xf32, #tpu.memory_space<vmem>>, vector<1x16xf32>,
    %swap3A_1852 = vector.shape_cast %swap3A_1851 : vector<1x16xf32> to vector<16xf32>
    %swap3A_1853 = vector.shape_cast %broadcast_in_dim3A_0 : vector<16xf32> to vector<1x16xf32>
    tpu.vector_store %arg8[%swap3A_1849, %swap3A_1850], %swap3A_1853 {strides = array<i32>} : memref<40x144xf32, #tpu.memory_space<vmem>>, vector<1x16xf32>,
    %swap3A_1854 = arith.constant 34 : i32
    %swap3A_1855 = arith.index_cast %swap3A_1854 : i32 to index
    %swap3A_1856 = arith.constant 48 : index
    %swap3A_1857 = tpu.vector_load %arg8[%swap3A_1855, %swap3A_1856] {strides = array<i32>} : memref<40x144xf32, #tpu.memory_space<vmem>>, vector<1x16xf32>,
    %swap3A_1858 = vector.shape_cast %swap3A_1857 : vector<1x16xf32> to vector<16xf32>
    %swap3A_1859 = vector.shape_cast %broadcast_in_dim3A_0 : vector<16xf32> to vector<1x16xf32>
    tpu.vector_store %arg8[%swap3A_1855, %swap3A_1856], %swap3A_1859 {strides = array<i32>} : memref<40x144xf32, #tpu.memory_space<vmem>>, vector<1x16xf32>,
    %swap3A_1860 = arith.constant 34 : i32
    %swap3A_1861 = arith.index_cast %swap3A_1860 : i32 to index
    %swap3A_1862 = arith.constant 64 : index
    %swap3A_1863 = tpu.vector_load %arg8[%swap3A_1861, %swap3A_1862] {strides = array<i32>} : memref<40x144xf32, #tpu.memory_space<vmem>>, vector<1x16xf32>,
    %swap3A_1864 = vector.shape_cast %swap3A_1863 : vector<1x16xf32> to vector<16xf32>
    %swap3A_1865 = vector.shape_cast %broadcast_in_dim3A_0 : vector<16xf32> to vector<1x16xf32>
    tpu.vector_store %arg8[%swap3A_1861, %swap3A_1862], %swap3A_1865 {strides = array<i32>} : memref<40x144xf32, #tpu.memory_space<vmem>>, vector<1x16xf32>,
    %swap3A_1866 = arith.constant 34 : i32
    %swap3A_1867 = arith.index_cast %swap3A_1866 : i32 to index
    %swap3A_1868 = arith.constant 80 : index
    %swap3A_1869 = tpu.vector_load %arg8[%swap3A_1867, %swap3A_1868] {strides = array<i32>} : memref<40x144xf32, #tpu.memory_space<vmem>>, vector<1x16xf32>,
    %swap3A_1870 = vector.shape_cast %swap3A_1869 : vector<1x16xf32> to vector<16xf32>
    %swap3A_1871 = vector.shape_cast %broadcast_in_dim3A_0 : vector<16xf32> to vector<1x16xf32>
    tpu.vector_store %arg8[%swap3A_1867, %swap3A_1868], %swap3A_1871 {strides = array<i32>} : memref<40x144xf32, #tpu.memory_space<vmem>>, vector<1x16xf32>,
    %swap3A_1872 = arith.constant 34 : i32
    %swap3A_1873 = arith.index_cast %swap3A_1872 : i32 to index
    %swap3A_1874 = arith.constant 96 : index
    %swap3A_1875 = tpu.vector_load %arg8[%swap3A_1873, %swap3A_1874] {strides = array<i32>} : memref<40x144xf32, #tpu.memory_space<vmem>>, vector<1x16xf32>,
    %swap3A_1876 = vector.shape_cast %swap3A_1875 : vector<1x16xf32> to vector<16xf32>
    %swap3A_1877 = vector.shape_cast %broadcast_in_dim3A_0 : vector<16xf32> to vector<1x16xf32>
    tpu.vector_store %arg8[%swap3A_1873, %swap3A_1874], %swap3A_1877 {strides = array<i32>} : memref<40x144xf32, #tpu.memory_space<vmem>>, vector<1x16xf32>,
    %swap3A_1878 = arith.constant 34 : i32
    %swap3A_1879 = arith.index_cast %swap3A_1878 : i32 to index
    %swap3A_1880 = arith.constant 112 : index
    %swap3A_1881 = tpu.vector_load %arg8[%swap3A_1879, %swap3A_1880] {strides = array<i32>} : memref<40x144xf32, #tpu.memory_space<vmem>>, vector<1x16xf32>,
    %swap3A_1882 = vector.shape_cast %swap3A_1881 : vector<1x16xf32> to vector<16xf32>
    %swap3A_1883 = vector.shape_cast %broadcast_in_dim3A_0 : vector<16xf32> to vector<1x16xf32>
    tpu.vector_store %arg8[%swap3A_1879, %swap3A_1880], %swap3A_1883 {strides = array<i32>} : memref<40x144xf32, #tpu.memory_space<vmem>>, vector<1x16xf32>,
    %swap3A_1884 = arith.constant 34 : i32
    %swap3A_1885 = arith.index_cast %swap3A_1884 : i32 to index
    %swap3A_1886 = arith.constant 128 : index
    %swap3A_1887 = tpu.vector_load %arg8[%swap3A_1885, %swap3A_1886] {strides = array<i32>} : memref<40x144xf32, #tpu.memory_space<vmem>>, vector<1x16xf32>,
    %swap3A_1888 = vector.shape_cast %swap3A_1887 : vector<1x16xf32> to vector<16xf32>
    %swap3A_1889 = vector.shape_cast %broadcast_in_dim3A_0 : vector<16xf32> to vector<1x16xf32>
    tpu.vector_store %arg8[%swap3A_1885, %swap3A_1886], %swap3A_1889 {strides = array<i32>} : memref<40x144xf32, #tpu.memory_space<vmem>>, vector<1x16xf32>,
    %swap3A_1890 = arith.constant 35 : i32
    %swap3A_1891 = arith.index_cast %swap3A_1890 : i32 to index
    %swap3A_1892 = arith.constant 0 : index
    %swap3A_1893 = tpu.vector_load %arg8[%swap3A_1891, %swap3A_1892] {strides = array<i32>} : memref<40x144xf32, #tpu.memory_space<vmem>>, vector<1x16xf32>,
    %swap3A_1894 = vector.shape_cast %swap3A_1893 : vector<1x16xf32> to vector<16xf32>
    %swap3A_1895 = vector.shape_cast %broadcast_in_dim3A_0 : vector<16xf32> to vector<1x16xf32>
    tpu.vector_store %arg8[%swap3A_1891, %swap3A_1892], %swap3A_1895 {strides = array<i32>} : memref<40x144xf32, #tpu.memory_space<vmem>>, vector<1x16xf32>,
    %swap3A_1896 = arith.constant 35 : i32
    %swap3A_1897 = arith.index_cast %swap3A_1896 : i32 to index
    %swap3A_1898 = arith.constant 16 : index
    %swap3A_1899 = tpu.vector_load %arg8[%swap3A_1897, %swap3A_1898] {strides = array<i32>} : memref<40x144xf32, #tpu.memory_space<vmem>>, vector<1x16xf32>,
    %swap3A_1900 = vector.shape_cast %swap3A_1899 : vector<1x16xf32> to vector<16xf32>
    %swap3A_1901 = vector.shape_cast %broadcast_in_dim3A_0 : vector<16xf32> to vector<1x16xf32>
    tpu.vector_store %arg8[%swap3A_1897, %swap3A_1898], %swap3A_1901 {strides = array<i32>} : memref<40x144xf32, #tpu.memory_space<vmem>>, vector<1x16xf32>,
    %swap3A_1902 = arith.constant 35 : i32
    %swap3A_1903 = arith.index_cast %swap3A_1902 : i32 to index
    %swap3A_1904 = arith.constant 32 : index
    %swap3A_1905 = tpu.vector_load %arg8[%swap3A_1903, %swap3A_1904] {strides = array<i32>} : memref<40x144xf32, #tpu.memory_space<vmem>>, vector<1x16xf32>,
    %swap3A_1906 = vector.shape_cast %swap3A_1905 : vector<1x16xf32> to vector<16xf32>
    %swap3A_1907 = vector.shape_cast %broadcast_in_dim3A_0 : vector<16xf32> to vector<1x16xf32>
    tpu.vector_store %arg8[%swap3A_1903, %swap3A_1904], %swap3A_1907 {strides = array<i32>} : memref<40x144xf32, #tpu.memory_space<vmem>>, vector<1x16xf32>,
    %swap3A_1908 = arith.constant 35 : i32
    %swap3A_1909 = arith.index_cast %swap3A_1908 : i32 to index
    %swap3A_1910 = arith.constant 48 : index
    %swap3A_1911 = tpu.vector_load %arg8[%swap3A_1909, %swap3A_1910] {strides = array<i32>} : memref<40x144xf32, #tpu.memory_space<vmem>>, vector<1x16xf32>,
    %swap3A_1912 = vector.shape_cast %swap3A_1911 : vector<1x16xf32> to vector<16xf32>
    %swap3A_1913 = vector.shape_cast %broadcast_in_dim3A_0 : vector<16xf32> to vector<1x16xf32>
    tpu.vector_store %arg8[%swap3A_1909, %swap3A_1910], %swap3A_1913 {strides = array<i32>} : memref<40x144xf32, #tpu.memory_space<vmem>>, vector<1x16xf32>,
    %swap3A_1914 = arith.constant 35 : i32
    %swap3A_1915 = arith.index_cast %swap3A_1914 : i32 to index
    %swap3A_1916 = arith.constant 64 : index
    %swap3A_1917 = tpu.vector_load %arg8[%swap3A_1915, %swap3A_1916] {strides = array<i32>} : memref<40x144xf32, #tpu.memory_space<vmem>>, vector<1x16xf32>,
    %swap3A_1918 = vector.shape_cast %swap3A_1917 : vector<1x16xf32> to vector<16xf32>
    %swap3A_1919 = vector.shape_cast %broadcast_in_dim3A_0 : vector<16xf32> to vector<1x16xf32>
    tpu.vector_store %arg8[%swap3A_1915, %swap3A_1916], %swap3A_1919 {strides = array<i32>} : memref<40x144xf32, #tpu.memory_space<vmem>>, vector<1x16xf32>,
    %swap3A_1920 = arith.constant 35 : i32
    %swap3A_1921 = arith.index_cast %swap3A_1920 : i32 to index
    %swap3A_1922 = arith.constant 80 : index
    %swap3A_1923 = tpu.vector_load %arg8[%swap3A_1921, %swap3A_1922] {strides = array<i32>} : memref<40x144xf32, #tpu.memory_space<vmem>>, vector<1x16xf32>,
    %swap3A_1924 = vector.shape_cast %swap3A_1923 : vector<1x16xf32> to vector<16xf32>
    %swap3A_1925 = vector.shape_cast %broadcast_in_dim3A_0 : vector<16xf32> to vector<1x16xf32>
    tpu.vector_store %arg8[%swap3A_1921, %swap3A_1922], %swap3A_1925 {strides = array<i32>} : memref<40x144xf32, #tpu.memory_space<vmem>>, vector<1x16xf32>,
    %swap3A_1926 = arith.constant 35 : i32
    %swap3A_1927 = arith.index_cast %swap3A_1926 : i32 to index
    %swap3A_1928 = arith.constant 96 : index
    %swap3A_1929 = tpu.vector_load %arg8[%swap3A_1927, %swap3A_1928] {strides = array<i32>} : memref<40x144xf32, #tpu.memory_space<vmem>>, vector<1x16xf32>,
    %swap3A_1930 = vector.shape_cast %swap3A_1929 : vector<1x16xf32> to vector<16xf32>
    %swap3A_1931 = vector.shape_cast %broadcast_in_dim3A_0 : vector<16xf32> to vector<1x16xf32>
    tpu.vector_store %arg8[%swap3A_1927, %swap3A_1928], %swap3A_1931 {strides = array<i32>} : memref<40x144xf32, #tpu.memory_space<vmem>>, vector<1x16xf32>,
    %swap3A_1932 = arith.constant 35 : i32
    %swap3A_1933 = arith.index_cast %swap3A_1932 : i32 to index
    %swap3A_1934 = arith.constant 112 : index
    %swap3A_1935 = tpu.vector_load %arg8[%swap3A_1933, %swap3A_1934] {strides = array<i32>} : memref<40x144xf32, #tpu.memory_space<vmem>>, vector<1x16xf32>,
    %swap3A_1936 = vector.shape_cast %swap3A_1935 : vector<1x16xf32> to vector<16xf32>
    %swap3A_1937 = vector.shape_cast %broadcast_in_dim3A_0 : vector<16xf32> to vector<1x16xf32>
    tpu.vector_store %arg8[%swap3A_1933, %swap3A_1934], %swap3A_1937 {strides = array<i32>} : memref<40x144xf32, #tpu.memory_space<vmem>>, vector<1x16xf32>,
    %swap3A_1938 = arith.constant 35 : i32
    %swap3A_1939 = arith.index_cast %swap3A_1938 : i32 to index
    %swap3A_1940 = arith.constant 128 : index
    %swap3A_1941 = tpu.vector_load %arg8[%swap3A_1939, %swap3A_1940] {strides = array<i32>} : memref<40x144xf32, #tpu.memory_space<vmem>>, vector<1x16xf32>,
    %swap3A_1942 = vector.shape_cast %swap3A_1941 : vector<1x16xf32> to vector<16xf32>
    %swap3A_1943 = vector.shape_cast %broadcast_in_dim3A_0 : vector<16xf32> to vector<1x16xf32>
    tpu.vector_store %arg8[%swap3A_1939, %swap3A_1940], %swap3A_1943 {strides = array<i32>} : memref<40x144xf32, #tpu.memory_space<vmem>>, vector<1x16xf32>,
    %swap3A_1944 = arith.constant 36 : i32
    %swap3A_1945 = arith.index_cast %swap3A_1944 : i32 to index
    %swap3A_1946 = arith.constant 0 : index
    %swap3A_1947 = tpu.vector_load %arg8[%swap3A_1945, %swap3A_1946] {strides = array<i32>} : memref<40x144xf32, #tpu.memory_space<vmem>>, vector<1x16xf32>,
    %swap3A_1948 = vector.shape_cast %swap3A_1947 : vector<1x16xf32> to vector<16xf32>
    %swap3A_1949 = vector.shape_cast %broadcast_in_dim3A_0 : vector<16xf32> to vector<1x16xf32>
    tpu.vector_store %arg8[%swap3A_1945, %swap3A_1946], %swap3A_1949 {strides = array<i32>} : memref<40x144xf32, #tpu.memory_space<vmem>>, vector<1x16xf32>,
    %swap3A_1950 = arith.constant 36 : i32
    %swap3A_1951 = arith.index_cast %swap3A_1950 : i32 to index
    %swap3A_1952 = arith.constant 16 : index
    %swap3A_1953 = tpu.vector_load %arg8[%swap3A_1951, %swap3A_1952] {strides = array<i32>} : memref<40x144xf32, #tpu.memory_space<vmem>>, vector<1x16xf32>,
    %swap3A_1954 = vector.shape_cast %swap3A_1953 : vector<1x16xf32> to vector<16xf32>
    %swap3A_1955 = vector.shape_cast %broadcast_in_dim3A_0 : vector<16xf32> to vector<1x16xf32>
    tpu.vector_store %arg8[%swap3A_1951, %swap3A_1952], %swap3A_1955 {strides = array<i32>} : memref<40x144xf32, #tpu.memory_space<vmem>>, vector<1x16xf32>,
    %swap3A_1956 = arith.constant 36 : i32
    %swap3A_1957 = arith.index_cast %swap3A_1956 : i32 to index
    %swap3A_1958 = arith.constant 32 : index
    %swap3A_1959 = tpu.vector_load %arg8[%swap3A_1957, %swap3A_1958] {strides = array<i32>} : memref<40x144xf32, #tpu.memory_space<vmem>>, vector<1x16xf32>,
    %swap3A_1960 = vector.shape_cast %swap3A_1959 : vector<1x16xf32> to vector<16xf32>
    %swap3A_1961 = vector.shape_cast %broadcast_in_dim3A_0 : vector<16xf32> to vector<1x16xf32>
    tpu.vector_store %arg8[%swap3A_1957, %swap3A_1958], %swap3A_1961 {strides = array<i32>} : memref<40x144xf32, #tpu.memory_space<vmem>>, vector<1x16xf32>,
    %swap3A_1962 = arith.constant 36 : i32
    %swap3A_1963 = arith.index_cast %swap3A_1962 : i32 to index
    %swap3A_1964 = arith.constant 48 : index
    %swap3A_1965 = tpu.vector_load %arg8[%swap3A_1963, %swap3A_1964] {strides = array<i32>} : memref<40x144xf32, #tpu.memory_space<vmem>>, vector<1x16xf32>,
    %swap3A_1966 = vector.shape_cast %swap3A_1965 : vector<1x16xf32> to vector<16xf32>
    %swap3A_1967 = vector.shape_cast %broadcast_in_dim3A_0 : vector<16xf32> to vector<1x16xf32>
    tpu.vector_store %arg8[%swap3A_1963, %swap3A_1964], %swap3A_1967 {strides = array<i32>} : memref<40x144xf32, #tpu.memory_space<vmem>>, vector<1x16xf32>,
    %swap3A_1968 = arith.constant 36 : i32
    %swap3A_1969 = arith.index_cast %swap3A_1968 : i32 to index
    %swap3A_1970 = arith.constant 64 : index
    %swap3A_1971 = tpu.vector_load %arg8[%swap3A_1969, %swap3A_1970] {strides = array<i32>} : memref<40x144xf32, #tpu.memory_space<vmem>>, vector<1x16xf32>,
    %swap3A_1972 = vector.shape_cast %swap3A_1971 : vector<1x16xf32> to vector<16xf32>
    %swap3A_1973 = vector.shape_cast %broadcast_in_dim3A_0 : vector<16xf32> to vector<1x16xf32>
    tpu.vector_store %arg8[%swap3A_1969, %swap3A_1970], %swap3A_1973 {strides = array<i32>} : memref<40x144xf32, #tpu.memory_space<vmem>>, vector<1x16xf32>,
    %swap3A_1974 = arith.constant 36 : i32
    %swap3A_1975 = arith.index_cast %swap3A_1974 : i32 to index
    %swap3A_1976 = arith.constant 80 : index
    %swap3A_1977 = tpu.vector_load %arg8[%swap3A_1975, %swap3A_1976] {strides = array<i32>} : memref<40x144xf32, #tpu.memory_space<vmem>>, vector<1x16xf32>,
    %swap3A_1978 = vector.shape_cast %swap3A_1977 : vector<1x16xf32> to vector<16xf32>
    %swap3A_1979 = vector.shape_cast %broadcast_in_dim3A_0 : vector<16xf32> to vector<1x16xf32>
    tpu.vector_store %arg8[%swap3A_1975, %swap3A_1976], %swap3A_1979 {strides = array<i32>} : memref<40x144xf32, #tpu.memory_space<vmem>>, vector<1x16xf32>,
    %swap3A_1980 = arith.constant 36 : i32
    %swap3A_1981 = arith.index_cast %swap3A_1980 : i32 to index
    %swap3A_1982 = arith.constant 96 : index
    %swap3A_1983 = tpu.vector_load %arg8[%swap3A_1981, %swap3A_1982] {strides = array<i32>} : memref<40x144xf32, #tpu.memory_space<vmem>>, vector<1x16xf32>,
    %swap3A_1984 = vector.shape_cast %swap3A_1983 : vector<1x16xf32> to vector<16xf32>
    %swap3A_1985 = vector.shape_cast %broadcast_in_dim3A_0 : vector<16xf32> to vector<1x16xf32>
    tpu.vector_store %arg8[%swap3A_1981, %swap3A_1982], %swap3A_1985 {strides = array<i32>} : memref<40x144xf32, #tpu.memory_space<vmem>>, vector<1x16xf32>,
    %swap3A_1986 = arith.constant 36 : i32
    %swap3A_1987 = arith.index_cast %swap3A_1986 : i32 to index
    %swap3A_1988 = arith.constant 112 : index
    %swap3A_1989 = tpu.vector_load %arg8[%swap3A_1987, %swap3A_1988] {strides = array<i32>} : memref<40x144xf32, #tpu.memory_space<vmem>>, vector<1x16xf32>,
    %swap3A_1990 = vector.shape_cast %swap3A_1989 : vector<1x16xf32> to vector<16xf32>
    %swap3A_1991 = vector.shape_cast %broadcast_in_dim3A_0 : vector<16xf32> to vector<1x16xf32>
    tpu.vector_store %arg8[%swap3A_1987, %swap3A_1988], %swap3A_1991 {strides = array<i32>} : memref<40x144xf32, #tpu.memory_space<vmem>>, vector<1x16xf32>,
    %swap3A_1992 = arith.constant 36 : i32
    %swap3A_1993 = arith.index_cast %swap3A_1992 : i32 to index
    %swap3A_1994 = arith.constant 128 : index
    %swap3A_1995 = tpu.vector_load %arg8[%swap3A_1993, %swap3A_1994] {strides = array<i32>} : memref<40x144xf32, #tpu.memory_space<vmem>>, vector<1x16xf32>,
    %swap3A_1996 = vector.shape_cast %swap3A_1995 : vector<1x16xf32> to vector<16xf32>
    %swap3A_1997 = vector.shape_cast %broadcast_in_dim3A_0 : vector<16xf32> to vector<1x16xf32>
    tpu.vector_store %arg8[%swap3A_1993, %swap3A_1994], %swap3A_1997 {strides = array<i32>} : memref<40x144xf32, #tpu.memory_space<vmem>>, vector<1x16xf32>,
    %swap3A_1998 = arith.constant 37 : i32
    %swap3A_1999 = arith.index_cast %swap3A_1998 : i32 to index
    %swap3A_2000 = arith.constant 0 : index
    %swap3A_2001 = tpu.vector_load %arg8[%swap3A_1999, %swap3A_2000] {strides = array<i32>} : memref<40x144xf32, #tpu.memory_space<vmem>>, vector<1x16xf32>,
    %swap3A_2002 = vector.shape_cast %swap3A_2001 : vector<1x16xf32> to vector<16xf32>
    %swap3A_2003 = vector.shape_cast %broadcast_in_dim3A_0 : vector<16xf32> to vector<1x16xf32>
    tpu.vector_store %arg8[%swap3A_1999, %swap3A_2000], %swap3A_2003 {strides = array<i32>} : memref<40x144xf32, #tpu.memory_space<vmem>>, vector<1x16xf32>,
    %swap3A_2004 = arith.constant 37 : i32
    %swap3A_2005 = arith.index_cast %swap3A_2004 : i32 to index
    %swap3A_2006 = arith.constant 16 : index
    %swap3A_2007 = tpu.vector_load %arg8[%swap3A_2005, %swap3A_2006] {strides = array<i32>} : memref<40x144xf32, #tpu.memory_space<vmem>>, vector<1x16xf32>,
    %swap3A_2008 = vector.shape_cast %swap3A_2007 : vector<1x16xf32> to vector<16xf32>
    %swap3A_2009 = vector.shape_cast %broadcast_in_dim3A_0 : vector<16xf32> to vector<1x16xf32>
    tpu.vector_store %arg8[%swap3A_2005, %swap3A_2006], %swap3A_2009 {strides = array<i32>} : memref<40x144xf32, #tpu.memory_space<vmem>>, vector<1x16xf32>,
    %swap3A_2010 = arith.constant 37 : i32
    %swap3A_2011 = arith.index_cast %swap3A_2010 : i32 to index
    %swap3A_2012 = arith.constant 32 : index
    %swap3A_2013 = tpu.vector_load %arg8[%swap3A_2011, %swap3A_2012] {strides = array<i32>} : memref<40x144xf32, #tpu.memory_space<vmem>>, vector<1x16xf32>,
    %swap3A_2014 = vector.shape_cast %swap3A_2013 : vector<1x16xf32> to vector<16xf32>
    %swap3A_2015 = vector.shape_cast %broadcast_in_dim3A_0 : vector<16xf32> to vector<1x16xf32>
    tpu.vector_store %arg8[%swap3A_2011, %swap3A_2012], %swap3A_2015 {strides = array<i32>} : memref<40x144xf32, #tpu.memory_space<vmem>>, vector<1x16xf32>,
    %swap3A_2016 = arith.constant 37 : i32
    %swap3A_2017 = arith.index_cast %swap3A_2016 : i32 to index
    %swap3A_2018 = arith.constant 48 : index
    %swap3A_2019 = tpu.vector_load %arg8[%swap3A_2017, %swap3A_2018] {strides = array<i32>} : memref<40x144xf32, #tpu.memory_space<vmem>>, vector<1x16xf32>,
    %swap3A_2020 = vector.shape_cast %swap3A_2019 : vector<1x16xf32> to vector<16xf32>
    %swap3A_2021 = vector.shape_cast %broadcast_in_dim3A_0 : vector<16xf32> to vector<1x16xf32>
    tpu.vector_store %arg8[%swap3A_2017, %swap3A_2018], %swap3A_2021 {strides = array<i32>} : memref<40x144xf32, #tpu.memory_space<vmem>>, vector<1x16xf32>,
    %swap3A_2022 = arith.constant 37 : i32
    %swap3A_2023 = arith.index_cast %swap3A_2022 : i32 to index
    %swap3A_2024 = arith.constant 64 : index
    %swap3A_2025 = tpu.vector_load %arg8[%swap3A_2023, %swap3A_2024] {strides = array<i32>} : memref<40x144xf32, #tpu.memory_space<vmem>>, vector<1x16xf32>,
    %swap3A_2026 = vector.shape_cast %swap3A_2025 : vector<1x16xf32> to vector<16xf32>
    %swap3A_2027 = vector.shape_cast %broadcast_in_dim3A_0 : vector<16xf32> to vector<1x16xf32>
    tpu.vector_store %arg8[%swap3A_2023, %swap3A_2024], %swap3A_2027 {strides = array<i32>} : memref<40x144xf32, #tpu.memory_space<vmem>>, vector<1x16xf32>,
    %swap3A_2028 = arith.constant 37 : i32
    %swap3A_2029 = arith.index_cast %swap3A_2028 : i32 to index
    %swap3A_2030 = arith.constant 80 : index
    %swap3A_2031 = tpu.vector_load %arg8[%swap3A_2029, %swap3A_2030] {strides = array<i32>} : memref<40x144xf32, #tpu.memory_space<vmem>>, vector<1x16xf32>,
    %swap3A_2032 = vector.shape_cast %swap3A_2031 : vector<1x16xf32> to vector<16xf32>
    %swap3A_2033 = vector.shape_cast %broadcast_in_dim3A_0 : vector<16xf32> to vector<1x16xf32>
    tpu.vector_store %arg8[%swap3A_2029, %swap3A_2030], %swap3A_2033 {strides = array<i32>} : memref<40x144xf32, #tpu.memory_space<vmem>>, vector<1x16xf32>,
    %swap3A_2034 = arith.constant 37 : i32
    %swap3A_2035 = arith.index_cast %swap3A_2034 : i32 to index
    %swap3A_2036 = arith.constant 96 : index
    %swap3A_2037 = tpu.vector_load %arg8[%swap3A_2035, %swap3A_2036] {strides = array<i32>} : memref<40x144xf32, #tpu.memory_space<vmem>>, vector<1x16xf32>,
    %swap3A_2038 = vector.shape_cast %swap3A_2037 : vector<1x16xf32> to vector<16xf32>
    %swap3A_2039 = vector.shape_cast %broadcast_in_dim3A_0 : vector<16xf32> to vector<1x16xf32>
    tpu.vector_store %arg8[%swap3A_2035, %swap3A_2036], %swap3A_2039 {strides = array<i32>} : memref<40x144xf32, #tpu.memory_space<vmem>>, vector<1x16xf32>,
    %swap3A_2040 = arith.constant 37 : i32
    %swap3A_2041 = arith.index_cast %swap3A_2040 : i32 to index
    %swap3A_2042 = arith.constant 112 : index
    %swap3A_2043 = tpu.vector_load %arg8[%swap3A_2041, %swap3A_2042] {strides = array<i32>} : memref<40x144xf32, #tpu.memory_space<vmem>>, vector<1x16xf32>,
    %swap3A_2044 = vector.shape_cast %swap3A_2043 : vector<1x16xf32> to vector<16xf32>
    %swap3A_2045 = vector.shape_cast %broadcast_in_dim3A_0 : vector<16xf32> to vector<1x16xf32>
    tpu.vector_store %arg8[%swap3A_2041, %swap3A_2042], %swap3A_2045 {strides = array<i32>} : memref<40x144xf32, #tpu.memory_space<vmem>>, vector<1x16xf32>,
    %swap3A_2046 = arith.constant 37 : i32
    %swap3A_2047 = arith.index_cast %swap3A_2046 : i32 to index
    %swap3A_2048 = arith.constant 128 : index
    %swap3A_2049 = tpu.vector_load %arg8[%swap3A_2047, %swap3A_2048] {strides = array<i32>} : memref<40x144xf32, #tpu.memory_space<vmem>>, vector<1x16xf32>,
    %swap3A_2050 = vector.shape_cast %swap3A_2049 : vector<1x16xf32> to vector<16xf32>
    %swap3A_2051 = vector.shape_cast %broadcast_in_dim3A_0 : vector<16xf32> to vector<1x16xf32>
    tpu.vector_store %arg8[%swap3A_2047, %swap3A_2048], %swap3A_2051 {strides = array<i32>} : memref<40x144xf32, #tpu.memory_space<vmem>>, vector<1x16xf32>,
    %swap3A_2052 = arith.constant 38 : i32
    %swap3A_2053 = arith.index_cast %swap3A_2052 : i32 to index
    %swap3A_2054 = arith.constant 0 : index
    %swap3A_2055 = tpu.vector_load %arg8[%swap3A_2053, %swap3A_2054] {strides = array<i32>} : memref<40x144xf32, #tpu.memory_space<vmem>>, vector<1x16xf32>,
    %swap3A_2056 = vector.shape_cast %swap3A_2055 : vector<1x16xf32> to vector<16xf32>
    %swap3A_2057 = vector.shape_cast %broadcast_in_dim3A_0 : vector<16xf32> to vector<1x16xf32>
    tpu.vector_store %arg8[%swap3A_2053, %swap3A_2054], %swap3A_2057 {strides = array<i32>} : memref<40x144xf32, #tpu.memory_space<vmem>>, vector<1x16xf32>,
    %swap3A_2058 = arith.constant 38 : i32
    %swap3A_2059 = arith.index_cast %swap3A_2058 : i32 to index
    %swap3A_2060 = arith.constant 16 : index
    %swap3A_2061 = tpu.vector_load %arg8[%swap3A_2059, %swap3A_2060] {strides = array<i32>} : memref<40x144xf32, #tpu.memory_space<vmem>>, vector<1x16xf32>,
    %swap3A_2062 = vector.shape_cast %swap3A_2061 : vector<1x16xf32> to vector<16xf32>
    %swap3A_2063 = vector.shape_cast %broadcast_in_dim3A_0 : vector<16xf32> to vector<1x16xf32>
    tpu.vector_store %arg8[%swap3A_2059, %swap3A_2060], %swap3A_2063 {strides = array<i32>} : memref<40x144xf32, #tpu.memory_space<vmem>>, vector<1x16xf32>,
    %swap3A_2064 = arith.constant 38 : i32
    %swap3A_2065 = arith.index_cast %swap3A_2064 : i32 to index
    %swap3A_2066 = arith.constant 32 : index
    %swap3A_2067 = tpu.vector_load %arg8[%swap3A_2065, %swap3A_2066] {strides = array<i32>} : memref<40x144xf32, #tpu.memory_space<vmem>>, vector<1x16xf32>,
    %swap3A_2068 = vector.shape_cast %swap3A_2067 : vector<1x16xf32> to vector<16xf32>
    %swap3A_2069 = vector.shape_cast %broadcast_in_dim3A_0 : vector<16xf32> to vector<1x16xf32>
    tpu.vector_store %arg8[%swap3A_2065, %swap3A_2066], %swap3A_2069 {strides = array<i32>} : memref<40x144xf32, #tpu.memory_space<vmem>>, vector<1x16xf32>,
    %swap3A_2070 = arith.constant 38 : i32
    %swap3A_2071 = arith.index_cast %swap3A_2070 : i32 to index
    %swap3A_2072 = arith.constant 48 : index
    %swap3A_2073 = tpu.vector_load %arg8[%swap3A_2071, %swap3A_2072] {strides = array<i32>} : memref<40x144xf32, #tpu.memory_space<vmem>>, vector<1x16xf32>,
    %swap3A_2074 = vector.shape_cast %swap3A_2073 : vector<1x16xf32> to vector<16xf32>
    %swap3A_2075 = vector.shape_cast %broadcast_in_dim3A_0 : vector<16xf32> to vector<1x16xf32>
    tpu.vector_store %arg8[%swap3A_2071, %swap3A_2072], %swap3A_2075 {strides = array<i32>} : memref<40x144xf32, #tpu.memory_space<vmem>>, vector<1x16xf32>,
    %swap3A_2076 = arith.constant 38 : i32
    %swap3A_2077 = arith.index_cast %swap3A_2076 : i32 to index
    %swap3A_2078 = arith.constant 64 : index
    %swap3A_2079 = tpu.vector_load %arg8[%swap3A_2077, %swap3A_2078] {strides = array<i32>} : memref<40x144xf32, #tpu.memory_space<vmem>>, vector<1x16xf32>,
    %swap3A_2080 = vector.shape_cast %swap3A_2079 : vector<1x16xf32> to vector<16xf32>
    %swap3A_2081 = vector.shape_cast %broadcast_in_dim3A_0 : vector<16xf32> to vector<1x16xf32>
    tpu.vector_store %arg8[%swap3A_2077, %swap3A_2078], %swap3A_2081 {strides = array<i32>} : memref<40x144xf32, #tpu.memory_space<vmem>>, vector<1x16xf32>,
    %swap3A_2082 = arith.constant 38 : i32
    %swap3A_2083 = arith.index_cast %swap3A_2082 : i32 to index
    %swap3A_2084 = arith.constant 80 : index
    %swap3A_2085 = tpu.vector_load %arg8[%swap3A_2083, %swap3A_2084] {strides = array<i32>} : memref<40x144xf32, #tpu.memory_space<vmem>>, vector<1x16xf32>,
    %swap3A_2086 = vector.shape_cast %swap3A_2085 : vector<1x16xf32> to vector<16xf32>
    %swap3A_2087 = vector.shape_cast %broadcast_in_dim3A_0 : vector<16xf32> to vector<1x16xf32>
    tpu.vector_store %arg8[%swap3A_2083, %swap3A_2084], %swap3A_2087 {strides = array<i32>} : memref<40x144xf32, #tpu.memory_space<vmem>>, vector<1x16xf32>,
    %swap3A_2088 = arith.constant 38 : i32
    %swap3A_2089 = arith.index_cast %swap3A_2088 : i32 to index
    %swap3A_2090 = arith.constant 96 : index
    %swap3A_2091 = tpu.vector_load %arg8[%swap3A_2089, %swap3A_2090] {strides = array<i32>} : memref<40x144xf32, #tpu.memory_space<vmem>>, vector<1x16xf32>,
    %swap3A_2092 = vector.shape_cast %swap3A_2091 : vector<1x16xf32> to vector<16xf32>
    %swap3A_2093 = vector.shape_cast %broadcast_in_dim3A_0 : vector<16xf32> to vector<1x16xf32>
    tpu.vector_store %arg8[%swap3A_2089, %swap3A_2090], %swap3A_2093 {strides = array<i32>} : memref<40x144xf32, #tpu.memory_space<vmem>>, vector<1x16xf32>,
    %swap3A_2094 = arith.constant 38 : i32
    %swap3A_2095 = arith.index_cast %swap3A_2094 : i32 to index
    %swap3A_2096 = arith.constant 112 : index
    %swap3A_2097 = tpu.vector_load %arg8[%swap3A_2095, %swap3A_2096] {strides = array<i32>} : memref<40x144xf32, #tpu.memory_space<vmem>>, vector<1x16xf32>,
    %swap3A_2098 = vector.shape_cast %swap3A_2097 : vector<1x16xf32> to vector<16xf32>
    %swap3A_2099 = vector.shape_cast %broadcast_in_dim3A_0 : vector<16xf32> to vector<1x16xf32>
    tpu.vector_store %arg8[%swap3A_2095, %swap3A_2096], %swap3A_2099 {strides = array<i32>} : memref<40x144xf32, #tpu.memory_space<vmem>>, vector<1x16xf32>,
    %swap3A_2100 = arith.constant 38 : i32
    %swap3A_2101 = arith.index_cast %swap3A_2100 : i32 to index
    %swap3A_2102 = arith.constant 128 : index
    %swap3A_2103 = tpu.vector_load %arg8[%swap3A_2101, %swap3A_2102] {strides = array<i32>} : memref<40x144xf32, #tpu.memory_space<vmem>>, vector<1x16xf32>,
    %swap3A_2104 = vector.shape_cast %swap3A_2103 : vector<1x16xf32> to vector<16xf32>
    %swap3A_2105 = vector.shape_cast %broadcast_in_dim3A_0 : vector<16xf32> to vector<1x16xf32>
    tpu.vector_store %arg8[%swap3A_2101, %swap3A_2102], %swap3A_2105 {strides = array<i32>} : memref<40x144xf32, #tpu.memory_space<vmem>>, vector<1x16xf32>,
    %swap3A_2106 = arith.constant 39 : i32
    %swap3A_2107 = arith.index_cast %swap3A_2106 : i32 to index
    %swap3A_2108 = arith.constant 0 : index
    %swap3A_2109 = tpu.vector_load %arg8[%swap3A_2107, %swap3A_2108] {strides = array<i32>} : memref<40x144xf32, #tpu.memory_space<vmem>>, vector<1x16xf32>,
    %swap3A_2110 = vector.shape_cast %swap3A_2109 : vector<1x16xf32> to vector<16xf32>
    %swap3A_2111 = vector.shape_cast %broadcast_in_dim3A_0 : vector<16xf32> to vector<1x16xf32>
    tpu.vector_store %arg8[%swap3A_2107, %swap3A_2108], %swap3A_2111 {strides = array<i32>} : memref<40x144xf32, #tpu.memory_space<vmem>>, vector<1x16xf32>,
    %swap3A_2112 = arith.constant 39 : i32
    %swap3A_2113 = arith.index_cast %swap3A_2112 : i32 to index
    %swap3A_2114 = arith.constant 16 : index
    %swap3A_2115 = tpu.vector_load %arg8[%swap3A_2113, %swap3A_2114] {strides = array<i32>} : memref<40x144xf32, #tpu.memory_space<vmem>>, vector<1x16xf32>,
    %swap3A_2116 = vector.shape_cast %swap3A_2115 : vector<1x16xf32> to vector<16xf32>
    %swap3A_2117 = vector.shape_cast %broadcast_in_dim3A_0 : vector<16xf32> to vector<1x16xf32>
    tpu.vector_store %arg8[%swap3A_2113, %swap3A_2114], %swap3A_2117 {strides = array<i32>} : memref<40x144xf32, #tpu.memory_space<vmem>>, vector<1x16xf32>,
    %swap3A_2118 = arith.constant 39 : i32
    %swap3A_2119 = arith.index_cast %swap3A_2118 : i32 to index
    %swap3A_2120 = arith.constant 32 : index
    %swap3A_2121 = tpu.vector_load %arg8[%swap3A_2119, %swap3A_2120] {strides = array<i32>} : memref<40x144xf32, #tpu.memory_space<vmem>>, vector<1x16xf32>,
    %swap3A_2122 = vector.shape_cast %swap3A_2121 : vector<1x16xf32> to vector<16xf32>
    %swap3A_2123 = vector.shape_cast %broadcast_in_dim3A_0 : vector<16xf32> to vector<1x16xf32>
    tpu.vector_store %arg8[%swap3A_2119, %swap3A_2120], %swap3A_2123 {strides = array<i32>} : memref<40x144xf32, #tpu.memory_space<vmem>>, vector<1x16xf32>,
    %swap3A_2124 = arith.constant 39 : i32
    %swap3A_2125 = arith.index_cast %swap3A_2124 : i32 to index
    %swap3A_2126 = arith.constant 48 : index
    %swap3A_2127 = tpu.vector_load %arg8[%swap3A_2125, %swap3A_2126] {strides = array<i32>} : memref<40x144xf32, #tpu.memory_space<vmem>>, vector<1x16xf32>,
    %swap3A_2128 = vector.shape_cast %swap3A_2127 : vector<1x16xf32> to vector<16xf32>
    %swap3A_2129 = vector.shape_cast %broadcast_in_dim3A_0 : vector<16xf32> to vector<1x16xf32>
    tpu.vector_store %arg8[%swap3A_2125, %swap3A_2126], %swap3A_2129 {strides = array<i32>} : memref<40x144xf32, #tpu.memory_space<vmem>>, vector<1x16xf32>,
    %swap3A_2130 = arith.constant 39 : i32
    %swap3A_2131 = arith.index_cast %swap3A_2130 : i32 to index
    %swap3A_2132 = arith.constant 64 : index
    %swap3A_2133 = tpu.vector_load %arg8[%swap3A_2131, %swap3A_2132] {strides = array<i32>} : memref<40x144xf32, #tpu.memory_space<vmem>>, vector<1x16xf32>,
    %swap3A_2134 = vector.shape_cast %swap3A_2133 : vector<1x16xf32> to vector<16xf32>
    %swap3A_2135 = vector.shape_cast %broadcast_in_dim3A_0 : vector<16xf32> to vector<1x16xf32>
    tpu.vector_store %arg8[%swap3A_2131, %swap3A_2132], %swap3A_2135 {strides = array<i32>} : memref<40x144xf32, #tpu.memory_space<vmem>>, vector<1x16xf32>,
    %swap3A_2136 = arith.constant 39 : i32
    %swap3A_2137 = arith.index_cast %swap3A_2136 : i32 to index
    %swap3A_2138 = arith.constant 80 : index
    %swap3A_2139 = tpu.vector_load %arg8[%swap3A_2137, %swap3A_2138] {strides = array<i32>} : memref<40x144xf32, #tpu.memory_space<vmem>>, vector<1x16xf32>,
    %swap3A_2140 = vector.shape_cast %swap3A_2139 : vector<1x16xf32> to vector<16xf32>
    %swap3A_2141 = vector.shape_cast %broadcast_in_dim3A_0 : vector<16xf32> to vector<1x16xf32>
    tpu.vector_store %arg8[%swap3A_2137, %swap3A_2138], %swap3A_2141 {strides = array<i32>} : memref<40x144xf32, #tpu.memory_space<vmem>>, vector<1x16xf32>,
    %swap3A_2142 = arith.constant 39 : i32
    %swap3A_2143 = arith.index_cast %swap3A_2142 : i32 to index
    %swap3A_2144 = arith.constant 96 : index
    %swap3A_2145 = tpu.vector_load %arg8[%swap3A_2143, %swap3A_2144] {strides = array<i32>} : memref<40x144xf32, #tpu.memory_space<vmem>>, vector<1x16xf32>,
    %swap3A_2146 = vector.shape_cast %swap3A_2145 : vector<1x16xf32> to vector<16xf32>
    %swap3A_2147 = vector.shape_cast %broadcast_in_dim3A_0 : vector<16xf32> to vector<1x16xf32>
    tpu.vector_store %arg8[%swap3A_2143, %swap3A_2144], %swap3A_2147 {strides = array<i32>} : memref<40x144xf32, #tpu.memory_space<vmem>>, vector<1x16xf32>,
    %swap3A_2148 = arith.constant 39 : i32
    %swap3A_2149 = arith.index_cast %swap3A_2148 : i32 to index
    %swap3A_2150 = arith.constant 112 : index
    %swap3A_2151 = tpu.vector_load %arg8[%swap3A_2149, %swap3A_2150] {strides = array<i32>} : memref<40x144xf32, #tpu.memory_space<vmem>>, vector<1x16xf32>,
    %swap3A_2152 = vector.shape_cast %swap3A_2151 : vector<1x16xf32> to vector<16xf32>
    %swap3A_2153 = vector.shape_cast %broadcast_in_dim3A_0 : vector<16xf32> to vector<1x16xf32>
    tpu.vector_store %arg8[%swap3A_2149, %swap3A_2150], %swap3A_2153 {strides = array<i32>} : memref<40x144xf32, #tpu.memory_space<vmem>>, vector<1x16xf32>,
    %swap3A_2154 = arith.constant 39 : i32
    %swap3A_2155 = arith.index_cast %swap3A_2154 : i32 to index
    %swap3A_2156 = arith.constant 128 : index
    %swap3A_2157 = tpu.vector_load %arg8[%swap3A_2155, %swap3A_2156] {strides = array<i32>} : memref<40x144xf32, #tpu.memory_space<vmem>>, vector<1x16xf32>,
    %swap3A_2158 = vector.shape_cast %swap3A_2157 : vector<1x16xf32> to vector<16xf32>
    %swap3A_2159 = vector.shape_cast %broadcast_in_dim3A_0 : vector<16xf32> to vector<1x16xf32>
    tpu.vector_store %arg8[%swap3A_2155, %swap3A_2156], %swap3A_2159 {strides = array<i32>} : memref<40x144xf32, #tpu.memory_space<vmem>>, vector<1x16xf32>,
    %mul3A = arith.constant 625 : i32
    %mul3A_2160 = arith.muli %arg1, %mul3A : i32
    %add3A = arith.constant 0 : i32
    %add3A_2161 = arith.addi %mul3A_2160, %add3A : i32
    "tpu.region"() ({
      %run_scoped3A = tpu.sem_alloc : memref<!tpu.dma_semaphore, #tpu.memory_space<semaphore_mem>>
      %dma_start3A_2229 = arith.constant 0 : i32
      %dma_start3A_2230 = tpu.memref_slice %arg15[%add3A_2161, %dma_start3A_2229] : memref<10000x144xf32, #tpu.memory_space<vmem_shared>> -> memref<40x144xf32, #tpu.memory_space<vmem_shared>>
      %dma_start3A_2231 = arith.constant 0 : i32
      %dma_start3A_2232 = tpu.memref_slice %arg15[%add3A_2161, %dma_start3A_2231] : memref<10000x144xf32, #tpu.memory_space<vmem_shared>> -> memref<40x144xf32, #tpu.memory_space<vmem_shared>>
      tpu.enqueue_dma source(%arg8 : memref<40x144xf32, #tpu.memory_space<vmem>>) target(%dma_start3A_2232 : memref<40x144xf32, #tpu.memory_space<vmem_shared>>) target_semaphore(%run_scoped3A : memref<!tpu.dma_semaphore, #tpu.memory_space<semaphore_mem>>)
      %dma_wait3A_2233 = arith.constant 0 : i32
      %dma_wait3A_2234 = tpu.memref_slice %arg15[%add3A_2161, %dma_wait3A_2233] : memref<10000x144xf32, #tpu.memory_space<vmem_shared>> -> memref<40x144xf32, #tpu.memory_space<vmem_shared>>
      %dma_wait3A_2235 = arith.constant 0 : i32
      %dma_wait3A_2236 = tpu.memref_slice %arg15[%add3A_2161, %dma_wait3A_2235] : memref<10000x144xf32, #tpu.memory_space<vmem_shared>> -> memref<40x144xf32, #tpu.memory_space<vmem_shared>>
      tpu.wait_dma2 semaphore(%run_scoped3A : memref<!tpu.dma_semaphore, #tpu.memory_space<semaphore_mem>>) src(%arg8 : memref<40x144xf32, #tpu.memory_space<vmem>>) dst(%dma_wait3A_2236 : memref<40x144xf32, #tpu.memory_space<vmem_shared>>)
      tpu.yield
    }) : () -> ()
    %add3A_2162 = arith.constant 40 : i32
    %add3A_2163 = arith.addi %mul3A_2160, %add3A_2162 : i32
    "tpu.region"() ({
      %run_scoped3A = tpu.sem_alloc : memref<!tpu.dma_semaphore, #tpu.memory_space<semaphore_mem>>
      %dma_start3A_2229 = arith.constant 0 : i32
      %dma_start3A_2230 = tpu.memref_slice %arg15[%add3A_2163, %dma_start3A_2229] : memref<10000x144xf32, #tpu.memory_space<vmem_shared>> -> memref<40x144xf32, #tpu.memory_space<vmem_shared>>
      %dma_start3A_2231 = arith.constant 0 : i32
      %dma_start3A_2232 = tpu.memref_slice %arg15[%add3A_2163, %dma_start3A_2231] : memref<10000x144xf32, #tpu.memory_space<vmem_shared>> -> memref<40x144xf32, #tpu.memory_space<vmem_shared>>
      tpu.enqueue_dma source(%arg8 : memref<40x144xf32, #tpu.memory_space<vmem>>) target(%dma_start3A_2232 : memref<40x144xf32, #tpu.memory_space<vmem_shared>>) target_semaphore(%run_scoped3A : memref<!tpu.dma_semaphore, #tpu.memory_space<semaphore_mem>>)
      %dma_wait3A_2233 = arith.constant 0 : i32
      %dma_wait3A_2234 = tpu.memref_slice %arg15[%add3A_2163, %dma_wait3A_2233] : memref<10000x144xf32, #tpu.memory_space<vmem_shared>> -> memref<40x144xf32, #tpu.memory_space<vmem_shared>>
      %dma_wait3A_2235 = arith.constant 0 : i32
      %dma_wait3A_2236 = tpu.memref_slice %arg15[%add3A_2163, %dma_wait3A_2235] : memref<10000x144xf32, #tpu.memory_space<vmem_shared>> -> memref<40x144xf32, #tpu.memory_space<vmem_shared>>
      tpu.wait_dma2 semaphore(%run_scoped3A : memref<!tpu.dma_semaphore, #tpu.memory_space<semaphore_mem>>) src(%arg8 : memref<40x144xf32, #tpu.memory_space<vmem>>) dst(%dma_wait3A_2236 : memref<40x144xf32, #tpu.memory_space<vmem_shared>>)
      tpu.yield
    }) : () -> ()
    %add3A_2164 = arith.constant 80 : i32
    %add3A_2165 = arith.addi %mul3A_2160, %add3A_2164 : i32
    "tpu.region"() ({
      %run_scoped3A = tpu.sem_alloc : memref<!tpu.dma_semaphore, #tpu.memory_space<semaphore_mem>>
      %dma_start3A_2229 = arith.constant 0 : i32
      %dma_start3A_2230 = tpu.memref_slice %arg15[%add3A_2165, %dma_start3A_2229] : memref<10000x144xf32, #tpu.memory_space<vmem_shared>> -> memref<40x144xf32, #tpu.memory_space<vmem_shared>>
      %dma_start3A_2231 = arith.constant 0 : i32
      %dma_start3A_2232 = tpu.memref_slice %arg15[%add3A_2165, %dma_start3A_2231] : memref<10000x144xf32, #tpu.memory_space<vmem_shared>> -> memref<40x144xf32, #tpu.memory_space<vmem_shared>>
      tpu.enqueue_dma source(%arg8 : memref<40x144xf32, #tpu.memory_space<vmem>>) target(%dma_start3A_2232 : memref<40x144xf32, #tpu.memory_space<vmem_shared>>) target_semaphore(%run_scoped3A : memref<!tpu.dma_semaphore, #tpu.memory_space<semaphore_mem>>)
      %dma_wait3A_2233 = arith.constant 0 : i32
      %dma_wait3A_2234 = tpu.memref_slice %arg15[%add3A_2165, %dma_wait3A_2233] : memref<10000x144xf32, #tpu.memory_space<vmem_shared>> -> memref<40x144xf32, #tpu.memory_space<vmem_shared>>
      %dma_wait3A_2235 = arith.constant 0 : i32
      %dma_wait3A_2236 = tpu.memref_slice %arg15[%add3A_2165, %dma_wait3A_2235] : memref<10000x144xf32, #tpu.memory_space<vmem_shared>> -> memref<40x144xf32, #tpu.memory_space<vmem_shared>>
      tpu.wait_dma2 semaphore(%run_scoped3A : memref<!tpu.dma_semaphore, #tpu.memory_space<semaphore_mem>>) src(%arg8 : memref<40x144xf32, #tpu.memory_space<vmem>>) dst(%dma_wait3A_2236 : memref<40x144xf32, #tpu.memory_space<vmem_shared>>)
      tpu.yield
    }) : () -> ()
    %add3A_2166 = arith.constant 120 : i32
    %add3A_2167 = arith.addi %mul3A_2160, %add3A_2166 : i32
    "tpu.region"() ({
      %run_scoped3A = tpu.sem_alloc : memref<!tpu.dma_semaphore, #tpu.memory_space<semaphore_mem>>
      %dma_start3A_2229 = arith.constant 0 : i32
      %dma_start3A_2230 = tpu.memref_slice %arg15[%add3A_2167, %dma_start3A_2229] : memref<10000x144xf32, #tpu.memory_space<vmem_shared>> -> memref<40x144xf32, #tpu.memory_space<vmem_shared>>
      %dma_start3A_2231 = arith.constant 0 : i32
      %dma_start3A_2232 = tpu.memref_slice %arg15[%add3A_2167, %dma_start3A_2231] : memref<10000x144xf32, #tpu.memory_space<vmem_shared>> -> memref<40x144xf32, #tpu.memory_space<vmem_shared>>
      tpu.enqueue_dma source(%arg8 : memref<40x144xf32, #tpu.memory_space<vmem>>) target(%dma_start3A_2232 : memref<40x144xf32, #tpu.memory_space<vmem_shared>>) target_semaphore(%run_scoped3A : memref<!tpu.dma_semaphore, #tpu.memory_space<semaphore_mem>>)
      %dma_wait3A_2233 = arith.constant 0 : i32
      %dma_wait3A_2234 = tpu.memref_slice %arg15[%add3A_2167, %dma_wait3A_2233] : memref<10000x144xf32, #tpu.memory_space<vmem_shared>> -> memref<40x144xf32, #tpu.memory_space<vmem_shared>>
      %dma_wait3A_2235 = arith.constant 0 : i32
      %dma_wait3A_2236 = tpu.memref_slice %arg15[%add3A_2167, %dma_wait3A_2235] : memref<10000x144xf32, #tpu.memory_space<vmem_shared>> -> memref<40x144xf32, #tpu.memory_space<vmem_shared>>
      tpu.wait_dma2 semaphore(%run_scoped3A : memref<!tpu.dma_semaphore, #tpu.memory_space<semaphore_mem>>) src(%arg8 : memref<40x144xf32, #tpu.memory_space<vmem>>) dst(%dma_wait3A_2236 : memref<40x144xf32, #tpu.memory_space<vmem_shared>>)
      tpu.yield
    }) : () -> ()
    %add3A_2168 = arith.constant 160 : i32
    %add3A_2169 = arith.addi %mul3A_2160, %add3A_2168 : i32
    "tpu.region"() ({
      %run_scoped3A = tpu.sem_alloc : memref<!tpu.dma_semaphore, #tpu.memory_space<semaphore_mem>>
      %dma_start3A_2229 = arith.constant 0 : i32
      %dma_start3A_2230 = tpu.memref_slice %arg15[%add3A_2169, %dma_start3A_2229] : memref<10000x144xf32, #tpu.memory_space<vmem_shared>> -> memref<40x144xf32, #tpu.memory_space<vmem_shared>>
      %dma_start3A_2231 = arith.constant 0 : i32
      %dma_start3A_2232 = tpu.memref_slice %arg15[%add3A_2169, %dma_start3A_2231] : memref<10000x144xf32, #tpu.memory_space<vmem_shared>> -> memref<40x144xf32, #tpu.memory_space<vmem_shared>>
      tpu.enqueue_dma source(%arg8 : memref<40x144xf32, #tpu.memory_space<vmem>>) target(%dma_start3A_2232 : memref<40x144xf32, #tpu.memory_space<vmem_shared>>) target_semaphore(%run_scoped3A : memref<!tpu.dma_semaphore, #tpu.memory_space<semaphore_mem>>)
      %dma_wait3A_2233 = arith.constant 0 : i32
      %dma_wait3A_2234 = tpu.memref_slice %arg15[%add3A_2169, %dma_wait3A_2233] : memref<10000x144xf32, #tpu.memory_space<vmem_shared>> -> memref<40x144xf32, #tpu.memory_space<vmem_shared>>
      %dma_wait3A_2235 = arith.constant 0 : i32
      %dma_wait3A_2236 = tpu.memref_slice %arg15[%add3A_2169, %dma_wait3A_2235] : memref<10000x144xf32, #tpu.memory_space<vmem_shared>> -> memref<40x144xf32, #tpu.memory_space<vmem_shared>>
      tpu.wait_dma2 semaphore(%run_scoped3A : memref<!tpu.dma_semaphore, #tpu.memory_space<semaphore_mem>>) src(%arg8 : memref<40x144xf32, #tpu.memory_space<vmem>>) dst(%dma_wait3A_2236 : memref<40x144xf32, #tpu.memory_space<vmem_shared>>)
      tpu.yield
    }) : () -> ()
    %add3A_2170 = arith.constant 200 : i32
    %add3A_2171 = arith.addi %mul3A_2160, %add3A_2170 : i32
    "tpu.region"() ({
      %run_scoped3A = tpu.sem_alloc : memref<!tpu.dma_semaphore, #tpu.memory_space<semaphore_mem>>
      %dma_start3A_2229 = arith.constant 0 : i32
      %dma_start3A_2230 = tpu.memref_slice %arg15[%add3A_2171, %dma_start3A_2229] : memref<10000x144xf32, #tpu.memory_space<vmem_shared>> -> memref<40x144xf32, #tpu.memory_space<vmem_shared>>
      %dma_start3A_2231 = arith.constant 0 : i32
      %dma_start3A_2232 = tpu.memref_slice %arg15[%add3A_2171, %dma_start3A_2231] : memref<10000x144xf32, #tpu.memory_space<vmem_shared>> -> memref<40x144xf32, #tpu.memory_space<vmem_shared>>
      tpu.enqueue_dma source(%arg8 : memref<40x144xf32, #tpu.memory_space<vmem>>) target(%dma_start3A_2232 : memref<40x144xf32, #tpu.memory_space<vmem_shared>>) target_semaphore(%run_scoped3A : memref<!tpu.dma_semaphore, #tpu.memory_space<semaphore_mem>>)
      %dma_wait3A_2233 = arith.constant 0 : i32
      %dma_wait3A_2234 = tpu.memref_slice %arg15[%add3A_2171, %dma_wait3A_2233] : memref<10000x144xf32, #tpu.memory_space<vmem_shared>> -> memref<40x144xf32, #tpu.memory_space<vmem_shared>>
      %dma_wait3A_2235 = arith.constant 0 : i32
      %dma_wait3A_2236 = tpu.memref_slice %arg15[%add3A_2171, %dma_wait3A_2235] : memref<10000x144xf32, #tpu.memory_space<vmem_shared>> -> memref<40x144xf32, #tpu.memory_space<vmem_shared>>
      tpu.wait_dma2 semaphore(%run_scoped3A : memref<!tpu.dma_semaphore, #tpu.memory_space<semaphore_mem>>) src(%arg8 : memref<40x144xf32, #tpu.memory_space<vmem>>) dst(%dma_wait3A_2236 : memref<40x144xf32, #tpu.memory_space<vmem_shared>>)
      tpu.yield
    }) : () -> ()
    %add3A_2172 = arith.constant 240 : i32
    %add3A_2173 = arith.addi %mul3A_2160, %add3A_2172 : i32
    "tpu.region"() ({
      %run_scoped3A = tpu.sem_alloc : memref<!tpu.dma_semaphore, #tpu.memory_space<semaphore_mem>>
      %dma_start3A_2229 = arith.constant 0 : i32
      %dma_start3A_2230 = tpu.memref_slice %arg15[%add3A_2173, %dma_start3A_2229] : memref<10000x144xf32, #tpu.memory_space<vmem_shared>> -> memref<40x144xf32, #tpu.memory_space<vmem_shared>>
      %dma_start3A_2231 = arith.constant 0 : i32
      %dma_start3A_2232 = tpu.memref_slice %arg15[%add3A_2173, %dma_start3A_2231] : memref<10000x144xf32, #tpu.memory_space<vmem_shared>> -> memref<40x144xf32, #tpu.memory_space<vmem_shared>>
      tpu.enqueue_dma source(%arg8 : memref<40x144xf32, #tpu.memory_space<vmem>>) target(%dma_start3A_2232 : memref<40x144xf32, #tpu.memory_space<vmem_shared>>) target_semaphore(%run_scoped3A : memref<!tpu.dma_semaphore, #tpu.memory_space<semaphore_mem>>)
      %dma_wait3A_2233 = arith.constant 0 : i32
      %dma_wait3A_2234 = tpu.memref_slice %arg15[%add3A_2173, %dma_wait3A_2233] : memref<10000x144xf32, #tpu.memory_space<vmem_shared>> -> memref<40x144xf32, #tpu.memory_space<vmem_shared>>
      %dma_wait3A_2235 = arith.constant 0 : i32
      %dma_wait3A_2236 = tpu.memref_slice %arg15[%add3A_2173, %dma_wait3A_2235] : memref<10000x144xf32, #tpu.memory_space<vmem_shared>> -> memref<40x144xf32, #tpu.memory_space<vmem_shared>>
      tpu.wait_dma2 semaphore(%run_scoped3A : memref<!tpu.dma_semaphore, #tpu.memory_space<semaphore_mem>>) src(%arg8 : memref<40x144xf32, #tpu.memory_space<vmem>>) dst(%dma_wait3A_2236 : memref<40x144xf32, #tpu.memory_space<vmem_shared>>)
      tpu.yield
    }) : () -> ()
    %add3A_2174 = arith.constant 280 : i32
    %add3A_2175 = arith.addi %mul3A_2160, %add3A_2174 : i32
    "tpu.region"() ({
      %run_scoped3A = tpu.sem_alloc : memref<!tpu.dma_semaphore, #tpu.memory_space<semaphore_mem>>
      %dma_start3A_2229 = arith.constant 0 : i32
      %dma_start3A_2230 = tpu.memref_slice %arg15[%add3A_2175, %dma_start3A_2229] : memref<10000x144xf32, #tpu.memory_space<vmem_shared>> -> memref<40x144xf32, #tpu.memory_space<vmem_shared>>
      %dma_start3A_2231 = arith.constant 0 : i32
      %dma_start3A_2232 = tpu.memref_slice %arg15[%add3A_2175, %dma_start3A_2231] : memref<10000x144xf32, #tpu.memory_space<vmem_shared>> -> memref<40x144xf32, #tpu.memory_space<vmem_shared>>
      tpu.enqueue_dma source(%arg8 : memref<40x144xf32, #tpu.memory_space<vmem>>) target(%dma_start3A_2232 : memref<40x144xf32, #tpu.memory_space<vmem_shared>>) target_semaphore(%run_scoped3A : memref<!tpu.dma_semaphore, #tpu.memory_space<semaphore_mem>>)
      %dma_wait3A_2233 = arith.constant 0 : i32
      %dma_wait3A_2234 = tpu.memref_slice %arg15[%add3A_2175, %dma_wait3A_2233] : memref<10000x144xf32, #tpu.memory_space<vmem_shared>> -> memref<40x144xf32, #tpu.memory_space<vmem_shared>>
      %dma_wait3A_2235 = arith.constant 0 : i32
      %dma_wait3A_2236 = tpu.memref_slice %arg15[%add3A_2175, %dma_wait3A_2235] : memref<10000x144xf32, #tpu.memory_space<vmem_shared>> -> memref<40x144xf32, #tpu.memory_space<vmem_shared>>
      tpu.wait_dma2 semaphore(%run_scoped3A : memref<!tpu.dma_semaphore, #tpu.memory_space<semaphore_mem>>) src(%arg8 : memref<40x144xf32, #tpu.memory_space<vmem>>) dst(%dma_wait3A_2236 : memref<40x144xf32, #tpu.memory_space<vmem_shared>>)
      tpu.yield
    }) : () -> ()
    %add3A_2176 = arith.constant 320 : i32
    %add3A_2177 = arith.addi %mul3A_2160, %add3A_2176 : i32
    "tpu.region"() ({
      %run_scoped3A = tpu.sem_alloc : memref<!tpu.dma_semaphore, #tpu.memory_space<semaphore_mem>>
      %dma_start3A_2229 = arith.constant 0 : i32
      %dma_start3A_2230 = tpu.memref_slice %arg15[%add3A_2177, %dma_start3A_2229] : memref<10000x144xf32, #tpu.memory_space<vmem_shared>> -> memref<40x144xf32, #tpu.memory_space<vmem_shared>>
      %dma_start3A_2231 = arith.constant 0 : i32
      %dma_start3A_2232 = tpu.memref_slice %arg15[%add3A_2177, %dma_start3A_2231] : memref<10000x144xf32, #tpu.memory_space<vmem_shared>> -> memref<40x144xf32, #tpu.memory_space<vmem_shared>>
      tpu.enqueue_dma source(%arg8 : memref<40x144xf32, #tpu.memory_space<vmem>>) target(%dma_start3A_2232 : memref<40x144xf32, #tpu.memory_space<vmem_shared>>) target_semaphore(%run_scoped3A : memref<!tpu.dma_semaphore, #tpu.memory_space<semaphore_mem>>)
      %dma_wait3A_2233 = arith.constant 0 : i32
      %dma_wait3A_2234 = tpu.memref_slice %arg15[%add3A_2177, %dma_wait3A_2233] : memref<10000x144xf32, #tpu.memory_space<vmem_shared>> -> memref<40x144xf32, #tpu.memory_space<vmem_shared>>
      %dma_wait3A_2235 = arith.constant 0 : i32
      %dma_wait3A_2236 = tpu.memref_slice %arg15[%add3A_2177, %dma_wait3A_2235] : memref<10000x144xf32, #tpu.memory_space<vmem_shared>> -> memref<40x144xf32, #tpu.memory_space<vmem_shared>>
      tpu.wait_dma2 semaphore(%run_scoped3A : memref<!tpu.dma_semaphore, #tpu.memory_space<semaphore_mem>>) src(%arg8 : memref<40x144xf32, #tpu.memory_space<vmem>>) dst(%dma_wait3A_2236 : memref<40x144xf32, #tpu.memory_space<vmem_shared>>)
      tpu.yield
    }) : () -> ()
    %add3A_2178 = arith.constant 360 : i32
    %add3A_2179 = arith.addi %mul3A_2160, %add3A_2178 : i32
    "tpu.region"() ({
      %run_scoped3A = tpu.sem_alloc : memref<!tpu.dma_semaphore, #tpu.memory_space<semaphore_mem>>
      %dma_start3A_2229 = arith.constant 0 : i32
      %dma_start3A_2230 = tpu.memref_slice %arg15[%add3A_2179, %dma_start3A_2229] : memref<10000x144xf32, #tpu.memory_space<vmem_shared>> -> memref<40x144xf32, #tpu.memory_space<vmem_shared>>
      %dma_start3A_2231 = arith.constant 0 : i32
      %dma_start3A_2232 = tpu.memref_slice %arg15[%add3A_2179, %dma_start3A_2231] : memref<10000x144xf32, #tpu.memory_space<vmem_shared>> -> memref<40x144xf32, #tpu.memory_space<vmem_shared>>
      tpu.enqueue_dma source(%arg8 : memref<40x144xf32, #tpu.memory_space<vmem>>) target(%dma_start3A_2232 : memref<40x144xf32, #tpu.memory_space<vmem_shared>>) target_semaphore(%run_scoped3A : memref<!tpu.dma_semaphore, #tpu.memory_space<semaphore_mem>>)
      %dma_wait3A_2233 = arith.constant 0 : i32
      %dma_wait3A_2234 = tpu.memref_slice %arg15[%add3A_2179, %dma_wait3A_2233] : memref<10000x144xf32, #tpu.memory_space<vmem_shared>> -> memref<40x144xf32, #tpu.memory_space<vmem_shared>>
      %dma_wait3A_2235 = arith.constant 0 : i32
      %dma_wait3A_2236 = tpu.memref_slice %arg15[%add3A_2179, %dma_wait3A_2235] : memref<10000x144xf32, #tpu.memory_space<vmem_shared>> -> memref<40x144xf32, #tpu.memory_space<vmem_shared>>
      tpu.wait_dma2 semaphore(%run_scoped3A : memref<!tpu.dma_semaphore, #tpu.memory_space<semaphore_mem>>) src(%arg8 : memref<40x144xf32, #tpu.memory_space<vmem>>) dst(%dma_wait3A_2236 : memref<40x144xf32, #tpu.memory_space<vmem_shared>>)
      tpu.yield
    }) : () -> ()
    %add3A_2180 = arith.constant 400 : i32
    %add3A_2181 = arith.addi %mul3A_2160, %add3A_2180 : i32
    "tpu.region"() ({
      %run_scoped3A = tpu.sem_alloc : memref<!tpu.dma_semaphore, #tpu.memory_space<semaphore_mem>>
      %dma_start3A_2229 = arith.constant 0 : i32
      %dma_start3A_2230 = tpu.memref_slice %arg15[%add3A_2181, %dma_start3A_2229] : memref<10000x144xf32, #tpu.memory_space<vmem_shared>> -> memref<40x144xf32, #tpu.memory_space<vmem_shared>>
      %dma_start3A_2231 = arith.constant 0 : i32
      %dma_start3A_2232 = tpu.memref_slice %arg15[%add3A_2181, %dma_start3A_2231] : memref<10000x144xf32, #tpu.memory_space<vmem_shared>> -> memref<40x144xf32, #tpu.memory_space<vmem_shared>>
      tpu.enqueue_dma source(%arg8 : memref<40x144xf32, #tpu.memory_space<vmem>>) target(%dma_start3A_2232 : memref<40x144xf32, #tpu.memory_space<vmem_shared>>) target_semaphore(%run_scoped3A : memref<!tpu.dma_semaphore, #tpu.memory_space<semaphore_mem>>)
      %dma_wait3A_2233 = arith.constant 0 : i32
      %dma_wait3A_2234 = tpu.memref_slice %arg15[%add3A_2181, %dma_wait3A_2233] : memref<10000x144xf32, #tpu.memory_space<vmem_shared>> -> memref<40x144xf32, #tpu.memory_space<vmem_shared>>
      %dma_wait3A_2235 = arith.constant 0 : i32
      %dma_wait3A_2236 = tpu.memref_slice %arg15[%add3A_2181, %dma_wait3A_2235] : memref<10000x144xf32, #tpu.memory_space<vmem_shared>> -> memref<40x144xf32, #tpu.memory_space<vmem_shared>>
      tpu.wait_dma2 semaphore(%run_scoped3A : memref<!tpu.dma_semaphore, #tpu.memory_space<semaphore_mem>>) src(%arg8 : memref<40x144xf32, #tpu.memory_space<vmem>>) dst(%dma_wait3A_2236 : memref<40x144xf32, #tpu.memory_space<vmem_shared>>)
      tpu.yield
    }) : () -> ()
    %add3A_2182 = arith.constant 440 : i32
    %add3A_2183 = arith.addi %mul3A_2160, %add3A_2182 : i32
    "tpu.region"() ({
      %run_scoped3A = tpu.sem_alloc : memref<!tpu.dma_semaphore, #tpu.memory_space<semaphore_mem>>
      %dma_start3A_2229 = arith.constant 0 : i32
      %dma_start3A_2230 = tpu.memref_slice %arg15[%add3A_2183, %dma_start3A_2229] : memref<10000x144xf32, #tpu.memory_space<vmem_shared>> -> memref<40x144xf32, #tpu.memory_space<vmem_shared>>
      %dma_start3A_2231 = arith.constant 0 : i32
      %dma_start3A_2232 = tpu.memref_slice %arg15[%add3A_2183, %dma_start3A_2231] : memref<10000x144xf32, #tpu.memory_space<vmem_shared>> -> memref<40x144xf32, #tpu.memory_space<vmem_shared>>
      tpu.enqueue_dma source(%arg8 : memref<40x144xf32, #tpu.memory_space<vmem>>) target(%dma_start3A_2232 : memref<40x144xf32, #tpu.memory_space<vmem_shared>>) target_semaphore(%run_scoped3A : memref<!tpu.dma_semaphore, #tpu.memory_space<semaphore_mem>>)
      %dma_wait3A_2233 = arith.constant 0 : i32
      %dma_wait3A_2234 = tpu.memref_slice %arg15[%add3A_2183, %dma_wait3A_2233] : memref<10000x144xf32, #tpu.memory_space<vmem_shared>> -> memref<40x144xf32, #tpu.memory_space<vmem_shared>>
      %dma_wait3A_2235 = arith.constant 0 : i32
      %dma_wait3A_2236 = tpu.memref_slice %arg15[%add3A_2183, %dma_wait3A_2235] : memref<10000x144xf32, #tpu.memory_space<vmem_shared>> -> memref<40x144xf32, #tpu.memory_space<vmem_shared>>
      tpu.wait_dma2 semaphore(%run_scoped3A : memref<!tpu.dma_semaphore, #tpu.memory_space<semaphore_mem>>) src(%arg8 : memref<40x144xf32, #tpu.memory_space<vmem>>) dst(%dma_wait3A_2236 : memref<40x144xf32, #tpu.memory_space<vmem_shared>>)
      tpu.yield
    }) : () -> ()
    %add3A_2184 = arith.constant 480 : i32
    %add3A_2185 = arith.addi %mul3A_2160, %add3A_2184 : i32
    "tpu.region"() ({
      %run_scoped3A = tpu.sem_alloc : memref<!tpu.dma_semaphore, #tpu.memory_space<semaphore_mem>>
      %dma_start3A_2229 = arith.constant 0 : i32
      %dma_start3A_2230 = tpu.memref_slice %arg15[%add3A_2185, %dma_start3A_2229] : memref<10000x144xf32, #tpu.memory_space<vmem_shared>> -> memref<40x144xf32, #tpu.memory_space<vmem_shared>>
      %dma_start3A_2231 = arith.constant 0 : i32
      %dma_start3A_2232 = tpu.memref_slice %arg15[%add3A_2185, %dma_start3A_2231] : memref<10000x144xf32, #tpu.memory_space<vmem_shared>> -> memref<40x144xf32, #tpu.memory_space<vmem_shared>>
      tpu.enqueue_dma source(%arg8 : memref<40x144xf32, #tpu.memory_space<vmem>>) target(%dma_start3A_2232 : memref<40x144xf32, #tpu.memory_space<vmem_shared>>) target_semaphore(%run_scoped3A : memref<!tpu.dma_semaphore, #tpu.memory_space<semaphore_mem>>)
      %dma_wait3A_2233 = arith.constant 0 : i32
      %dma_wait3A_2234 = tpu.memref_slice %arg15[%add3A_2185, %dma_wait3A_2233] : memref<10000x144xf32, #tpu.memory_space<vmem_shared>> -> memref<40x144xf32, #tpu.memory_space<vmem_shared>>
      %dma_wait3A_2235 = arith.constant 0 : i32
      %dma_wait3A_2236 = tpu.memref_slice %arg15[%add3A_2185, %dma_wait3A_2235] : memref<10000x144xf32, #tpu.memory_space<vmem_shared>> -> memref<40x144xf32, #tpu.memory_space<vmem_shared>>
      tpu.wait_dma2 semaphore(%run_scoped3A : memref<!tpu.dma_semaphore, #tpu.memory_space<semaphore_mem>>) src(%arg8 : memref<40x144xf32, #tpu.memory_space<vmem>>) dst(%dma_wait3A_2236 : memref<40x144xf32, #tpu.memory_space<vmem_shared>>)
      tpu.yield
    }) : () -> ()
    %add3A_2186 = arith.constant 520 : i32
    %add3A_2187 = arith.addi %mul3A_2160, %add3A_2186 : i32
    "tpu.region"() ({
      %run_scoped3A = tpu.sem_alloc : memref<!tpu.dma_semaphore, #tpu.memory_space<semaphore_mem>>
      %dma_start3A_2229 = arith.constant 0 : i32
      %dma_start3A_2230 = tpu.memref_slice %arg15[%add3A_2187, %dma_start3A_2229] : memref<10000x144xf32, #tpu.memory_space<vmem_shared>> -> memref<40x144xf32, #tpu.memory_space<vmem_shared>>
      %dma_start3A_2231 = arith.constant 0 : i32
      %dma_start3A_2232 = tpu.memref_slice %arg15[%add3A_2187, %dma_start3A_2231] : memref<10000x144xf32, #tpu.memory_space<vmem_shared>> -> memref<40x144xf32, #tpu.memory_space<vmem_shared>>
      tpu.enqueue_dma source(%arg8 : memref<40x144xf32, #tpu.memory_space<vmem>>) target(%dma_start3A_2232 : memref<40x144xf32, #tpu.memory_space<vmem_shared>>) target_semaphore(%run_scoped3A : memref<!tpu.dma_semaphore, #tpu.memory_space<semaphore_mem>>)
      %dma_wait3A_2233 = arith.constant 0 : i32
      %dma_wait3A_2234 = tpu.memref_slice %arg15[%add3A_2187, %dma_wait3A_2233] : memref<10000x144xf32, #tpu.memory_space<vmem_shared>> -> memref<40x144xf32, #tpu.memory_space<vmem_shared>>
      %dma_wait3A_2235 = arith.constant 0 : i32
      %dma_wait3A_2236 = tpu.memref_slice %arg15[%add3A_2187, %dma_wait3A_2235] : memref<10000x144xf32, #tpu.memory_space<vmem_shared>> -> memref<40x144xf32, #tpu.memory_space<vmem_shared>>
      tpu.wait_dma2 semaphore(%run_scoped3A : memref<!tpu.dma_semaphore, #tpu.memory_space<semaphore_mem>>) src(%arg8 : memref<40x144xf32, #tpu.memory_space<vmem>>) dst(%dma_wait3A_2236 : memref<40x144xf32, #tpu.memory_space<vmem_shared>>)
      tpu.yield
    }) : () -> ()
    %add3A_2188 = arith.constant 560 : i32
    %add3A_2189 = arith.addi %mul3A_2160, %add3A_2188 : i32
    "tpu.region"() ({
      %run_scoped3A = tpu.sem_alloc : memref<!tpu.dma_semaphore, #tpu.memory_space<semaphore_mem>>
      %dma_start3A_2229 = arith.constant 0 : i32
      %dma_start3A_2230 = tpu.memref_slice %arg15[%add3A_2189, %dma_start3A_2229] : memref<10000x144xf32, #tpu.memory_space<vmem_shared>> -> memref<40x144xf32, #tpu.memory_space<vmem_shared>>
      %dma_start3A_2231 = arith.constant 0 : i32
      %dma_start3A_2232 = tpu.memref_slice %arg15[%add3A_2189, %dma_start3A_2231] : memref<10000x144xf32, #tpu.memory_space<vmem_shared>> -> memref<40x144xf32, #tpu.memory_space<vmem_shared>>
      tpu.enqueue_dma source(%arg8 : memref<40x144xf32, #tpu.memory_space<vmem>>) target(%dma_start3A_2232 : memref<40x144xf32, #tpu.memory_space<vmem_shared>>) target_semaphore(%run_scoped3A : memref<!tpu.dma_semaphore, #tpu.memory_space<semaphore_mem>>)
      %dma_wait3A_2233 = arith.constant 0 : i32
      %dma_wait3A_2234 = tpu.memref_slice %arg15[%add3A_2189, %dma_wait3A_2233] : memref<10000x144xf32, #tpu.memory_space<vmem_shared>> -> memref<40x144xf32, #tpu.memory_space<vmem_shared>>
      %dma_wait3A_2235 = arith.constant 0 : i32
      %dma_wait3A_2236 = tpu.memref_slice %arg15[%add3A_2189, %dma_wait3A_2235] : memref<10000x144xf32, #tpu.memory_space<vmem_shared>> -> memref<40x144xf32, #tpu.memory_space<vmem_shared>>
      tpu.wait_dma2 semaphore(%run_scoped3A : memref<!tpu.dma_semaphore, #tpu.memory_space<semaphore_mem>>) src(%arg8 : memref<40x144xf32, #tpu.memory_space<vmem>>) dst(%dma_wait3A_2236 : memref<40x144xf32, #tpu.memory_space<vmem_shared>>)
      tpu.yield
    }) : () -> ()
    %add3A_2190 = arith.constant 600 : i32
    %add3A_2191 = arith.addi %mul3A_2160, %add3A_2190 : i32
    "tpu.region"() ({
      %run_scoped3A = tpu.sem_alloc : memref<!tpu.dma_semaphore, #tpu.memory_space<semaphore_mem>>
      %dma_start3A_2229 = arith.constant 0 : i32
      %dma_start3A_2230 = arith.constant 0 : i32
      %dma_start3A_2231 = tpu.memref_slice %arg8[%dma_start3A_2229, %dma_start3A_2230] : memref<40x144xf32, #tpu.memory_space<vmem>> -> memref<25x144xf32, #tpu.memory_space<vmem>>
      %dma_start3A_2232 = arith.constant 0 : i32
      %dma_start3A_2233 = tpu.memref_slice %arg15[%add3A_2191, %dma_start3A_2232] : memref<10000x144xf32, #tpu.memory_space<vmem_shared>> -> memref<25x144xf32, #tpu.memory_space<vmem_shared>>
      %dma_start3A_2234 = arith.constant 0 : i32
      %dma_start3A_2235 = tpu.memref_slice %arg15[%add3A_2191, %dma_start3A_2234] : memref<10000x144xf32, #tpu.memory_space<vmem_shared>> -> memref<25x144xf32, #tpu.memory_space<vmem_shared>>
      %dma_start3A_2236 = arith.constant 0 : i32
      %dma_start3A_2237 = arith.constant 0 : i32
      %dma_start3A_2238 = tpu.memref_slice %arg8[%dma_start3A_2236, %dma_start3A_2237] : memref<40x144xf32, #tpu.memory_space<vmem>> -> memref<25x144xf32, #tpu.memory_space<vmem>>
      tpu.enqueue_dma source(%dma_start3A_2238 : memref<25x144xf32, #tpu.memory_space<vmem>>) target(%dma_start3A_2235 : memref<25x144xf32, #tpu.memory_space<vmem_shared>>) target_semaphore(%run_scoped3A : memref<!tpu.dma_semaphore, #tpu.memory_space<semaphore_mem>>)
      %dma_wait3A_2239 = arith.constant 0 : i32
      %dma_wait3A_2240 = arith.constant 0 : i32
      %dma_wait3A_2241 = tpu.memref_slice %arg8[%dma_wait3A_2239, %dma_wait3A_2240] : memref<40x144xf32, #tpu.memory_space<vmem>> -> memref<25x144xf32, #tpu.memory_space<vmem>>
      %dma_wait3A_2242 = arith.constant 0 : i32
      %dma_wait3A_2243 = tpu.memref_slice %arg15[%add3A_2191, %dma_wait3A_2242] : memref<10000x144xf32, #tpu.memory_space<vmem_shared>> -> memref<25x144xf32, #tpu.memory_space<vmem_shared>>
      %dma_wait3A_2244 = arith.constant 0 : i32
      %dma_wait3A_2245 = tpu.memref_slice %arg15[%add3A_2191, %dma_wait3A_2244] : memref<10000x144xf32, #tpu.memory_space<vmem_shared>> -> memref<25x144xf32, #tpu.memory_space<vmem_shared>>
      %dma_wait3A_2246 = arith.constant 0 : i32
      %dma_wait3A_2247 = arith.constant 0 : i32
      %dma_wait3A_2248 = tpu.memref_slice %arg8[%dma_wait3A_2246, %dma_wait3A_2247] : memref<40x144xf32, #tpu.memory_space<vmem>> -> memref<25x144xf32, #tpu.memory_space<vmem>>
      tpu.wait_dma2 semaphore(%run_scoped3A : memref<!tpu.dma_semaphore, #tpu.memory_space<semaphore_mem>>) src(%dma_wait3A_2248 : memref<25x144xf32, #tpu.memory_space<vmem>>) dst(%dma_wait3A_2245 : memref<25x144xf32, #tpu.memory_space<vmem_shared>>)
      tpu.yield
    }) : () -> ()
    "tpu.region"() ({
      %run_scoped3A = tpu.sem_alloc : memref<!tpu.dma_semaphore, #tpu.memory_space<semaphore_mem>>
      tpu.enqueue_dma source(%arg4 : memref<16xf32, #tpu.memory_space<hbm>>) target(%arg14 : memref<16xf32, #tpu.memory_space<vmem>>) target_semaphore(%run_scoped3A : memref<!tpu.dma_semaphore, #tpu.memory_space<semaphore_mem>>)
      tpu.wait_dma2 semaphore(%run_scoped3A : memref<!tpu.dma_semaphore, #tpu.memory_space<semaphore_mem>>) src(%arg4 : memref<16xf32, #tpu.memory_space<hbm>>) dst(%arg14 : memref<16xf32, #tpu.memory_space<vmem>>)
      tpu.yield
    }) : () -> ()
    %mul3A_2192 = arith.constant 16 : i32
    %mul3A_2193 = arith.muli %arg0, %mul3A_2192 : i32
    %add3A_2194 = arith.addi %mul3A_2193, %arg1 : i32
    %mul3A_2195 = arith.constant 250 : i32
    %mul3A_2196 = arith.muli %add3A_2194, %mul3A_2195 : i32
    "tpu.region"() ({
      %run_scoped3A = tpu.sem_alloc : memref<!tpu.dma_semaphore, #tpu.memory_space<semaphore_mem>>
      %dma_start3A_2229 = arith.constant 0 : i32
      %dma_start3A_2230 = tpu.memref_slice %arg5[%mul3A_2196, %dma_start3A_2229] : memref<8000x40xi32, #tpu.memory_space<hbm>> -> memref<250x40xi32, #tpu.memory_space<hbm>>
      %dma_start3A_2231 = arith.constant 0 : i32
      %dma_start3A_2232 = tpu.memref_slice %arg5[%mul3A_2196, %dma_start3A_2231] : memref<8000x40xi32, #tpu.memory_space<hbm>> -> memref<250x40xi32, #tpu.memory_space<hbm>>
      tpu.enqueue_dma source(%dma_start3A_2232 : memref<250x40xi32, #tpu.memory_space<hbm>>) target(%arg12 : memref<250x40xi32, #tpu.memory_space<vmem>>) target_semaphore(%run_scoped3A : memref<!tpu.dma_semaphore, #tpu.memory_space<semaphore_mem>>)
      %dma_wait3A_2233 = arith.constant 0 : i32
      %dma_wait3A_2234 = tpu.memref_slice %arg5[%mul3A_2196, %dma_wait3A_2233] : memref<8000x40xi32, #tpu.memory_space<hbm>> -> memref<250x40xi32, #tpu.memory_space<hbm>>
      %dma_wait3A_2235 = arith.constant 0 : i32
      %dma_wait3A_2236 = tpu.memref_slice %arg5[%mul3A_2196, %dma_wait3A_2235] : memref<8000x40xi32, #tpu.memory_space<hbm>> -> memref<250x40xi32, #tpu.memory_space<hbm>>
      tpu.wait_dma2 semaphore(%run_scoped3A : memref<!tpu.dma_semaphore, #tpu.memory_space<semaphore_mem>>) src(%dma_wait3A_2236 : memref<250x40xi32, #tpu.memory_space<hbm>>) dst(%arg12 : memref<250x40xi32, #tpu.memory_space<vmem>>)
      tpu.yield
    }) : () -> ()
    "tpu.region"() ({
      %run_scoped3A = tpu.sem_alloc : memref<!tpu.dma_semaphore, #tpu.memory_space<semaphore_mem>>
      %dma_start3A_2229 = arith.constant 0 : i32
      %dma_start3A_2230 = tpu.memref_slice %arg6[%mul3A_2196, %dma_start3A_2229] : memref<8000x40xi32, #tpu.memory_space<hbm>> -> memref<250x40xi32, #tpu.memory_space<hbm>>
      %dma_start3A_2231 = arith.constant 0 : i32
      %dma_start3A_2232 = tpu.memref_slice %arg6[%mul3A_2196, %dma_start3A_2231] : memref<8000x40xi32, #tpu.memory_space<hbm>> -> memref<250x40xi32, #tpu.memory_space<hbm>>
      tpu.enqueue_dma source(%dma_start3A_2232 : memref<250x40xi32, #tpu.memory_space<hbm>>) target(%arg13 : memref<250x40xi32, #tpu.memory_space<vmem>>) target_semaphore(%run_scoped3A : memref<!tpu.dma_semaphore, #tpu.memory_space<semaphore_mem>>)
      %dma_wait3A_2233 = arith.constant 0 : i32
      %dma_wait3A_2234 = tpu.memref_slice %arg6[%mul3A_2196, %dma_wait3A_2233] : memref<8000x40xi32, #tpu.memory_space<hbm>> -> memref<250x40xi32, #tpu.memory_space<hbm>>
      %dma_wait3A_2235 = arith.constant 0 : i32
      %dma_wait3A_2236 = tpu.memref_slice %arg6[%mul3A_2196, %dma_wait3A_2235] : memref<8000x40xi32, #tpu.memory_space<hbm>> -> memref<250x40xi32, #tpu.memory_space<hbm>>
      tpu.wait_dma2 semaphore(%run_scoped3A : memref<!tpu.dma_semaphore, #tpu.memory_space<semaphore_mem>>) src(%dma_wait3A_2236 : memref<250x40xi32, #tpu.memory_space<hbm>>) dst(%arg13 : memref<250x40xi32, #tpu.memory_space<vmem>>)
      tpu.yield
    }) : () -> ()
    %dma_start3A = arith.constant 0 : i32
    %dma_start3A_2197 = arith.constant 0 : i32
    %dma_start3A_2198 = tpu.memref_slice %arg12[%dma_start3A, %dma_start3A_2197] : memref<250x40xi32, #tpu.memory_space<vmem>> -> memref<1x40xi32, #tpu.memory_space<vmem>>
    %dma_start3A_2199 = tpu.memref_squeeze %dma_start3A_2198 : memref<1x40xi32, #tpu.memory_space<vmem>> -> memref<40xi32, #tpu.memory_space<vmem>>
    %dma_start3A_2200 = arith.constant 0 : i32
    %dma_start3A_2201 = arith.constant 0 : i32
    %dma_start3A_2202 = tpu.memref_slice %arg2[%dma_start3A_2200, %dma_start3A_2201] : memref<10000x144xf32, #tpu.memory_space<hbm>> -> memref<10000x144xf32, #tpu.memory_space<hbm>>
    tpu.enqueue_indirect_dma source(%dma_start3A_2202 : memref<10000x144xf32, #tpu.memory_space<hbm>>) target(%arg8 : memref<40x144xf32, #tpu.memory_space<vmem>>) offsets(%dma_start3A_2199 : memref<40xi32, #tpu.memory_space<vmem>>) semaphore(%arg16 : memref<!tpu.dma_semaphore, #tpu.memory_space<semaphore_mem>>)
    %dma_start3A_2203 = arith.constant 0 : i32
    %dma_start3A_2204 = arith.constant 0 : i32
    %dma_start3A_2205 = tpu.memref_slice %arg13[%dma_start3A_2203, %dma_start3A_2204] : memref<250x40xi32, #tpu.memory_space<vmem>> -> memref<1x40xi32, #tpu.memory_space<vmem>>
    %dma_start3A_2206 = tpu.memref_squeeze %dma_start3A_2205 : memref<1x40xi32, #tpu.memory_space<vmem>> -> memref<40xi32, #tpu.memory_space<vmem>>
    %dma_start3A_2207 = arith.constant 0 : i32
    %dma_start3A_2208 = arith.constant 0 : i32
    %dma_start3A_2209 = tpu.memref_slice %arg3[%dma_start3A_2207, %dma_start3A_2208] : memref<10000x16xf32, #tpu.memory_space<hbm>> -> memref<10000x16xf32, #tpu.memory_space<hbm>>
    tpu.enqueue_indirect_dma source(%dma_start3A_2209 : memref<10000x16xf32, #tpu.memory_space<hbm>>) target(%arg10 : memref<40x16xf32, #tpu.memory_space<vmem>>) offsets(%dma_start3A_2206 : memref<40xi32, #tpu.memory_space<vmem>>) semaphore(%arg16 : memref<!tpu.dma_semaphore, #tpu.memory_space<semaphore_mem>>)
    %dma_wait3A = arith.constant 0 : i32
    %dma_wait3A_2210 = arith.constant 0 : i32
    %dma_wait3A_2211 = tpu.memref_slice %arg12[%dma_wait3A, %dma_wait3A_2210] : memref<250x40xi32, #tpu.memory_space<vmem>> -> memref<1x40xi32, #tpu.memory_space<vmem>>
    %dma_wait3A_2212 = tpu.memref_squeeze %dma_wait3A_2211 : memref<1x40xi32, #tpu.memory_space<vmem>> -> memref<40xi32, #tpu.memory_space<vmem>>
    %dma_wait3A_2213 = arith.constant 0 : i32
    %dma_wait3A_2214 = arith.constant 0 : i32
    %dma_wait3A_2215 = tpu.memref_slice %arg2[%dma_wait3A_2213, %dma_wait3A_2214] : memref<10000x144xf32, #tpu.memory_space<hbm>> -> memref<10000x144xf32, #tpu.memory_space<hbm>>
    tpu.wait_indirect_dma semaphore(%arg16 : memref<!tpu.dma_semaphore, #tpu.memory_space<semaphore_mem>>) src(%dma_wait3A_2215 : memref<10000x144xf32, #tpu.memory_space<hbm>>) dst(%arg8 : memref<40x144xf32, #tpu.memory_space<vmem>>)
    %dma_wait3A_2216 = arith.constant 0 : i32
    %dma_wait3A_2217 = arith.constant 0 : i32
    %dma_wait3A_2218 = tpu.memref_slice %arg13[%dma_wait3A_2216, %dma_wait3A_2217] : memref<250x40xi32, #tpu.memory_space<vmem>> -> memref<1x40xi32, #tpu.memory_space<vmem>>
    %dma_wait3A_2219 = tpu.memref_squeeze %dma_wait3A_2218 : memref<1x40xi32, #tpu.memory_space<vmem>> -> memref<40xi32, #tpu.memory_space<vmem>>
    %dma_wait3A_2220 = arith.constant 0 : i32
    %dma_wait3A_2221 = arith.constant 0 : i32
    %dma_wait3A_2222 = tpu.memref_slice %arg3[%dma_wait3A_2220, %dma_wait3A_2221] : memref<10000x16xf32, #tpu.memory_space<hbm>> -> memref<10000x16xf32, #tpu.memory_space<hbm>>
    tpu.wait_indirect_dma semaphore(%arg16 : memref<!tpu.dma_semaphore, #tpu.memory_space<semaphore_mem>>) src(%dma_wait3A_2222 : memref<10000x16xf32, #tpu.memory_space<hbm>>) dst(%arg10 : memref<40x16xf32, #tpu.memory_space<vmem>>)
    %barrier3A = arith.constant 0 : index
    tpu.barrier barrier_id(%barrier3A)
    %scan3A = arith.constant 0 : i32
    %scan3A_2223 = arith.constant 0 : i32
    %scan3A_2224 = arith.constant 125 : i32
    %scan3A_2225 = arith.addi %scan3A_2223, %scan3A_2224 : i32
    %scan3A_2226 = arith.constant 1 : i32
    scf.for %scan3A_2229 = %scan3A_2223 to %scan3A_2225 step %scan3A_2226  : i32 {
      %mul3A_2230 = arith.constant 2 : i32
      %mul3A_2231 = arith.muli %mul3A_2230, %scan3A_2229 : i32
      %add3A_2232 = arith.constant 1 : i32
      %add3A_2233 = arith.addi %mul3A_2231, %add3A_2232 : i32
      %dma_start3A_2234 = arith.constant 0 : i32
      %dma_start3A_2235 = tpu.memref_slice %arg12[%add3A_2233, %dma_start3A_2234] : memref<250x40xi32, #tpu.memory_space<vmem>> -> memref<1x40xi32, #tpu.memory_space<vmem>>
      %dma_start3A_2236 = tpu.memref_squeeze %dma_start3A_2235 : memref<1x40xi32, #tpu.memory_space<vmem>> -> memref<40xi32, #tpu.memory_space<vmem>>
      %dma_start3A_2237 = arith.constant 0 : i32
      %dma_start3A_2238 = arith.constant 0 : i32
      %dma_start3A_2239 = tpu.memref_slice %arg2[%dma_start3A_2237, %dma_start3A_2238] : memref<10000x144xf32, #tpu.memory_space<hbm>> -> memref<10000x144xf32, #tpu.memory_space<hbm>>
      tpu.enqueue_indirect_dma source(%dma_start3A_2239 : memref<10000x144xf32, #tpu.memory_space<hbm>>) target(%arg9 : memref<40x144xf32, #tpu.memory_space<vmem>>) offsets(%dma_start3A_2236 : memref<40xi32, #tpu.memory_space<vmem>>) semaphore(%arg17 : memref<!tpu.dma_semaphore, #tpu.memory_space<semaphore_mem>>)
      %dma_start3A_2240 = arith.constant 0 : i32
      %dma_start3A_2241 = tpu.memref_slice %arg13[%add3A_2233, %dma_start3A_2240] : memref<250x40xi32, #tpu.memory_space<vmem>> -> memref<1x40xi32, #tpu.memory_space<vmem>>
      %dma_start3A_2242 = tpu.memref_squeeze %dma_start3A_2241 : memref<1x40xi32, #tpu.memory_space<vmem>> -> memref<40xi32, #tpu.memory_space<vmem>>
      %dma_start3A_2243 = arith.constant 0 : i32
      %dma_start3A_2244 = arith.constant 0 : i32
      %dma_start3A_2245 = tpu.memref_slice %arg3[%dma_start3A_2243, %dma_start3A_2244] : memref<10000x16xf32, #tpu.memory_space<hbm>> -> memref<10000x16xf32, #tpu.memory_space<hbm>>
      tpu.enqueue_indirect_dma source(%dma_start3A_2245 : memref<10000x16xf32, #tpu.memory_space<hbm>>) target(%arg11 : memref<40x16xf32, #tpu.memory_space<vmem>>) offsets(%dma_start3A_2242 : memref<40xi32, #tpu.memory_space<vmem>>) semaphore(%arg17 : memref<!tpu.dma_semaphore, #tpu.memory_space<semaphore_mem>>)
      %get3A = arith.constant 0 : index
      %get3A_2246 = tpu.vector_load %arg14[%get3A] {strides = array<i32>} : memref<16xf32, #tpu.memory_space<vmem>>, vector<16xf32>,
      %get3A_2247 = vector.shape_cast %get3A_2246 : vector<16xf32> to vector<16xf32>
      %parallel_loop3A = arith.constant 0 : i32
      %parallel_loop3A_2248 = arith.constant 40 : i32
      %parallel_loop3A_2249 = arith.constant 1 : i32
      scf.for %parallel_loop3A_2297 = %parallel_loop3A to %parallel_loop3A_2248 step %parallel_loop3A_2249  : i32 {
        %parallel_loop3A_2298 = arith.index_cast %parallel_loop3A_2297 : i32 to index
        %parallel_loop3A_2299 = arith.constant 128 : index
        %parallel_loop3A_2300 = tpu.vector_load %arg8[%parallel_loop3A_2298, %parallel_loop3A_2299] {strides = array<i32>} : memref<40x144xf32, #tpu.memory_space<vmem>>, vector<1x16xf32>,
        %parallel_loop3A_2301 = vector.shape_cast %parallel_loop3A_2300 : vector<1x16xf32> to vector<16xf32>
        %parallel_loop3A_2302 = arith.index_cast %parallel_loop3A_2297 : i32 to index
        %parallel_loop3A_2303 = arith.constant 0 : index
        %parallel_loop3A_2304 = tpu.vector_load %arg10[%parallel_loop3A_2302, %parallel_loop3A_2303] {strides = array<i32>} : memref<40x16xf32, #tpu.memory_space<vmem>>, vector<1x16xf32>,
        %parallel_loop3A_2305 = vector.shape_cast %parallel_loop3A_2304 : vector<1x16xf32> to vector<16xf32>
        %parallel_loop3A_2306 = arith.addf %parallel_loop3A_2301, %parallel_loop3A_2305 : vector<16xf32>
        %parallel_loop3A_2307 = arith.constant 2.000000e-01 : f32
        %parallel_loop3A_2308 = vector.broadcast %parallel_loop3A_2307 : f32 to vector<16xf32>
        %parallel_loop3A_2309 = arith.mulf %parallel_loop3A_2308, %parallel_loop3A_2306 : vector<16xf32>
        %parallel_loop3A_2310 = arith.maximumf %parallel_loop3A_2306, %parallel_loop3A_2309 : vector<16xf32>
        %parallel_loop3A_2311 = arith.addf %parallel_loop3A_2305, %get3A_2247 : vector<16xf32>
        %parallel_loop3A_2312 = arith.constant 2.000000e-01 : f32
        %parallel_loop3A_2313 = vector.broadcast %parallel_loop3A_2312 : f32 to vector<16xf32>
        %parallel_loop3A_2314 = arith.mulf %parallel_loop3A_2313, %parallel_loop3A_2311 : vector<16xf32>
        %parallel_loop3A_2315 = arith.maximumf %parallel_loop3A_2311, %parallel_loop3A_2314 : vector<16xf32>
        %parallel_loop3A_2316 = arith.subf %parallel_loop3A_2310, %parallel_loop3A_2315 : vector<16xf32>
        %parallel_loop3A_2317 = math.exp %parallel_loop3A_2316 : vector<16xf32>
        %parallel_loop3A_2318 = arith.index_cast %parallel_loop3A_2297 : i32 to index
        %parallel_loop3A_2319 = arith.constant 128 : index
        %parallel_loop3A_2320 = tpu.vector_load %arg8[%parallel_loop3A_2318, %parallel_loop3A_2319] {strides = array<i32>} : memref<40x144xf32, #tpu.memory_space<vmem>>, vector<1x16xf32>,
        %parallel_loop3A_2321 = vector.shape_cast %parallel_loop3A_2320 : vector<1x16xf32> to vector<16xf32>
        %parallel_loop3A_2322 = vector.shape_cast %parallel_loop3A_2317 : vector<16xf32> to vector<1x16xf32>
        tpu.vector_store %arg8[%parallel_loop3A_2318, %parallel_loop3A_2319], %parallel_loop3A_2322 {strides = array<i32>} : memref<40x144xf32, #tpu.memory_space<vmem>>, vector<1x16xf32>,
        %parallel_loop3A_2323 = arith.index_cast %parallel_loop3A_2297 : i32 to index
        %parallel_loop3A_2324 = arith.constant 0 : index
        %parallel_loop3A_2325 = tpu.vector_load %arg8[%parallel_loop3A_2323, %parallel_loop3A_2324] {strides = array<i32>} : memref<40x144xf32, #tpu.memory_space<vmem>>, vector<1x16xf32>,
        %parallel_loop3A_2326 = vector.shape_cast %parallel_loop3A_2325 : vector<1x16xf32> to vector<16xf32>
        %parallel_loop3A_2327 = arith.mulf %parallel_loop3A_2326, %parallel_loop3A_2317 : vector<16xf32>
        %parallel_loop3A_2328 = arith.index_cast %parallel_loop3A_2297 : i32 to index
        %parallel_loop3A_2329 = arith.constant 0 : index
        %parallel_loop3A_2330 = tpu.vector_load %arg8[%parallel_loop3A_2328, %parallel_loop3A_2329] {strides = array<i32>} : memref<40x144xf32, #tpu.memory_space<vmem>>, vector<1x16xf32>,
        %parallel_loop3A_2331 = vector.shape_cast %parallel_loop3A_2330 : vector<1x16xf32> to vector<16xf32>
        %parallel_loop3A_2332 = vector.shape_cast %parallel_loop3A_2327 : vector<16xf32> to vector<1x16xf32>
        tpu.vector_store %arg8[%parallel_loop3A_2328, %parallel_loop3A_2329], %parallel_loop3A_2332 {strides = array<i32>} : memref<40x144xf32, #tpu.memory_space<vmem>>, vector<1x16xf32>,
        %parallel_loop3A_2333 = arith.index_cast %parallel_loop3A_2297 : i32 to index
        %parallel_loop3A_2334 = arith.constant 16 : index
        %parallel_loop3A_2335 = tpu.vector_load %arg8[%parallel_loop3A_2333, %parallel_loop3A_2334] {strides = array<i32>} : memref<40x144xf32, #tpu.memory_space<vmem>>, vector<1x16xf32>,
        %parallel_loop3A_2336 = vector.shape_cast %parallel_loop3A_2335 : vector<1x16xf32> to vector<16xf32>
        %parallel_loop3A_2337 = arith.mulf %parallel_loop3A_2336, %parallel_loop3A_2317 : vector<16xf32>
        %parallel_loop3A_2338 = arith.index_cast %parallel_loop3A_2297 : i32 to index
        %parallel_loop3A_2339 = arith.constant 16 : index
        %parallel_loop3A_2340 = tpu.vector_load %arg8[%parallel_loop3A_2338, %parallel_loop3A_2339] {strides = array<i32>} : memref<40x144xf32, #tpu.memory_space<vmem>>, vector<1x16xf32>,
        %parallel_loop3A_2341 = vector.shape_cast %parallel_loop3A_2340 : vector<1x16xf32> to vector<16xf32>
        %parallel_loop3A_2342 = vector.shape_cast %parallel_loop3A_2337 : vector<16xf32> to vector<1x16xf32>
        tpu.vector_store %arg8[%parallel_loop3A_2338, %parallel_loop3A_2339], %parallel_loop3A_2342 {strides = array<i32>} : memref<40x144xf32, #tpu.memory_space<vmem>>, vector<1x16xf32>,
        %parallel_loop3A_2343 = arith.index_cast %parallel_loop3A_2297 : i32 to index
        %parallel_loop3A_2344 = arith.constant 32 : index
        %parallel_loop3A_2345 = tpu.vector_load %arg8[%parallel_loop3A_2343, %parallel_loop3A_2344] {strides = array<i32>} : memref<40x144xf32, #tpu.memory_space<vmem>>, vector<1x16xf32>,
        %parallel_loop3A_2346 = vector.shape_cast %parallel_loop3A_2345 : vector<1x16xf32> to vector<16xf32>
        %parallel_loop3A_2347 = arith.mulf %parallel_loop3A_2346, %parallel_loop3A_2317 : vector<16xf32>
        %parallel_loop3A_2348 = arith.index_cast %parallel_loop3A_2297 : i32 to index
        %parallel_loop3A_2349 = arith.constant 32 : index
        %parallel_loop3A_2350 = tpu.vector_load %arg8[%parallel_loop3A_2348, %parallel_loop3A_2349] {strides = array<i32>} : memref<40x144xf32, #tpu.memory_space<vmem>>, vector<1x16xf32>,
        %parallel_loop3A_2351 = vector.shape_cast %parallel_loop3A_2350 : vector<1x16xf32> to vector<16xf32>
        %parallel_loop3A_2352 = vector.shape_cast %parallel_loop3A_2347 : vector<16xf32> to vector<1x16xf32>
        tpu.vector_store %arg8[%parallel_loop3A_2348, %parallel_loop3A_2349], %parallel_loop3A_2352 {strides = array<i32>} : memref<40x144xf32, #tpu.memory_space<vmem>>, vector<1x16xf32>,
        %parallel_loop3A_2353 = arith.index_cast %parallel_loop3A_2297 : i32 to index
        %parallel_loop3A_2354 = arith.constant 48 : index
        %parallel_loop3A_2355 = tpu.vector_load %arg8[%parallel_loop3A_2353, %parallel_loop3A_2354] {strides = array<i32>} : memref<40x144xf32, #tpu.memory_space<vmem>>, vector<1x16xf32>,
        %parallel_loop3A_2356 = vector.shape_cast %parallel_loop3A_2355 : vector<1x16xf32> to vector<16xf32>
        %parallel_loop3A_2357 = arith.mulf %parallel_loop3A_2356, %parallel_loop3A_2317 : vector<16xf32>
        %parallel_loop3A_2358 = arith.index_cast %parallel_loop3A_2297 : i32 to index
        %parallel_loop3A_2359 = arith.constant 48 : index
        %parallel_loop3A_2360 = tpu.vector_load %arg8[%parallel_loop3A_2358, %parallel_loop3A_2359] {strides = array<i32>} : memref<40x144xf32, #tpu.memory_space<vmem>>, vector<1x16xf32>,
        %parallel_loop3A_2361 = vector.shape_cast %parallel_loop3A_2360 : vector<1x16xf32> to vector<16xf32>
        %parallel_loop3A_2362 = vector.shape_cast %parallel_loop3A_2357 : vector<16xf32> to vector<1x16xf32>
        tpu.vector_store %arg8[%parallel_loop3A_2358, %parallel_loop3A_2359], %parallel_loop3A_2362 {strides = array<i32>} : memref<40x144xf32, #tpu.memory_space<vmem>>, vector<1x16xf32>,
        %parallel_loop3A_2363 = arith.index_cast %parallel_loop3A_2297 : i32 to index
        %parallel_loop3A_2364 = arith.constant 64 : index
        %parallel_loop3A_2365 = tpu.vector_load %arg8[%parallel_loop3A_2363, %parallel_loop3A_2364] {strides = array<i32>} : memref<40x144xf32, #tpu.memory_space<vmem>>, vector<1x16xf32>,
        %parallel_loop3A_2366 = vector.shape_cast %parallel_loop3A_2365 : vector<1x16xf32> to vector<16xf32>
        %parallel_loop3A_2367 = arith.mulf %parallel_loop3A_2366, %parallel_loop3A_2317 : vector<16xf32>
        %parallel_loop3A_2368 = arith.index_cast %parallel_loop3A_2297 : i32 to index
        %parallel_loop3A_2369 = arith.constant 64 : index
        %parallel_loop3A_2370 = tpu.vector_load %arg8[%parallel_loop3A_2368, %parallel_loop3A_2369] {strides = array<i32>} : memref<40x144xf32, #tpu.memory_space<vmem>>, vector<1x16xf32>,
        %parallel_loop3A_2371 = vector.shape_cast %parallel_loop3A_2370 : vector<1x16xf32> to vector<16xf32>
        %parallel_loop3A_2372 = vector.shape_cast %parallel_loop3A_2367 : vector<16xf32> to vector<1x16xf32>
        tpu.vector_store %arg8[%parallel_loop3A_2368, %parallel_loop3A_2369], %parallel_loop3A_2372 {strides = array<i32>} : memref<40x144xf32, #tpu.memory_space<vmem>>, vector<1x16xf32>,
        %parallel_loop3A_2373 = arith.index_cast %parallel_loop3A_2297 : i32 to index
        %parallel_loop3A_2374 = arith.constant 80 : index
        %parallel_loop3A_2375 = tpu.vector_load %arg8[%parallel_loop3A_2373, %parallel_loop3A_2374] {strides = array<i32>} : memref<40x144xf32, #tpu.memory_space<vmem>>, vector<1x16xf32>,
        %parallel_loop3A_2376 = vector.shape_cast %parallel_loop3A_2375 : vector<1x16xf32> to vector<16xf32>
        %parallel_loop3A_2377 = arith.mulf %parallel_loop3A_2376, %parallel_loop3A_2317 : vector<16xf32>
        %parallel_loop3A_2378 = arith.index_cast %parallel_loop3A_2297 : i32 to index
        %parallel_loop3A_2379 = arith.constant 80 : index
        %parallel_loop3A_2380 = tpu.vector_load %arg8[%parallel_loop3A_2378, %parallel_loop3A_2379] {strides = array<i32>} : memref<40x144xf32, #tpu.memory_space<vmem>>, vector<1x16xf32>,
        %parallel_loop3A_2381 = vector.shape_cast %parallel_loop3A_2380 : vector<1x16xf32> to vector<16xf32>
        %parallel_loop3A_2382 = vector.shape_cast %parallel_loop3A_2377 : vector<16xf32> to vector<1x16xf32>
        tpu.vector_store %arg8[%parallel_loop3A_2378, %parallel_loop3A_2379], %parallel_loop3A_2382 {strides = array<i32>} : memref<40x144xf32, #tpu.memory_space<vmem>>, vector<1x16xf32>,
        %parallel_loop3A_2383 = arith.index_cast %parallel_loop3A_2297 : i32 to index
        %parallel_loop3A_2384 = arith.constant 96 : index
        %parallel_loop3A_2385 = tpu.vector_load %arg8[%parallel_loop3A_2383, %parallel_loop3A_2384] {strides = array<i32>} : memref<40x144xf32, #tpu.memory_space<vmem>>, vector<1x16xf32>,
        %parallel_loop3A_2386 = vector.shape_cast %parallel_loop3A_2385 : vector<1x16xf32> to vector<16xf32>
        %parallel_loop3A_2387 = arith.mulf %parallel_loop3A_2386, %parallel_loop3A_2317 : vector<16xf32>
        %parallel_loop3A_2388 = arith.index_cast %parallel_loop3A_2297 : i32 to index
        %parallel_loop3A_2389 = arith.constant 96 : index
        %parallel_loop3A_2390 = tpu.vector_load %arg8[%parallel_loop3A_2388, %parallel_loop3A_2389] {strides = array<i32>} : memref<40x144xf32, #tpu.memory_space<vmem>>, vector<1x16xf32>,
        %parallel_loop3A_2391 = vector.shape_cast %parallel_loop3A_2390 : vector<1x16xf32> to vector<16xf32>
        %parallel_loop3A_2392 = vector.shape_cast %parallel_loop3A_2387 : vector<16xf32> to vector<1x16xf32>
        tpu.vector_store %arg8[%parallel_loop3A_2388, %parallel_loop3A_2389], %parallel_loop3A_2392 {strides = array<i32>} : memref<40x144xf32, #tpu.memory_space<vmem>>, vector<1x16xf32>,
        %parallel_loop3A_2393 = arith.index_cast %parallel_loop3A_2297 : i32 to index
        %parallel_loop3A_2394 = arith.constant 112 : index
        %parallel_loop3A_2395 = tpu.vector_load %arg8[%parallel_loop3A_2393, %parallel_loop3A_2394] {strides = array<i32>} : memref<40x144xf32, #tpu.memory_space<vmem>>, vector<1x16xf32>,
        %parallel_loop3A_2396 = vector.shape_cast %parallel_loop3A_2395 : vector<1x16xf32> to vector<16xf32>
        %parallel_loop3A_2397 = arith.mulf %parallel_loop3A_2396, %parallel_loop3A_2317 : vector<16xf32>
        %parallel_loop3A_2398 = arith.index_cast %parallel_loop3A_2297 : i32 to index
        %parallel_loop3A_2399 = arith.constant 112 : index
        %parallel_loop3A_2400 = tpu.vector_load %arg8[%parallel_loop3A_2398, %parallel_loop3A_2399] {strides = array<i32>} : memref<40x144xf32, #tpu.memory_space<vmem>>, vector<1x16xf32>,
        %parallel_loop3A_2401 = vector.shape_cast %parallel_loop3A_2400 : vector<1x16xf32> to vector<16xf32>
        %parallel_loop3A_2402 = vector.shape_cast %parallel_loop3A_2397 : vector<16xf32> to vector<1x16xf32>
        tpu.vector_store %arg8[%parallel_loop3A_2398, %parallel_loop3A_2399], %parallel_loop3A_2402 {strides = array<i32>} : memref<40x144xf32, #tpu.memory_space<vmem>>, vector<1x16xf32>,
      } {sc.loop_unroll_factor = 8 : i64, sc.parallel_access}
      "tpu.region"() ({
        %run_scoped3A = tpu.sem_alloc : memref<!tpu.dma_semaphore, #tpu.memory_space<semaphore_mem>>
        %dma_start3A_2297 = arith.constant 0 : i32
        %dma_start3A_2298 = tpu.memref_slice %arg13[%mul3A_2231, %dma_start3A_2297] : memref<250x40xi32, #tpu.memory_space<vmem>> -> memref<1x40xi32, #tpu.memory_space<vmem>>
        %dma_start3A_2299 = tpu.memref_squeeze %dma_start3A_2298 : memref<1x40xi32, #tpu.memory_space<vmem>> -> memref<40xi32, #tpu.memory_space<vmem>>
        %dma_start3A_2300 = arith.constant 0 : i32
        %dma_start3A_2301 = arith.constant 0 : i32
        %dma_start3A_2302 = tpu.memref_slice %arg15[%dma_start3A_2300, %dma_start3A_2301] : memref<10000x144xf32, #tpu.memory_space<vmem_shared>> -> memref<10000x144xf32, #tpu.memory_space<vmem_shared>>
        tpu.enqueue_indirect_dma source(%arg8 : memref<40x144xf32, #tpu.memory_space<vmem>>) target(%dma_start3A_2302 : memref<10000x144xf32, #tpu.memory_space<vmem_shared>>) offsets(%dma_start3A_2299 : memref<40xi32, #tpu.memory_space<vmem>>) semaphore(%run_scoped3A : memref<!tpu.dma_semaphore, #tpu.memory_space<semaphore_mem>>) {add = true}
        %dma_wait3A_2303 = arith.constant 0 : i32
        %dma_wait3A_2304 = tpu.memref_slice %arg13[%mul3A_2231, %dma_wait3A_2303] : memref<250x40xi32, #tpu.memory_space<vmem>> -> memref<1x40xi32, #tpu.memory_space<vmem>>
        %dma_wait3A_2305 = tpu.memref_squeeze %dma_wait3A_2304 : memref<1x40xi32, #tpu.memory_space<vmem>> -> memref<40xi32, #tpu.memory_space<vmem>>
        %dma_wait3A_2306 = arith.constant 0 : i32
        %dma_wait3A_2307 = arith.constant 0 : i32
        %dma_wait3A_2308 = tpu.memref_slice %arg15[%dma_wait3A_2306, %dma_wait3A_2307] : memref<10000x144xf32, #tpu.memory_space<vmem_shared>> -> memref<10000x144xf32, #tpu.memory_space<vmem_shared>>
        tpu.wait_indirect_dma semaphore(%run_scoped3A : memref<!tpu.dma_semaphore, #tpu.memory_space<semaphore_mem>>) src(%arg8 : memref<40x144xf32, #tpu.memory_space<vmem>>) dst(%dma_wait3A_2308 : memref<10000x144xf32, #tpu.memory_space<vmem_shared>>)
        tpu.yield
      }) : () -> ()
      %add3A_2250 = arith.constant 2 : i32
      %add3A_2251 = arith.addi %mul3A_2231, %add3A_2250 : i32
      %min3A = arith.constant 249 : i32
      %min3A_2252 = arith.minsi %add3A_2251, %min3A : i32
      %dma_start3A_2253 = arith.constant 0 : i32
      %dma_start3A_2254 = tpu.memref_slice %arg12[%min3A_2252, %dma_start3A_2253] : memref<250x40xi32, #tpu.memory_space<vmem>> -> memref<1x40xi32, #tpu.memory_space<vmem>>
      %dma_start3A_2255 = tpu.memref_squeeze %dma_start3A_2254 : memref<1x40xi32, #tpu.memory_space<vmem>> -> memref<40xi32, #tpu.memory_space<vmem>>
      %dma_start3A_2256 = arith.constant 0 : i32
      %dma_start3A_2257 = arith.constant 0 : i32
      %dma_start3A_2258 = tpu.memref_slice %arg2[%dma_start3A_2256, %dma_start3A_2257] : memref<10000x144xf32, #tpu.memory_space<hbm>> -> memref<10000x144xf32, #tpu.memory_space<hbm>>
      tpu.enqueue_indirect_dma source(%dma_start3A_2258 : memref<10000x144xf32, #tpu.memory_space<hbm>>) target(%arg8 : memref<40x144xf32, #tpu.memory_space<vmem>>) offsets(%dma_start3A_2255 : memref<40xi32, #tpu.memory_space<vmem>>) semaphore(%arg16 : memref<!tpu.dma_semaphore, #tpu.memory_space<semaphore_mem>>)
      %dma_start3A_2259 = arith.constant 0 : i32
      %dma_start3A_2260 = tpu.memref_slice %arg13[%min3A_2252, %dma_start3A_2259] : memref<250x40xi32, #tpu.memory_space<vmem>> -> memref<1x40xi32, #tpu.memory_space<vmem>>
      %dma_start3A_2261 = tpu.memref_squeeze %dma_start3A_2260 : memref<1x40xi32, #tpu.memory_space<vmem>> -> memref<40xi32, #tpu.memory_space<vmem>>
      %dma_start3A_2262 = arith.constant 0 : i32
      %dma_start3A_2263 = arith.constant 0 : i32
      %dma_start3A_2264 = tpu.memref_slice %arg3[%dma_start3A_2262, %dma_start3A_2263] : memref<10000x16xf32, #tpu.memory_space<hbm>> -> memref<10000x16xf32, #tpu.memory_space<hbm>>
      tpu.enqueue_indirect_dma source(%dma_start3A_2264 : memref<10000x16xf32, #tpu.memory_space<hbm>>) target(%arg10 : memref<40x16xf32, #tpu.memory_space<vmem>>) offsets(%dma_start3A_2261 : memref<40xi32, #tpu.memory_space<vmem>>) semaphore(%arg16 : memref<!tpu.dma_semaphore, #tpu.memory_space<semaphore_mem>>)
      %dma_wait3A_2265 = arith.constant 0 : i32
      %dma_wait3A_2266 = tpu.memref_slice %arg12[%add3A_2233, %dma_wait3A_2265] : memref<250x40xi32, #tpu.memory_space<vmem>> -> memref<1x40xi32, #tpu.memory_space<vmem>>
      %dma_wait3A_2267 = tpu.memref_squeeze %dma_wait3A_2266 : memref<1x40xi32, #tpu.memory_space<vmem>> -> memref<40xi32, #tpu.memory_space<vmem>>
      %dma_wait3A_2268 = arith.constant 0 : i32
      %dma_wait3A_2269 = arith.constant 0 : i32
      %dma_wait3A_2270 = tpu.memref_slice %arg2[%dma_wait3A_2268, %dma_wait3A_2269] : memref<10000x144xf32, #tpu.memory_space<hbm>> -> memref<10000x144xf32, #tpu.memory_space<hbm>>
      tpu.wait_indirect_dma semaphore(%arg17 : memref<!tpu.dma_semaphore, #tpu.memory_space<semaphore_mem>>) src(%dma_wait3A_2270 : memref<10000x144xf32, #tpu.memory_space<hbm>>) dst(%arg9 : memref<40x144xf32, #tpu.memory_space<vmem>>)
      %dma_wait3A_2271 = arith.constant 0 : i32
      %dma_wait3A_2272 = tpu.memref_slice %arg13[%add3A_2233, %dma_wait3A_2271] : memref<250x40xi32, #tpu.memory_space<vmem>> -> memref<1x40xi32, #tpu.memory_space<vmem>>
      %dma_wait3A_2273 = tpu.memref_squeeze %dma_wait3A_2272 : memref<1x40xi32, #tpu.memory_space<vmem>> -> memref<40xi32, #tpu.memory_space<vmem>>
      %dma_wait3A_2274 = arith.constant 0 : i32
      %dma_wait3A_2275 = arith.constant 0 : i32
      %dma_wait3A_2276 = tpu.memref_slice %arg3[%dma_wait3A_2274, %dma_wait3A_2275] : memref<10000x16xf32, #tpu.memory_space<hbm>> -> memref<10000x16xf32, #tpu.memory_space<hbm>>
      tpu.wait_indirect_dma semaphore(%arg17 : memref<!tpu.dma_semaphore, #tpu.memory_space<semaphore_mem>>) src(%dma_wait3A_2276 : memref<10000x16xf32, #tpu.memory_space<hbm>>) dst(%arg11 : memref<40x16xf32, #tpu.memory_space<vmem>>)
      %get3A_2277 = arith.constant 0 : index
      %get3A_2278 = tpu.vector_load %arg14[%get3A_2277] {strides = array<i32>} : memref<16xf32, #tpu.memory_space<vmem>>, vector<16xf32>,
      %get3A_2279 = vector.shape_cast %get3A_2278 : vector<16xf32> to vector<16xf32>
      %parallel_loop3A_2280 = arith.constant 0 : i32
      %parallel_loop3A_2281 = arith.constant 40 : i32
      %parallel_loop3A_2282 = arith.constant 1 : i32
      scf.for %parallel_loop3A_2297 = %parallel_loop3A_2280 to %parallel_loop3A_2281 step %parallel_loop3A_2282  : i32 {
        %parallel_loop3A_2298 = arith.index_cast %parallel_loop3A_2297 : i32 to index
        %parallel_loop3A_2299 = arith.constant 128 : index
        %parallel_loop3A_2300 = tpu.vector_load %arg9[%parallel_loop3A_2298, %parallel_loop3A_2299] {strides = array<i32>} : memref<40x144xf32, #tpu.memory_space<vmem>>, vector<1x16xf32>,
        %parallel_loop3A_2301 = vector.shape_cast %parallel_loop3A_2300 : vector<1x16xf32> to vector<16xf32>
        %parallel_loop3A_2302 = arith.index_cast %parallel_loop3A_2297 : i32 to index
        %parallel_loop3A_2303 = arith.constant 0 : index
        %parallel_loop3A_2304 = tpu.vector_load %arg11[%parallel_loop3A_2302, %parallel_loop3A_2303] {strides = array<i32>} : memref<40x16xf32, #tpu.memory_space<vmem>>, vector<1x16xf32>,
        %parallel_loop3A_2305 = vector.shape_cast %parallel_loop3A_2304 : vector<1x16xf32> to vector<16xf32>
        %parallel_loop3A_2306 = arith.addf %parallel_loop3A_2301, %parallel_loop3A_2305 : vector<16xf32>
        %parallel_loop3A_2307 = arith.constant 2.000000e-01 : f32
        %parallel_loop3A_2308 = vector.broadcast %parallel_loop3A_2307 : f32 to vector<16xf32>
        %parallel_loop3A_2309 = arith.mulf %parallel_loop3A_2308, %parallel_loop3A_2306 : vector<16xf32>
        %parallel_loop3A_2310 = arith.maximumf %parallel_loop3A_2306, %parallel_loop3A_2309 : vector<16xf32>
        %parallel_loop3A_2311 = arith.addf %parallel_loop3A_2305, %get3A_2279 : vector<16xf32>
        %parallel_loop3A_2312 = arith.constant 2.000000e-01 : f32
        %parallel_loop3A_2313 = vector.broadcast %parallel_loop3A_2312 : f32 to vector<16xf32>
        %parallel_loop3A_2314 = arith.mulf %parallel_loop3A_2313, %parallel_loop3A_2311 : vector<16xf32>
        %parallel_loop3A_2315 = arith.maximumf %parallel_loop3A_2311, %parallel_loop3A_2314 : vector<16xf32>
        %parallel_loop3A_2316 = arith.subf %parallel_loop3A_2310, %parallel_loop3A_2315 : vector<16xf32>
        %parallel_loop3A_2317 = math.exp %parallel_loop3A_2316 : vector<16xf32>
        %parallel_loop3A_2318 = arith.index_cast %parallel_loop3A_2297 : i32 to index
        %parallel_loop3A_2319 = arith.constant 128 : index
        %parallel_loop3A_2320 = tpu.vector_load %arg9[%parallel_loop3A_2318, %parallel_loop3A_2319] {strides = array<i32>} : memref<40x144xf32, #tpu.memory_space<vmem>>, vector<1x16xf32>,
        %parallel_loop3A_2321 = vector.shape_cast %parallel_loop3A_2320 : vector<1x16xf32> to vector<16xf32>
        %parallel_loop3A_2322 = vector.shape_cast %parallel_loop3A_2317 : vector<16xf32> to vector<1x16xf32>
        tpu.vector_store %arg9[%parallel_loop3A_2318, %parallel_loop3A_2319], %parallel_loop3A_2322 {strides = array<i32>} : memref<40x144xf32, #tpu.memory_space<vmem>>, vector<1x16xf32>,
        %parallel_loop3A_2323 = arith.index_cast %parallel_loop3A_2297 : i32 to index
        %parallel_loop3A_2324 = arith.constant 0 : index
        %parallel_loop3A_2325 = tpu.vector_load %arg9[%parallel_loop3A_2323, %parallel_loop3A_2324] {strides = array<i32>} : memref<40x144xf32, #tpu.memory_space<vmem>>, vector<1x16xf32>,
        %parallel_loop3A_2326 = vector.shape_cast %parallel_loop3A_2325 : vector<1x16xf32> to vector<16xf32>
        %parallel_loop3A_2327 = arith.mulf %parallel_loop3A_2326, %parallel_loop3A_2317 : vector<16xf32>
        %parallel_loop3A_2328 = arith.index_cast %parallel_loop3A_2297 : i32 to index
        %parallel_loop3A_2329 = arith.constant 0 : index
        %parallel_loop3A_2330 = tpu.vector_load %arg9[%parallel_loop3A_2328, %parallel_loop3A_2329] {strides = array<i32>} : memref<40x144xf32, #tpu.memory_space<vmem>>, vector<1x16xf32>,
        %parallel_loop3A_2331 = vector.shape_cast %parallel_loop3A_2330 : vector<1x16xf32> to vector<16xf32>
        %parallel_loop3A_2332 = vector.shape_cast %parallel_loop3A_2327 : vector<16xf32> to vector<1x16xf32>
        tpu.vector_store %arg9[%parallel_loop3A_2328, %parallel_loop3A_2329], %parallel_loop3A_2332 {strides = array<i32>} : memref<40x144xf32, #tpu.memory_space<vmem>>, vector<1x16xf32>,
        %parallel_loop3A_2333 = arith.index_cast %parallel_loop3A_2297 : i32 to index
        %parallel_loop3A_2334 = arith.constant 16 : index
        %parallel_loop3A_2335 = tpu.vector_load %arg9[%parallel_loop3A_2333, %parallel_loop3A_2334] {strides = array<i32>} : memref<40x144xf32, #tpu.memory_space<vmem>>, vector<1x16xf32>,
        %parallel_loop3A_2336 = vector.shape_cast %parallel_loop3A_2335 : vector<1x16xf32> to vector<16xf32>
        %parallel_loop3A_2337 = arith.mulf %parallel_loop3A_2336, %parallel_loop3A_2317 : vector<16xf32>
        %parallel_loop3A_2338 = arith.index_cast %parallel_loop3A_2297 : i32 to index
        %parallel_loop3A_2339 = arith.constant 16 : index
        %parallel_loop3A_2340 = tpu.vector_load %arg9[%parallel_loop3A_2338, %parallel_loop3A_2339] {strides = array<i32>} : memref<40x144xf32, #tpu.memory_space<vmem>>, vector<1x16xf32>,
        %parallel_loop3A_2341 = vector.shape_cast %parallel_loop3A_2340 : vector<1x16xf32> to vector<16xf32>
        %parallel_loop3A_2342 = vector.shape_cast %parallel_loop3A_2337 : vector<16xf32> to vector<1x16xf32>
        tpu.vector_store %arg9[%parallel_loop3A_2338, %parallel_loop3A_2339], %parallel_loop3A_2342 {strides = array<i32>} : memref<40x144xf32, #tpu.memory_space<vmem>>, vector<1x16xf32>,
        %parallel_loop3A_2343 = arith.index_cast %parallel_loop3A_2297 : i32 to index
        %parallel_loop3A_2344 = arith.constant 32 : index
        %parallel_loop3A_2345 = tpu.vector_load %arg9[%parallel_loop3A_2343, %parallel_loop3A_2344] {strides = array<i32>} : memref<40x144xf32, #tpu.memory_space<vmem>>, vector<1x16xf32>,
        %parallel_loop3A_2346 = vector.shape_cast %parallel_loop3A_2345 : vector<1x16xf32> to vector<16xf32>
        %parallel_loop3A_2347 = arith.mulf %parallel_loop3A_2346, %parallel_loop3A_2317 : vector<16xf32>
        %parallel_loop3A_2348 = arith.index_cast %parallel_loop3A_2297 : i32 to index
        %parallel_loop3A_2349 = arith.constant 32 : index
        %parallel_loop3A_2350 = tpu.vector_load %arg9[%parallel_loop3A_2348, %parallel_loop3A_2349] {strides = array<i32>} : memref<40x144xf32, #tpu.memory_space<vmem>>, vector<1x16xf32>,
        %parallel_loop3A_2351 = vector.shape_cast %parallel_loop3A_2350 : vector<1x16xf32> to vector<16xf32>
        %parallel_loop3A_2352 = vector.shape_cast %parallel_loop3A_2347 : vector<16xf32> to vector<1x16xf32>
        tpu.vector_store %arg9[%parallel_loop3A_2348, %parallel_loop3A_2349], %parallel_loop3A_2352 {strides = array<i32>} : memref<40x144xf32, #tpu.memory_space<vmem>>, vector<1x16xf32>,
        %parallel_loop3A_2353 = arith.index_cast %parallel_loop3A_2297 : i32 to index
        %parallel_loop3A_2354 = arith.constant 48 : index
        %parallel_loop3A_2355 = tpu.vector_load %arg9[%parallel_loop3A_2353, %parallel_loop3A_2354] {strides = array<i32>} : memref<40x144xf32, #tpu.memory_space<vmem>>, vector<1x16xf32>,
        %parallel_loop3A_2356 = vector.shape_cast %parallel_loop3A_2355 : vector<1x16xf32> to vector<16xf32>
        %parallel_loop3A_2357 = arith.mulf %parallel_loop3A_2356, %parallel_loop3A_2317 : vector<16xf32>
        %parallel_loop3A_2358 = arith.index_cast %parallel_loop3A_2297 : i32 to index
        %parallel_loop3A_2359 = arith.constant 48 : index
        %parallel_loop3A_2360 = tpu.vector_load %arg9[%parallel_loop3A_2358, %parallel_loop3A_2359] {strides = array<i32>} : memref<40x144xf32, #tpu.memory_space<vmem>>, vector<1x16xf32>,
        %parallel_loop3A_2361 = vector.shape_cast %parallel_loop3A_2360 : vector<1x16xf32> to vector<16xf32>
        %parallel_loop3A_2362 = vector.shape_cast %parallel_loop3A_2357 : vector<16xf32> to vector<1x16xf32>
        tpu.vector_store %arg9[%parallel_loop3A_2358, %parallel_loop3A_2359], %parallel_loop3A_2362 {strides = array<i32>} : memref<40x144xf32, #tpu.memory_space<vmem>>, vector<1x16xf32>,
        %parallel_loop3A_2363 = arith.index_cast %parallel_loop3A_2297 : i32 to index
        %parallel_loop3A_2364 = arith.constant 64 : index
        %parallel_loop3A_2365 = tpu.vector_load %arg9[%parallel_loop3A_2363, %parallel_loop3A_2364] {strides = array<i32>} : memref<40x144xf32, #tpu.memory_space<vmem>>, vector<1x16xf32>,
        %parallel_loop3A_2366 = vector.shape_cast %parallel_loop3A_2365 : vector<1x16xf32> to vector<16xf32>
        %parallel_loop3A_2367 = arith.mulf %parallel_loop3A_2366, %parallel_loop3A_2317 : vector<16xf32>
        %parallel_loop3A_2368 = arith.index_cast %parallel_loop3A_2297 : i32 to index
        %parallel_loop3A_2369 = arith.constant 64 : index
        %parallel_loop3A_2370 = tpu.vector_load %arg9[%parallel_loop3A_2368, %parallel_loop3A_2369] {strides = array<i32>} : memref<40x144xf32, #tpu.memory_space<vmem>>, vector<1x16xf32>,
        %parallel_loop3A_2371 = vector.shape_cast %parallel_loop3A_2370 : vector<1x16xf32> to vector<16xf32>
        %parallel_loop3A_2372 = vector.shape_cast %parallel_loop3A_2367 : vector<16xf32> to vector<1x16xf32>
        tpu.vector_store %arg9[%parallel_loop3A_2368, %parallel_loop3A_2369], %parallel_loop3A_2372 {strides = array<i32>} : memref<40x144xf32, #tpu.memory_space<vmem>>, vector<1x16xf32>,
        %parallel_loop3A_2373 = arith.index_cast %parallel_loop3A_2297 : i32 to index
        %parallel_loop3A_2374 = arith.constant 80 : index
        %parallel_loop3A_2375 = tpu.vector_load %arg9[%parallel_loop3A_2373, %parallel_loop3A_2374] {strides = array<i32>} : memref<40x144xf32, #tpu.memory_space<vmem>>, vector<1x16xf32>,
        %parallel_loop3A_2376 = vector.shape_cast %parallel_loop3A_2375 : vector<1x16xf32> to vector<16xf32>
        %parallel_loop3A_2377 = arith.mulf %parallel_loop3A_2376, %parallel_loop3A_2317 : vector<16xf32>
        %parallel_loop3A_2378 = arith.index_cast %parallel_loop3A_2297 : i32 to index
        %parallel_loop3A_2379 = arith.constant 80 : index
        %parallel_loop3A_2380 = tpu.vector_load %arg9[%parallel_loop3A_2378, %parallel_loop3A_2379] {strides = array<i32>} : memref<40x144xf32, #tpu.memory_space<vmem>>, vector<1x16xf32>,
        %parallel_loop3A_2381 = vector.shape_cast %parallel_loop3A_2380 : vector<1x16xf32> to vector<16xf32>
        %parallel_loop3A_2382 = vector.shape_cast %parallel_loop3A_2377 : vector<16xf32> to vector<1x16xf32>
        tpu.vector_store %arg9[%parallel_loop3A_2378, %parallel_loop3A_2379], %parallel_loop3A_2382 {strides = array<i32>} : memref<40x144xf32, #tpu.memory_space<vmem>>, vector<1x16xf32>,
        %parallel_loop3A_2383 = arith.index_cast %parallel_loop3A_2297 : i32 to index
        %parallel_loop3A_2384 = arith.constant 96 : index
        %parallel_loop3A_2385 = tpu.vector_load %arg9[%parallel_loop3A_2383, %parallel_loop3A_2384] {strides = array<i32>} : memref<40x144xf32, #tpu.memory_space<vmem>>, vector<1x16xf32>,
        %parallel_loop3A_2386 = vector.shape_cast %parallel_loop3A_2385 : vector<1x16xf32> to vector<16xf32>
        %parallel_loop3A_2387 = arith.mulf %parallel_loop3A_2386, %parallel_loop3A_2317 : vector<16xf32>
        %parallel_loop3A_2388 = arith.index_cast %parallel_loop3A_2297 : i32 to index
        %parallel_loop3A_2389 = arith.constant 96 : index
        %parallel_loop3A_2390 = tpu.vector_load %arg9[%parallel_loop3A_2388, %parallel_loop3A_2389] {strides = array<i32>} : memref<40x144xf32, #tpu.memory_space<vmem>>, vector<1x16xf32>,
        %parallel_loop3A_2391 = vector.shape_cast %parallel_loop3A_2390 : vector<1x16xf32> to vector<16xf32>
        %parallel_loop3A_2392 = vector.shape_cast %parallel_loop3A_2387 : vector<16xf32> to vector<1x16xf32>
        tpu.vector_store %arg9[%parallel_loop3A_2388, %parallel_loop3A_2389], %parallel_loop3A_2392 {strides = array<i32>} : memref<40x144xf32, #tpu.memory_space<vmem>>, vector<1x16xf32>,
        %parallel_loop3A_2393 = arith.index_cast %parallel_loop3A_2297 : i32 to index
        %parallel_loop3A_2394 = arith.constant 112 : index
        %parallel_loop3A_2395 = tpu.vector_load %arg9[%parallel_loop3A_2393, %parallel_loop3A_2394] {strides = array<i32>} : memref<40x144xf32, #tpu.memory_space<vmem>>, vector<1x16xf32>,
        %parallel_loop3A_2396 = vector.shape_cast %parallel_loop3A_2395 : vector<1x16xf32> to vector<16xf32>
        %parallel_loop3A_2397 = arith.mulf %parallel_loop3A_2396, %parallel_loop3A_2317 : vector<16xf32>
        %parallel_loop3A_2398 = arith.index_cast %parallel_loop3A_2297 : i32 to index
        %parallel_loop3A_2399 = arith.constant 112 : index
        %parallel_loop3A_2400 = tpu.vector_load %arg9[%parallel_loop3A_2398, %parallel_loop3A_2399] {strides = array<i32>} : memref<40x144xf32, #tpu.memory_space<vmem>>, vector<1x16xf32>,
        %parallel_loop3A_2401 = vector.shape_cast %parallel_loop3A_2400 : vector<1x16xf32> to vector<16xf32>
        %parallel_loop3A_2402 = vector.shape_cast %parallel_loop3A_2397 : vector<16xf32> to vector<1x16xf32>
        tpu.vector_store %arg9[%parallel_loop3A_2398, %parallel_loop3A_2399], %parallel_loop3A_2402 {strides = array<i32>} : memref<40x144xf32, #tpu.memory_space<vmem>>, vector<1x16xf32>,
      } {sc.loop_unroll_factor = 8 : i64, sc.parallel_access}
      %add3A_2283 = arith.constant 1 : i32
      %add3A_2284 = arith.addi %mul3A_2231, %add3A_2283 : i32
      "tpu.region"() ({
        %run_scoped3A = tpu.sem_alloc : memref<!tpu.dma_semaphore, #tpu.memory_space<semaphore_mem>>
        %dma_start3A_2297 = arith.constant 0 : i32
        %dma_start3A_2298 = tpu.memref_slice %arg13[%add3A_2284, %dma_start3A_2297] : memref<250x40xi32, #tpu.memory_space<vmem>> -> memref<1x40xi32, #tpu.memory_space<vmem>>
        %dma_start3A_2299 = tpu.memref_squeeze %dma_start3A_2298 : memref<1x40xi32, #tpu.memory_space<vmem>> -> memref<40xi32, #tpu.memory_space<vmem>>
        %dma_start3A_2300 = arith.constant 0 : i32
        %dma_start3A_2301 = arith.constant 0 : i32
        %dma_start3A_2302 = tpu.memref_slice %arg15[%dma_start3A_2300, %dma_start3A_2301] : memref<10000x144xf32, #tpu.memory_space<vmem_shared>> -> memref<10000x144xf32, #tpu.memory_space<vmem_shared>>
        tpu.enqueue_indirect_dma source(%arg9 : memref<40x144xf32, #tpu.memory_space<vmem>>) target(%dma_start3A_2302 : memref<10000x144xf32, #tpu.memory_space<vmem_shared>>) offsets(%dma_start3A_2299 : memref<40xi32, #tpu.memory_space<vmem>>) semaphore(%run_scoped3A : memref<!tpu.dma_semaphore, #tpu.memory_space<semaphore_mem>>) {add = true}
        %dma_wait3A_2303 = arith.constant 0 : i32
        %dma_wait3A_2304 = tpu.memref_slice %arg13[%add3A_2284, %dma_wait3A_2303] : memref<250x40xi32, #tpu.memory_space<vmem>> -> memref<1x40xi32, #tpu.memory_space<vmem>>
        %dma_wait3A_2305 = tpu.memref_squeeze %dma_wait3A_2304 : memref<1x40xi32, #tpu.memory_space<vmem>> -> memref<40xi32, #tpu.memory_space<vmem>>
        %dma_wait3A_2306 = arith.constant 0 : i32
        %dma_wait3A_2307 = arith.constant 0 : i32
        %dma_wait3A_2308 = tpu.memref_slice %arg15[%dma_wait3A_2306, %dma_wait3A_2307] : memref<10000x144xf32, #tpu.memory_space<vmem_shared>> -> memref<10000x144xf32, #tpu.memory_space<vmem_shared>>
        tpu.wait_indirect_dma semaphore(%run_scoped3A : memref<!tpu.dma_semaphore, #tpu.memory_space<semaphore_mem>>) src(%arg9 : memref<40x144xf32, #tpu.memory_space<vmem>>) dst(%dma_wait3A_2308 : memref<10000x144xf32, #tpu.memory_space<vmem_shared>>)
        tpu.yield
      }) : () -> ()
      %dma_wait3A_2285 = arith.constant 0 : i32
      %dma_wait3A_2286 = tpu.memref_slice %arg12[%min3A_2252, %dma_wait3A_2285] : memref<250x40xi32, #tpu.memory_space<vmem>> -> memref<1x40xi32, #tpu.memory_space<vmem>>
      %dma_wait3A_2287 = tpu.memref_squeeze %dma_wait3A_2286 : memref<1x40xi32, #tpu.memory_space<vmem>> -> memref<40xi32, #tpu.memory_space<vmem>>
      %dma_wait3A_2288 = arith.constant 0 : i32
      %dma_wait3A_2289 = arith.constant 0 : i32
      %dma_wait3A_2290 = tpu.memref_slice %arg2[%dma_wait3A_2288, %dma_wait3A_2289] : memref<10000x144xf32, #tpu.memory_space<hbm>> -> memref<10000x144xf32, #tpu.memory_space<hbm>>
      tpu.wait_indirect_dma semaphore(%arg16 : memref<!tpu.dma_semaphore, #tpu.memory_space<semaphore_mem>>) src(%dma_wait3A_2290 : memref<10000x144xf32, #tpu.memory_space<hbm>>) dst(%arg8 : memref<40x144xf32, #tpu.memory_space<vmem>>)
      %dma_wait3A_2291 = arith.constant 0 : i32
      %dma_wait3A_2292 = tpu.memref_slice %arg13[%min3A_2252, %dma_wait3A_2291] : memref<250x40xi32, #tpu.memory_space<vmem>> -> memref<1x40xi32, #tpu.memory_space<vmem>>
      %dma_wait3A_2293 = tpu.memref_squeeze %dma_wait3A_2292 : memref<1x40xi32, #tpu.memory_space<vmem>> -> memref<40xi32, #tpu.memory_space<vmem>>
      %dma_wait3A_2294 = arith.constant 0 : i32
      %dma_wait3A_2295 = arith.constant 0 : i32
      %dma_wait3A_2296 = tpu.memref_slice %arg3[%dma_wait3A_2294, %dma_wait3A_2295] : memref<10000x16xf32, #tpu.memory_space<hbm>> -> memref<10000x16xf32, #tpu.memory_space<hbm>>
      tpu.wait_indirect_dma semaphore(%arg16 : memref<!tpu.dma_semaphore, #tpu.memory_space<semaphore_mem>>) src(%dma_wait3A_2296 : memref<10000x16xf32, #tpu.memory_space<hbm>>) dst(%arg10 : memref<40x16xf32, #tpu.memory_space<vmem>>)
    }
    %scan3A_2227 = arith.constant 125 : i32
    %barrier3A_2228 = arith.constant 0 : index
    tpu.barrier barrier_id(%barrier3A_2228)
    "tpu.region"() ({
      %run_scoped3A = tpu.sem_alloc : memref<!tpu.dma_semaphore, #tpu.memory_space<semaphore_mem>>
      %dma_start3A_2229 = arith.constant 0 : i32
      %dma_start3A_2230 = tpu.memref_slice %arg7[%arg0, %mul3A_2160, %dma_start3A_2229] : memref<2x10000x144xf32, #tpu.memory_space<hbm>> -> memref<1x625x144xf32, #tpu.memory_space<hbm>>
      %dma_start3A_2231 = tpu.memref_squeeze %dma_start3A_2230 : memref<1x625x144xf32, #tpu.memory_space<hbm>> -> memref<625x144xf32, #tpu.memory_space<hbm>>
      %dma_start3A_2232 = arith.constant 0 : i32
      %dma_start3A_2233 = tpu.memref_slice %arg15[%mul3A_2160, %dma_start3A_2232] : memref<10000x144xf32, #tpu.memory_space<vmem_shared>> -> memref<625x144xf32, #tpu.memory_space<vmem_shared>>
      tpu.enqueue_dma source(%dma_start3A_2233 : memref<625x144xf32, #tpu.memory_space<vmem_shared>>) target(%dma_start3A_2231 : memref<625x144xf32, #tpu.memory_space<hbm>>) target_semaphore(%run_scoped3A : memref<!tpu.dma_semaphore, #tpu.memory_space<semaphore_mem>>)
      %dma_wait3A_2234 = arith.constant 0 : i32
      %dma_wait3A_2235 = tpu.memref_slice %arg7[%arg0, %mul3A_2160, %dma_wait3A_2234] : memref<2x10000x144xf32, #tpu.memory_space<hbm>> -> memref<1x625x144xf32, #tpu.memory_space<hbm>>
      %dma_wait3A_2236 = tpu.memref_squeeze %dma_wait3A_2235 : memref<1x625x144xf32, #tpu.memory_space<hbm>> -> memref<625x144xf32, #tpu.memory_space<hbm>>
      %dma_wait3A_2237 = arith.constant 0 : i32
      %dma_wait3A_2238 = tpu.memref_slice %arg15[%mul3A_2160, %dma_wait3A_2237] : memref<10000x144xf32, #tpu.memory_space<vmem_shared>> -> memref<625x144xf32, #tpu.memory_space<vmem_shared>>
      tpu.wait_dma2 semaphore(%run_scoped3A : memref<!tpu.dma_semaphore, #tpu.memory_space<semaphore_mem>>) src(%dma_wait3A_2238 : memref<625x144xf32, #tpu.memory_space<vmem_shared>>) dst(%dma_wait3A_2236 : memref<625x144xf32, #tpu.memory_space<hbm>>)
      tpu.yield
    }) : () -> ()
    return
  }
}

module attributes {stable_mosaic.version = 14 : i64} {
  func.func @_pre_body(%arg0: i32, %arg1: memref<2000x128xf32, #tpu.memory_space<vmem>>, %arg2: memref<128x128xf32, #tpu.memory_space<vmem>>, %arg3: memref<1x128xf32, #tpu.memory_space<vmem>>, %arg4: memref<128x128xf32, #tpu.memory_space<vmem>>, %arg5: memref<1x128xf32, #tpu.memory_space<vmem>>, %arg6: memref<64x256xf32, #tpu.memory_space<vmem>>, %arg7: memref<128x128xf32, #tpu.memory_space<vmem>>, %arg8: memref<1x128xf32, #tpu.memory_space<vmem>>, %arg9: memref<1x64xf32, #tpu.memory_space<vmem>>, %arg10: memref<64x128xf32, #tpu.memory_space<vmem>>, %arg11: memref<1x128xf32, #tpu.memory_space<vmem>>, %arg12: memref<2000x144xf32, #tpu.memory_space<vmem>>, %arg13: memref<2000x16xf32, #tpu.memory_space<vmem>>, %arg14: memref<2000x128xf32, #tpu.memory_space<vmem>>, %arg15: memref<1x16xf32, #tpu.memory_space<vmem>>, %arg16: memref<1x128xf32, #tpu.memory_space<vmem>>) attributes {dimension_semantics = [#tpu.dimension_semantics<arbitrary>], iteration_bounds = array<i64: 5>, scalar_prefetch = 0 : i64, scratch_operands = 0 : i64, tpu.core_type = #tpu.core_type<tc>, window_params = [{transform_indices = @transform_0, window_bounds = array<i64: 2000, 128>}, {pipeline_mode = #tpu.pipeline_mode<synchronous>, transform_indices = @transform_1, window_bounds = array<i64: 128, 128>}, {pipeline_mode = #tpu.pipeline_mode<synchronous>, transform_indices = @transform_2, window_bounds = array<i64: 1, 128>}, {pipeline_mode = #tpu.pipeline_mode<synchronous>, transform_indices = @transform_3, window_bounds = array<i64: 128, 128>}, {pipeline_mode = #tpu.pipeline_mode<synchronous>, transform_indices = @transform_4, window_bounds = array<i64: 1, 128>}, {pipeline_mode = #tpu.pipeline_mode<synchronous>, transform_indices = @transform_5, window_bounds = array<i64: 64, 256>}, {pipeline_mode = #tpu.pipeline_mode<synchronous>, transform_indices = @transform_6, window_bounds = array<i64: 128, 128>}, {pipeline_mode = #tpu.pipeline_mode<synchronous>, transform_indices = @transform_7, window_bounds = array<i64: 1, 128>}, {pipeline_mode = #tpu.pipeline_mode<synchronous>, transform_indices = @transform_8, window_bounds = array<i64: 1, 64>}, {pipeline_mode = #tpu.pipeline_mode<synchronous>, transform_indices = @transform_9, window_bounds = array<i64: 64, 128>}, {pipeline_mode = #tpu.pipeline_mode<synchronous>, transform_indices = @transform_10, window_bounds = array<i64: 1, 128>}, {transform_indices = @transform_11, window_bounds = array<i64: 2000, 144>}, {transform_indices = @transform_12, window_bounds = array<i64: 2000, 16>}, {transform_indices = @transform_13, window_bounds = array<i64: 2000, 128>}, {pipeline_mode = #tpu.pipeline_mode<synchronous>, transform_indices = @transform_14, window_bounds = array<i64: 1, 16>}, {pipeline_mode = #tpu.pipeline_mode<synchronous>, transform_indices = @transform_15, window_bounds = array<i64: 1, 128>}]} {
    %get3A = arith.constant 0 : index
    %get3A_0 = arith.constant 0 : index
    %get3A_1 = vector.load %arg1[%get3A, %get3A_0] : memref<2000x128xf32, #tpu.memory_space<vmem>>, vector<2000x128xf32>
    %get3A_2 = arith.constant 0 : index
    %get3A_3 = arith.constant 0 : index
    %get3A_4 = vector.load %arg2[%get3A_2, %get3A_3] : memref<128x128xf32, #tpu.memory_space<vmem>>, vector<128x128xf32>
    %dot_general3A = arith.constant dense<0.000000e+00> : vector<2000x128xf32>
    %dot_general3A_5 = tpu.matmul %get3A_1, %get3A_4, %dot_general3A {dimension_numbers = #tpu.dot_dimension_numbers<[1], [0], [0], [1], [0, 0, 1, 1], [], []>, transpose_lhs_hint = false} : vector<2000x128xf32>, vector<128x128xf32>, vector<2000x128xf32> -> vector<2000x128xf32>
    %get3A_6 = arith.constant 0 : index
    %get3A_7 = arith.constant 0 : index
    %get3A_8 = vector.load %arg3[%get3A_6, %get3A_7] : memref<1x128xf32, #tpu.memory_space<vmem>>, vector<1x128xf32>
    %add3A = vector.broadcast %get3A_8 : vector<1x128xf32> to vector<2000x128xf32>
    %add3A_9 = arith.addf %dot_general3A_5, %add3A : vector<2000x128xf32>
    %get3A_10 = arith.constant 0 : index
    %get3A_11 = arith.constant 0 : index
    %get3A_12 = vector.load %arg4[%get3A_10, %get3A_11] : memref<128x128xf32, #tpu.memory_space<vmem>>, vector<128x128xf32>
    %dot_general3A_13 = arith.constant dense<0.000000e+00> : vector<2000x128xf32>
    %dot_general3A_14 = tpu.matmul %add3A_9, %get3A_12, %dot_general3A_13 {dimension_numbers = #tpu.dot_dimension_numbers<[1], [0], [0], [1], [0, 0, 1, 1], [], []>, transpose_lhs_hint = false} : vector<2000x128xf32>, vector<128x128xf32>, vector<2000x128xf32> -> vector<2000x128xf32>
    %get3A_15 = arith.constant 0 : index
    %get3A_16 = arith.constant 0 : index
    %get3A_17 = vector.load %arg5[%get3A_15, %get3A_16] : memref<1x128xf32, #tpu.memory_space<vmem>>, vector<1x128xf32>
    %add3A_18 = vector.broadcast %get3A_17 : vector<1x128xf32> to vector<2000x128xf32>
    %add3A_19 = arith.addf %dot_general3A_14, %add3A_18 : vector<2000x128xf32>
    %swap3A = arith.constant 0 : index
    %swap3A_20 = arith.constant 0 : index
    %swap3A_21 = vector.load %arg12[%swap3A, %swap3A_20] : memref<2000x144xf32, #tpu.memory_space<vmem>>, vector<2000x128xf32>
    tpu.vector_store %arg12[%swap3A, %swap3A_20], %add3A_19 {strides = array<i32>} : memref<2000x144xf32, #tpu.memory_space<vmem>>, vector<2000x128xf32>,
    %get3A_22 = arith.constant 0 : index
    %get3A_23 = arith.constant 0 : index
    %get3A_24 = vector.load %arg7[%get3A_22, %get3A_23] : memref<128x128xf32, #tpu.memory_space<vmem>>, vector<128x128xf32>
    %dot_general3A_25 = arith.constant dense<0.000000e+00> : vector<2000x128xf32>
    %dot_general3A_26 = tpu.matmul %get3A_1, %get3A_24, %dot_general3A_25 {dimension_numbers = #tpu.dot_dimension_numbers<[1], [0], [0], [1], [0, 0, 1, 1], [], []>, transpose_lhs_hint = false} : vector<2000x128xf32>, vector<128x128xf32>, vector<2000x128xf32> -> vector<2000x128xf32>
    %get3A_27 = arith.constant 0 : index
    %get3A_28 = arith.constant 0 : index
    %get3A_29 = vector.load %arg8[%get3A_27, %get3A_28] : memref<1x128xf32, #tpu.memory_space<vmem>>, vector<1x128xf32>
    %add3A_30 = vector.broadcast %get3A_29 : vector<1x128xf32> to vector<2000x128xf32>
    %add3A_31 = arith.addf %dot_general3A_26, %add3A_30 : vector<2000x128xf32>
    %swap3A_32 = arith.constant 0 : index
    %swap3A_33 = arith.constant 0 : index
    %swap3A_34 = vector.load %arg14[%swap3A_32, %swap3A_33] : memref<2000x128xf32, #tpu.memory_space<vmem>>, vector<2000x128xf32>
    tpu.vector_store %arg14[%swap3A_32, %swap3A_33], %add3A_31 {strides = array<i32>} : memref<2000x128xf32, #tpu.memory_space<vmem>>, vector<2000x128xf32>,
    %get3A_35 = arith.constant 0 : index
    %get3A_36 = arith.constant 0 : index
    %get3A_37 = vector.load %arg9[%get3A_35, %get3A_36] : memref<1x64xf32, #tpu.memory_space<vmem>>, vector<1x64xf32>
    %get3A_38 = arith.constant 0 : index
    %get3A_39 = arith.constant 0 : index
    %get3A_40 = vector.load %arg6[%get3A_38, %get3A_39] : memref<64x256xf32, #tpu.memory_space<vmem>>, vector<64x256xf32>
    %dot_general3A_41 = arith.constant dense<0.000000e+00> : vector<1x256xf32>
    %dot_general3A_42 = tpu.matmul %get3A_37, %get3A_40, %dot_general3A_41 {dimension_numbers = #tpu.dot_dimension_numbers<[1], [0], [0], [1], [0, 0, 1, 1], [], []>, precision = #tpu.contract_precision<fp32>, transpose_lhs_hint = false} : vector<1x64xf32>, vector<64x256xf32>, vector<1x256xf32> -> vector<1x256xf32>
    %iota3A = tpu.iota {dimensions = array<i32: 0>} : vector<128x8xi32>
    %iota3A_43 = tpu.iota {dimensions = array<i32: 1>} : vector<128x8xi32>
    %jit3A = arith.constant 8 : i32
    %eq3A = arith.constant 0 : i32
    %eq3A_44 = arith.cmpi eq, %jit3A, %eq3A : i32
    %jit3A_45 = arith.constant 1 : i32
    %select_n3A = arith.select %eq3A_44, %jit3A_45, %jit3A : i32
    %rem3A = vector.broadcast %select_n3A : i32 to vector<128x8xi32>
    %rem3A_46 = arith.remsi %iota3A, %rem3A : vector<128x8xi32>
    %ne3A = arith.constant 0 : i32
    %ne3A_47 = vector.broadcast %ne3A : i32 to vector<128x8xi32>
    %ne3A_48 = arith.cmpi ne, %rem3A_46, %ne3A_47 : vector<128x8xi32>
    %lt3A = arith.constant 0 : i32
    %lt3A_49 = vector.broadcast %lt3A : i32 to vector<128x8xi32>
    %lt3A_50 = arith.cmpi slt, %rem3A_46, %lt3A_49 : vector<128x8xi32>
    %lt3A_51 = arith.constant 0 : i32
    %lt3A_52 = arith.cmpi slt, %select_n3A, %lt3A_51 : i32
    %ne3A_53 = vector.broadcast %lt3A_52 : i1 to vector<128x8xi1>
    %ne3A_54 = vector.broadcast %ne3A_53 : vector<128x8xi1> to vector<128x8xi1>
    %ne3A_55 = arith.xori %lt3A_50, %ne3A_54 : vector<128x8xi1>
    %and3A = arith.andi %ne3A_55, %ne3A_48 : vector<128x8xi1>
    %add3A_56 = vector.broadcast %select_n3A : i32 to vector<128x8xi32>
    %add3A_57 = arith.addi %rem3A_46, %add3A_56 : vector<128x8xi32>
    %select_n3A_58 = arith.select %and3A, %add3A_57, %rem3A_46 : vector<128x8xi1>, vector<128x8xi32>
    %eq3A_59 = arith.cmpi eq, %select_n3A_58, %iota3A_43 : vector<128x8xi32>
    %convert_element_type3A = arith.extui %eq3A_59 : vector<128x8xi1> to vector<128x8xi32>
    %convert_element_type3A_60 = arith.sitofp %convert_element_type3A : vector<128x8xi32> to vector<128x8xf32>
    %jit3A_61 = arith.constant 16 : i32
    %div3A = vector.broadcast %jit3A_61 : i32 to vector<128x8xi32>
    %div3A_62 = arith.divsi %iota3A, %div3A : vector<128x8xi32>
    %sign3A = arith.constant 0 : i32
    %sign3A_63 = vector.broadcast %sign3A : i32 to vector<128x8xi32>
    %sign3A_64 = arith.cmpi sgt, %iota3A, %sign3A_63 : vector<128x8xi32>
    %sign3A_65 = arith.extui %sign3A_64 : vector<128x8xi1> to vector<128x8xi32>
    %sign3A_66 = arith.constant 0 : i32
    %sign3A_67 = vector.broadcast %sign3A_66 : i32 to vector<128x8xi32>
    %sign3A_68 = arith.cmpi slt, %iota3A, %sign3A_67 : vector<128x8xi32>
    %sign3A_69 = arith.extui %sign3A_68 : vector<128x8xi1> to vector<128x8xi32>
    %sign3A_70 = arith.subi %sign3A_65, %sign3A_69 : vector<128x8xi32>
    %sign3A_71 = arith.constant 0 : i32
    %sign3A_72 = arith.cmpi sgt, %jit3A_61, %sign3A_71 : i32
    %sign3A_73 = arith.extui %sign3A_72 : i1 to i32
    %sign3A_74 = arith.constant 0 : i32
    %sign3A_75 = arith.cmpi slt, %jit3A_61, %sign3A_74 : i32
    %sign3A_76 = arith.extui %sign3A_75 : i1 to i32
    %sign3A_77 = arith.subi %sign3A_73, %sign3A_76 : i32
    %ne3A_78 = vector.broadcast %sign3A_77 : i32 to vector<128x8xi32>
    %ne3A_79 = arith.cmpi ne, %sign3A_70, %ne3A_78 : vector<128x8xi32>
    %rem3A_80 = vector.broadcast %jit3A_61 : i32 to vector<128x8xi32>
    %rem3A_81 = arith.remsi %iota3A, %rem3A_80 : vector<128x8xi32>
    %ne3A_82 = arith.constant 0 : i32
    %ne3A_83 = vector.broadcast %ne3A_82 : i32 to vector<128x8xi32>
    %ne3A_84 = arith.cmpi ne, %rem3A_81, %ne3A_83 : vector<128x8xi32>
    %and3A_85 = arith.andi %ne3A_79, %ne3A_84 : vector<128x8xi1>
    %sub3A = arith.constant 1 : i32
    %sub3A_86 = vector.broadcast %sub3A : i32 to vector<128x8xi32>
    %sub3A_87 = arith.subi %div3A_62, %sub3A_86 : vector<128x8xi32>
    %select_n3A_88 = arith.select %and3A_85, %sub3A_87, %div3A_62 : vector<128x8xi1>, vector<128x8xi32>
    %eq3A_89 = arith.cmpi eq, %select_n3A_88, %iota3A_43 : vector<128x8xi32>
    %convert_element_type3A_90 = arith.extui %eq3A_89 : vector<128x8xi1> to vector<128x8xi32>
    %convert_element_type3A_91 = arith.sitofp %convert_element_type3A_90 : vector<128x8xi32> to vector<128x8xf32>
    %slice3A = vector.extract_strided_slice %dot_general3A_42 {offsets = [0, 0], sizes = [1, 128], strides = [1, 1]} : vector<1x256xf32> to vector<1x128xf32>
    %mul3A = vector.broadcast %slice3A : vector<1x128xf32> to vector<2000x128xf32>
    %mul3A_92 = arith.mulf %add3A_19, %mul3A : vector<2000x128xf32>
    %dot_general3A_93 = arith.constant dense<0.000000e+00> : vector<2000x8xf32>
    %dot_general3A_94 = tpu.matmul %mul3A_92, %convert_element_type3A_60, %dot_general3A_93 {dimension_numbers = #tpu.dot_dimension_numbers<[1], [0], [0], [1], [0, 0, 1, 1], [], []>, precision = #tpu.contract_precision<fp32>, transpose_lhs_hint = false} : vector<2000x128xf32>, vector<128x8xf32>, vector<2000x8xf32> -> vector<2000x8xf32>
    %slice3A_95 = vector.extract_strided_slice %dot_general3A_42 {offsets = [0, 128], sizes = [1, 128], strides = [1, 1]} : vector<1x256xf32> to vector<1x128xf32>
    %mul3A_96 = vector.broadcast %slice3A_95 : vector<1x128xf32> to vector<2000x128xf32>
    %mul3A_97 = arith.mulf %add3A_9, %mul3A_96 : vector<2000x128xf32>
    %dot_general3A_98 = arith.constant dense<0.000000e+00> : vector<2000x8xf32>
    %dot_general3A_99 = tpu.matmul %mul3A_97, %convert_element_type3A_91, %dot_general3A_98 {dimension_numbers = #tpu.dot_dimension_numbers<[1], [0], [0], [1], [0, 0, 1, 1], [], []>, precision = #tpu.contract_precision<fp32>, transpose_lhs_hint = false} : vector<2000x128xf32>, vector<128x8xf32>, vector<2000x8xf32> -> vector<2000x8xf32>
    %swap3A_100 = arith.constant 0 : index
    %swap3A_101 = arith.constant 128 : index
    %swap3A_102 = vector.load %arg12[%swap3A_100, %swap3A_101] : memref<2000x144xf32, #tpu.memory_space<vmem>>, vector<2000x8xf32>
    tpu.vector_store %arg12[%swap3A_100, %swap3A_101], %dot_general3A_94 {strides = array<i32>} : memref<2000x144xf32, #tpu.memory_space<vmem>>, vector<2000x8xf32>,
    %swap3A_103 = arith.constant 0 : index
    %swap3A_104 = arith.constant 136 : index
    %swap3A_105 = vector.load %arg12[%swap3A_103, %swap3A_104] : memref<2000x144xf32, #tpu.memory_space<vmem>>, vector<2000x8xf32>
    tpu.vector_store %arg12[%swap3A_103, %swap3A_104], %dot_general3A_94 {strides = array<i32>} : memref<2000x144xf32, #tpu.memory_space<vmem>>, vector<2000x8xf32>,
    %swap3A_106 = arith.constant 0 : index
    %swap3A_107 = arith.constant 0 : index
    %swap3A_108 = vector.load %arg13[%swap3A_106, %swap3A_107] : memref<2000x16xf32, #tpu.memory_space<vmem>>, vector<2000x8xf32>
    tpu.vector_store %arg13[%swap3A_106, %swap3A_107], %dot_general3A_99 {strides = array<i32>} : memref<2000x16xf32, #tpu.memory_space<vmem>>, vector<2000x8xf32>,
    %swap3A_109 = arith.constant 0 : index
    %swap3A_110 = arith.constant 8 : index
    %swap3A_111 = vector.load %arg13[%swap3A_109, %swap3A_110] : memref<2000x16xf32, #tpu.memory_space<vmem>>, vector<2000x8xf32>
    tpu.vector_store %arg13[%swap3A_109, %swap3A_110], %dot_general3A_99 {strides = array<i32>} : memref<2000x16xf32, #tpu.memory_space<vmem>>, vector<2000x8xf32>,
    %eq3A_112 = arith.constant 0 : i32
    %eq3A_113 = arith.cmpi eq, %arg0, %eq3A_112 : i32
    %convert_element_type3A_114 = arith.extui %eq3A_113 : i1 to i32
    %cond3A = arith.constant 0 : i32
    %cond3A_115 = arith.cmpi ne, %convert_element_type3A_114, %cond3A : i32
    scf.if %cond3A_115 {
      %broadcast_in_dim3A_123 = arith.constant -1.000000e+30 : f32
      %broadcast_in_dim3A_124 = vector.broadcast %broadcast_in_dim3A_123 : f32 to vector<1x16xf32>
      %swap3A_125 = arith.constant 0 : index
      %swap3A_126 = arith.constant 0 : index
      %swap3A_127 = vector.load %arg15[%swap3A_125, %swap3A_126] : memref<1x16xf32, #tpu.memory_space<vmem>>, vector<1x16xf32>
      tpu.vector_store %arg15[%swap3A_125, %swap3A_126], %broadcast_in_dim3A_124 {strides = array<i32>} : memref<1x16xf32, #tpu.memory_space<vmem>>, vector<1x16xf32>,
      %get3A_128 = arith.constant 0 : index
      %get3A_129 = arith.constant 0 : index
      %get3A_130 = vector.load %arg9[%get3A_128, %get3A_129] : memref<1x64xf32, #tpu.memory_space<vmem>>, vector<1x64xf32>
      %get3A_131 = arith.constant 0 : index
      %get3A_132 = arith.constant 0 : index
      %get3A_133 = vector.load %arg10[%get3A_131, %get3A_132] : memref<64x128xf32, #tpu.memory_space<vmem>>, vector<64x128xf32>
      %dot_general3A_134 = arith.constant dense<0.000000e+00> : vector<1x128xf32>
      %dot_general3A_135 = tpu.matmul %get3A_130, %get3A_133, %dot_general3A_134 {dimension_numbers = #tpu.dot_dimension_numbers<[1], [0], [0], [1], [0, 0, 1, 1], [], []>, precision = #tpu.contract_precision<fp32>, transpose_lhs_hint = false} : vector<1x64xf32>, vector<64x128xf32>, vector<1x128xf32> -> vector<1x128xf32>
      %get3A_136 = arith.constant 0 : index
      %get3A_137 = arith.constant 0 : index
      %get3A_138 = vector.load %arg11[%get3A_136, %get3A_137] : memref<1x128xf32, #tpu.memory_space<vmem>>, vector<1x128xf32>
      %add3A_139 = arith.addf %dot_general3A_135, %get3A_138 : vector<1x128xf32>
      %swap3A_140 = arith.constant 0 : index
      %swap3A_141 = arith.constant 0 : index
      %swap3A_142 = vector.load %arg16[%swap3A_140, %swap3A_141] : memref<1x128xf32, #tpu.memory_space<vmem>>, vector<1x128xf32>
      tpu.vector_store %arg16[%swap3A_140, %swap3A_141], %add3A_139 {strides = array<i32>} : memref<1x128xf32, #tpu.memory_space<vmem>>, vector<1x128xf32>,
    } else {
    }
    %reduce_max3A = arith.constant dense<0xFF800000> : vector<8xf32>
    %reduce_max3A_116 = vector.multi_reduction <maximumf>, %dot_general3A_94, %reduce_max3A [0] : vector<2000x8xf32> to vector<8xf32>
    %broadcast_in_dim3A = vector.shape_cast %reduce_max3A_116 : vector<8xf32> to vector<1x8xf32>
    %get3A_117 = arith.constant 0 : index
    %get3A_118 = arith.constant 0 : index
    %get3A_119 = vector.load %arg15[%get3A_117, %get3A_118] : memref<1x16xf32, #tpu.memory_space<vmem>>, vector<1x16xf32>
    %concatenate3A = tpu.concatenate %broadcast_in_dim3A, %broadcast_in_dim3A in 1 : vector<1x8xf32>, vector<1x8xf32> -> vector<1x16xf32>
    %max3A = arith.maximumf %get3A_119, %concatenate3A : vector<1x16xf32>
    %swap3A_120 = arith.constant 0 : index
    %swap3A_121 = arith.constant 0 : index
    %swap3A_122 = vector.load %arg15[%swap3A_120, %swap3A_121] : memref<1x16xf32, #tpu.memory_space<vmem>>, vector<1x16xf32>
    tpu.vector_store %arg15[%swap3A_120, %swap3A_121], %max3A {strides = array<i32>} : memref<1x16xf32, #tpu.memory_space<vmem>>, vector<1x16xf32>,
    return
  }
  func.func @transform_0(%arg0: i32) -> (i32, i32) {
    %c0_i32 = arith.constant 0 : i32
    %c0_i32_0 = arith.constant 0 : i32
    return %arg0, %c0_i32 : i32, i32
  }
  func.func @transform_1(%arg0: i32) -> (i32, i32) {
    %c0_i32 = arith.constant 0 : i32
    %c0_i32_0 = arith.constant 0 : i32
    %c0_i32_1 = arith.constant 0 : i32
    return %c0_i32, %c0_i32_0 : i32, i32
  }
  func.func @transform_2(%arg0: i32) -> (i32, i32) {
    %c0_i32 = arith.constant 0 : i32
    %c0_i32_0 = arith.constant 0 : i32
    %c0_i32_1 = arith.constant 0 : i32
    return %c0_i32, %c0_i32_0 : i32, i32
  }
  func.func @transform_3(%arg0: i32) -> (i32, i32) {
    %c0_i32 = arith.constant 0 : i32
    %c0_i32_0 = arith.constant 0 : i32
    %c0_i32_1 = arith.constant 0 : i32
    return %c0_i32, %c0_i32_0 : i32, i32
  }
  func.func @transform_4(%arg0: i32) -> (i32, i32) {
    %c0_i32 = arith.constant 0 : i32
    %c0_i32_0 = arith.constant 0 : i32
    %c0_i32_1 = arith.constant 0 : i32
    return %c0_i32, %c0_i32_0 : i32, i32
  }
  func.func @transform_5(%arg0: i32) -> (i32, i32) {
    %c0_i32 = arith.constant 0 : i32
    %c0_i32_0 = arith.constant 0 : i32
    %c0_i32_1 = arith.constant 0 : i32
    return %c0_i32, %c0_i32_0 : i32, i32
  }
  func.func @transform_6(%arg0: i32) -> (i32, i32) {
    %c0_i32 = arith.constant 0 : i32
    %c0_i32_0 = arith.constant 0 : i32
    %c0_i32_1 = arith.constant 0 : i32
    return %c0_i32, %c0_i32_0 : i32, i32
  }
  func.func @transform_7(%arg0: i32) -> (i32, i32) {
    %c0_i32 = arith.constant 0 : i32
    %c0_i32_0 = arith.constant 0 : i32
    %c0_i32_1 = arith.constant 0 : i32
    return %c0_i32, %c0_i32_0 : i32, i32
  }
  func.func @transform_8(%arg0: i32) -> (i32, i32) {
    %c0_i32 = arith.constant 0 : i32
    %c0_i32_0 = arith.constant 0 : i32
    %c0_i32_1 = arith.constant 0 : i32
    return %c0_i32, %c0_i32_0 : i32, i32
  }
  func.func @transform_9(%arg0: i32) -> (i32, i32) {
    %c0_i32 = arith.constant 0 : i32
    %c0_i32_0 = arith.constant 0 : i32
    %c0_i32_1 = arith.constant 0 : i32
    return %c0_i32, %c0_i32_0 : i32, i32
  }
  func.func @transform_10(%arg0: i32) -> (i32, i32) {
    %c0_i32 = arith.constant 0 : i32
    %c0_i32_0 = arith.constant 0 : i32
    %c0_i32_1 = arith.constant 0 : i32
    return %c0_i32, %c0_i32_0 : i32, i32
  }
  func.func @transform_11(%arg0: i32) -> (i32, i32) {
    %c0_i32 = arith.constant 0 : i32
    %c0_i32_0 = arith.constant 0 : i32
    return %arg0, %c0_i32 : i32, i32
  }
  func.func @transform_12(%arg0: i32) -> (i32, i32) {
    %c0_i32 = arith.constant 0 : i32
    %c0_i32_0 = arith.constant 0 : i32
    return %arg0, %c0_i32 : i32, i32
  }
  func.func @transform_13(%arg0: i32) -> (i32, i32) {
    %c0_i32 = arith.constant 0 : i32
    %c0_i32_0 = arith.constant 0 : i32
    return %arg0, %c0_i32 : i32, i32
  }
  func.func @transform_14(%arg0: i32) -> (i32, i32) {
    %c0_i32 = arith.constant 0 : i32
    %c0_i32_0 = arith.constant 0 : i32
    %c0_i32_1 = arith.constant 0 : i32
    return %c0_i32, %c0_i32_0 : i32, i32
  }
  func.func @transform_15(%arg0: i32) -> (i32, i32) {
    %c0_i32 = arith.constant 0 : i32
    %c0_i32_0 = arith.constant 0 : i32
    %c0_i32_1 = arith.constant 0 : i32
    return %c0_i32, %c0_i32_0 : i32, i32
  }
}

module attributes {stable_mosaic.version = 14 : i64} {
  func.func @_post_body(%arg0: i32, %arg1: memref<2x2000x144xf32, #tpu.memory_space<vmem>>, %arg2: memref<2000x128xf32, #tpu.memory_space<vmem>>, %arg3: memref<1x1xf32, #tpu.memory_space<vmem>>, %arg4: memref<2000x128xf32, #tpu.memory_space<vmem>>) attributes {dimension_semantics = [#tpu.dimension_semantics<arbitrary>], iteration_bounds = array<i64: 5>, scalar_prefetch = 0 : i64, scratch_operands = 0 : i64, tpu.core_type = #tpu.core_type<tc>, window_params = [{transform_indices = @transform_0, window_bounds = array<i64: 2, 2000, 144>}, {transform_indices = @transform_1, window_bounds = array<i64: 2000, 128>}, {pipeline_mode = #tpu.pipeline_mode<synchronous>, transform_indices = @transform_2, window_bounds = array<i64: 1, 1>}, {transform_indices = @transform_3, window_bounds = array<i64: 2000, 128>}]} {
    %get3A = arith.constant 0 : index
    %get3A_0 = arith.constant 0 : index
    %get3A_1 = arith.constant 0 : index
    %get3A_2 = vector.load %arg1[%get3A, %get3A_0, %get3A_1] : memref<2x2000x144xf32, #tpu.memory_space<vmem>>, vector<1x2000x144xf32>
    %get3A_3 = vector.shape_cast %get3A_2 : vector<1x2000x144xf32> to vector<2000x144xf32>
    %get3A_4 = arith.constant 1 : index
    %get3A_5 = arith.constant 0 : index
    %get3A_6 = arith.constant 0 : index
    %get3A_7 = vector.load %arg1[%get3A_4, %get3A_5, %get3A_6] : memref<2x2000x144xf32, #tpu.memory_space<vmem>>, vector<1x2000x144xf32>
    %get3A_8 = vector.shape_cast %get3A_7 : vector<1x2000x144xf32> to vector<2000x144xf32>
    %slice3A = vector.extract_strided_slice %get3A_3 {offsets = [0, 0], sizes = [2000, 128], strides = [1, 1]} : vector<2000x144xf32> to vector<2000x128xf32>
    %slice3A_9 = vector.extract_strided_slice %get3A_8 {offsets = [0, 0], sizes = [2000, 128], strides = [1, 1]} : vector<2000x144xf32> to vector<2000x128xf32>
    %add3A = arith.addf %slice3A, %slice3A_9 : vector<2000x128xf32>
    %slice3A_10 = vector.extract_strided_slice %get3A_3 {offsets = [0, 128], sizes = [2000, 8], strides = [1, 1]} : vector<2000x144xf32> to vector<2000x8xf32>
    %slice3A_11 = vector.extract_strided_slice %get3A_8 {offsets = [0, 128], sizes = [2000, 8], strides = [1, 1]} : vector<2000x144xf32> to vector<2000x8xf32>
    %add3A_12 = arith.addf %slice3A_10, %slice3A_11 : vector<2000x8xf32>
    %concatenate3A = tpu.concatenate %add3A_12, %add3A_12 in 1 : vector<2000x8xf32>, vector<2000x8xf32> -> vector<2000x16xf32>
    %max3A = arith.constant 1.000000e-30 : f32
    %max3A_13 = vector.broadcast %max3A : f32 to vector<2000x16xf32>
    %max3A_14 = arith.maximumf %concatenate3A, %max3A_13 : vector<2000x16xf32>
    %get3A_15 = arith.constant 0 : index
    %get3A_16 = arith.constant 0 : index
    %get3A_17 = vector.load %arg3[%get3A_15, %get3A_16] : memref<1x1xf32, #tpu.memory_space<vmem>>, vector<1x1xf32>
    %neg3A = arith.constant 0.000000e+00 : f32
    %neg3A_18 = vector.broadcast %neg3A : f32 to vector<1x1xf32>
    %neg3A_19 = arith.subf %neg3A_18, %get3A_17 : vector<1x1xf32>
    %exp3A = math.exp %neg3A_19 : vector<1x1xf32>
    %add3A_20 = arith.constant 1.000000e+00 : f32
    %add3A_21 = vector.broadcast %add3A_20 : f32 to vector<1x1xf32>
    %add3A_22 = arith.addf %add3A_21, %exp3A : vector<1x1xf32>
    %div3A = arith.constant 1.000000e+00 : f32
    %div3A_23 = vector.broadcast %div3A : f32 to vector<1x1xf32>
    %div3A_24 = arith.divf %div3A_23, %add3A_22 : vector<1x1xf32>
    %slice3A_25 = vector.extract_strided_slice %add3A {offsets = [0, 0], sizes = [2000, 16], strides = [1, 1]} : vector<2000x128xf32> to vector<2000x16xf32>
    %div3A_26 = arith.divf %slice3A_25, %max3A_14 : vector<2000x16xf32>
    %max3A_27 = arith.constant 0.000000e+00 : f32
    %max3A_28 = vector.broadcast %max3A_27 : f32 to vector<2000x16xf32>
    %max3A_29 = arith.maximumf %div3A_26, %max3A_28 : vector<2000x16xf32>
    %mul3A = vector.broadcast %div3A_24 : vector<1x1xf32> to vector<2000x16xf32>
    %mul3A_30 = arith.mulf %max3A_29, %mul3A : vector<2000x16xf32>
    %get3A_31 = arith.constant 0 : index
    %get3A_32 = arith.constant 0 : index
    %get3A_33 = vector.load %arg2[%get3A_31, %get3A_32] : memref<2000x128xf32, #tpu.memory_space<vmem>>, vector<2000x16xf32>
    %sub3A = arith.constant 1.000000e+00 : f32
    %sub3A_34 = vector.broadcast %sub3A : f32 to vector<1x1xf32>
    %sub3A_35 = arith.subf %sub3A_34, %div3A_24 : vector<1x1xf32>
    %mul3A_36 = vector.broadcast %sub3A_35 : vector<1x1xf32> to vector<2000x16xf32>
    %mul3A_37 = arith.mulf %get3A_33, %mul3A_36 : vector<2000x16xf32>
    %add3A_38 = arith.addf %mul3A_30, %mul3A_37 : vector<2000x16xf32>
    %slice3A_39 = vector.extract_strided_slice %add3A {offsets = [0, 16], sizes = [2000, 16], strides = [1, 1]} : vector<2000x128xf32> to vector<2000x16xf32>
    %div3A_40 = arith.divf %slice3A_39, %max3A_14 : vector<2000x16xf32>
    %max3A_41 = arith.constant 0.000000e+00 : f32
    %max3A_42 = vector.broadcast %max3A_41 : f32 to vector<2000x16xf32>
    %max3A_43 = arith.maximumf %div3A_40, %max3A_42 : vector<2000x16xf32>
    %mul3A_44 = vector.broadcast %div3A_24 : vector<1x1xf32> to vector<2000x16xf32>
    %mul3A_45 = arith.mulf %max3A_43, %mul3A_44 : vector<2000x16xf32>
    %get3A_46 = arith.constant 0 : index
    %get3A_47 = arith.constant 16 : index
    %get3A_48 = vector.load %arg2[%get3A_46, %get3A_47] : memref<2000x128xf32, #tpu.memory_space<vmem>>, vector<2000x16xf32>
    %sub3A_49 = arith.constant 1.000000e+00 : f32
    %sub3A_50 = vector.broadcast %sub3A_49 : f32 to vector<1x1xf32>
    %sub3A_51 = arith.subf %sub3A_50, %div3A_24 : vector<1x1xf32>
    %mul3A_52 = vector.broadcast %sub3A_51 : vector<1x1xf32> to vector<2000x16xf32>
    %mul3A_53 = arith.mulf %get3A_48, %mul3A_52 : vector<2000x16xf32>
    %add3A_54 = arith.addf %mul3A_45, %mul3A_53 : vector<2000x16xf32>
    %slice3A_55 = vector.extract_strided_slice %add3A {offsets = [0, 32], sizes = [2000, 16], strides = [1, 1]} : vector<2000x128xf32> to vector<2000x16xf32>
    %div3A_56 = arith.divf %slice3A_55, %max3A_14 : vector<2000x16xf32>
    %max3A_57 = arith.constant 0.000000e+00 : f32
    %max3A_58 = vector.broadcast %max3A_57 : f32 to vector<2000x16xf32>
    %max3A_59 = arith.maximumf %div3A_56, %max3A_58 : vector<2000x16xf32>
    %mul3A_60 = vector.broadcast %div3A_24 : vector<1x1xf32> to vector<2000x16xf32>
    %mul3A_61 = arith.mulf %max3A_59, %mul3A_60 : vector<2000x16xf32>
    %get3A_62 = arith.constant 0 : index
    %get3A_63 = arith.constant 32 : index
    %get3A_64 = vector.load %arg2[%get3A_62, %get3A_63] : memref<2000x128xf32, #tpu.memory_space<vmem>>, vector<2000x16xf32>
    %sub3A_65 = arith.constant 1.000000e+00 : f32
    %sub3A_66 = vector.broadcast %sub3A_65 : f32 to vector<1x1xf32>
    %sub3A_67 = arith.subf %sub3A_66, %div3A_24 : vector<1x1xf32>
    %mul3A_68 = vector.broadcast %sub3A_67 : vector<1x1xf32> to vector<2000x16xf32>
    %mul3A_69 = arith.mulf %get3A_64, %mul3A_68 : vector<2000x16xf32>
    %add3A_70 = arith.addf %mul3A_61, %mul3A_69 : vector<2000x16xf32>
    %slice3A_71 = vector.extract_strided_slice %add3A {offsets = [0, 48], sizes = [2000, 16], strides = [1, 1]} : vector<2000x128xf32> to vector<2000x16xf32>
    %div3A_72 = arith.divf %slice3A_71, %max3A_14 : vector<2000x16xf32>
    %max3A_73 = arith.constant 0.000000e+00 : f32
    %max3A_74 = vector.broadcast %max3A_73 : f32 to vector<2000x16xf32>
    %max3A_75 = arith.maximumf %div3A_72, %max3A_74 : vector<2000x16xf32>
    %mul3A_76 = vector.broadcast %div3A_24 : vector<1x1xf32> to vector<2000x16xf32>
    %mul3A_77 = arith.mulf %max3A_75, %mul3A_76 : vector<2000x16xf32>
    %get3A_78 = arith.constant 0 : index
    %get3A_79 = arith.constant 48 : index
    %get3A_80 = vector.load %arg2[%get3A_78, %get3A_79] : memref<2000x128xf32, #tpu.memory_space<vmem>>, vector<2000x16xf32>
    %sub3A_81 = arith.constant 1.000000e+00 : f32
    %sub3A_82 = vector.broadcast %sub3A_81 : f32 to vector<1x1xf32>
    %sub3A_83 = arith.subf %sub3A_82, %div3A_24 : vector<1x1xf32>
    %mul3A_84 = vector.broadcast %sub3A_83 : vector<1x1xf32> to vector<2000x16xf32>
    %mul3A_85 = arith.mulf %get3A_80, %mul3A_84 : vector<2000x16xf32>
    %add3A_86 = arith.addf %mul3A_77, %mul3A_85 : vector<2000x16xf32>
    %slice3A_87 = vector.extract_strided_slice %add3A {offsets = [0, 64], sizes = [2000, 16], strides = [1, 1]} : vector<2000x128xf32> to vector<2000x16xf32>
    %div3A_88 = arith.divf %slice3A_87, %max3A_14 : vector<2000x16xf32>
    %max3A_89 = arith.constant 0.000000e+00 : f32
    %max3A_90 = vector.broadcast %max3A_89 : f32 to vector<2000x16xf32>
    %max3A_91 = arith.maximumf %div3A_88, %max3A_90 : vector<2000x16xf32>
    %mul3A_92 = vector.broadcast %div3A_24 : vector<1x1xf32> to vector<2000x16xf32>
    %mul3A_93 = arith.mulf %max3A_91, %mul3A_92 : vector<2000x16xf32>
    %get3A_94 = arith.constant 0 : index
    %get3A_95 = arith.constant 64 : index
    %get3A_96 = vector.load %arg2[%get3A_94, %get3A_95] : memref<2000x128xf32, #tpu.memory_space<vmem>>, vector<2000x16xf32>
    %sub3A_97 = arith.constant 1.000000e+00 : f32
    %sub3A_98 = vector.broadcast %sub3A_97 : f32 to vector<1x1xf32>
    %sub3A_99 = arith.subf %sub3A_98, %div3A_24 : vector<1x1xf32>
    %mul3A_100 = vector.broadcast %sub3A_99 : vector<1x1xf32> to vector<2000x16xf32>
    %mul3A_101 = arith.mulf %get3A_96, %mul3A_100 : vector<2000x16xf32>
    %add3A_102 = arith.addf %mul3A_93, %mul3A_101 : vector<2000x16xf32>
    %slice3A_103 = vector.extract_strided_slice %add3A {offsets = [0, 80], sizes = [2000, 16], strides = [1, 1]} : vector<2000x128xf32> to vector<2000x16xf32>
    %div3A_104 = arith.divf %slice3A_103, %max3A_14 : vector<2000x16xf32>
    %max3A_105 = arith.constant 0.000000e+00 : f32
    %max3A_106 = vector.broadcast %max3A_105 : f32 to vector<2000x16xf32>
    %max3A_107 = arith.maximumf %div3A_104, %max3A_106 : vector<2000x16xf32>
    %mul3A_108 = vector.broadcast %div3A_24 : vector<1x1xf32> to vector<2000x16xf32>
    %mul3A_109 = arith.mulf %max3A_107, %mul3A_108 : vector<2000x16xf32>
    %get3A_110 = arith.constant 0 : index
    %get3A_111 = arith.constant 80 : index
    %get3A_112 = vector.load %arg2[%get3A_110, %get3A_111] : memref<2000x128xf32, #tpu.memory_space<vmem>>, vector<2000x16xf32>
    %sub3A_113 = arith.constant 1.000000e+00 : f32
    %sub3A_114 = vector.broadcast %sub3A_113 : f32 to vector<1x1xf32>
    %sub3A_115 = arith.subf %sub3A_114, %div3A_24 : vector<1x1xf32>
    %mul3A_116 = vector.broadcast %sub3A_115 : vector<1x1xf32> to vector<2000x16xf32>
    %mul3A_117 = arith.mulf %get3A_112, %mul3A_116 : vector<2000x16xf32>
    %add3A_118 = arith.addf %mul3A_109, %mul3A_117 : vector<2000x16xf32>
    %slice3A_119 = vector.extract_strided_slice %add3A {offsets = [0, 96], sizes = [2000, 16], strides = [1, 1]} : vector<2000x128xf32> to vector<2000x16xf32>
    %div3A_120 = arith.divf %slice3A_119, %max3A_14 : vector<2000x16xf32>
    %max3A_121 = arith.constant 0.000000e+00 : f32
    %max3A_122 = vector.broadcast %max3A_121 : f32 to vector<2000x16xf32>
    %max3A_123 = arith.maximumf %div3A_120, %max3A_122 : vector<2000x16xf32>
    %mul3A_124 = vector.broadcast %div3A_24 : vector<1x1xf32> to vector<2000x16xf32>
    %mul3A_125 = arith.mulf %max3A_123, %mul3A_124 : vector<2000x16xf32>
    %get3A_126 = arith.constant 0 : index
    %get3A_127 = arith.constant 96 : index
    %get3A_128 = vector.load %arg2[%get3A_126, %get3A_127] : memref<2000x128xf32, #tpu.memory_space<vmem>>, vector<2000x16xf32>
    %sub3A_129 = arith.constant 1.000000e+00 : f32
    %sub3A_130 = vector.broadcast %sub3A_129 : f32 to vector<1x1xf32>
    %sub3A_131 = arith.subf %sub3A_130, %div3A_24 : vector<1x1xf32>
    %mul3A_132 = vector.broadcast %sub3A_131 : vector<1x1xf32> to vector<2000x16xf32>
    %mul3A_133 = arith.mulf %get3A_128, %mul3A_132 : vector<2000x16xf32>
    %add3A_134 = arith.addf %mul3A_125, %mul3A_133 : vector<2000x16xf32>
    %slice3A_135 = vector.extract_strided_slice %add3A {offsets = [0, 112], sizes = [2000, 16], strides = [1, 1]} : vector<2000x128xf32> to vector<2000x16xf32>
    %div3A_136 = arith.divf %slice3A_135, %max3A_14 : vector<2000x16xf32>
    %max3A_137 = arith.constant 0.000000e+00 : f32
    %max3A_138 = vector.broadcast %max3A_137 : f32 to vector<2000x16xf32>
    %max3A_139 = arith.maximumf %div3A_136, %max3A_138 : vector<2000x16xf32>
    %mul3A_140 = vector.broadcast %div3A_24 : vector<1x1xf32> to vector<2000x16xf32>
    %mul3A_141 = arith.mulf %max3A_139, %mul3A_140 : vector<2000x16xf32>
    %get3A_142 = arith.constant 0 : index
    %get3A_143 = arith.constant 112 : index
    %get3A_144 = vector.load %arg2[%get3A_142, %get3A_143] : memref<2000x128xf32, #tpu.memory_space<vmem>>, vector<2000x16xf32>
    %sub3A_145 = arith.constant 1.000000e+00 : f32
    %sub3A_146 = vector.broadcast %sub3A_145 : f32 to vector<1x1xf32>
    %sub3A_147 = arith.subf %sub3A_146, %div3A_24 : vector<1x1xf32>
    %mul3A_148 = vector.broadcast %sub3A_147 : vector<1x1xf32> to vector<2000x16xf32>
    %mul3A_149 = arith.mulf %get3A_144, %mul3A_148 : vector<2000x16xf32>
    %add3A_150 = arith.addf %mul3A_141, %mul3A_149 : vector<2000x16xf32>
    %concatenate3A_151 = tpu.concatenate %add3A_38, %add3A_54, %add3A_70, %add3A_86, %add3A_102, %add3A_118, %add3A_134, %add3A_150 in 1 : vector<2000x16xf32>, vector<2000x16xf32>, vector<2000x16xf32>, vector<2000x16xf32>, vector<2000x16xf32>, vector<2000x16xf32>, vector<2000x16xf32>, vector<2000x16xf32> -> vector<2000x128xf32>
    %iota3A = tpu.iota {dimensions = array<i32: 0>} : vector<128x128xi32>
    %iota3A_152 = tpu.iota {dimensions = array<i32: 1>} : vector<128x128xi32>
    %jit3A = arith.constant 8 : i32
    %eq3A = arith.constant 0 : i32
    %eq3A_153 = arith.cmpi eq, %jit3A, %eq3A : i32
    %jit3A_154 = arith.constant 1 : i32
    %select_n3A = arith.select %eq3A_153, %jit3A_154, %jit3A : i32
    %rem3A = vector.broadcast %select_n3A : i32 to vector<128x128xi32>
    %rem3A_155 = arith.remsi %iota3A, %rem3A : vector<128x128xi32>
    %ne3A = arith.constant 0 : i32
    %ne3A_156 = vector.broadcast %ne3A : i32 to vector<128x128xi32>
    %ne3A_157 = arith.cmpi ne, %rem3A_155, %ne3A_156 : vector<128x128xi32>
    %lt3A = arith.constant 0 : i32
    %lt3A_158 = vector.broadcast %lt3A : i32 to vector<128x128xi32>
    %lt3A_159 = arith.cmpi slt, %rem3A_155, %lt3A_158 : vector<128x128xi32>
    %lt3A_160 = arith.constant 0 : i32
    %lt3A_161 = arith.cmpi slt, %select_n3A, %lt3A_160 : i32
    %ne3A_162 = vector.broadcast %lt3A_161 : i1 to vector<128x128xi1>
    %ne3A_163 = vector.broadcast %ne3A_162 : vector<128x128xi1> to vector<128x128xi1>
    %ne3A_164 = arith.xori %lt3A_159, %ne3A_163 : vector<128x128xi1>
    %and3A = arith.andi %ne3A_164, %ne3A_157 : vector<128x128xi1>
    %add3A_165 = vector.broadcast %select_n3A : i32 to vector<128x128xi32>
    %add3A_166 = arith.addi %rem3A_155, %add3A_165 : vector<128x128xi32>
    %select_n3A_167 = arith.select %and3A, %add3A_166, %rem3A_155 : vector<128x128xi1>, vector<128x128xi32>
    %mul3A_168 = arith.constant 16 : i32
    %mul3A_169 = vector.broadcast %mul3A_168 : i32 to vector<128x128xi32>
    %mul3A_170 = arith.muli %mul3A_169, %select_n3A_167 : vector<128x128xi32>
    %jit3A_171 = arith.constant 16 : i32
    %div3A_172 = vector.broadcast %jit3A_171 : i32 to vector<128x128xi32>
    %div3A_173 = arith.divsi %iota3A, %div3A_172 : vector<128x128xi32>
    %sign3A = arith.constant 0 : i32
    %sign3A_174 = vector.broadcast %sign3A : i32 to vector<128x128xi32>
    %sign3A_175 = arith.cmpi sgt, %iota3A, %sign3A_174 : vector<128x128xi32>
    %sign3A_176 = arith.extui %sign3A_175 : vector<128x128xi1> to vector<128x128xi32>
    %sign3A_177 = arith.constant 0 : i32
    %sign3A_178 = vector.broadcast %sign3A_177 : i32 to vector<128x128xi32>
    %sign3A_179 = arith.cmpi slt, %iota3A, %sign3A_178 : vector<128x128xi32>
    %sign3A_180 = arith.extui %sign3A_179 : vector<128x128xi1> to vector<128x128xi32>
    %sign3A_181 = arith.subi %sign3A_176, %sign3A_180 : vector<128x128xi32>
    %sign3A_182 = arith.constant 0 : i32
    %sign3A_183 = arith.cmpi sgt, %jit3A_171, %sign3A_182 : i32
    %sign3A_184 = arith.extui %sign3A_183 : i1 to i32
    %sign3A_185 = arith.constant 0 : i32
    %sign3A_186 = arith.cmpi slt, %jit3A_171, %sign3A_185 : i32
    %sign3A_187 = arith.extui %sign3A_186 : i1 to i32
    %sign3A_188 = arith.subi %sign3A_184, %sign3A_187 : i32
    %ne3A_189 = vector.broadcast %sign3A_188 : i32 to vector<128x128xi32>
    %ne3A_190 = arith.cmpi ne, %sign3A_181, %ne3A_189 : vector<128x128xi32>
    %rem3A_191 = vector.broadcast %jit3A_171 : i32 to vector<128x128xi32>
    %rem3A_192 = arith.remsi %iota3A, %rem3A_191 : vector<128x128xi32>
    %ne3A_193 = arith.constant 0 : i32
    %ne3A_194 = vector.broadcast %ne3A_193 : i32 to vector<128x128xi32>
    %ne3A_195 = arith.cmpi ne, %rem3A_192, %ne3A_194 : vector<128x128xi32>
    %and3A_196 = arith.andi %ne3A_190, %ne3A_195 : vector<128x128xi1>
    %sub3A_197 = arith.constant 1 : i32
    %sub3A_198 = vector.broadcast %sub3A_197 : i32 to vector<128x128xi32>
    %sub3A_199 = arith.subi %div3A_173, %sub3A_198 : vector<128x128xi32>
    %select_n3A_200 = arith.select %and3A_196, %sub3A_199, %div3A_173 : vector<128x128xi1>, vector<128x128xi32>
    %mul3A_201 = arith.constant 2 : i32
    %mul3A_202 = vector.broadcast %mul3A_201 : i32 to vector<128x128xi32>
    %mul3A_203 = arith.muli %mul3A_202, %select_n3A_200 : vector<128x128xi32>
    %add3A_204 = arith.addi %mul3A_170, %mul3A_203 : vector<128x128xi32>
    %jit3A_205 = arith.constant 16 : i32
    %eq3A_206 = arith.constant 0 : i32
    %eq3A_207 = arith.cmpi eq, %jit3A_205, %eq3A_206 : i32
    %jit3A_208 = arith.constant 1 : i32
    %select_n3A_209 = arith.select %eq3A_207, %jit3A_208, %jit3A_205 : i32
    %rem3A_210 = vector.broadcast %select_n3A_209 : i32 to vector<128x128xi32>
    %rem3A_211 = arith.remsi %iota3A, %rem3A_210 : vector<128x128xi32>
    %ne3A_212 = arith.constant 0 : i32
    %ne3A_213 = vector.broadcast %ne3A_212 : i32 to vector<128x128xi32>
    %ne3A_214 = arith.cmpi ne, %rem3A_211, %ne3A_213 : vector<128x128xi32>
    %lt3A_215 = arith.constant 0 : i32
    %lt3A_216 = vector.broadcast %lt3A_215 : i32 to vector<128x128xi32>
    %lt3A_217 = arith.cmpi slt, %rem3A_211, %lt3A_216 : vector<128x128xi32>
    %lt3A_218 = arith.constant 0 : i32
    %lt3A_219 = arith.cmpi slt, %select_n3A_209, %lt3A_218 : i32
    %ne3A_220 = vector.broadcast %lt3A_219 : i1 to vector<128x128xi1>
    %ne3A_221 = vector.broadcast %ne3A_220 : vector<128x128xi1> to vector<128x128xi1>
    %ne3A_222 = arith.xori %lt3A_217, %ne3A_221 : vector<128x128xi1>
    %and3A_223 = arith.andi %ne3A_222, %ne3A_214 : vector<128x128xi1>
    %add3A_224 = vector.broadcast %select_n3A_209 : i32 to vector<128x128xi32>
    %add3A_225 = arith.addi %rem3A_211, %add3A_224 : vector<128x128xi32>
    %select_n3A_226 = arith.select %and3A_223, %add3A_225, %rem3A_211 : vector<128x128xi1>, vector<128x128xi32>
    %jit3A_227 = arith.constant 8 : i32
    %div3A_228 = vector.broadcast %jit3A_227 : i32 to vector<128x128xi32>
    %div3A_229 = arith.divsi %select_n3A_226, %div3A_228 : vector<128x128xi32>
    %sign3A_230 = arith.constant 0 : i32
    %sign3A_231 = vector.broadcast %sign3A_230 : i32 to vector<128x128xi32>
    %sign3A_232 = arith.cmpi sgt, %select_n3A_226, %sign3A_231 : vector<128x128xi32>
    %sign3A_233 = arith.extui %sign3A_232 : vector<128x128xi1> to vector<128x128xi32>
    %sign3A_234 = arith.constant 0 : i32
    %sign3A_235 = vector.broadcast %sign3A_234 : i32 to vector<128x128xi32>
    %sign3A_236 = arith.cmpi slt, %select_n3A_226, %sign3A_235 : vector<128x128xi32>
    %sign3A_237 = arith.extui %sign3A_236 : vector<128x128xi1> to vector<128x128xi32>
    %sign3A_238 = arith.subi %sign3A_233, %sign3A_237 : vector<128x128xi32>
    %sign3A_239 = arith.constant 0 : i32
    %sign3A_240 = arith.cmpi sgt, %jit3A_227, %sign3A_239 : i32
    %sign3A_241 = arith.extui %sign3A_240 : i1 to i32
    %sign3A_242 = arith.constant 0 : i32
    %sign3A_243 = arith.cmpi slt, %jit3A_227, %sign3A_242 : i32
    %sign3A_244 = arith.extui %sign3A_243 : i1 to i32
    %sign3A_245 = arith.subi %sign3A_241, %sign3A_244 : i32
    %ne3A_246 = vector.broadcast %sign3A_245 : i32 to vector<128x128xi32>
    %ne3A_247 = arith.cmpi ne, %sign3A_238, %ne3A_246 : vector<128x128xi32>
    %rem3A_248 = vector.broadcast %jit3A_227 : i32 to vector<128x128xi32>
    %rem3A_249 = arith.remsi %select_n3A_226, %rem3A_248 : vector<128x128xi32>
    %ne3A_250 = arith.constant 0 : i32
    %ne3A_251 = vector.broadcast %ne3A_250 : i32 to vector<128x128xi32>
    %ne3A_252 = arith.cmpi ne, %rem3A_249, %ne3A_251 : vector<128x128xi32>
    %and3A_253 = arith.andi %ne3A_247, %ne3A_252 : vector<128x128xi1>
    %sub3A_254 = arith.constant 1 : i32
    %sub3A_255 = vector.broadcast %sub3A_254 : i32 to vector<128x128xi32>
    %sub3A_256 = arith.subi %div3A_229, %sub3A_255 : vector<128x128xi32>
    %select_n3A_257 = arith.select %and3A_253, %sub3A_256, %div3A_229 : vector<128x128xi1>, vector<128x128xi32>
    %add3A_258 = arith.addi %add3A_204, %select_n3A_257 : vector<128x128xi32>
    %eq3A_259 = arith.cmpi eq, %add3A_258, %iota3A_152 : vector<128x128xi32>
    %convert_element_type3A = arith.extui %eq3A_259 : vector<128x128xi1> to vector<128x128xi32>
    %convert_element_type3A_260 = arith.sitofp %convert_element_type3A : vector<128x128xi32> to vector<128x128xf32>
    %dot_general3A = arith.constant dense<0.000000e+00> : vector<2000x128xf32>
    %dot_general3A_261 = tpu.matmul %concatenate3A_151, %convert_element_type3A_260, %dot_general3A {dimension_numbers = #tpu.dot_dimension_numbers<[1], [0], [0], [1], [0, 0, 1, 1], [], []>, precision = #tpu.contract_precision<fp32>, transpose_lhs_hint = false} : vector<2000x128xf32>, vector<128x128xf32>, vector<2000x128xf32> -> vector<2000x128xf32>
    %swap3A = arith.constant 0 : index
    %swap3A_262 = arith.constant 0 : index
    %swap3A_263 = vector.load %arg4[%swap3A, %swap3A_262] : memref<2000x128xf32, #tpu.memory_space<vmem>>, vector<2000x128xf32>
    tpu.vector_store %arg4[%swap3A, %swap3A_262], %dot_general3A_261 {strides = array<i32>} : memref<2000x128xf32, #tpu.memory_space<vmem>>, vector<2000x128xf32>,
    return
  }
  func.func @transform_0(%arg0: i32) -> (i32, i32, i32) {
    %c0_i32 = arith.constant 0 : i32
    %c0_i32_0 = arith.constant 0 : i32
    %c0_i32_1 = arith.constant 0 : i32
    return %c0_i32, %arg0, %c0_i32_0 : i32, i32, i32
  }
  func.func @transform_1(%arg0: i32) -> (i32, i32) {
    %c0_i32 = arith.constant 0 : i32
    %c0_i32_0 = arith.constant 0 : i32
    return %arg0, %c0_i32 : i32, i32
  }
  func.func @transform_2(%arg0: i32) -> (i32, i32) {
    %c0_i32 = arith.constant 0 : i32
    %c0_i32_0 = arith.constant 0 : i32
    %c0_i32_1 = arith.constant 0 : i32
    return %c0_i32, %c0_i32_0 : i32, i32
  }
  func.func @transform_3(%arg0: i32) -> (i32, i32) {
    %c0_i32 = arith.constant 0 : i32
    %c0_i32_0 = arith.constant 0 : i32
    return %arg0, %c0_i32 : i32, i32
  }
}

</mosaic_0001>

<sc_bundles>
// kernel: kernel.5.cloned.1.call-start
scs
__scs_entry_jumppad:
0x0: {  	(pc) =	sbr.rel $0x88, $3  }
0x1: {  	(tag) =	ssettag $0x0;
	lr =	simm.s32 $0x1  }
0x2: {  	[smem:$0x3F94] =	sst lr;
	_ =	strace $0xD0000000  }
0x3: {  	_ = 	snop  }
0x4: {  	_ = 	snop  }
0x5: {  	_ = 	snop  }
0x6: {  	_ = 	snop  }
0x7: {  	_ = 	snop  }
__scs_overlays_trampoline_lowered:
0x8: {  	[smem:$0x3FA3] =	sst s0  }
0x9: {  	[smem:$0x3FA4] =	sst s1  }
0xa: {  	[smem:$0x3FA5] =	sst s2  }
0xb: {  	[smem:$0x3FA6] =	sst s3  }
0xc: {  	[smem:$0x3FA7] =	sst s4  }
0xd: {  	[smem:$0x3FA8] =	sst s5  }
0xe: {  	[smem:$0x3FA9] =	sst s6  }
0xf: {  	[smem:$0x3FAA] =	sst s7  }
0x10: {  	[smem:$0x3FAB] =	sst s8  }
0x11: {  	[smem:$0x3FAC] =	sst s9;
	s0 =	simm.s32 @!p0 $0x0  }
0x12: {  	s1 =	sld [smem:$0x3F92];
	s0 =	simm.s32 @p0 $0x1  }
0x13: {  	[smem:$0x3FAD] =	sst s0;
	s0 =	simm.s32 @!p1 $0x0  }
0x14: {  	s2 =	sld [smem:$0x3F91];
	s0 =	simm.s32 @p1 $0x1  }
0x15: {  	[smem:$0x3FAE] =	sst s0;
	s0 =	simm.s32 @!p2 $0x0  }
0x16: {  	s3 =	sld [smem:$0x3FDB];
	s0 =	simm.s32 @p2 $0x1  }
0x17: {  	s4 =	simm.s32 $0x1BF5;
	[smem:$0x3FB0] =	sst s0  }
0x18: {  	s0 =	sld [smem:$0x3F93];
	_ =	swait.ge [sflag:s4], $0x0  }
0x19: {  	s7 =	sld [smem:$0x3F94]  }
0x1a: {  	s8 =	sadd.s32 $0xFFFFE003, lr  }
0x1b: {  	s9 =	sadd.s32 $0xFFFFFEF7, lr;
	s5 =	simm.s32 $0xFFFFFFFF;
	p2 =	slt.u32 s8, $0xFFFFF086  }
0x1c: {  	p1 =	slt.u32 s9, $0xF7A;
	s5 =	simm.s32 @!p2 $0x0  }
0x1d: {  	s5 =	simm.s32 @p1 $0x1;
	p0 =	seq.s32 s7, s2  }
0x1e: {  	s7 =	smul.u32 @!p0 $0xF7A, s2;
	p2 =	seq.s32 @!p0 s5, $0x0  }
0x1f: {  	s9 =	smul.u32 $0xF7A, s1;
	s8 =	simm.s32 @!p0 $0x1BF5;
	p2 =	por !p2, p0  }
0x20: {  	[sflag:s8] =	ssyncset.s32 @!p0 $0xFFFFF086;
	s6 =	sadd.s32 @!p0 s3, s7;
	s7 =	simm.s32 @!p0 $0x108  }
0x21: {  	s3 =	sadd.s32 s3, s9;
	s6 =	sadd.s32 @!p0 $0x88, s6;
	s7 =	simm.s32 @p2 $0x1082  }
0x22: {  	[simem:s7], [sflag:s8] =	dma.local @!p0 [hbm:s6], $0xF7A  }
0x23: {  	s9 =	sor.u32 $0xD0000000, s2;
	s6 =	simm.s32 $0x108;
	_ =	swait.ge @!p0 [sflag:s8], $0x0  }
0x24: {  	s3 =	sadd.s32 $0x88, s3;
	s6 =	simm.s32 @!p1 $0x1082;
	[sflag:s4] =	ssyncset.s32 $0xFFFFF086  }
0x25: {  	[simem:s6], [sflag:s4] =	dma.local [hbm:s3], $0xF7A  }
0x26: {  	[smem:$0x3F94] =	sst s1;
	(tag) =	ssettag s2;
	_ =	strace s9  }
0x27: {  	s1 =	sld [smem:$0x3FA4]  }
0x28: {  	s2 =	sld [smem:$0x3FA5]  }
0x29: {  	s4 =	sld [smem:$0x3FA7]  }
0x2a: {  	p0 =	seq.s32 s5, $0x0;
	s5 =	sld [smem:$0x3FA8]  }
0x2b: {  	s6 =	sld [smem:$0x3FA9]  }
0x2c: {  	s7 =	sld [smem:$0x3FAA]  }
0x2d: {  	s3 =	simm.s32 $0x108;
	s8 =	sld [smem:$0x3FAB]  }
0x2e: {  	s3 =	simm.s32 @!p0 $0x1082;
	s9 =	sld [smem:$0x3FAC]  }
0x2f: {  	lr =	sadd.s32 s0, s3;
	s0 =	sld [smem:$0x3FA3]  }
0x30: {  	s3 =	sld [smem:$0x3FA6]  }
0x31: {  	[smem:$0x3FAF] =	sst s10  }
0x32: {  	s10 =	sld [smem:$0x3FAD];
	_ =	sdelay $0x3  }
0x33: {  	p0 =	seq.s32 s10, $0x1;
	s10 =	sld [smem:$0x3FAF];
	_ =	sdelay $0x3  }
0x34: {  	[smem:$0x3FAF] =	sst s10  }
0x35: {  	s10 =	sld [smem:$0x3FAE];
	_ =	sdelay $0x3  }
0x36: {  	p1 =	seq.s32 s10, $0x1;
	s10 =	sld [smem:$0x3FAF];
	_ =	sdelay $0x3  }
0x37: {  	[smem:$0x3FAF] =	sst s10  }
0x38: {  	s10 =	sld [smem:$0x3FB0]  }
0x39: {  	_ = 	snop;
	(pc) =	sbr.ind lr, $3  }
0x3a: {  	_ = 	snop  }
0x3b: {  	_ = 	snop  }
0x3c: {  	p2 =	seq.s32 s10, $0x1;
	s10 =	sld [smem:$0x3FAF]  }
0x3d: {  	_ =	shalt  }
0x3e: {  	_ =	shalt  }
0x3f: {  	_ =	shalt  }
0x40: {  	_ =	shalt  }
0x41: {  	_ =	shalt  }
0x42: {  	_ =	shalt  }
0x43: {  	_ =	shalt  }
0x44: {  	_ =	shalt  }
0x45: {  	_ =	shalt  }
0x46: {  	_ =	shalt  }
0x47: {  	_ =	shalt  }
0x48: {  	_ =	shalt  }
0x49: {  	_ =	shalt  }
0x4a: {  	_ =	shalt  }
0x4b: {  	_ =	shalt  }
0x4c: {  	_ =	shalt  }
0x4d: {  	_ =	shalt  }
0x4e: {  	_ =	shalt  }
0x4f: {  	_ =	shalt  }
0x50: {  	_ =	shalt  }
0x51: {  	_ =	shalt  }
0x52: {  	_ =	shalt  }
0x53: {  	_ =	shalt  }
0x54: {  	_ =	shalt  }
0x55: {  	_ =	shalt  }
0x56: {  	_ =	shalt  }
0x57: {  	_ =	shalt  }
0x58: {  	_ =	shalt  }
0x59: {  	_ =	shalt  }
0x5a: {  	_ =	shalt  }
0x5b: {  	_ =	shalt  }
0x5c: {  	_ =	shalt  }
0x5d: {  	_ =	shalt  }
0x5e: {  	_ =	shalt  }
0x5f: {  	_ =	shalt  }
0x60: {  	_ =	shalt  }
0x61: {  	_ =	shalt  }
0x62: {  	_ =	shalt  }
0x63: {  	_ =	shalt  }
0x64: {  	_ =	shalt  }
0x65: {  	_ =	shalt  }
0x66: {  	_ =	shalt  }
0x67: {  	_ =	shalt  }
0x68: {  	_ =	shalt  }
0x69: {  	_ =	shalt  }
0x6a: {  	_ =	shalt  }
0x6b: {  	_ =	shalt  }
0x6c: {  	_ =	shalt  }
0x6d: {  	_ =	shalt  }
0x6e: {  	_ =	shalt  }
0x6f: {  	_ =	shalt  }
0x70: {  	_ =	shalt  }
0x71: {  	_ =	shalt  }
0x72: {  	_ =	shalt  }
0x73: {  	_ =	shalt  }
0x74: {  	_ =	shalt  }
0x75: {  	_ =	shalt  }
0x76: {  	_ =	shalt  }
0x77: {  	_ =	shalt  }
0x78: {  	_ =	shalt  }
0x79: {  	_ =	shalt  }
0x7a: {  	_ =	shalt  }
0x7b: {  	_ =	shalt  }
0x7c: {  	_ =	shalt  }
0x7d: {  	_ =	shalt  }
0x7e: {  	_ =	shalt  }
0x7f: {  	_ =	shalt  }
0x80: {  	_ =	shalt  }
0x81: {  	_ =	shalt  }
0x82: {  	_ =	shalt  }
0x83: {  	_ =	shalt  }
0x84: {  	_ =	shalt  }
0x85: {  	_ =	shalt  }
0x86: {  	_ =	shalt  }
0x87: {  	_ =	shalt  }
.Lfunc_end0:
.L_simem_size_0:
called_computation_lowered:
.L_overlay_start_0:
0x88: {  	s2 =	sld [smem:$0x3FD9]  }
0x89: {  	s3 =	sld [smem:$0x3FFE];
	_ =	sdelay $0x1  }
0x8a: {  	s1 =	srdreg.scid  }
0x8b: {  	s0 =	sand.u32 $0x1, s1  }
0x8c: {  	s14 =	sshll.u32 s0, $0xA;
	s2 =	sadd.s32 s3, s2  }
0x8d: {  	s2 =	sadd.s32 s2, s14  }
0x8e: {  	[smem:$0x3FBB] =	sst s2  }
0x8f: {  	_ = 	snop  }
0x90: {  	s2 =	sld [smem:$0x3FD0];
	_ =	sdelay $0x2  }
0x91: {  	s15 =	simm.s32 $0xA;
	s4 =	simm.s32 $0x10  }
0x92: {  	[smem:s4], [sflag:s15] =	dma.local [hbm:s2], $0x1  }
0x93: {  	_ =	swait.eq [sflag:s15], $0x1  }
0x94: {  	[sflag:s15] =	ssyncset.done $0x0  }
0x95: {  	[sflag:s15] =	ssyncadd.s32 $0xFFFFFFFF  }
0x96: {  	s16 =	sld [smem:$0x10];
	(tm) =	ssettm $0x1  }
0x97: {  	s17 =	sld [smem:$0x3FFB];
	_ =	sdelay $0x3  }
0x98: {  	_ =	strace s17  }
0x99: {  	s3 =	sld [smem:$0x3FFC];
	_ =	sdelay $0x3  }
0x9a: {  	_ =	strace s3  }
0x9b: {  	s3 =	sld [smem:$0x3FFD];
	_ =	sdelay $0x3  }
0x9c: {  	_ =	strace s3  }
0x9d: {  	_ =	strace $0x8FFFFFFF  }
0x9e: {  	s18 =	sld [smem:$0x3FDB];
	_ =	sdelay $0x1  }
0x9f: {  	s19 =	simm.s32 $_scs_section_size  }
0xa0: {  	s5 =	simm.s32 $_size__tile_overlayer_lowered;
	s6 =	simm.s32 $_tile_overlayer_lowered  }
0xa1: {  	s22 =	simm.s32 $0x1BFF;
	s21 =	sshll.u32 s6, $0x1;
	s3 =	sadd.s32 s19, s18  }
0xa2: {  	s7 =	simm.s32 $0x0;
	s20 =	sshll.u32 s5, $0x1;
	s5 =	sadd.s32 s21, s3  }
0xa3: {  	[timem:s7], [sflag:s22] =	dma.local [hbm:s5], s20  }
0xa4: {  	_ =	swait.ge [sflag:s22], s20  }
0xa5: {  	s4 =	ssub.s32 $0x0, s20;
	[sflag:s22] =	ssyncset.done $0x0  }
0xa6: {  	[sflag:s22] =	ssyncadd.s32 s4;
	_ =	sdelay $0x1  }
0xa7: {  	s23 =	simm.s32 $0x1B8B  }
0xa8: {  	_ =	swait.ge [sflag:s23], $0x1  }
0xa9: {  	[sflag:s23] =	ssyncset.done $0x0  }
0xaa: {  	s25 =	simm.s32 $0x1B8E;
	s24 =	sld [smem:$0x3FFE];
	[sflag:s23] =	ssyncadd.s32 $0xFFFFFFFF  }
0xab: {  	s26 =	simm.s32 $execute0_lowered;
	[smem:$0x3FD2] =	sst s25  }
0xac: {  	s5 =	sshll.u32 s26, $0x1;
	_ =	strace $0x80000046;
	[dreg:$0x1] =	wrdreg $0xFFFFFFFF  }
0xad: {  	s28 =	simm.s32 $_size_execute0_lowered;
	s3 =	sadd.s32 s3, s5;
	[dreg:$0x0] =	wrdreg $0x0  }
0xae: {  	s5 =	sshll.u32 s28, $0x1;
	[dreg:$0x2] =	wrdreg s3  }
0xaf: {  	[dreg:$0x3] =	wrdreg s5  }
0xb0: {  	[dreg:$0x4] =	wrdreg $0xC0  }
0xb1: {  	_ =	task [dreg:s7], $0x5FFFF  }
0xb2: {  	[dreg:$0x1] =	wrdreg $0xFFFFFFFF  }
0xb3: {  	[dreg:$0x0] =	wrdreg $0x60  }
0xb4: {  	[dreg:$0x2] =	wrdreg s24  }
0xb5: {  	[dreg:$0x3] =	wrdreg s16  }
0xb6: {  	[dreg:$0x4] =	wrdreg $0x80300  }
0xb7: {  	[dreg:$0x5] =	wrdreg $0x9  }
0xb8: {  	_ =	task.clear_ibuf [dreg:s7], $0x6FFFF;
	_ =	strace $0x90000046  }
0xb9: {  	s29 =	simm.s32 $0x9;
	_ =	strace $0x80000048  }
0xba: {  	_ =	swait.ge [sflag:s29], $0x1  }
0xbb: {  	[sflag:s29] =	ssyncadd.s32 $0xFFFFFFFF  }
0xbc: {  	_ =	strace $0x90000048  }
0xbd: {  	_ =	sfence  }
0xbe: {  	s30 =	sld [smem:$0x0];
	_ =	sdelay $0x2  }
0xbf: {  	s31 =	sshll.u32 s1, $0xD;
	s1 =	sshrl.u32 s1, $0x2  }
0xc0: {  	s3 =	sand.u32 $0x4000, s31;
	s1 =	sadd.s32 s1, s30  }
0xc1: {  	s0 =	sor.u32 s3, s0;
	s1 =	sshll.u32 s1, $0x11  }
0xc2: {  	s0 =	sor.u32 s1, s0  }
0xc3: {  	s0 =	sadd.s32 $0x8F2B, s0  }
0xc4: {  	[sflag:s0] =	ssyncadd.remote.s32 $0x1  }
0xc5: {  	_ =	sfence.sel $0xFFFF  }
0xc6: {  	[dreg:$0x0] =	wrdreg $0xFFFFFFFF;
	(pc) =	sbr.abs _section_cstart, $3  }
0xc7: {  	[dreg:$0x1] =	wrdreg $0xFFFFFFFF  }
0xc8: {  	_ =	task.clear_ibuf [dreg:s7], $0x2FFFF;
	_ =	strace $0x9FFFFFFF  }
0xc9: {  	(tm) =	ssettm $0x7FFFFFFF  }
tec
execute0_lowered:
.L_overlay_start_1:
0x0: {  	(tag) =	ssettag $0x1  }
0x1: {  	s0 =	rddreg [dreg:$0x0]  }
0x2: {  	s1 =	rddreg [dreg:$0x1]  }
0x3: {  	s2 =	rddreg [dreg:$0x2]  }
0x4: {  	s4 =	srdreg.scid;
	s3 =	simm.s32 $0x0;
	s10 =	stileid.u32  }
0x5: {  	s28 =	simm.s32 $0x3;
	s29 =	simm.s32 $0x2D00;
	s30 =	simm.s32 $0x2F80  }
0x6: {  	s31 =	simm.s32 $0x2;
	s6 =	sand.u32 $0x1, s4;
	[smem:$0x7FF] =	sst s3  }
0x7: {  	s7 =	smul.u32 $0x15F90, s10;
	s5 =	sadd.s32 $0x1400, s0;
	s11 =	sadd.s32 $0x4F600, s0  }
0x8: {  	s4 =	sshll.u32 s6, $0x4;
	_ =	strace $0x80000047;
	s9 =	smul.u32 $0x15F900, s6  }
0x9: {  	[dreg:$0x4] =	wrdreg s11;
	s6 =	ssub.s32 $0x2, s6;
	s8 =	sor.u32 s10, s4  }
0xa: {  	s4 =	sadd.s32 $0x4F800, s0;
	s10 =	smul.u32 $0x57E40, s10;
	s13 =	sshrl.u32 s6, $0x1  }
0xb: {  	s8 =	smul.u32 $0x4E2, s8;
	s9 =	sadd.s32 s7, s9;
	s6 =	ssub.s32 s6, s13  }
0xc: {  	s7 =	sadd.s32 s7, s2;
	s9 =	sshrl.u32 s9, $0x3;
	s10 =	sshrl.u32 s10, $0x2  }
0xd: {  	s12 =	sadd.s32 s8, s0;
	s0 =	sadd.s32 s9, s0;
	s14 =	sadd.s32 s10, s2  }
0xe: {  	s20 =	sadd.s32 s1, s8;
	s1 =	simm.s32 $0x1;
	s10 =	sadd.s32 $0x1680, s14  }
0xf: {  	s8 =	simm.s32 $0x0;
	s21 =	sadd.s32 $0x2D00, s14;
	[dreg:$0x5] =	wrdreg s10  }
0x10: {  	s22 =	sadd.s32 $0x4380, s14;
	s23 =	sadd.s32 $0x5A00, s14;
	[dreg:$0x6] =	wrdreg s21  }
0x11: {  	s24 =	sadd.s32 $0x7080, s14;
	s25 =	sadd.s32 $0x8700, s14;
	[dreg:$0x7] =	wrdreg s22  }
0x12: {  	s26 =	sadd.s32 $0x9D80, s14;
	s15 =	sadd.s32 $0xB400, s14;
	[dreg:$0x8] =	wrdreg s23  }
0x13: {  	s16 =	sadd.s32 $0xCA80, s14;
	s17 =	sadd.s32 $0xE100, s14;
	[dreg:$0x9] =	wrdreg s24  }
0x14: {  	s18 =	sadd.s32 $0xF780, s14;
	s19 =	sadd.s32 $0x10E00, s14;
	[dreg:$0xa] =	wrdreg s25  }
0x15: {  	[dreg:$0xb] =	wrdreg s26;
	s21 =	sadd.s32 $0x12480, s14;
	s22 =	sadd.s32 $0x13B00, s14  }
0x16: {  	s23 =	sadd.s32 $0x15180, s14;
	s24 =	sadd.s32 $0x6400, s12;
	s25 =	sadd.s32 $0x7B800, s0  }
0x17: {  	v0 =	vimm.f32 $0.0e+00;
	s26 =	smax.u32 s6, $0x1;
	s0 =	simm.s32 $0x28;
	s6 =	simm.s32 $0x1680  }
.LBB2_1:
0x18: {  	[tilespmem:$0x0] =	vst v0  }
0x19: {  	[tilespmem:$0x10] =	vst v0  }
0x1a: {  	[tilespmem:$0x20] =	vst v0  }
0x1b: {  	[tilespmem:$0x30] =	vst v0  }
0x1c: {  	[tilespmem:$0x40] =	vst v0  }
0x1d: {  	[tilespmem:$0x50] =	vst v0  }
0x1e: {  	[tilespmem:$0x60] =	vst v0  }
0x1f: {  	[tilespmem:$0x70] =	vst v0  }
0x20: {  	[tilespmem:$0x80] =	vst v0  }
0x21: {  	[tilespmem:$0x90] =	vst v0  }
0x22: {  	[tilespmem:$0xA0] =	vst v0  }
0x23: {  	[tilespmem:$0xB0] =	vst v0  }
0x24: {  	[tilespmem:$0xC0] =	vst v0  }
0x25: {  	[tilespmem:$0xD0] =	vst v0  }
0x26: {  	[tilespmem:$0xE0] =	vst v0  }
0x27: {  	[tilespmem:$0xF0] =	vst v0  }
0x28: {  	[tilespmem:$0x100] =	vst v0  }
0x29: {  	[tilespmem:$0x110] =	vst v0  }
0x2a: {  	[tilespmem:$0x120] =	vst v0  }
0x2b: {  	[tilespmem:$0x130] =	vst v0  }
0x2c: {  	[tilespmem:$0x140] =	vst v0  }
0x2d: {  	[tilespmem:$0x150] =	vst v0  }
0x2e: {  	[tilespmem:$0x160] =	vst v0  }
0x2f: {  	[tilespmem:$0x170] =	vst v0  }
0x30: {  	[tilespmem:$0x180] =	vst v0  }
0x31: {  	[tilespmem:$0x190] =	vst v0  }
0x32: {  	[tilespmem:$0x1A0] =	vst v0  }
0x33: {  	[tilespmem:$0x1B0] =	vst v0  }
0x34: {  	[tilespmem:$0x1C0] =	vst v0  }
0x35: {  	[tilespmem:$0x1D0] =	vst v0  }
0x36: {  	[tilespmem:$0x1E0] =	vst v0  }
0x37: {  	[tilespmem:$0x1F0] =	vst v0  }
0x38: {  	[tilespmem:$0x200] =	vst v0  }
0x39: {  	[tilespmem:$0x210] =	vst v0  }
0x3a: {  	[tilespmem:$0x220] =	vst v0  }
0x3b: {  	[tilespmem:$0x230] =	vst v0  }
0x3c: {  	[tilespmem:$0x240] =	vst v0  }
0x3d: {  	[tilespmem:$0x250] =	vst v0  }
0x3e: {  	[tilespmem:$0x260] =	vst v0  }
0x3f: {  	[tilespmem:$0x270] =	vst v0  }
0x40: {  	[tilespmem:$0x280] =	vst v0  }
0x41: {  	[tilespmem:$0x290] =	vst v0  }
0x42: {  	[tilespmem:$0x2A0] =	vst v0  }
0x43: {  	[tilespmem:$0x2B0] =	vst v0  }
0x44: {  	[tilespmem:$0x2C0] =	vst v0  }
0x45: {  	[tilespmem:$0x2D0] =	vst v0  }
0x46: {  	[tilespmem:$0x2E0] =	vst v0  }
0x47: {  	[tilespmem:$0x2F0] =	vst v0  }
0x48: {  	[tilespmem:$0x300] =	vst v0  }
0x49: {  	[tilespmem:$0x310] =	vst v0  }
0x4a: {  	[tilespmem:$0x320] =	vst v0  }
0x4b: {  	[tilespmem:$0x330] =	vst v0  }
0x4c: {  	[tilespmem:$0x340] =	vst v0  }
0x4d: {  	[tilespmem:$0x350] =	vst v0  }
0x4e: {  	[tilespmem:$0x360] =	vst v0  }
0x4f: {  	[tilespmem:$0x370] =	vst v0  }
0x50: {  	[tilespmem:$0x380] =	vst v0  }
0x51: {  	[tilespmem:$0x390] =	vst v0  }
0x52: {  	[tilespmem:$0x3A0] =	vst v0  }
0x53: {  	[tilespmem:$0x3B0] =	vst v0  }
0x54: {  	[tilespmem:$0x3C0] =	vst v0  }
0x55: {  	[tilespmem:$0x3D0] =	vst v0  }
0x56: {  	[tilespmem:$0x3E0] =	vst v0  }
0x57: {  	[tilespmem:$0x3F0] =	vst v0  }
0x58: {  	[tilespmem:$0x400] =	vst v0  }
0x59: {  	[tilespmem:$0x410] =	vst v0  }
0x5a: {  	[tilespmem:$0x420] =	vst v0  }
0x5b: {  	[tilespmem:$0x430] =	vst v0  }
0x5c: {  	[tilespmem:$0x440] =	vst v0  }
0x5d: {  	[tilespmem:$0x450] =	vst v0  }
0x5e: {  	[tilespmem:$0x460] =	vst v0  }
0x5f: {  	[tilespmem:$0x470] =	vst v0  }
0x60: {  	[tilespmem:$0x480] =	vst v0  }
0x61: {  	[tilespmem:$0x490] =	vst v0  }
0x62: {  	[tilespmem:$0x4A0] =	vst v0  }
0x63: {  	[tilespmem:$0x4B0] =	vst v0  }
0x64: {  	[tilespmem:$0x4C0] =	vst v0  }
0x65: {  	[tilespmem:$0x4D0] =	vst v0  }
0x66: {  	[tilespmem:$0x4E0] =	vst v0  }
0x67: {  	[tilespmem:$0x4F0] =	vst v0  }
0x68: {  	[tilespmem:$0x500] =	vst v0  }
0x69: {  	[tilespmem:$0x510] =	vst v0  }
0x6a: {  	[tilespmem:$0x520] =	vst v0  }
0x6b: {  	[tilespmem:$0x530] =	vst v0  }
0x6c: {  	[tilespmem:$0x540] =	vst v0  }
0x6d: {  	[tilespmem:$0x550] =	vst v0  }
0x6e: {  	[tilespmem:$0x560] =	vst v0  }
0x6f: {  	[tilespmem:$0x570] =	vst v0  }
0x70: {  	[tilespmem:$0x580] =	vst v0  }
0x71: {  	[tilespmem:$0x590] =	vst v0  }
0x72: {  	[tilespmem:$0x5A0] =	vst v0  }
0x73: {  	[tilespmem:$0x5B0] =	vst v0  }
0x74: {  	[tilespmem:$0x5C0] =	vst v0  }
0x75: {  	[tilespmem:$0x5D0] =	vst v0  }
0x76: {  	[tilespmem:$0x5E0] =	vst v0  }
0x77: {  	[tilespmem:$0x5F0] =	vst v0  }
0x78: {  	[tilespmem:$0x600] =	vst v0  }
0x79: {  	[tilespmem:$0x610] =	vst v0  }
0x7a: {  	[tilespmem:$0x620] =	vst v0  }
0x7b: {  	[tilespmem:$0x630] =	vst v0  }
0x7c: {  	[tilespmem:$0x640] =	vst v0  }
0x7d: {  	[tilespmem:$0x650] =	vst v0  }
0x7e: {  	[tilespmem:$0x660] =	vst v0  }
0x7f: {  	[tilespmem:$0x670] =	vst v0  }
0x80: {  	[tilespmem:$0x680] =	vst v0  }
0x81: {  	[tilespmem:$0x690] =	vst v0  }
0x82: {  	[tilespmem:$0x6A0] =	vst v0  }
0x83: {  	[tilespmem:$0x6B0] =	vst v0  }
0x84: {  	[tilespmem:$0x6C0] =	vst v0  }
0x85: {  	[tilespmem:$0x6D0] =	vst v0  }
0x86: {  	[tilespmem:$0x6E0] =	vst v0  }
0x87: {  	[tilespmem:$0x6F0] =	vst v0  }
0x88: {  	[tilespmem:$0x700] =	vst v0  }
0x89: {  	[tilespmem:$0x710] =	vst v0  }
0x8a: {  	[tilespmem:$0x720] =	vst v0  }
0x8b: {  	[tilespmem:$0x730] =	vst v0  }
0x8c: {  	[tilespmem:$0x740] =	vst v0  }
0x8d: {  	[tilespmem:$0x750] =	vst v0  }
0x8e: {  	[tilespmem:$0x760] =	vst v0  }
0x8f: {  	[tilespmem:$0x770] =	vst v0  }
0x90: {  	[tilespmem:$0x780] =	vst v0  }
0x91: {  	[tilespmem:$0x790] =	vst v0  }
0x92: {  	[tilespmem:$0x7A0] =	vst v0  }
0x93: {  	[tilespmem:$0x7B0] =	vst v0  }
0x94: {  	[tilespmem:$0x7C0] =	vst v0  }
0x95: {  	[tilespmem:$0x7D0] =	vst v0  }
0x96: {  	[tilespmem:$0x7E0] =	vst v0  }
0x97: {  	[tilespmem:$0x7F0] =	vst v0  }
0x98: {  	[tilespmem:$0x800] =	vst v0  }
0x99: {  	[tilespmem:$0x810] =	vst v0  }
0x9a: {  	[tilespmem:$0x820] =	vst v0  }
0x9b: {  	[tilespmem:$0x830] =	vst v0  }
0x9c: {  	[tilespmem:$0x840] =	vst v0  }
0x9d: {  	[tilespmem:$0x850] =	vst v0  }
0x9e: {  	[tilespmem:$0x860] =	vst v0  }
0x9f: {  	[tilespmem:$0x870] =	vst v0  }
0xa0: {  	[tilespmem:$0x880] =	vst v0  }
0xa1: {  	[tilespmem:$0x890] =	vst v0  }
0xa2: {  	[tilespmem:$0x8A0] =	vst v0  }
0xa3: {  	[tilespmem:$0x8B0] =	vst v0  }
0xa4: {  	[tilespmem:$0x8C0] =	vst v0  }
0xa5: {  	[tilespmem:$0x8D0] =	vst v0  }
0xa6: {  	[tilespmem:$0x8E0] =	vst v0  }
0xa7: {  	[tilespmem:$0x8F0] =	vst v0  }
0xa8: {  	[tilespmem:$0x900] =	vst v0  }
0xa9: {  	[tilespmem:$0x910] =	vst v0  }
0xaa: {  	[tilespmem:$0x920] =	vst v0  }
0xab: {  	[tilespmem:$0x930] =	vst v0  }
0xac: {  	[tilespmem:$0x940] =	vst v0  }
0xad: {  	[tilespmem:$0x950] =	vst v0  }
0xae: {  	[tilespmem:$0x960] =	vst v0  }
0xaf: {  	[tilespmem:$0x970] =	vst v0  }
0xb0: {  	[tilespmem:$0x980] =	vst v0  }
0xb1: {  	[tilespmem:$0x990] =	vst v0  }
0xb2: {  	[tilespmem:$0x9A0] =	vst v0  }
0xb3: {  	[tilespmem:$0x9B0] =	vst v0  }
0xb4: {  	[tilespmem:$0x9C0] =	vst v0  }
0xb5: {  	[tilespmem:$0x9D0] =	vst v0  }
0xb6: {  	[tilespmem:$0x9E0] =	vst v0  }
0xb7: {  	[tilespmem:$0x9F0] =	vst v0  }
0xb8: {  	[tilespmem:$0xA00] =	vst v0  }
0xb9: {  	[tilespmem:$0xA10] =	vst v0  }
0xba: {  	[tilespmem:$0xA20] =	vst v0  }
0xbb: {  	[tilespmem:$0xA30] =	vst v0  }
0xbc: {  	[tilespmem:$0xA40] =	vst v0  }
0xbd: {  	[tilespmem:$0xA50] =	vst v0  }
0xbe: {  	[tilespmem:$0xA60] =	vst v0  }
0xbf: {  	[tilespmem:$0xA70] =	vst v0  }
0xc0: {  	[tilespmem:$0xA80] =	vst v0  }
0xc1: {  	[tilespmem:$0xA90] =	vst v0  }
0xc2: {  	[tilespmem:$0xAA0] =	vst v0  }
0xc3: {  	[tilespmem:$0xAB0] =	vst v0  }
0xc4: {  	[tilespmem:$0xAC0] =	vst v0  }
0xc5: {  	[tilespmem:$0xAD0] =	vst v0  }
0xc6: {  	[tilespmem:$0xAE0] =	vst v0  }
0xc7: {  	[tilespmem:$0xAF0] =	vst v0  }
0xc8: {  	[tilespmem:$0xB00] =	vst v0  }
0xc9: {  	[tilespmem:$0xB10] =	vst v0  }
0xca: {  	[tilespmem:$0xB20] =	vst v0  }
0xcb: {  	[tilespmem:$0xB30] =	vst v0  }
0xcc: {  	[tilespmem:$0xB40] =	vst v0  }
0xcd: {  	[tilespmem:$0xB50] =	vst v0  }
0xce: {  	[tilespmem:$0xB60] =	vst v0  }
0xcf: {  	[tilespmem:$0xB70] =	vst v0  }
0xd0: {  	[tilespmem:$0xB80] =	vst v0  }
0xd1: {  	[tilespmem:$0xB90] =	vst v0  }
0xd2: {  	[tilespmem:$0xBA0] =	vst v0  }
0xd3: {  	[tilespmem:$0xBB0] =	vst v0  }
0xd4: {  	[tilespmem:$0xBC0] =	vst v0  }
0xd5: {  	[tilespmem:$0xBD0] =	vst v0  }
0xd6: {  	[tilespmem:$0xBE0] =	vst v0  }
0xd7: {  	[tilespmem:$0xBF0] =	vst v0  }
0xd8: {  	[tilespmem:$0xC00] =	vst v0  }
0xd9: {  	[tilespmem:$0xC10] =	vst v0  }
0xda: {  	[tilespmem:$0xC20] =	vst v0  }
0xdb: {  	[tilespmem:$0xC30] =	vst v0  }
0xdc: {  	[tilespmem:$0xC40] =	vst v0  }
0xdd: {  	[tilespmem:$0xC50] =	vst v0  }
0xde: {  	[tilespmem:$0xC60] =	vst v0  }
0xdf: {  	[tilespmem:$0xC70] =	vst v0  }
0xe0: {  	[tilespmem:$0xC80] =	vst v0  }
0xe1: {  	[tilespmem:$0xC90] =	vst v0  }
0xe2: {  	[tilespmem:$0xCA0] =	vst v0  }
0xe3: {  	[tilespmem:$0xCB0] =	vst v0  }
0xe4: {  	[tilespmem:$0xCC0] =	vst v0  }
0xe5: {  	[tilespmem:$0xCD0] =	vst v0  }
0xe6: {  	[tilespmem:$0xCE0] =	vst v0  }
0xe7: {  	[tilespmem:$0xCF0] =	vst v0  }
0xe8: {  	[tilespmem:$0xD00] =	vst v0  }
0xe9: {  	[tilespmem:$0xD10] =	vst v0  }
0xea: {  	[tilespmem:$0xD20] =	vst v0  }
0xeb: {  	[tilespmem:$0xD30] =	vst v0  }
0xec: {  	[tilespmem:$0xD40] =	vst v0  }
0xed: {  	[tilespmem:$0xD50] =	vst v0  }
0xee: {  	[tilespmem:$0xD60] =	vst v0  }
0xef: {  	[tilespmem:$0xD70] =	vst v0  }
0xf0: {  	[tilespmem:$0xD80] =	vst v0  }
0xf1: {  	[tilespmem:$0xD90] =	vst v0  }
0xf2: {  	[tilespmem:$0xDA0] =	vst v0  }
0xf3: {  	[tilespmem:$0xDB0] =	vst v0  }
0xf4: {  	[tilespmem:$0xDC0] =	vst v0  }
0xf5: {  	[tilespmem:$0xDD0] =	vst v0  }
0xf6: {  	[tilespmem:$0xDE0] =	vst v0  }
0xf7: {  	[tilespmem:$0xDF0] =	vst v0  }
0xf8: {  	[tilespmem:$0xE00] =	vst v0  }
0xf9: {  	[tilespmem:$0xE10] =	vst v0  }
0xfa: {  	[tilespmem:$0xE20] =	vst v0  }
0xfb: {  	[tilespmem:$0xE30] =	vst v0  }
0xfc: {  	[tilespmem:$0xE40] =	vst v0  }
0xfd: {  	[tilespmem:$0xE50] =	vst v0  }
0xfe: {  	[tilespmem:$0xE60] =	vst v0  }
0xff: {  	[tilespmem:$0xE70] =	vst v0  }
0x100: {  	[tilespmem:$0xE80] =	vst v0  }
0x101: {  	[tilespmem:$0xE90] =	vst v0  }
0x102: {  	[tilespmem:$0xEA0] =	vst v0  }
0x103: {  	[tilespmem:$0xEB0] =	vst v0  }
0x104: {  	[tilespmem:$0xEC0] =	vst v0  }
0x105: {  	[tilespmem:$0xED0] =	vst v0  }
0x106: {  	[tilespmem:$0xEE0] =	vst v0  }
0x107: {  	[tilespmem:$0xEF0] =	vst v0  }
0x108: {  	[tilespmem:$0xF00] =	vst v0  }
0x109: {  	[tilespmem:$0xF10] =	vst v0  }
0x10a: {  	[tilespmem:$0xF20] =	vst v0  }
0x10b: {  	[tilespmem:$0xF30] =	vst v0  }
0x10c: {  	[tilespmem:$0xF40] =	vst v0  }
0x10d: {  	[tilespmem:$0xF50] =	vst v0  }
0x10e: {  	[tilespmem:$0xF60] =	vst v0  }
0x10f: {  	[tilespmem:$0xF70] =	vst v0  }
0x110: {  	[tilespmem:$0xF80] =	vst v0  }
0x111: {  	[tilespmem:$0xF90] =	vst v0  }
0x112: {  	[tilespmem:$0xFA0] =	vst v0  }
0x113: {  	[tilespmem:$0xFB0] =	vst v0  }
0x114: {  	[tilespmem:$0xFC0] =	vst v0  }
0x115: {  	[tilespmem:$0xFD0] =	vst v0  }
0x116: {  	[tilespmem:$0xFE0] =	vst v0  }
0x117: {  	[tilespmem:$0xFF0] =	vst v0  }
0x118: {  	[tilespmem:$0x1000] =	vst v0  }
0x119: {  	[tilespmem:$0x1010] =	vst v0  }
0x11a: {  	[tilespmem:$0x1020] =	vst v0  }
0x11b: {  	[tilespmem:$0x1030] =	vst v0  }
0x11c: {  	[tilespmem:$0x1040] =	vst v0  }
0x11d: {  	[tilespmem:$0x1050] =	vst v0  }
0x11e: {  	[tilespmem:$0x1060] =	vst v0  }
0x11f: {  	[tilespmem:$0x1070] =	vst v0  }
0x120: {  	[tilespmem:$0x1080] =	vst v0  }
0x121: {  	[tilespmem:$0x1090] =	vst v0  }
0x122: {  	[tilespmem:$0x10A0] =	vst v0  }
0x123: {  	[tilespmem:$0x10B0] =	vst v0  }
0x124: {  	[tilespmem:$0x10C0] =	vst v0  }
0x125: {  	[tilespmem:$0x10D0] =	vst v0  }
0x126: {  	[tilespmem:$0x10E0] =	vst v0  }
0x127: {  	[tilespmem:$0x10F0] =	vst v0  }
0x128: {  	[tilespmem:$0x1100] =	vst v0  }
0x129: {  	[tilespmem:$0x1110] =	vst v0  }
0x12a: {  	[tilespmem:$0x1120] =	vst v0  }
0x12b: {  	[tilespmem:$0x1130] =	vst v0  }
0x12c: {  	[tilespmem:$0x1140] =	vst v0  }
0x12d: {  	[tilespmem:$0x1150] =	vst v0  }
0x12e: {  	[tilespmem:$0x1160] =	vst v0  }
0x12f: {  	[tilespmem:$0x1170] =	vst v0  }
0x130: {  	[tilespmem:$0x1180] =	vst v0  }
0x131: {  	[tilespmem:$0x1190] =	vst v0  }
0x132: {  	[tilespmem:$0x11A0] =	vst v0  }
0x133: {  	[tilespmem:$0x11B0] =	vst v0  }
0x134: {  	[tilespmem:$0x11C0] =	vst v0  }
0x135: {  	[tilespmem:$0x11D0] =	vst v0  }
0x136: {  	[tilespmem:$0x11E0] =	vst v0  }
0x137: {  	[tilespmem:$0x11F0] =	vst v0  }
0x138: {  	[tilespmem:$0x1200] =	vst v0  }
0x139: {  	[tilespmem:$0x1210] =	vst v0  }
0x13a: {  	[tilespmem:$0x1220] =	vst v0  }
0x13b: {  	[tilespmem:$0x1230] =	vst v0  }
0x13c: {  	[tilespmem:$0x1240] =	vst v0  }
0x13d: {  	[tilespmem:$0x1250] =	vst v0  }
0x13e: {  	[tilespmem:$0x1260] =	vst v0  }
0x13f: {  	[tilespmem:$0x1270] =	vst v0  }
0x140: {  	[tilespmem:$0x1280] =	vst v0  }
0x141: {  	[tilespmem:$0x1290] =	vst v0  }
0x142: {  	[tilespmem:$0x12A0] =	vst v0  }
0x143: {  	[tilespmem:$0x12B0] =	vst v0  }
0x144: {  	[tilespmem:$0x12C0] =	vst v0  }
0x145: {  	[tilespmem:$0x12D0] =	vst v0  }
0x146: {  	[tilespmem:$0x12E0] =	vst v0  }
0x147: {  	[tilespmem:$0x12F0] =	vst v0  }
0x148: {  	[tilespmem:$0x1300] =	vst v0  }
0x149: {  	[tilespmem:$0x1310] =	vst v0  }
0x14a: {  	[tilespmem:$0x1320] =	vst v0  }
0x14b: {  	[tilespmem:$0x1330] =	vst v0  }
0x14c: {  	[tilespmem:$0x1340] =	vst v0  }
0x14d: {  	[tilespmem:$0x1350] =	vst v0  }
0x14e: {  	[tilespmem:$0x1360] =	vst v0  }
0x14f: {  	[tilespmem:$0x1370] =	vst v0  }
0x150: {  	[tilespmem:$0x1380] =	vst v0  }
0x151: {  	[tilespmem:$0x1390] =	vst v0  }
0x152: {  	[tilespmem:$0x13A0] =	vst v0  }
0x153: {  	[tilespmem:$0x13B0] =	vst v0  }
0x154: {  	[tilespmem:$0x13C0] =	vst v0  }
0x155: {  	[tilespmem:$0x13D0] =	vst v0  }
0x156: {  	[tilespmem:$0x13E0] =	vst v0  }
0x157: {  	[tilespmem:$0x13F0] =	vst v0  }
0x158: {  	[tilespmem:$0x1400] =	vst v0  }
0x159: {  	[tilespmem:$0x1410] =	vst v0  }
0x15a: {  	[tilespmem:$0x1420] =	vst v0  }
0x15b: {  	[tilespmem:$0x1430] =	vst v0  }
0x15c: {  	[tilespmem:$0x1440] =	vst v0  }
0x15d: {  	[tilespmem:$0x1450] =	vst v0  }
0x15e: {  	[tilespmem:$0x1460] =	vst v0  }
0x15f: {  	[tilespmem:$0x1470] =	vst v0  }
0x160: {  	[tilespmem:$0x1480] =	vst v0  }
0x161: {  	[tilespmem:$0x1490] =	vst v0  }
0x162: {  	[tilespmem:$0x14A0] =	vst v0  }
0x163: {  	[tilespmem:$0x14B0] =	vst v0  }
0x164: {  	[tilespmem:$0x14C0] =	vst v0  }
0x165: {  	[tilespmem:$0x14D0] =	vst v0  }
0x166: {  	[tilespmem:$0x14E0] =	vst v0  }
0x167: {  	[tilespmem:$0x14F0] =	vst v0  }
0x168: {  	[tilespmem:$0x1500] =	vst v0  }
0x169: {  	[tilespmem:$0x1510] =	vst v0  }
0x16a: {  	[tilespmem:$0x1520] =	vst v0  }
0x16b: {  	[tilespmem:$0x1530] =	vst v0  }
0x16c: {  	[tilespmem:$0x1540] =	vst v0  }
0x16d: {  	[tilespmem:$0x1550] =	vst v0  }
0x16e: {  	[tilespmem:$0x1560] =	vst v0  }
0x16f: {  	[tilespmem:$0x1570] =	vst v0  }
0x170: {  	[tilespmem:$0x1580] =	vst v0  }
0x171: {  	[tilespmem:$0x1590] =	vst v0  }
0x172: {  	[tilespmem:$0x15A0] =	vst v0  }
0x173: {  	[tilespmem:$0x15B0] =	vst v0  }
0x174: {  	[tilespmem:$0x15C0] =	vst v0  }
0x175: {  	[tilespmem:$0x15D0] =	vst v0  }
0x176: {  	[tilespmem:$0x15E0] =	vst v0  }
0x177: {  	[tilespmem:$0x15F0] =	vst v0  }
0x178: {  	[tilespmem:$0x1600] =	vst v0  }
0x179: {  	[tilespmem:$0x1610] =	vst v0  }
0x17a: {  	[tilespmem:$0x1620] =	vst v0  }
0x17b: {  	[tilespmem:$0x1630] =	vst v0  }
0x17c: {  	[tilespmem:$0x1640] =	vst v0  }
0x17d: {  	[tilespmem:$0x1650] =	vst v0  }
0x17e: {  	[tilespmem:$0x1660] =	vst v0  }
0x17f: {  	[tilespmem:$0x1670] =	vst v0  }
0x180: {  	[spmem:s7] =	stream.linear.scatter [tilespmem:s3], [sflag:$0x3], $0x1680, $0x38;
	[tilespmem:$0x1DFC0] =	vst v63  }
0x181: {  	_ =	swait.ge [sflag:s28], $0x1680  }
0x182: {  	[sflag:s28] =	ssyncset.done $0x0  }
0x183: {  	s9 =	rddreg [dreg:$0x5];
	[sflag:s28] =	ssyncadd.s32 $0xFFFFE980  }
0x184: {  	[spmem:s9] =	stream.linear.scatter [tilespmem:s3], [sflag:$0x3], $0x1680, $0x38;
	[tilespmem:$0x1DFC0] =	vst v63  }
0x185: {  	_ =	swait.ge [sflag:s28], $0x1680  }
0x186: {  	[sflag:s28] =	ssyncset.done $0x0  }
0x187: {  	s11 =	rddreg [dreg:$0x6];
	[sflag:s28] =	ssyncadd.s32 $0xFFFFE980  }
0x188: {  	[spmem:s11] =	stream.linear.scatter [tilespmem:s3], [sflag:$0x3], $0x1680, $0x38;
	[tilespmem:$0x1DFC0] =	vst v63  }
0x189: {  	_ =	swait.ge [sflag:s28], $0x1680  }
0x18a: {  	[sflag:s28] =	ssyncset.done $0x0  }
0x18b: {  	s12 =	rddreg [dreg:$0x7];
	[sflag:s28] =	ssyncadd.s32 $0xFFFFE980  }
0x18c: {  	[spmem:s12] =	stream.linear.scatter [tilespmem:s3], [sflag:$0x3], $0x1680, $0x38;
	[tilespmem:$0x1DFC0] =	vst v63  }
0x18d: {  	_ =	swait.ge [sflag:s28], $0x1680  }
0x18e: {  	[sflag:s28] =	ssyncset.done $0x0  }
0x18f: {  	s13 =	rddreg [dreg:$0x8];
	[sflag:s28] =	ssyncadd.s32 $0xFFFFE980  }
0x190: {  	[spmem:s13] =	stream.linear.scatter [tilespmem:s3], [sflag:$0x3], $0x1680, $0x38;
	[tilespmem:$0x1DFC0] =	vst v63  }
0x191: {  	_ =	swait.ge [sflag:s28], $0x1680  }
0x192: {  	[sflag:s28] =	ssyncset.done $0x0  }
0x193: {  	s14 =	rddreg [dreg:$0x9];
	[sflag:s28] =	ssyncadd.s32 $0xFFFFE980  }
0x194: {  	[spmem:s14] =	stream.linear.scatter [tilespmem:s3], [sflag:$0x3], $0x1680, $0x38;
	[tilespmem:$0x1DFC0] =	vst v63  }
0x195: {  	_ =	swait.ge [sflag:s28], $0x1680  }
0x196: {  	[sflag:s28] =	ssyncset.done $0x0  }
0x197: {  	s10 =	rddreg [dreg:$0xa];
	[sflag:s28] =	ssyncadd.s32 $0xFFFFE980  }
0x198: {  	[spmem:s10] =	stream.linear.scatter [tilespmem:s3], [sflag:$0x3], $0x1680, $0x38;
	[tilespmem:$0x1DFC0] =	vst v63  }
0x199: {  	_ =	swait.ge [sflag:s28], $0x1680  }
0x19a: {  	[sflag:s28] =	ssyncset.done $0x0  }
0x19b: {  	s11 =	rddreg [dreg:$0xb];
	[sflag:s28] =	ssyncadd.s32 $0xFFFFE980  }
0x19c: {  	[spmem:s11] =	stream.linear.scatter [tilespmem:s3], [sflag:$0x3], $0x1680, $0x38;
	[tilespmem:$0x1DFC0] =	vst v63  }
0x19d: {  	_ =	swait.ge [sflag:s28], $0x1680  }
0x19e: {  	[sflag:s28] =	ssyncset.done $0x0  }
0x19f: {  	[sflag:s28] =	ssyncadd.s32 $0xFFFFE980  }
0x1a0: {  	[spmem:s15] =	stream.linear.scatter [tilespmem:s3], [sflag:$0x3], $0x1680, $0x38;
	[tilespmem:$0x1DFC0] =	vst v63  }
0x1a1: {  	_ =	swait.ge [sflag:s28], $0x1680  }
0x1a2: {  	[sflag:s28] =	ssyncset.done $0x0  }
0x1a3: {  	[sflag:s28] =	ssyncadd.s32 $0xFFFFE980  }
0x1a4: {  	[spmem:s16] =	stream.linear.scatter [tilespmem:s3], [sflag:$0x3], $0x1680, $0x38;
	[tilespmem:$0x1DFC0] =	vst v63  }
0x1a5: {  	_ =	swait.ge [sflag:s28], $0x1680  }
0x1a6: {  	[sflag:s28] =	ssyncset.done $0x0  }
0x1a7: {  	[sflag:s28] =	ssyncadd.s32 $0xFFFFE980  }
0x1a8: {  	[spmem:s17] =	stream.linear.scatter [tilespmem:s3], [sflag:$0x3], $0x1680, $0x38;
	[tilespmem:$0x1DFC0] =	vst v63  }
0x1a9: {  	_ =	swait.ge [sflag:s28], $0x1680  }
0x1aa: {  	[sflag:s28] =	ssyncset.done $0x0  }
0x1ab: {  	[sflag:s28] =	ssyncadd.s32 $0xFFFFE980  }
0x1ac: {  	[spmem:s18] =	stream.linear.scatter [tilespmem:s3], [sflag:$0x3], $0x1680, $0x38;
	[tilespmem:$0x1DFC0] =	vst v63  }
0x1ad: {  	_ =	swait.ge [sflag:s28], $0x1680  }
0x1ae: {  	[sflag:s28] =	ssyncset.done $0x0  }
0x1af: {  	[sflag:s28] =	ssyncadd.s32 $0xFFFFE980  }
0x1b0: {  	[spmem:s19] =	stream.linear.scatter [tilespmem:s3], [sflag:$0x3], $0x1680, $0x38;
	[tilespmem:$0x1DFC0] =	vst v63  }
0x1b1: {  	_ =	swait.ge [sflag:s28], $0x1680  }
0x1b2: {  	[sflag:s28] =	ssyncset.done $0x0  }
0x1b3: {  	[sflag:s28] =	ssyncadd.s32 $0xFFFFE980  }
0x1b4: {  	[spmem:s21] =	stream.linear.scatter [tilespmem:s3], [sflag:$0x3], $0x1680, $0x38;
	[tilespmem:$0x1DFC0] =	vst v63  }
0x1b5: {  	_ =	swait.ge [sflag:s28], $0x1680  }
0x1b6: {  	[sflag:s28] =	ssyncset.done $0x0  }
0x1b7: {  	[sflag:s28] =	ssyncadd.s32 $0xFFFFE980  }
0x1b8: {  	[spmem:s22] =	stream.linear.scatter [tilespmem:s3], [sflag:$0x3], $0x1680, $0x38;
	[tilespmem:$0x1DFC0] =	vst v63  }
0x1b9: {  	_ =	swait.ge [sflag:s28], $0x1680  }
0x1ba: {  	[sflag:s28] =	ssyncset.done $0x0  }
0x1bb: {  	[sflag:s28] =	ssyncadd.s32 $0xFFFFE980  }
0x1bc: {  	[spmem:s23] =	stream.linear.scatter [tilespmem:s3], [sflag:$0x3], $0xE10, $0x38;
	[tilespmem:$0x1DFC0] =	vst v63  }
0x1bd: {  	_ =	swait.ge [sflag:s28], $0xE10  }
0x1be: {  	[sflag:s28] =	ssyncset.done $0x0  }
0x1bf: {  	s10 =	simm.s32 $0x8020;
	s12 =	rddreg [dreg:$0x4];
	[sflag:s28] =	ssyncadd.s32 $0xFFFFF1F0  }
0x1c0: {  	[tilespmem:s10], [sflag:$0x3] =	stream.linear.gather [hbm4b:s12+s3], $0x10, $0x38;
	[tilespmem:$0x1DFC0] =	vst v63  }
0x1c1: {  	_ =	swait.ge [sflag:s28], $0x10  }
0x1c2: {  	[sflag:s28] =	ssyncset.done $0x0  }
0x1c3: {  	s13 =	simm.s32 $0x3200;
	[sflag:s28] =	ssyncadd.s32 $0xFFFFFFF0  }
0x1c4: {  	[tilespmem:s13], [sflag:$0x3] =	stream.linear.gather [hbm4b:s24+s3], $0x2710, $0x38;
	[tilespmem:$0x1DFC0] =	vst v63  }
0x1c5: {  	_ =	swait.ge [sflag:s28], $0x2710  }
0x1c6: {  	[sflag:s28] =	ssyncset.done $0x0  }
0x1c7: {  	s14 =	simm.s32 $0x5910;
	[sflag:s28] =	ssyncadd.s32 $0xFFFFD8F0  }
0x1c8: {  	[tilespmem:s14], [sflag:$0x3] =	stream.linear.gather [hbm4b:s20+s3], $0x2710, $0x38;
	[tilespmem:$0x1DFC0] =	vst v63  }
0x1c9: {  	_ =	swait.ge [sflag:s28], $0x2710  }
0x1ca: {  	[sflag:s28] =	ssyncset.done $0x0  }
0x1cb: {  	[sflag:s28] =	ssyncadd.s32 $0xFFFFD8F0  }
0x1cc: {  	[tilespmem:s3], [sflag:$0x1] =	stream.indirect.gather [hbm4b:s4+s0], $0x90, s13, s0, $0xb8;
	[tilespmem:$0x1DFC0] =	vst v63  }
0x1cd: {  	_ = 	snop  }
0x1ce: {  	[tilespmem:s29], [sflag:$0x1] =	stream.indirect.gather [hbm4b:s5+s0], $0x10, s14, s0, $0xb8;
	[tilespmem:$0x1DFC0] =	vst v63  }
0x1cf: {  	_ =	swait.ge [sflag:s1], $0x1680  }
0x1d0: {  	[sflag:s1] =	ssyncset.done $0x0  }
0x1d1: {  	[sflag:s1] =	ssyncadd.s32 $0xFFFFE980  }
0x1d2: {  	_ =	swait.ge [sflag:s1], $0x280  }
0x1d3: {  	[sflag:s1] =	ssyncset.done $0x0  }
0x1d4: {  	[sflag:s1] =	ssyncadd.s32 $0xFFFFFD80  }
0x1d5: {  	s9 =	simm.s32 $0x0;
	[bflag:$0x0] =	sbarrier.arrive $0xFFFF  }
.LBB2_2:
0x1d6: {  	s10 =	smul.u32 $0x50, s9;
	_ =	sdelay $0x1  }
0x1d7: {  	s11 =	sadd.s32 $0x3228, s10  }
0x1d8: {  	[tilespmem:s6], [sflag:$0x2] =	stream.indirect.gather [hbm4b:s4+s0], $0x90, s11, s0, $0xb8;
	[tilespmem:$0x1DFC0] =	vst v63  }
0x1d9: {  	s10 =	sadd.s32 $0x5938, s10  }
0x1da: {  	[tilespmem:s30], [sflag:$0x2] =	stream.indirect.gather [hbm4b:s5+s0], $0x10, s10, s0, $0xb8;
	[tilespmem:$0x1DFC0] =	vst v63  }
0x1db: {  	s11 =	simm.s32 $0x240;
	v1 =	vld [tilespmem:$0x8020]  }
0x1dc: {  	s12 =	simm.s32 $0x2D40;
	v2 =	vld [tilespmem:s11+$0x230]  }
0x1dd: {  	v3 =	vld [tilespmem:s12+$0x30]  }
0x1de: {  	v4 =	vld [tilespmem:s12+$0xFFFFFFC0]  }
0x1df: {  	v5 =	vld [tilespmem:s11+$0xFFFFFED0]  }
0x1e0: {  	v6 =	vld [tilespmem:s12+$0xFFFFFFD0]  }
0x1e1: {  	v7 =	vld [tilespmem:s11+$0xFFFFFF60]  }
0x1e2: {  	v8 =	vld [tilespmem:s12+$0xFFFFFFE0]  }
0x1e3: {  	v9 =	vld [tilespmem:s11+$0xFFFFFFF0]  }
0x1e4: {  	v10 =	vld [tilespmem:s12+$0xFFFFFFF0]  }
0x1e5: {  	v11 =	vld [tilespmem:s11+$0x80]  }
0x1e6: {  	v12 =	vld [tilespmem:s12+$0x0]  }
0x1e7: {  	v13 =	vld [tilespmem:s11+$0x110]  }
0x1e8: {  	v14 =	vld [tilespmem:s12+$0x10]  }
0x1e9: {  	v15 =	vld [tilespmem:s11+$0x1A0]  }
0x1ea: {  	v17 =	vld [tilespmem:s11+$0xFFFFFE40]  }
0x1eb: {  	v16 =	vld [tilespmem:s12+$0x20]  }
0x1ec: {  	v18 =	vld [tilespmem:s11+$0xFFFFFDC0]  }
0x1ed: {  	v19 =	vld [tilespmem:s11+$0xFFFFFDD0]  }
0x1ee: {  	v20 =	vld [tilespmem:s11+$0xFFFFFDE0];
	v2 =	vadd.f32 v3, v2;
	v3 =	vadd.f32 v3, v1  }
0x1ef: {  	v23 =	vld [tilespmem:s11+$0xFFFFFDF0];
	v24 =	vadd.f32 v4, v1;
	v4 =	vadd.f32 v4, v17  }
0x1f0: {  	v25 =	vld [tilespmem:s11+$0x220];
	v21 =	vmul.f32 $2.000000030e-01, v2;
	v22 =	vmul.f32 $2.000000030e-01, v3  }
0x1f1: {  	v27 =	vld [tilespmem:s11+$0xFFFFFE20];
	v26 =	vmul.f32 $2.000000030e-01, v4  }
0x1f2: {  	v29 =	vld [tilespmem:s11+$0xFFFFFE30];
	v2 =	vmax.f32 v2, v21;
	v3 =	vmax.f32 v3, v22;
	v21 =	vmul.f32 $2.000000030e-01, v24  }
0x1f3: {  	v30 =	vld [tilespmem:s11+$0xFFFFFEE0];
	v5 =	vadd.f32 v6, v5;
	v2 =	vsub.f32 v2, v3  }
0x1f4: {  	v31 =	vld [tilespmem:s11+$0xFFFFFEF0];
	v6 =	vadd.f32 v6, v1;
	v4 =	vmax.f32 v4, v26;
	v21 =	vmax.f32 v24, v21  }
0x1f5: {  	v32 =	vld [tilespmem:s11+$0xFFFFFF00];
	v2 =	vmul.f32 $1.442695020e+00, v2;
	v4 =	vsub.f32 v4, v21  }
0x1f6: {  	v33 =	vld [tilespmem:s11+$0xFFFFFF10];
	v28 =	vmul.f32 $2.000000030e-01, v6;
	v22 =	vmul.f32 $2.000000030e-01, v5  }
0x1f7: {  	v34 =	vld [tilespmem:s11+$0xFFFFFF20];
	(erf) = vpow2.f32 v2;
	v4 =	vmul.f32 $1.442695020e+00, v4  }
0x1f8: {  	v37 =	vld [tilespmem:s11+$0xFFFFFF40]  }
0x1f9: {  	v52 =	vld [tilespmem:s11+$0xFFFFFF50];
	v5 =	vmax.f32 v5, v22;
	v2 =	vmax.f32 v6, v28;
	(erf) = vpow2.f32 v4  }
0x1fa: {  	v54 =	vld [tilespmem:s11+$0x130];
	v2 =	vsub.f32 v5, v2  }
0x1fb: {  	v56 =	vld [tilespmem:s11+$0x140]  }
0x1fc: {  	v61 =	vld [tilespmem:s11+$0x160];
	v2 =	vmul.f32 $1.442695020e+00, v2  }
0x1fd: {  	v62 =	vld [tilespmem:s11+$0x180]  }
0x1fe: {  	v41 =	vld [tilespmem:s11+$0x1B0];
	v7 =	vadd.f32 v8, v7  }
0x1ff: {  	v17 =	vld [tilespmem:s11+$0xFFFFFE00];
	v8 =	vadd.f32 v8, v1;
	v9 =	vadd.f32 v10, v9  }
0x200: {  	v10 =	vadd.f32 v10, v1;
	v35 =	vmul.f32 $2.000000030e-01, v7;
	v26 =	vld [tilespmem:s11+$0xFFFFFEA0];
	(erf) = vpow2.f32 v2;
	v2 =	vpop (erf)  }
0x201: {  	v36 =	vmul.f32 $2.000000030e-01, v8;
	v3 =	vld [tilespmem:s11+$0xFFFFFE10];
	v25 =	vmul.f32 v25, v2  }
0x202: {  	v39 =	vmul.f32 $2.000000030e-01, v9;
	v40 =	vmul.f32 $2.000000030e-01, v10;
	v22 =	vld [tilespmem:s11+$0xFFFFFE50];
	[tilespmem:s11+$0x230] =	vst v2;
	v38 =	vpop (erf)  }
0x203: {  	v7 =	vmax.f32 v7, v35;
	v8 =	vmax.f32 v8, v36;
	v24 =	vld [tilespmem:s11+$0xFFFFFE90];
	[tilespmem:s11+$0x220] =	vst v25;
	v18 =	vmul.f32 v38, v18  }
0x204: {  	v7 =	vsub.f32 v7, v8;
	v21 =	vld [tilespmem:s11+$0xFFFFFE80];
	[tilespmem:s11+$0xFFFFFE40] =	vst v38;
	v8 =	vmul.f32 v38, v19  }
0x205: {  	v9 =	vmax.f32 v9, v39;
	v10 =	vmax.f32 v10, v40;
	v6 =	vld [tilespmem:s11+$0xFFFFFE60];
	v20 =	vmul.f32 v38, v20;
	[tilespmem:s11+$0xFFFFFDC0] =	vst v18  }
0x206: {  	v9 =	vsub.f32 v9, v10;
	v28 =	vld [tilespmem:s11+$0xFFFFFEC0];
	v23 =	vmul.f32 v23, v38;
	[tilespmem:s11+$0xFFFFFDD0] =	vst v8  }
0x207: {  	v11 =	vadd.f32 v12, v11;
	v7 =	vmul.f32 $1.442695020e+00, v7;
	v5 =	vld [tilespmem:s11+$0xFFFFFE70];
	v17 =	vmul.f32 v17, v38;
	[tilespmem:s11+$0xFFFFFDE0] =	vst v20  }
0x208: {  	v13 =	vadd.f32 v14, v13;
	v9 =	vmul.f32 $1.442695020e+00, v9;
	v4 =	vld [tilespmem:s11+$0xFFFFFEB0];
	v3 =	vmul.f32 v3, v38;
	[tilespmem:s11+$0xFFFFFDF0] =	vst v23  }
0x209: {  	v10 =	vadd.f32 v12, v1;
	v12 =	vmul.f32 $2.000000030e-01, v11;
	(erf) = vpow2.f32 v7;
	v7 =	vld [tilespmem:s11+$0xFFFFFFB0];
	[tilespmem:s11+$0xFFFFFE00] =	vst v17  }
0x20a: {  	(erf) = vpow2.f32 v9;
	v9 =	vadd.f32 v14, v1;
	v14 =	vld [tilespmem:s11+$0x0];
	v53 =	vpop (erf);
	v23 =	vmul.f32 v27, v38;
	[tilespmem:s11+$0xFFFFFE10] =	vst v3  }
0x20b: {  	v25 =	vld [tilespmem:s11+$0xFFFFFF30];
	v27 =	vmul.f32 v29, v38;
	v3 =	vmax.f32 v11, v12;
	v11 =	vmul.f32 $2.000000030e-01, v10;
	[tilespmem:s11+$0xFFFFFED0] =	vst v53  }
0x20c: {  	v15 =	vadd.f32 v16, v15;
	v19 =	vld [tilespmem:s11+$0xFFFFFF70];
	v12 =	vmul.f32 v53, v22;
	[tilespmem:s11+$0xFFFFFE20] =	vst v23  }
0x20d: {  	v18 =	vld [tilespmem:s11+$0xFFFFFF80];
	v6 =	vmul.f32 v53, v6;
	[tilespmem:s11+$0xFFFFFE30] =	vst v27;
	v10 =	vmax.f32 v10, v11;
	v11 =	vmul.f32 $2.000000030e-01, v13  }
0x20e: {  	v16 =	vadd.f32 v16, v1;
	v8 =	vld [tilespmem:s11+$0xFFFFFF90];
	v5 =	vmul.f32 v53, v5;
	v21 =	vmul.f32 v21, v53;
	[tilespmem:s11+$0xFFFFFE50] =	vst v12  }
0x20f: {  	v20 =	vld [tilespmem:s11+$0xFFFFFFA0];
	[tilespmem:s11+$0xFFFFFE60] =	vst v6;
	v3 =	vsub.f32 v3, v10;
	v11 =	vmax.f32 v13, v11;
	v13 =	vmul.f32 $2.000000030e-01, v9  }
0x210: {  	v17 =	vld [tilespmem:s11+$0xFFFFFFC0];
	v4 =	vmul.f32 v4, v53;
	v23 =	vmul.f32 v24, v53;
	[tilespmem:s11+$0xFFFFFE70] =	vst v5  }
0x211: {  	v29 =	vld [tilespmem:s11+$0xFFFFFFD0];
	v5 =	vmul.f32 $2.000000030e-01, v15;
	[tilespmem:s11+$0xFFFFFE80] =	vst v21;
	v9 =	vmax.f32 v9, v13;
	v13 =	vmul.f32 $2.000000030e-01, v16  }
0x212: {  	v22 =	vld [tilespmem:s11+$0xFFFFFFE0];
	v10 =	vmul.f32 v26, v53;
	v26 =	vmul.f32 v28, v53;
	[tilespmem:s11+$0xFFFFFEB0] =	vst v4  }
0x213: {  	v24 =	vld [tilespmem:s11+$0x30];
	[tilespmem:s11+$0xFFFFFE90] =	vst v23;
	v5 =	vmax.f32 v15, v5;
	v15 =	vmul.f32 $1.442695020e+00, v3;
	v3 =	vpop (erf);
	v13 =	vmax.f32 v16, v13  }
0x214: {  	v27 =	vld [tilespmem:s11+$0xB0];
	[tilespmem:s11+$0xFFFFFEA0] =	vst v10;
	v9 =	vsub.f32 v11, v9;
	v11 =	vmul.f32 v3, v30;
	v4 =	vsub.f32 v5, v13  }
0x215: {  	v12 =	vld [tilespmem:s11+$0x10];
	[tilespmem:s11+$0xFFFFFEC0] =	vst v26;
	(erf) = vpow2.f32 v15;
	v26 =	vmul.f32 v33, v3  }
0x216: {  	v6 =	vld [tilespmem:s11+$0x20];
	v28 =	vmul.f32 v52, v3;
	[tilespmem:s11+$0xFFFFFEE0] =	vst v11;
	v4 =	vmul.f32 $1.442695020e+00, v4  }
0x217: {  	v21 =	vld [tilespmem:s11+$0x40];
	v5 =	vmul.f32 v3, v31;
	v9 =	vmul.f32 $1.442695020e+00, v9;
	[tilespmem:s11+$0xFFFFFF10] =	vst v26  }
0x218: {  	v23 =	vld [tilespmem:s11+$0x50];
	v13 =	vmul.f32 v3, v32;
	v26 =	vmul.f32 v37, v3;
	[tilespmem:s11+$0xFFFFFF50] =	vst v28  }
0x219: {  	v10 =	vld [tilespmem:s11+$0x60];
	[tilespmem:s11+$0xFFFFFEF0] =	vst v5;
	(erf) = vpow2.f32 v9;
	v5 =	vmul.f32 v34, v3  }
0x21a: {  	v15 =	vld [tilespmem:s11+$0x90];
	[tilespmem:s11+$0xFFFFFF00] =	vst v13;
	v13 =	vmul.f32 v25, v3;
	(erf) = vpow2.f32 v4;
	v4 =	vpop (erf)  }
0x21b: {  	v16 =	vld [tilespmem:s11+$0x70];
	[tilespmem:s11+$0xFFFFFF40] =	vst v26;
	v19 =	vmul.f32 v4, v19;
	v18 =	vmul.f32 v4, v18  }
0x21c: {  	v30 =	vld [tilespmem:s11+$0xE0];
	[tilespmem:s11+$0xFFFFFF30] =	vst v13;
	v8 =	vmul.f32 v4, v8;
	v13 =	vmul.f32 v20, v4  }
0x21d: {  	v31 =	vld [tilespmem:s11+$0xF0];
	[tilespmem:s11+$0xFFFFFF20] =	vst v5;
	v7 =	vmul.f32 v7, v4;
	v17 =	vmul.f32 v17, v4  }
0x21e: {  	v11 =	vld [tilespmem:s11+$0xA0];
	v5 =	vpop (erf);
	v29 =	vmul.f32 v29, v4;
	v22 =	vmul.f32 v22, v4;
	[tilespmem:s11+$0xFFFFFF70] =	vst v19  }
0x21f: {  	v9 =	vld [tilespmem:s11+$0xC0];
	v55 =	vmul.f32 v5, v14;
	v12 =	vmul.f32 v5, v12;
	[tilespmem:s11+$0xFFFFFF80] =	vst v18  }
0x220: {  	v25 =	vld [tilespmem:s11+$0xD0];
	v57 =	vmul.f32 v5, v6;
	v58 =	vmul.f32 v24, v5;
	[tilespmem:s11+$0xFFFFFF90] =	vst v8  }
0x221: {  	v26 =	vld [tilespmem:s11+$0x100];
	v59 =	vmul.f32 v21, v5;
	v60 =	vmul.f32 v23, v5;
	[tilespmem:s11+$0xFFFFFFA0] =	vst v13  }
0x222: {  	v28 =	vld [tilespmem:s11+$0x120];
	v18 =	vmul.f32 v10, v5;
	v13 =	vmul.f32 v16, v5;
	[tilespmem:s11+$0xFFFFFFB0] =	vst v7;
	v6 =	vpop (erf)  }
0x223: {  	v8 =	vld [tilespmem:s11+$0x150];
	[tilespmem:s11+$0xFFFFFFC0] =	vst v17;
	v14 =	vmul.f32 v6, v15;
	v15 =	vmul.f32 v6, v11  }
0x224: {  	v10 =	vld [tilespmem:s11+$0x170];
	[tilespmem:s11+$0xFFFFFFD0] =	vst v29;
	v19 =	vmul.f32 v6, v27;
	v20 =	vmul.f32 v9, v6  }
0x225: {  	v63 =	vld [tilespmem:s11+$0x1C0];
	[tilespmem:s11+$0xFFFFFFE0] =	vst v22;
	v23 =	vmul.f32 v25, v6;
	v24 =	vmul.f32 v30, v6  }
0x226: {  	[tilespmem:s11+$0x0] =	vst v55;
	v9 =	vld [tilespmem:s11+$0x190];
	v27 =	vmul.f32 v31, v6;
	v25 =	vmul.f32 v26, v6;
	v7 =	vpop (erf)  }
0x227: {  	[tilespmem:s11+$0x10] =	vst v12;
	v26 =	vmul.f32 v7, v28;
	v21 =	vmul.f32 v7, v54;
	v28 =	vld [tilespmem:s11+$0x1D0]  }
0x228: {  	v29 =	vld [tilespmem:s11+$0x1E0];
	[tilespmem:s11+$0x20] =	vst v57;
	v22 =	vmul.f32 v7, v56;
	v16 =	vmul.f32 v8, v7  }
0x229: {  	[tilespmem:s11+$0x30] =	vst v58;
	v30 =	vld [tilespmem:s11+$0x1F0];
	v17 =	vmul.f32 v61, v7;
	v11 =	vmul.f32 v10, v7  }
0x22a: {  	[tilespmem:s11+$0x40] =	vst v59;
	v31 =	vld [tilespmem:s11+$0x200];
	v12 =	vmul.f32 v62, v7;
	v10 =	vmul.f32 v2, v41  }
0x22b: {  	s13 =	simm.s32 $0x0;
	s14 =	simm.s32 $0x6C0;
	v32 =	vld [tilespmem:s11+$0x210];
	[tilespmem:s11+$0x50] =	vst v60;
	v8 =	vmul.f32 v2, v63;
	v9 =	vmul.f32 v9, v7  }
.LBB2_3:
0x22c: {  	v33 =	vld [tilespmem:s14+$0x230];
	[tilespmem:s11+$0x60] =	vst v18;
	v18 =	vmul.f32 v2, v28;
	s12 =	sadd.s32 $0x80, s12  }
0x22d: {  	s13 =	sadd.s32 $0x8, s13;
	v28 =	vld [tilespmem:s12+$0x30];
	[tilespmem:s11+$0x70] =	vst v13;
	v13 =	vmul.f32 v29, v2  }
0x22e: {  	p0 =	slt.u32 s13, $0x20;
	v29 =	vld [tilespmem:s12+$0xFFFFFFC0];
	[tilespmem:s11+$0x90] =	vst v14;
	v14 =	vmul.f32 v30, v2  }
0x22f: {  	v30 =	vld [tilespmem:s14+$0xFFFFFED0];
	[tilespmem:s11+$0xA0] =	vst v15;
	v15 =	vmul.f32 v31, v2  }
0x230: {  	v31 =	vld [tilespmem:s12+$0xFFFFFFD0];
	[tilespmem:s11+$0xB0] =	vst v19;
	v19 =	vmul.f32 v32, v2  }
0x231: {  	v2 =	vld [tilespmem:s14+$0xFFFFFF60];
	[tilespmem:s11+$0xC0] =	vst v20  }
0x232: {  	v20 =	vld [tilespmem:s12+$0xFFFFFFE0];
	v32 =	vadd.f32 v28, v33;
	v28 =	vadd.f32 v28, v1;
	[tilespmem:s11+$0xD0] =	vst v23  }
0x233: {  	v23 =	vadd.f32 v29, v1;
	v33 =	vld [tilespmem:s14+$0xFFFFFFF0];
	[tilespmem:s11+$0xE0] =	vst v24  }
0x234: {  	v24 =	vld [tilespmem:s12+$0xFFFFFFF0];
	v34 =	vmul.f32 $2.000000030e-01, v32;
	v35 =	vmul.f32 $2.000000030e-01, v28;
	[tilespmem:s11+$0xF0] =	vst v27  }
0x235: {  	v27 =	vmul.f32 $2.000000030e-01, v23;
	v30 =	vadd.f32 v31, v30;
	v31 =	vadd.f32 v31, v1;
	v36 =	vld [tilespmem:s14+$0x80];
	[tilespmem:s11+$0x100] =	vst v25  }
0x236: {  	v25 =	vld [tilespmem:s12+$0x0];
	v32 =	vmax.f32 v32, v34;
	v28 =	vmax.f32 v28, v35;
	[tilespmem:s11+$0x120] =	vst v26  }
0x237: {  	v26 =	vmul.f32 $2.000000030e-01, v30;
	v2 =	vadd.f32 v20, v2;
	v34 =	vld [tilespmem:s14+$0x110];
	v28 =	vsub.f32 v32, v28;
	[tilespmem:s11+$0x130] =	vst v21  }
0x238: {  	v21 =	vmax.f32 v23, v27;
	v23 =	vmul.f32 $2.000000030e-01, v31;
	v20 =	vadd.f32 v20, v1;
	v27 =	vld [tilespmem:s12+$0x10];
	[tilespmem:s11+$0x140] =	vst v22  }
0x239: {  	v22 =	vadd.f32 v24, v33;
	v24 =	vadd.f32 v24, v1;
	v32 =	vld [tilespmem:s14+$0x1A0];
	v28 =	vmul.f32 $1.442695020e+00, v28;
	[tilespmem:s11+$0x150] =	vst v16  }
0x23a: {  	v16 =	vmax.f32 v30, v26;
	v26 =	vmul.f32 $2.000000030e-01, v2;
	v30 =	vmul.f32 $2.000000030e-01, v20;
	v33 =	vld [tilespmem:s12+$0x20];
	[tilespmem:s11+$0x160] =	vst v17  }
0x23b: {  	v17 =	vld [tilespmem:s14+$0xFFFFFE40];
	v35 =	vadd.f32 v25, v36;
	v25 =	vadd.f32 v25, v1;
	(erf) = vpow2.f32 v28;
	[tilespmem:s11+$0x170] =	vst v11  }
0x23c: {  	v23 =	vmax.f32 v31, v23;
	v28 =	vmul.f32 $2.000000030e-01, v22;
	v31 =	vmul.f32 $2.000000030e-01, v24;
	v11 =	vld [tilespmem:s14+$0xFFFFFDC0];
	[tilespmem:s11+$0x180] =	vst v12  }
0x23d: {  	v12 =	vld [tilespmem:s14+$0xFFFFFDD0];
	v36 =	vmul.f32 $2.000000030e-01, v35;
	v34 =	vadd.f32 v27, v34;
	v27 =	vadd.f32 v27, v1;
	[tilespmem:s11+$0x190] =	vst v9  }
0x23e: {  	v26 =	vmax.f32 v2, v26;
	v20 =	vmax.f32 v20, v30;
	v2 =	vmul.f32 $2.000000030e-01, v25;
	v9 =	vld [tilespmem:s14+$0xFFFFFDE0];
	[tilespmem:s11+$0x1B0] =	vst v10  }
0x23f: {  	v10 =	vld [tilespmem:s14+$0xFFFFFDF0];
	v30 =	vmul.f32 $2.000000030e-01, v34;
	v32 =	vadd.f32 v33, v32;
	v33 =	vadd.f32 v33, v1;
	[tilespmem:s11+$0x1C0] =	vst v8  }
0x240: {  	v8 =	vadd.f32 v29, v17;
	v17 =	vmax.f32 v22, v28;
	v22 =	vmul.f32 $2.000000030e-01, v27;
	v28 =	vld [tilespmem:s14+$0x220];
	[tilespmem:s11+$0x1D0] =	vst v18  }
0x241: {  	v24 =	vmax.f32 v24, v31;
	v18 =	vld [tilespmem:s14+$0xFFFFFE00];
	v29 =	vmul.f32 $2.000000030e-01, v32;
	v31 =	vmul.f32 $2.000000030e-01, v33;
	[tilespmem:s11+$0x1E0] =	vst v13  }
0x242: {  	v35 =	vmax.f32 v35, v36;
	v25 =	vmax.f32 v25, v2;
	v13 =	vmul.f32 $2.000000030e-01, v8;
	v37 =	vld [tilespmem:s14+$0xFFFFFE10];
	[tilespmem:s11+$0x1F0] =	vst v14  }
0x243: {  	v30 =	vmax.f32 v34, v30;
	v22 =	vmax.f32 v27, v22;
	v14 =	vld [tilespmem:s14+$0xFFFFFE20];
	v27 =	vmax.f32 v32, v29;
	[tilespmem:s11+$0x200] =	vst v15  }
0x244: {  	v15 =	vsub.f32 v16, v23;
	v16 =	vmax.f32 v33, v31;
	v8 =	vmax.f32 v8, v13;
	v13 =	vld [tilespmem:s14+$0xFFFFFE30];
	v2 =	vpop (erf);
	[tilespmem:s11+$0x210] =	vst v19  }
0x245: {  	v20 =	vsub.f32 v26, v20;
	v8 =	vsub.f32 v8, v21;
	v19 =	vld [tilespmem:s14+$0xFFFFFE50];
	v21 =	vmul.f32 v28, v2;
	[tilespmem:s11+$0xFFFFFF60] =	vst v3  }
0x246: {  	v17 =	vsub.f32 v17, v24;
	v23 =	vsub.f32 v35, v25;
	v3 =	vmul.f32 $1.442695020e+00, v15;
	v15 =	vld [tilespmem:s14+$0xFFFFFE60];
	[tilespmem:s11+$0xFFFFFFF0] =	vst v4  }
0x247: {  	v22 =	vsub.f32 v30, v22;
	v16 =	vsub.f32 v27, v16;
	v4 =	vmul.f32 $1.442695020e+00, v8;
	v8 =	vld [tilespmem:s14+$0xFFFFFE70];
	[tilespmem:s14+$0x220] =	vst v21  }
0x248: {  	v20 =	vmul.f32 $1.442695020e+00, v20;
	v17 =	vmul.f32 $1.442695020e+00, v17;
	v21 =	vld [tilespmem:s14+$0xFFFFFE80];
	[tilespmem:s11+$0x80] =	vst v5  }
0x249: {  	v22 =	vmul.f32 $1.442695020e+00, v22;
	v5 =	vmul.f32 $1.442695020e+00, v23;
	v24 =	vld [tilespmem:s14+$0xFFFFFE90];
	[tilespmem:s11+$0x110] =	vst v6  }
0x24a: {  	v6 =	vmul.f32 $1.442695020e+00, v16;
	v23 =	vld [tilespmem:s14+$0xFFFFFEA0];
	(erf) = vpow2.f32 v4;
	[tilespmem:s11+$0x1A0] =	vst v7;
	s11 =	smov.u32 s14  }
0x24b: {  	v16 =	vld [tilespmem:s14+$0xFFFFFEB0];
	[tilespmem:s14+$0x230] =	vst v2;
	(erf) = vpow2.f32 v3  }
0x24c: {  	v25 =	vld [tilespmem:s14+$0xFFFFFEC0];
	(erf) = vpow2.f32 v20  }
0x24d: {  	v20 =	vld [tilespmem:s14+$0xFFFFFEE0];
	(erf) = vpow2.f32 v17  }
0x24e: {  	v17 =	vld [tilespmem:s14+$0xFFFFFEF0];
	(erf) = vpow2.f32 v5  }
0x24f: {  	v26 =	vld [tilespmem:s14+$0xFFFFFF00];
	(erf) = vpow2.f32 v22  }
0x250: {  	v22 =	vld [tilespmem:s14+$0xFFFFFF10];
	(erf) = vpow2.f32 v6  }
0x251: {  	v27 =	vld [tilespmem:s14+$0xFFFFFF20]  }
0x252: {  	v28 =	vld [tilespmem:s14+$0xFFFFFF30]  }
0x253: {  	v29 =	vld [tilespmem:s14+$0xFFFFFF40];
	v5 =	vpop (erf)  }
0x254: {  	[tilespmem:s14+$0xFFFFFE40] =	vst v5;
	v32 =	vmul.f32 v5, v11;
	v6 =	vmul.f32 v5, v12;
	v11 =	vld [tilespmem:s14+$0xFFFFFF50];
	v12 =	vpop (erf)  }
0x255: {  	v7 =	vmul.f32 v5, v9;
	v9 =	vmul.f32 v10, v5;
	[tilespmem:s14+$0xFFFFFED0] =	vst v12;
	v10 =	vld [tilespmem:s14+$0xFFFFFF70];
	v3 =	vpop (erf)  }
0x256: {  	v18 =	vmul.f32 v18, v5;
	v30 =	vmul.f32 v37, v5;
	[tilespmem:s14+$0xFFFFFDC0] =	vst v32;
	v31 =	vld [tilespmem:s14+$0xFFFFFF80];
	v4 =	vpop (erf)  }
0x257: {  	v14 =	vmul.f32 v14, v5;
	v13 =	vmul.f32 v13, v5;
	[tilespmem:s14+$0xFFFFFDD0] =	vst v6;
	v32 =	vld [tilespmem:s14+$0xFFFFFF90];
	v5 =	vpop (erf)  }
0x258: {  	v19 =	vmul.f32 v12, v19;
	v15 =	vmul.f32 v12, v15;
	[tilespmem:s14+$0xFFFFFDE0] =	vst v7;
	v33 =	vld [tilespmem:s14+$0xFFFFFFA0];
	v6 =	vpop (erf)  }
0x259: {  	v8 =	vmul.f32 v12, v8;
	[tilespmem:s14+$0xFFFFFDF0] =	vst v9;
	v9 =	vmul.f32 v21, v12;
	v21 =	vld [tilespmem:s14+$0xFFFFFFB0];
	v7 =	vpop (erf)  }
0x25a: {  	v23 =	vmul.f32 v23, v12;
	[tilespmem:s14+$0xFFFFFE00] =	vst v18;
	v18 =	vmul.f32 v24, v12;
	v24 =	vld [tilespmem:s14+$0xFFFFFFC0]  }
0x25b: {  	v16 =	vmul.f32 v16, v12;
	v12 =	vmul.f32 v25, v12;
	[tilespmem:s14+$0xFFFFFE10] =	vst v30;
	v25 =	vld [tilespmem:s14+$0xFFFFFFD0]  }
0x25c: {  	v17 =	vmul.f32 v3, v17;
	[tilespmem:s14+$0xFFFFFE20] =	vst v14;
	v14 =	vmul.f32 v3, v20;
	v20 =	vld [tilespmem:s14+$0xFFFFFFE0]  }
0x25d: {  	v22 =	vmul.f32 v22, v3;
	[tilespmem:s14+$0xFFFFFE30] =	vst v13;
	v13 =	vmul.f32 v3, v26;
	v26 =	vld [tilespmem:s14+$0x0]  }
0x25e: {  	[tilespmem:s14+$0xFFFFFE50] =	vst v19;
	v19 =	vmul.f32 v27, v3;
	v27 =	vmul.f32 v28, v3;
	v28 =	vld [tilespmem:s14+$0x10]  }
0x25f: {  	v29 =	vmul.f32 v29, v3;
	v11 =	vmul.f32 v11, v3;
	[tilespmem:s14+$0xFFFFFE60] =	vst v15;
	v15 =	vld [tilespmem:s14+$0x20]  }
0x260: {  	[tilespmem:s14+$0xFFFFFE70] =	vst v8;
	v8 =	vmul.f32 v4, v10;
	v10 =	vmul.f32 v4, v31;
	v30 =	vld [tilespmem:s14+$0x30]  }
0x261: {  	v31 =	vmul.f32 v33, v4;
	[tilespmem:s14+$0xFFFFFE80] =	vst v9;
	v9 =	vmul.f32 v4, v32;
	v32 =	vld [tilespmem:s14+$0x40]  }
0x262: {  	v21 =	vmul.f32 v21, v4;
	v33 =	vmul.f32 v24, v4;
	[tilespmem:s14+$0xFFFFFE90] =	vst v18;
	v18 =	vld [tilespmem:s14+$0x50]  }
0x263: {  	v34 =	vmul.f32 v25, v4;
	v35 =	vmul.f32 v20, v4;
	[tilespmem:s14+$0xFFFFFEA0] =	vst v23;
	v20 =	vld [tilespmem:s14+$0x60]  }
0x264: {  	v36 =	vmul.f32 v5, v26;
	v28 =	vmul.f32 v5, v28;
	[tilespmem:s14+$0xFFFFFEB0] =	vst v16;
	v16 =	vld [tilespmem:s14+$0x70]  }
0x265: {  	[tilespmem:s14+$0xFFFFFEC0] =	vst v12;
	v12 =	vmul.f32 v5, v15;
	v30 =	vmul.f32 v30, v5;
	v15 =	vld [tilespmem:s14+$0x90]  }
0x266: {  	[tilespmem:s14+$0xFFFFFEE0] =	vst v14;
	v32 =	vmul.f32 v32, v5;
	v23 =	vld [tilespmem:s14+$0xA0]  }
0x267: {  	[tilespmem:s14+$0xFFFFFEF0] =	vst v17;
	v37 =	vmul.f32 v18, v5;
	v17 =	vld [tilespmem:s14+$0xB0]  }
0x268: {  	[tilespmem:s14+$0xFFFFFF00] =	vst v13;
	v18 =	vmul.f32 v20, v5;
	v20 =	vld [tilespmem:s14+$0xC0]  }
0x269: {  	[tilespmem:s14+$0xFFFFFF10] =	vst v22;
	v13 =	vmul.f32 v16, v5;
	v16 =	vld [tilespmem:s14+$0xD0]  }
0x26a: {  	[tilespmem:s14+$0xFFFFFF20] =	vst v19;
	v14 =	vmul.f32 v6, v15;
	v22 =	vld [tilespmem:s14+$0xE0]  }
0x26b: {  	[tilespmem:s14+$0xFFFFFF30] =	vst v27;
	v15 =	vmul.f32 v6, v23;
	v25 =	vld [tilespmem:s14+$0xF0]  }
0x26c: {  	[tilespmem:s14+$0xFFFFFF40] =	vst v29;
	v19 =	vmul.f32 v6, v17;
	v17 =	vld [tilespmem:s14+$0x100]  }
0x26d: {  	[tilespmem:s14+$0xFFFFFF50] =	vst v11;
	v20 =	vmul.f32 v20, v6;
	v11 =	vld [tilespmem:s14+$0x120]  }
0x26e: {  	[tilespmem:s14+$0xFFFFFF70] =	vst v8;
	v23 =	vmul.f32 v16, v6;
	v8 =	vld [tilespmem:s14+$0x130]  }
0x26f: {  	[tilespmem:s14+$0xFFFFFF80] =	vst v10;
	v24 =	vmul.f32 v22, v6;
	v10 =	vld [tilespmem:s14+$0x140]  }
0x270: {  	[tilespmem:s14+$0xFFFFFF90] =	vst v9;
	v27 =	vmul.f32 v25, v6;
	v9 =	vld [tilespmem:s14+$0x150]  }
0x271: {  	[tilespmem:s14+$0xFFFFFFA0] =	vst v31;
	v25 =	vmul.f32 v17, v6;
	v17 =	vld [tilespmem:s14+$0x160]  }
0x272: {  	[tilespmem:s14+$0xFFFFFFB0] =	vst v21;
	v26 =	vmul.f32 v7, v11;
	v11 =	vld [tilespmem:s14+$0x170]  }
0x273: {  	[tilespmem:s14+$0xFFFFFFC0] =	vst v33;
	v21 =	vmul.f32 v7, v8;
	v8 =	vld [tilespmem:s14+$0x180]  }
0x274: {  	[tilespmem:s14+$0xFFFFFFD0] =	vst v34;
	v22 =	vmul.f32 v7, v10;
	v10 =	vld [tilespmem:s14+$0x190]  }
0x275: {  	[tilespmem:s14+$0xFFFFFFE0] =	vst v35;
	v16 =	vmul.f32 v9, v7;
	v31 =	vld [tilespmem:s14+$0x1B0]  }
0x276: {  	[tilespmem:s14+$0x0] =	vst v36;
	v17 =	vmul.f32 v17, v7;
	v33 =	vld [tilespmem:s14+$0x1C0]  }
.Ltmp0:
0x277: {  	[tilespmem:s14+$0x10] =	vst v28;
	v11 =	vmul.f32 v11, v7;
	v28 =	vld [tilespmem:s14+$0x1D0];
	(pc) =	sbr.rel @p0 .LBB2_3-.Ltmp0, $4  }
0x278: {  	[tilespmem:s14+$0x20] =	vst v12;
	v12 =	vmul.f32 v8, v7;
	v29 =	vld [tilespmem:s14+$0x1E0]  }
0x279: {  	[tilespmem:s14+$0x30] =	vst v30;
	v9 =	vmul.f32 v10, v7;
	v30 =	vld [tilespmem:s14+$0x1F0]  }
0x27a: {  	[tilespmem:s14+$0x40] =	vst v32;
	v10 =	vmul.f32 v2, v31;
	v31 =	vld [tilespmem:s14+$0x200]  }
0x27b: {  	s14 =	sadd.s32 $0x480, s14;
	[tilespmem:s11+$0x50] =	vst v37;
	v8 =	vmul.f32 v2, v33;
	v32 =	vld [tilespmem:s11+$0x210]  }
0x27c: {  	[tilespmem:s11+$0x60] =	vst v18  }
0x27d: {  	[tilespmem:s11+$0x70] =	vst v13  }
0x27e: {  	[tilespmem:s11+$0x90] =	vst v14  }
0x27f: {  	[tilespmem:s11+$0xA0] =	vst v15  }
0x280: {  	[tilespmem:s11+$0xB0] =	vst v19  }
0x281: {  	[tilespmem:s11+$0xC0] =	vst v20  }
0x282: {  	[tilespmem:s11+$0xD0] =	vst v23  }
0x283: {  	[tilespmem:s11+$0xE0] =	vst v24  }
0x284: {  	[tilespmem:s11+$0xF0] =	vst v27  }
0x285: {  	[tilespmem:s11+$0x100] =	vst v25  }
0x286: {  	[tilespmem:s11+$0x120] =	vst v26  }
0x287: {  	[tilespmem:s11+$0x130] =	vst v21  }
0x288: {  	[tilespmem:s11+$0x140] =	vst v22  }
0x289: {  	[tilespmem:s11+$0x150] =	vst v16  }
0x28a: {  	[tilespmem:s11+$0x160] =	vst v17  }
0x28b: {  	[tilespmem:s11+$0x170] =	vst v11  }
0x28c: {  	[tilespmem:s11+$0x180] =	vst v12  }
0x28d: {  	[tilespmem:s11+$0x190] =	vst v9  }
0x28e: {  	[tilespmem:s11+$0x1B0] =	vst v10  }
0x28f: {  	[tilespmem:s11+$0xFFFFFF60] =	vst v3  }
0x290: {  	[tilespmem:s11+$0xFFFFFFF0] =	vst v4  }
0x291: {  	[tilespmem:s11+$0x80] =	vst v5  }
0x292: {  	[tilespmem:s11+$0x110] =	vst v6  }
0x293: {  	v1 =	vmul.f32 v2, v28;
	[tilespmem:s11+$0x1A0] =	vst v7  }
0x294: {  	v9 =	vmul.f32 v29, v2;
	[tilespmem:s11+$0x1C0] =	vst v8  }
0x295: {  	v8 =	vmul.f32 v30, v2;
	[tilespmem:s11+$0x1D0] =	vst v1  }
0x296: {  	s12 =	smul.u32 $0x140, s9;
	v1 =	vmul.f32 v31, v2;
	[tilespmem:s11+$0x1E0] =	vst v9  }
0x297: {  	v2 =	vmul.f32 v32, v2;
	[tilespmem:s11+$0x1F0] =	vst v8  }
0x298: {  	s13 =	sshll.u32 s9, $0x1;
	s12 =	sshra.s32 s12, $0x2;
	[tilespmem:s11+$0x200] =	vst v1  }
0x299: {  	s12 =	sadd.s32 $0x5910, s12;
	[tilespmem:s11+$0x210] =	vst v2;
	s11 =	smin.u32 s13, $0xF7  }
0x29a: {  	[spmem:s2] =	stream.indirect.scatter.add.f32 [tilespmem:s3], [sflag:$0x3], $0x90, s12, s0, $0xb8;
	[tilespmem:$0x1DFC0] =	vst v63  }
0x29b: {  	s11 =	smul.u32 $0x28, s11;
	_ =	swait.ge [sflag:s28], $0x1680  }
0x29c: {  	[sflag:s28] =	ssyncset.done $0x0  }
0x29d: {  	s14 =	sadd.s32 $0x3250, s11;
	[sflag:s28] =	ssyncadd.s32 $0xFFFFE980  }
0x29e: {  	[tilespmem:s3], [sflag:$0x1] =	stream.indirect.gather [hbm4b:s4+s0], $0x90, s14, s0, $0xb8;
	[tilespmem:$0x1DFC0] =	vst v63  }
0x29f: {  	s11 =	sadd.s32 $0x5960, s11  }
0x2a0: {  	[tilespmem:s29], [sflag:$0x1] =	stream.indirect.gather [hbm4b:s5+s0], $0x10, s11, s0, $0xb8;
	[tilespmem:$0x1DFC0] =	vst v63  }
0x2a1: {  	_ =	swait.ge [sflag:s31], $0x1680  }
0x2a2: {  	[sflag:s31] =	ssyncset.done $0x0  }
0x2a3: {  	[sflag:s31] =	ssyncadd.s32 $0xFFFFE980  }
0x2a4: {  	_ =	swait.ge [sflag:s31], $0x280  }
0x2a5: {  	[sflag:s31] =	ssyncset.done $0x0  }
0x2a6: {  	[sflag:s31] =	ssyncadd.s32 $0xFFFFFD80  }
0x2a7: {  	s11 =	simm.s32 $0x18C0;
	v1 =	vld [tilespmem:$0x8020]  }
0x2a8: {  	s12 =	simm.s32 $0x2FC0;
	v2 =	vld [tilespmem:s11+$0x230]  }
0x2a9: {  	v3 =	vld [tilespmem:s12+$0x30]  }
0x2aa: {  	v4 =	vld [tilespmem:s12+$0xFFFFFFC0]  }
0x2ab: {  	v5 =	vld [tilespmem:s11+$0xFFFFFED0]  }
0x2ac: {  	v6 =	vld [tilespmem:s12+$0xFFFFFFD0]  }
0x2ad: {  	v7 =	vld [tilespmem:s11+$0xFFFFFF60]  }
0x2ae: {  	v8 =	vld [tilespmem:s12+$0xFFFFFFE0]  }
0x2af: {  	v9 =	vld [tilespmem:s11+$0xFFFFFFF0]  }
0x2b0: {  	v10 =	vld [tilespmem:s12+$0xFFFFFFF0]  }
0x2b1: {  	v11 =	vld [tilespmem:s11+$0x80]  }
0x2b2: {  	v12 =	vld [tilespmem:s12+$0x0]  }
0x2b3: {  	v13 =	vld [tilespmem:s11+$0x110]  }
0x2b4: {  	v14 =	vld [tilespmem:s12+$0x10]  }
0x2b5: {  	v15 =	vld [tilespmem:s11+$0x1A0]  }
0x2b6: {  	v17 =	vld [tilespmem:s11+$0xFFFFFE40]  }
0x2b7: {  	v16 =	vld [tilespmem:s12+$0x20]  }
0x2b8: {  	v18 =	vld [tilespmem:s11+$0xFFFFFDC0]  }
0x2b9: {  	v19 =	vld [tilespmem:s11+$0xFFFFFDD0]  }
0x2ba: {  	v20 =	vld [tilespmem:s11+$0xFFFFFDE0];
	v2 =	vadd.f32 v3, v2;
	v3 =	vadd.f32 v3, v1  }
0x2bb: {  	v23 =	vld [tilespmem:s11+$0xFFFFFDF0];
	v24 =	vadd.f32 v4, v1;
	v4 =	vadd.f32 v4, v17  }
0x2bc: {  	v25 =	vld [tilespmem:s11+$0x220];
	v21 =	vmul.f32 $2.000000030e-01, v2;
	v22 =	vmul.f32 $2.000000030e-01, v3  }
0x2bd: {  	v27 =	vld [tilespmem:s11+$0xFFFFFE20];
	v26 =	vmul.f32 $2.000000030e-01, v4  }
0x2be: {  	v29 =	vld [tilespmem:s11+$0xFFFFFE30];
	v2 =	vmax.f32 v2, v21;
	v3 =	vmax.f32 v3, v22;
	v21 =	vmul.f32 $2.000000030e-01, v24  }
0x2bf: {  	v30 =	vld [tilespmem:s11+$0xFFFFFEE0];
	v5 =	vadd.f32 v6, v5;
	v2 =	vsub.f32 v2, v3  }
0x2c0: {  	v31 =	vld [tilespmem:s11+$0xFFFFFEF0];
	v6 =	vadd.f32 v6, v1;
	v4 =	vmax.f32 v4, v26;
	v21 =	vmax.f32 v24, v21  }
0x2c1: {  	v51 =	vld [tilespmem:s11+$0xFFFFFF00];
	v2 =	vmul.f32 $1.442695020e+00, v2;
	v4 =	vsub.f32 v4, v21  }
0x2c2: {  	v33 =	vld [tilespmem:s11+$0xFFFFFF10];
	v28 =	vmul.f32 $2.000000030e-01, v6;
	v22 =	vmul.f32 $2.000000030e-01, v5  }
0x2c3: {  	v34 =	vld [tilespmem:s11+$0xFFFFFF20];
	(erf) = vpow2.f32 v2;
	v4 =	vmul.f32 $1.442695020e+00, v4  }
0x2c4: {  	v37 =	vld [tilespmem:s11+$0xFFFFFF40]  }
0x2c5: {  	v52 =	vld [tilespmem:s11+$0xFFFFFF50];
	v5 =	vmax.f32 v5, v22;
	v2 =	vmax.f32 v6, v28;
	(erf) = vpow2.f32 v4  }
0x2c6: {  	v54 =	vld [tilespmem:s11+$0x130];
	v2 =	vsub.f32 v5, v2  }
0x2c7: {  	v56 =	vld [tilespmem:s11+$0x140]  }
0x2c8: {  	v61 =	vld [tilespmem:s11+$0x160];
	v2 =	vmul.f32 $1.442695020e+00, v2  }
0x2c9: {  	v62 =	vld [tilespmem:s11+$0x180]  }
0x2ca: {  	v41 =	vld [tilespmem:s11+$0x1B0];
	v7 =	vadd.f32 v8, v7  }
0x2cb: {  	v17 =	vld [tilespmem:s11+$0xFFFFFE00];
	v8 =	vadd.f32 v8, v1;
	v9 =	vadd.f32 v10, v9  }
0x2cc: {  	v10 =	vadd.f32 v10, v1;
	v35 =	vmul.f32 $2.000000030e-01, v7;
	v26 =	vld [tilespmem:s11+$0xFFFFFEA0];
	(erf) = vpow2.f32 v2;
	v2 =	vpop (erf)  }
0x2cd: {  	v36 =	vmul.f32 $2.000000030e-01, v8;
	v3 =	vld [tilespmem:s11+$0xFFFFFE10];
	v25 =	vmul.f32 v25, v2  }
0x2ce: {  	v39 =	vmul.f32 $2.000000030e-01, v9;
	v40 =	vmul.f32 $2.000000030e-01, v10;
	v22 =	vld [tilespmem:s11+$0xFFFFFE50];
	[tilespmem:s11+$0x230] =	vst v2;
	v38 =	vpop (erf)  }
0x2cf: {  	v7 =	vmax.f32 v7, v35;
	v8 =	vmax.f32 v8, v36;
	v24 =	vld [tilespmem:s11+$0xFFFFFE90];
	[tilespmem:s11+$0x220] =	vst v25;
	v18 =	vmul.f32 v38, v18  }
0x2d0: {  	v7 =	vsub.f32 v7, v8;
	v21 =	vld [tilespmem:s11+$0xFFFFFE80];
	[tilespmem:s11+$0xFFFFFE40] =	vst v38;
	v8 =	vmul.f32 v38, v19  }
0x2d1: {  	v9 =	vmax.f32 v9, v39;
	v10 =	vmax.f32 v10, v40;
	v6 =	vld [tilespmem:s11+$0xFFFFFE60];
	v20 =	vmul.f32 v38, v20;
	[tilespmem:s11+$0xFFFFFDC0] =	vst v18  }
0x2d2: {  	v9 =	vsub.f32 v9, v10;
	v28 =	vld [tilespmem:s11+$0xFFFFFEC0];
	v23 =	vmul.f32 v23, v38;
	[tilespmem:s11+$0xFFFFFDD0] =	vst v8  }
0x2d3: {  	v11 =	vadd.f32 v12, v11;
	v7 =	vmul.f32 $1.442695020e+00, v7;
	v5 =	vld [tilespmem:s11+$0xFFFFFE70];
	v17 =	vmul.f32 v17, v38;
	[tilespmem:s11+$0xFFFFFDE0] =	vst v20  }
0x2d4: {  	v13 =	vadd.f32 v14, v13;
	v9 =	vmul.f32 $1.442695020e+00, v9;
	v4 =	vld [tilespmem:s11+$0xFFFFFEB0];
	v3 =	vmul.f32 v3, v38;
	[tilespmem:s11+$0xFFFFFDF0] =	vst v23  }
0x2d5: {  	v10 =	vadd.f32 v12, v1;
	v12 =	vmul.f32 $2.000000030e-01, v11;
	(erf) = vpow2.f32 v7;
	v7 =	vld [tilespmem:s11+$0xFFFFFFB0];
	[tilespmem:s11+$0xFFFFFE00] =	vst v17  }
0x2d6: {  	(erf) = vpow2.f32 v9;
	v9 =	vadd.f32 v14, v1;
	v14 =	vld [tilespmem:s11+$0x0];
	v53 =	vpop (erf);
	v23 =	vmul.f32 v27, v38;
	[tilespmem:s11+$0xFFFFFE10] =	vst v3  }
0x2d7: {  	v25 =	vld [tilespmem:s11+$0xFFFFFF30];
	v27 =	vmul.f32 v29, v38;
	v3 =	vmax.f32 v11, v12;
	v11 =	vmul.f32 $2.000000030e-01, v10;
	[tilespmem:s11+$0xFFFFFED0] =	vst v53  }
0x2d8: {  	v15 =	vadd.f32 v16, v15;
	v19 =	vld [tilespmem:s11+$0xFFFFFF70];
	v12 =	vmul.f32 v53, v22;
	[tilespmem:s11+$0xFFFFFE20] =	vst v23  }
0x2d9: {  	v18 =	vld [tilespmem:s11+$0xFFFFFF80];
	v6 =	vmul.f32 v53, v6;
	[tilespmem:s11+$0xFFFFFE30] =	vst v27;
	v10 =	vmax.f32 v10, v11;
	v11 =	vmul.f32 $2.000000030e-01, v13  }
0x2da: {  	v16 =	vadd.f32 v16, v1;
	v8 =	vld [tilespmem:s11+$0xFFFFFF90];
	v5 =	vmul.f32 v53, v5;
	v21 =	vmul.f32 v21, v53;
	[tilespmem:s11+$0xFFFFFE50] =	vst v12  }
0x2db: {  	v20 =	vld [tilespmem:s11+$0xFFFFFFA0];
	[tilespmem:s11+$0xFFFFFE60] =	vst v6;
	v3 =	vsub.f32 v3, v10;
	v11 =	vmax.f32 v13, v11;
	v13 =	vmul.f32 $2.000000030e-01, v9  }
0x2dc: {  	v17 =	vld [tilespmem:s11+$0xFFFFFFC0];
	v4 =	vmul.f32 v4, v53;
	v23 =	vmul.f32 v24, v53;
	[tilespmem:s11+$0xFFFFFE70] =	vst v5  }
0x2dd: {  	v29 =	vld [tilespmem:s11+$0xFFFFFFD0];
	v5 =	vmul.f32 $2.000000030e-01, v15;
	[tilespmem:s11+$0xFFFFFE80] =	vst v21;
	v9 =	vmax.f32 v9, v13;
	v13 =	vmul.f32 $2.000000030e-01, v16  }
0x2de: {  	v22 =	vld [tilespmem:s11+$0xFFFFFFE0];
	v10 =	vmul.f32 v26, v53;
	v26 =	vmul.f32 v28, v53;
	[tilespmem:s11+$0xFFFFFEB0] =	vst v4  }
0x2df: {  	v24 =	vld [tilespmem:s11+$0x30];
	[tilespmem:s11+$0xFFFFFE90] =	vst v23;
	v5 =	vmax.f32 v15, v5;
	v15 =	vmul.f32 $1.442695020e+00, v3;
	v3 =	vpop (erf);
	v13 =	vmax.f32 v16, v13  }
0x2e0: {  	v27 =	vld [tilespmem:s11+$0xB0];
	[tilespmem:s11+$0xFFFFFEA0] =	vst v10;
	v9 =	vsub.f32 v11, v9;
	v11 =	vmul.f32 v3, v30;
	v4 =	vsub.f32 v5, v13  }
0x2e1: {  	v12 =	vld [tilespmem:s11+$0x10];
	[tilespmem:s11+$0xFFFFFEC0] =	vst v26;
	(erf) = vpow2.f32 v15;
	v26 =	vmul.f32 v33, v3  }
0x2e2: {  	v6 =	vld [tilespmem:s11+$0x20];
	v28 =	vmul.f32 v52, v3;
	[tilespmem:s11+$0xFFFFFEE0] =	vst v11;
	v4 =	vmul.f32 $1.442695020e+00, v4  }
0x2e3: {  	v21 =	vld [tilespmem:s11+$0x40];
	v5 =	vmul.f32 v3, v31;
	v9 =	vmul.f32 $1.442695020e+00, v9;
	[tilespmem:s11+$0xFFFFFF10] =	vst v26  }
0x2e4: {  	v23 =	vld [tilespmem:s11+$0x50];
	v13 =	vmul.f32 v3, v51;
	v26 =	vmul.f32 v37, v3;
	[tilespmem:s11+$0xFFFFFF50] =	vst v28  }
0x2e5: {  	v10 =	vld [tilespmem:s11+$0x60];
	[tilespmem:s11+$0xFFFFFEF0] =	vst v5;
	(erf) = vpow2.f32 v9;
	v5 =	vmul.f32 v34, v3  }
0x2e6: {  	v15 =	vld [tilespmem:s11+$0x90];
	[tilespmem:s11+$0xFFFFFF00] =	vst v13;
	v13 =	vmul.f32 v25, v3;
	(erf) = vpow2.f32 v4;
	v4 =	vpop (erf)  }
0x2e7: {  	v16 =	vld [tilespmem:s11+$0x70];
	[tilespmem:s11+$0xFFFFFF40] =	vst v26;
	v19 =	vmul.f32 v4, v19;
	v18 =	vmul.f32 v4, v18  }
0x2e8: {  	v30 =	vld [tilespmem:s11+$0xE0];
	[tilespmem:s11+$0xFFFFFF30] =	vst v13;
	v8 =	vmul.f32 v4, v8;
	v13 =	vmul.f32 v20, v4  }
0x2e9: {  	v31 =	vld [tilespmem:s11+$0xF0];
	[tilespmem:s11+$0xFFFFFF20] =	vst v5;
	v7 =	vmul.f32 v7, v4;
	v17 =	vmul.f32 v17, v4  }
0x2ea: {  	v11 =	vld [tilespmem:s11+$0xA0];
	v5 =	vpop (erf);
	v29 =	vmul.f32 v29, v4;
	v22 =	vmul.f32 v22, v4;
	[tilespmem:s11+$0xFFFFFF70] =	vst v19  }
0x2eb: {  	v9 =	vld [tilespmem:s11+$0xC0];
	v55 =	vmul.f32 v5, v14;
	v12 =	vmul.f32 v5, v12;
	[tilespmem:s11+$0xFFFFFF80] =	vst v18  }
0x2ec: {  	v25 =	vld [tilespmem:s11+$0xD0];
	v57 =	vmul.f32 v5, v6;
	v58 =	vmul.f32 v24, v5;
	[tilespmem:s11+$0xFFFFFF90] =	vst v8  }
0x2ed: {  	v26 =	vld [tilespmem:s11+$0x100];
	v59 =	vmul.f32 v21, v5;
	v60 =	vmul.f32 v23, v5;
	[tilespmem:s11+$0xFFFFFFA0] =	vst v13  }
0x2ee: {  	v28 =	vld [tilespmem:s11+$0x120];
	v18 =	vmul.f32 v10, v5;
	v13 =	vmul.f32 v16, v5;
	[tilespmem:s11+$0xFFFFFFB0] =	vst v7;
	v6 =	vpop (erf)  }
0x2ef: {  	v8 =	vld [tilespmem:s11+$0x150];
	[tilespmem:s11+$0xFFFFFFC0] =	vst v17;
	v14 =	vmul.f32 v6, v15;
	v15 =	vmul.f32 v6, v11  }
0x2f0: {  	v10 =	vld [tilespmem:s11+$0x170];
	[tilespmem:s11+$0xFFFFFFD0] =	vst v29;
	v19 =	vmul.f32 v6, v27;
	v20 =	vmul.f32 v9, v6  }
0x2f1: {  	v63 =	vld [tilespmem:s11+$0x1C0];
	[tilespmem:s11+$0xFFFFFFE0] =	vst v22;
	v23 =	vmul.f32 v25, v6;
	v24 =	vmul.f32 v30, v6  }
0x2f2: {  	[tilespmem:s11+$0x0] =	vst v55;
	v9 =	vld [tilespmem:s11+$0x190];
	v27 =	vmul.f32 v31, v6;
	v25 =	vmul.f32 v26, v6;
	v7 =	vpop (erf)  }
0x2f3: {  	[tilespmem:s11+$0x10] =	vst v12;
	v26 =	vmul.f32 v7, v28;
	v21 =	vmul.f32 v7, v54;
	v28 =	vld [tilespmem:s11+$0x1D0]  }
0x2f4: {  	v29 =	vld [tilespmem:s11+$0x1E0];
	[tilespmem:s11+$0x20] =	vst v57;
	v22 =	vmul.f32 v7, v56;
	v16 =	vmul.f32 v8, v7  }
0x2f5: {  	[tilespmem:s11+$0x30] =	vst v58;
	v30 =	vld [tilespmem:s11+$0x1F0];
	v17 =	vmul.f32 v61, v7;
	v11 =	vmul.f32 v10, v7  }
0x2f6: {  	[tilespmem:s11+$0x40] =	vst v59;
	v31 =	vld [tilespmem:s11+$0x200];
	v12 =	vmul.f32 v62, v7;
	v10 =	vmul.f32 v2, v41  }
0x2f7: {  	s13 =	simm.s32 $0x0;
	s14 =	simm.s32 $0x1D40;
	v32 =	vld [tilespmem:s11+$0x210];
	[tilespmem:s11+$0x50] =	vst v60;
	v8 =	vmul.f32 v2, v63;
	v9 =	vmul.f32 v9, v7  }
.LBB2_5:
0x2f8: {  	v33 =	vld [tilespmem:s14+$0x230];
	[tilespmem:s11+$0x60] =	vst v18;
	v18 =	vmul.f32 v2, v28;
	s12 =	sadd.s32 $0x80, s12  }
0x2f9: {  	s13 =	sadd.s32 $0x8, s13;
	v28 =	vld [tilespmem:s12+$0x30];
	[tilespmem:s11+$0x70] =	vst v13;
	v13 =	vmul.f32 v29, v2  }
0x2fa: {  	p0 =	slt.u32 s13, $0x20;
	v29 =	vld [tilespmem:s12+$0xFFFFFFC0];
	[tilespmem:s11+$0x90] =	vst v14;
	v14 =	vmul.f32 v30, v2  }
0x2fb: {  	v30 =	vld [tilespmem:s14+$0xFFFFFED0];
	[tilespmem:s11+$0xA0] =	vst v15;
	v15 =	vmul.f32 v31, v2  }
0x2fc: {  	v31 =	vld [tilespmem:s12+$0xFFFFFFD0];
	[tilespmem:s11+$0xB0] =	vst v19;
	v19 =	vmul.f32 v32, v2  }
0x2fd: {  	v2 =	vld [tilespmem:s14+$0xFFFFFF60];
	[tilespmem:s11+$0xC0] =	vst v20  }
0x2fe: {  	v20 =	vld [tilespmem:s12+$0xFFFFFFE0];
	v32 =	vadd.f32 v28, v33;
	v28 =	vadd.f32 v28, v1;
	[tilespmem:s11+$0xD0] =	vst v23  }
0x2ff: {  	v23 =	vadd.f32 v29, v1;
	v33 =	vld [tilespmem:s14+$0xFFFFFFF0];
	[tilespmem:s11+$0xE0] =	vst v24  }
0x300: {  	v24 =	vld [tilespmem:s12+$0xFFFFFFF0];
	v34 =	vmul.f32 $2.000000030e-01, v32;
	v35 =	vmul.f32 $2.000000030e-01, v28;
	[tilespmem:s11+$0xF0] =	vst v27  }
0x301: {  	v27 =	vmul.f32 $2.000000030e-01, v23;
	v30 =	vadd.f32 v31, v30;
	v31 =	vadd.f32 v31, v1;
	v36 =	vld [tilespmem:s14+$0x80];
	[tilespmem:s11+$0x100] =	vst v25  }
0x302: {  	v25 =	vld [tilespmem:s12+$0x0];
	v32 =	vmax.f32 v32, v34;
	v28 =	vmax.f32 v28, v35;
	[tilespmem:s11+$0x120] =	vst v26  }
0x303: {  	v26 =	vmul.f32 $2.000000030e-01, v30;
	v2 =	vadd.f32 v20, v2;
	v34 =	vld [tilespmem:s14+$0x110];
	v28 =	vsub.f32 v32, v28;
	[tilespmem:s11+$0x130] =	vst v21  }
0x304: {  	v21 =	vmax.f32 v23, v27;
	v23 =	vmul.f32 $2.000000030e-01, v31;
	v20 =	vadd.f32 v20, v1;
	v27 =	vld [tilespmem:s12+$0x10];
	[tilespmem:s11+$0x140] =	vst v22  }
0x305: {  	v22 =	vadd.f32 v24, v33;
	v24 =	vadd.f32 v24, v1;
	v32 =	vld [tilespmem:s14+$0x1A0];
	v28 =	vmul.f32 $1.442695020e+00, v28;
	[tilespmem:s11+$0x150] =	vst v16  }
0x306: {  	v16 =	vmax.f32 v30, v26;
	v26 =	vmul.f32 $2.000000030e-01, v2;
	v30 =	vmul.f32 $2.000000030e-01, v20;
	v33 =	vld [tilespmem:s12+$0x20];
	[tilespmem:s11+$0x160] =	vst v17  }
0x307: {  	v17 =	vld [tilespmem:s14+$0xFFFFFE40];
	v35 =	vadd.f32 v25, v36;
	v25 =	vadd.f32 v25, v1;
	(erf) = vpow2.f32 v28;
	[tilespmem:s11+$0x170] =	vst v11  }
0x308: {  	v23 =	vmax.f32 v31, v23;
	v28 =	vmul.f32 $2.000000030e-01, v22;
	v31 =	vmul.f32 $2.000000030e-01, v24;
	v11 =	vld [tilespmem:s14+$0xFFFFFDC0];
	[tilespmem:s11+$0x180] =	vst v12  }
0x309: {  	v12 =	vld [tilespmem:s14+$0xFFFFFDD0];
	v36 =	vmul.f32 $2.000000030e-01, v35;
	v34 =	vadd.f32 v27, v34;
	v27 =	vadd.f32 v27, v1;
	[tilespmem:s11+$0x190] =	vst v9  }
0x30a: {  	v26 =	vmax.f32 v2, v26;
	v20 =	vmax.f32 v20, v30;
	v2 =	vmul.f32 $2.000000030e-01, v25;
	v9 =	vld [tilespmem:s14+$0xFFFFFDE0];
	[tilespmem:s11+$0x1B0] =	vst v10  }
0x30b: {  	v10 =	vld [tilespmem:s14+$0xFFFFFDF0];
	v30 =	vmul.f32 $2.000000030e-01, v34;
	v32 =	vadd.f32 v33, v32;
	v33 =	vadd.f32 v33, v1;
	[tilespmem:s11+$0x1C0] =	vst v8  }
0x30c: {  	v8 =	vadd.f32 v29, v17;
	v17 =	vmax.f32 v22, v28;
	v22 =	vmul.f32 $2.000000030e-01, v27;
	v28 =	vld [tilespmem:s14+$0x220];
	[tilespmem:s11+$0x1D0] =	vst v18  }
0x30d: {  	v24 =	vmax.f32 v24, v31;
	v18 =	vld [tilespmem:s14+$0xFFFFFE00];
	v29 =	vmul.f32 $2.000000030e-01, v32;
	v31 =	vmul.f32 $2.000000030e-01, v33;
	[tilespmem:s11+$0x1E0] =	vst v13  }
0x30e: {  	v35 =	vmax.f32 v35, v36;
	v25 =	vmax.f32 v25, v2;
	v13 =	vmul.f32 $2.000000030e-01, v8;
	v37 =	vld [tilespmem:s14+$0xFFFFFE10];
	[tilespmem:s11+$0x1F0] =	vst v14  }
0x30f: {  	v30 =	vmax.f32 v34, v30;
	v22 =	vmax.f32 v27, v22;
	v14 =	vld [tilespmem:s14+$0xFFFFFE20];
	v27 =	vmax.f32 v32, v29;
	[tilespmem:s11+$0x200] =	vst v15  }
0x310: {  	v15 =	vsub.f32 v16, v23;
	v16 =	vmax.f32 v33, v31;
	v8 =	vmax.f32 v8, v13;
	v13 =	vld [tilespmem:s14+$0xFFFFFE30];
	v2 =	vpop (erf);
	[tilespmem:s11+$0x210] =	vst v19  }
0x311: {  	v20 =	vsub.f32 v26, v20;
	v8 =	vsub.f32 v8, v21;
	v19 =	vld [tilespmem:s14+$0xFFFFFE50];
	v21 =	vmul.f32 v28, v2;
	[tilespmem:s11+$0xFFFFFF60] =	vst v3  }
0x312: {  	v17 =	vsub.f32 v17, v24;
	v23 =	vsub.f32 v35, v25;
	v3 =	vmul.f32 $1.442695020e+00, v15;
	v15 =	vld [tilespmem:s14+$0xFFFFFE60];
	[tilespmem:s11+$0xFFFFFFF0] =	vst v4  }
0x313: {  	v22 =	vsub.f32 v30, v22;
	v16 =	vsub.f32 v27, v16;
	v4 =	vmul.f32 $1.442695020e+00, v8;
	v8 =	vld [tilespmem:s14+$0xFFFFFE70];
	[tilespmem:s14+$0x220] =	vst v21  }
0x314: {  	v20 =	vmul.f32 $1.442695020e+00, v20;
	v17 =	vmul.f32 $1.442695020e+00, v17;
	v21 =	vld [tilespmem:s14+$0xFFFFFE80];
	[tilespmem:s11+$0x80] =	vst v5  }
0x315: {  	v22 =	vmul.f32 $1.442695020e+00, v22;
	v5 =	vmul.f32 $1.442695020e+00, v23;
	v24 =	vld [tilespmem:s14+$0xFFFFFE90];
	[tilespmem:s11+$0x110] =	vst v6  }
0x316: {  	v6 =	vmul.f32 $1.442695020e+00, v16;
	v23 =	vld [tilespmem:s14+$0xFFFFFEA0];
	(erf) = vpow2.f32 v4;
	[tilespmem:s11+$0x1A0] =	vst v7;
	s11 =	smov.u32 s14  }
0x317: {  	v16 =	vld [tilespmem:s14+$0xFFFFFEB0];
	[tilespmem:s14+$0x230] =	vst v2;
	(erf) = vpow2.f32 v3  }
0x318: {  	v25 =	vld [tilespmem:s14+$0xFFFFFEC0];
	(erf) = vpow2.f32 v20  }
0x319: {  	v20 =	vld [tilespmem:s14+$0xFFFFFEE0];
	(erf) = vpow2.f32 v17  }
0x31a: {  	v17 =	vld [tilespmem:s14+$0xFFFFFEF0];
	(erf) = vpow2.f32 v5  }
0x31b: {  	v26 =	vld [tilespmem:s14+$0xFFFFFF00];
	(erf) = vpow2.f32 v22  }
0x31c: {  	v22 =	vld [tilespmem:s14+$0xFFFFFF10];
	(erf) = vpow2.f32 v6  }
0x31d: {  	v27 =	vld [tilespmem:s14+$0xFFFFFF20]  }
0x31e: {  	v28 =	vld [tilespmem:s14+$0xFFFFFF30]  }
0x31f: {  	v29 =	vld [tilespmem:s14+$0xFFFFFF40];
	v5 =	vpop (erf)  }
0x320: {  	[tilespmem:s14+$0xFFFFFE40] =	vst v5;
	v32 =	vmul.f32 v5, v11;
	v6 =	vmul.f32 v5, v12;
	v11 =	vld [tilespmem:s14+$0xFFFFFF50];
	v12 =	vpop (erf)  }
0x321: {  	v7 =	vmul.f32 v5, v9;
	v9 =	vmul.f32 v10, v5;
	[tilespmem:s14+$0xFFFFFED0] =	vst v12;
	v10 =	vld [tilespmem:s14+$0xFFFFFF70];
	v3 =	vpop (erf)  }
0x322: {  	v18 =	vmul.f32 v18, v5;
	v30 =	vmul.f32 v37, v5;
	[tilespmem:s14+$0xFFFFFDC0] =	vst v32;
	v31 =	vld [tilespmem:s14+$0xFFFFFF80];
	v4 =	vpop (erf)  }
0x323: {  	v14 =	vmul.f32 v14, v5;
	v13 =	vmul.f32 v13, v5;
	[tilespmem:s14+$0xFFFFFDD0] =	vst v6;
	v32 =	vld [tilespmem:s14+$0xFFFFFF90];
	v5 =	vpop (erf)  }
0x324: {  	v19 =	vmul.f32 v12, v19;
	v15 =	vmul.f32 v12, v15;
	[tilespmem:s14+$0xFFFFFDE0] =	vst v7;
	v33 =	vld [tilespmem:s14+$0xFFFFFFA0];
	v6 =	vpop (erf)  }
0x325: {  	v8 =	vmul.f32 v12, v8;
	[tilespmem:s14+$0xFFFFFDF0] =	vst v9;
	v9 =	vmul.f32 v21, v12;
	v21 =	vld [tilespmem:s14+$0xFFFFFFB0];
	v7 =	vpop (erf)  }
0x326: {  	v23 =	vmul.f32 v23, v12;
	[tilespmem:s14+$0xFFFFFE00] =	vst v18;
	v18 =	vmul.f32 v24, v12;
	v24 =	vld [tilespmem:s14+$0xFFFFFFC0]  }
0x327: {  	v16 =	vmul.f32 v16, v12;
	v12 =	vmul.f32 v25, v12;
	[tilespmem:s14+$0xFFFFFE10] =	vst v30;
	v25 =	vld [tilespmem:s14+$0xFFFFFFD0]  }
0x328: {  	v17 =	vmul.f32 v3, v17;
	[tilespmem:s14+$0xFFFFFE20] =	vst v14;
	v14 =	vmul.f32 v3, v20;
	v20 =	vld [tilespmem:s14+$0xFFFFFFE0]  }
0x329: {  	v22 =	vmul.f32 v22, v3;
	[tilespmem:s14+$0xFFFFFE30] =	vst v13;
	v13 =	vmul.f32 v3, v26;
	v26 =	vld [tilespmem:s14+$0x0]  }
0x32a: {  	[tilespmem:s14+$0xFFFFFE50] =	vst v19;
	v19 =	vmul.f32 v27, v3;
	v27 =	vmul.f32 v28, v3;
	v28 =	vld [tilespmem:s14+$0x10]  }
0x32b: {  	v29 =	vmul.f32 v29, v3;
	v11 =	vmul.f32 v11, v3;
	[tilespmem:s14+$0xFFFFFE60] =	vst v15;
	v15 =	vld [tilespmem:s14+$0x20]  }
0x32c: {  	[tilespmem:s14+$0xFFFFFE70] =	vst v8;
	v8 =	vmul.f32 v4, v10;
	v10 =	vmul.f32 v4, v31;
	v30 =	vld [tilespmem:s14+$0x30]  }
0x32d: {  	v31 =	vmul.f32 v33, v4;
	[tilespmem:s14+$0xFFFFFE80] =	vst v9;
	v9 =	vmul.f32 v4, v32;
	v32 =	vld [tilespmem:s14+$0x40]  }
0x32e: {  	v21 =	vmul.f32 v21, v4;
	v33 =	vmul.f32 v24, v4;
	[tilespmem:s14+$0xFFFFFE90] =	vst v18;
	v18 =	vld [tilespmem:s14+$0x50]  }
0x32f: {  	v34 =	vmul.f32 v25, v4;
	v35 =	vmul.f32 v20, v4;
	[tilespmem:s14+$0xFFFFFEA0] =	vst v23;
	v20 =	vld [tilespmem:s14+$0x60]  }
0x330: {  	v36 =	vmul.f32 v5, v26;
	v28 =	vmul.f32 v5, v28;
	[tilespmem:s14+$0xFFFFFEB0] =	vst v16;
	v16 =	vld [tilespmem:s14+$0x70]  }
0x331: {  	[tilespmem:s14+$0xFFFFFEC0] =	vst v12;
	v12 =	vmul.f32 v5, v15;
	v30 =	vmul.f32 v30, v5;
	v15 =	vld [tilespmem:s14+$0x90]  }
0x332: {  	[tilespmem:s14+$0xFFFFFEE0] =	vst v14;
	v32 =	vmul.f32 v32, v5;
	v23 =	vld [tilespmem:s14+$0xA0]  }
0x333: {  	[tilespmem:s14+$0xFFFFFEF0] =	vst v17;
	v37 =	vmul.f32 v18, v5;
	v17 =	vld [tilespmem:s14+$0xB0]  }
0x334: {  	[tilespmem:s14+$0xFFFFFF00] =	vst v13;
	v18 =	vmul.f32 v20, v5;
	v20 =	vld [tilespmem:s14+$0xC0]  }
0x335: {  	[tilespmem:s14+$0xFFFFFF10] =	vst v22;
	v13 =	vmul.f32 v16, v5;
	v16 =	vld [tilespmem:s14+$0xD0]  }
0x336: {  	[tilespmem:s14+$0xFFFFFF20] =	vst v19;
	v14 =	vmul.f32 v6, v15;
	v22 =	vld [tilespmem:s14+$0xE0]  }
0x337: {  	[tilespmem:s14+$0xFFFFFF30] =	vst v27;
	v15 =	vmul.f32 v6, v23;
	v25 =	vld [tilespmem:s14+$0xF0]  }
0x338: {  	[tilespmem:s14+$0xFFFFFF40] =	vst v29;
	v19 =	vmul.f32 v6, v17;
	v17 =	vld [tilespmem:s14+$0x100]  }
0x339: {  	[tilespmem:s14+$0xFFFFFF50] =	vst v11;
	v20 =	vmul.f32 v20, v6;
	v11 =	vld [tilespmem:s14+$0x120]  }
0x33a: {  	[tilespmem:s14+$0xFFFFFF70] =	vst v8;
	v23 =	vmul.f32 v16, v6;
	v8 =	vld [tilespmem:s14+$0x130]  }
0x33b: {  	[tilespmem:s14+$0xFFFFFF80] =	vst v10;
	v24 =	vmul.f32 v22, v6;
	v10 =	vld [tilespmem:s14+$0x140]  }
0x33c: {  	[tilespmem:s14+$0xFFFFFF90] =	vst v9;
	v27 =	vmul.f32 v25, v6;
	v9 =	vld [tilespmem:s14+$0x150]  }
0x33d: {  	[tilespmem:s14+$0xFFFFFFA0] =	vst v31;
	v25 =	vmul.f32 v17, v6;
	v17 =	vld [tilespmem:s14+$0x160]  }
0x33e: {  	[tilespmem:s14+$0xFFFFFFB0] =	vst v21;
	v26 =	vmul.f32 v7, v11;
	v11 =	vld [tilespmem:s14+$0x170]  }
0x33f: {  	[tilespmem:s14+$0xFFFFFFC0] =	vst v33;
	v21 =	vmul.f32 v7, v8;
	v8 =	vld [tilespmem:s14+$0x180]  }
0x340: {  	[tilespmem:s14+$0xFFFFFFD0] =	vst v34;
	v22 =	vmul.f32 v7, v10;
	v10 =	vld [tilespmem:s14+$0x190]  }
0x341: {  	[tilespmem:s14+$0xFFFFFFE0] =	vst v35;
	v16 =	vmul.f32 v9, v7;
	v31 =	vld [tilespmem:s14+$0x1B0]  }
0x342: {  	[tilespmem:s14+$0x0] =	vst v36;
	v17 =	vmul.f32 v17, v7;
	v33 =	vld [tilespmem:s14+$0x1C0]  }
.Ltmp1:
0x343: {  	[tilespmem:s14+$0x10] =	vst v28;
	v11 =	vmul.f32 v11, v7;
	v28 =	vld [tilespmem:s14+$0x1D0];
	(pc) =	sbr.rel @p0 .LBB2_5-.Ltmp1, $4  }
0x344: {  	[tilespmem:s14+$0x20] =	vst v12;
	v12 =	vmul.f32 v8, v7;
	v29 =	vld [tilespmem:s14+$0x1E0]  }
0x345: {  	[tilespmem:s14+$0x30] =	vst v30;
	v9 =	vmul.f32 v10, v7;
	v30 =	vld [tilespmem:s14+$0x1F0]  }
0x346: {  	[tilespmem:s14+$0x40] =	vst v32;
	v10 =	vmul.f32 v2, v31;
	v31 =	vld [tilespmem:s14+$0x200]  }
0x347: {  	s14 =	sadd.s32 $0x480, s14;
	[tilespmem:s11+$0x50] =	vst v37;
	v8 =	vmul.f32 v2, v33;
	v32 =	vld [tilespmem:s11+$0x210]  }
0x348: {  	[tilespmem:s11+$0x60] =	vst v18  }
0x349: {  	[tilespmem:s11+$0x70] =	vst v13  }
0x34a: {  	[tilespmem:s11+$0x90] =	vst v14  }
0x34b: {  	[tilespmem:s11+$0xA0] =	vst v15  }
0x34c: {  	[tilespmem:s11+$0xB0] =	vst v19  }
0x34d: {  	[tilespmem:s11+$0xC0] =	vst v20  }
0x34e: {  	[tilespmem:s11+$0xD0] =	vst v23  }
0x34f: {  	[tilespmem:s11+$0xE0] =	vst v24  }
0x350: {  	[tilespmem:s11+$0xF0] =	vst v27  }
0x351: {  	[tilespmem:s11+$0x100] =	vst v25  }
0x352: {  	[tilespmem:s11+$0x120] =	vst v26  }
0x353: {  	[tilespmem:s11+$0x130] =	vst v21  }
0x354: {  	[tilespmem:s11+$0x140] =	vst v22  }
0x355: {  	[tilespmem:s11+$0x150] =	vst v16  }
0x356: {  	[tilespmem:s11+$0x160] =	vst v17  }
0x357: {  	[tilespmem:s11+$0x170] =	vst v11  }
0x358: {  	[tilespmem:s11+$0x180] =	vst v12  }
0x359: {  	[tilespmem:s11+$0x190] =	vst v9  }
0x35a: {  	[tilespmem:s11+$0x1B0] =	vst v10  }
0x35b: {  	[tilespmem:s11+$0xFFFFFF60] =	vst v3  }
0x35c: {  	[tilespmem:s11+$0xFFFFFFF0] =	vst v4  }
0x35d: {  	[tilespmem:s11+$0x80] =	vst v5  }
0x35e: {  	[tilespmem:s11+$0x110] =	vst v6  }
0x35f: {  	v1 =	vmul.f32 v2, v28;
	[tilespmem:s11+$0x1A0] =	vst v7  }
0x360: {  	v62 =	vmul.f32 v29, v2;
	[tilespmem:s11+$0x1C0] =	vst v8  }
0x361: {  	v63 =	vmul.f32 v30, v2;
	[tilespmem:s11+$0x1D0] =	vst v1  }
0x362: {  	v1 =	vmul.f32 v31, v2;
	[tilespmem:s11+$0x1E0] =	vst v62  }
0x363: {  	v2 =	vmul.f32 v32, v2;
	[tilespmem:s11+$0x1F0] =	vst v63  }
0x364: {  	[tilespmem:s11+$0x200] =	vst v1  }
0x365: {  	[tilespmem:s11+$0x210] =	vst v2  }
0x366: {  	[spmem:s2] =	stream.indirect.scatter.add.f32 [tilespmem:s6], [sflag:$0x3], $0x90, s10, s0, $0xb8;
	[tilespmem:$0x1DFC0] =	vst v63  }
0x367: {  	_ =	swait.ge [sflag:s28], $0x1680  }
0x368: {  	[sflag:s28] =	ssyncset.done $0x0  }
0x369: {  	s9 =	sadd.s32 $0x1, s9;
	[sflag:s28] =	ssyncadd.s32 $0xFFFFE980  }
0x36a: {  	p0 =	sne.s32 s9, $0x7D;
	_ =	swait.ge [sflag:s1], $0x1680  }
.Ltmp2:
0x36b: {  	[sflag:s1] =	ssyncset.done $0x0;
	(pc) =	sbr.rel @p0 .LBB2_2-.Ltmp2, $4  }
0x36c: {  	[sflag:s1] =	ssyncadd.s32 $0xFFFFE980  }
0x36d: {  	_ =	swait.ge [sflag:s1], $0x280  }
0x36e: {  	[sflag:s1] =	ssyncset.done $0x0  }
0x36f: {  	[sflag:s1] =	ssyncadd.s32 $0xFFFFFD80  }
0x370: {  	s9 =	stileid.u32;
	s8 =	sadd.s32 $0x1, s8  }
0x371: {  	[bflag:$0x0] =	sbarrier.arrive $0xFFFF;
	s9 =	sshll.u32 s9, $0x6;
	p0 =	sne.s32 s8, s26  }
.Ltmp3:
0x372: {  	s10 =	sshrl.u32 s7, $0x3;
	s9 =	sor.u32 $0x1C03, s9;
	(pc) =	sbr.rel @p0 .LBB2_1-.Ltmp3, $4  }
0x373: {  	[hbm:s25], [sflag:s9] =	dma.local [spmem:s10], $0x2BF2  }
0x374: {  	_ =	swait.ge [sflag:s28], $0x2BF2  }
0x375: {  	[sflag:s28] =	ssyncset.done $0x0  }
0x376: {  	[sflag:s28] =	ssyncadd.s32 $0xFFFFD40E  }
0x377: {  	_ =	sfence.sel $0x180000  }
0x378: {  	[bflag:$0x0] =	sbarrier.arrive $0xFFFF  }
0x379: {  	_ =	strace $0x90000047  }
0x37a: {  	s0 =	stileid.u32;
	[bflag:$0x2] =	sbarrier.arrive $0xFFFF  }
0x37b: {  	p0 =	sne.s32 s0, $0x0;
	s0 =	rddreg [dreg:$0x3]  }
0x37c: {  	s0 =	sadd.s32 @!p0 $0x100000, s0  }
0x37d: {  	[sflag:s0] =	ssyncadd.tile.s32 @!p0 $0x1;
	_ =	shalt  }
.Lfunc_end2:
_tile_overlayer_lowered:
.L_overlay_start_2:
0x37e: {  	(tag) =	ssettag $0x2  }
0x37f: {  	s0 =	rddreg [dreg:$0x0];
	s2 =	stileid.u32  }
0x380: {  	s1 =	rddreg [dreg:$0x1];
	p0 =	sne.s32 s2, $0x0  }
0x381: {  	s3 =	rddreg [dreg:$0x2];
	[bflag:$0x3] =	sbarrier.arrive $0xFFFF;
	s2 =	simm.s32 @!p0 $0x1C03  }
0x382: {  	[timem:s3], [sflag:s2] =	dma.local @!p0 [hbm:s0], s1  }
0x383: {  	s0 =	simm.s32 @!p0 $0x3  }
0x384: {  	_ =	swait.ge @!p0 [sflag:s0], s1  }
0x385: {  	s1 =	ssub.s32 @!p0 $0x0, s1;
	[sflag:s0] =	ssyncset.done @!p0 $0x0  }
0x386: {  	[sflag:s0] =	ssyncadd.s32 @!p0 s1  }
0x387: {  	[bflag:$0x3] =	sbarrier.arrive $0xFFFF  }
0x388: {  	_ =	shalt  }

</sc_bundles>
